<compile_context>
chip_gen: v7x
topology: tpu7x:2x2x1
jax: 0.10.2.dev20260603
libtpu: 0.0.44.dev20260713+nightly
codegen_flags: <defaults>
</compile_context>

<pallas_src>
import functools

import jax
import jax.numpy as jnp
from jax import lax
from jax.experimental import pallas as pl
from jax.experimental.pallas import tpu as pltpu
from jax.experimental.pallas import tpu_sc as plsc

_N = 10000
_D = 128
_E = 320000
_NTILES = 16
_NPAD = 10240
_RANGE = 5120
_NPH = 2
_ACC = _RANGE + 128
_DUMP = _RANGE
_ACC_PER_TILE = _ACC // _NTILES
_C = 80
_NCH = 250
_NBUF = 2
_ROWBLK = 1024
_NBLK = (2 * _NPAD) // _ROWBLK


def _sc_mesh():
    return plsc.VectorSubcoreMesh(core_axis_name="c", subcore_axis_name="s")


@functools.partial(
    pl.kernel,
    out_type=(
        jax.ShapeDtypeStruct((2 * _NPH, _ACC, _D), jnp.float32),
        jax.ShapeDtypeStruct((2, _NPAD), jnp.float32),
    ),
    mesh=_sc_mesh(),
    scratch_types=[
        pltpu.VMEM((_NCH, _C), jnp.int32),
        pltpu.VMEM((_NCH, _C), jnp.int32),
        pltpu.VMEM((8, _C), jnp.int32),
        pltpu.VMEM((_C, _D), jnp.float32),
        pltpu.VMEM((_C, _D), jnp.float32),
        pltpu.VMEM((_C,), jnp.float32),
        pltpu.VMEM_SHARED((_ACC, _D), jnp.float32),
        pltpu.VMEM_SHARED((_NPAD,), jnp.float32),
        pltpu.SemaphoreType.DMA,
        pltpu.SemaphoreType.DMA,
        pltpu.SemaphoreType.DMA,
        pltpu.SemaphoreType.DMA,
        pltpu.SemaphoreType.DMA,
    ],
)
def _sc_segment_sum(table, srcs, dsts, zrows, zdeg, ones,
                    agg_out, deg_out,
                    src_v, dst_v, adj_v, rows0, rows1, ones_v,
                    acc_sh, deg_sh,
                    sg0, sg1, ss0, ss1, sem_d):
    rows = (rows0, rows1)
    sem_g = (sg0, sg1)
    sem_s = (ss0, ss1)
    """Per core c (= pass), phase p: for edges e of pass c,
    acc[clamp(dst[e] - p*HALF)] += table[src[e]]; deg likewise counts."""
    c = lax.axis_index("c")
    s = lax.axis_index("s")
    tid = c * _NTILES + s

    pltpu.sync_copy(srcs.at[tid], src_v)
    pltpu.sync_copy(dsts.at[tid], dst_v)
    pltpu.sync_copy(ones, ones_v)

    def gather_start(m, b):
        pltpu.async_copy(table.at[src_v.at[m]], rows[b], sem_g[b])

    def gather_wait(m, b):
        pltpu.make_async_copy(table.at[src_v.at[m]], rows[b], sem_g[b]).wait()

    def adj_row(m):
        return adj_v.at[m % 8]

    def scatter_start(m, b):
        pltpu.async_copy(rows[b], acc_sh.at[adj_row(m)], sem_s[b], add=True)

    def scatter_wait(m, b):
        pltpu.make_async_copy(rows[b], acc_sh.at[adj_row(m)],
                              sem_s[b]).wait()

    def deg_start(m):
        pltpu.async_copy(ones_v, deg_sh.at[dst_v.at[m]], sem_d, add=True)

    def deg_wait(m):
        pltpu.make_async_copy(ones_v, deg_sh.at[dst_v.at[m]], sem_d).wait()

    for p in range(_NPH):
        pltpu.sync_copy(zrows,
                        acc_sh.at[pl.ds(s * _ACC_PER_TILE, _ACC_PER_TILE)])

        if p == 0:
            @pl.when(s == 0)
            def _():
                pltpu.sync_copy(zdeg, deg_sh)

        plsc.subcore_barrier()

        gather_start(0, 0)

        def body(k, carry):
            for t in range(_NBUF):
                m = _NBUF * k + t
                bt = t
                b_nxt = (t + 1) % _NBUF

                if t == 0:
                    @pl.when(k >= 1)
                    def _():
                        scatter_wait(m - 1, b_nxt)
                else:
                    scatter_wait(m - 1, b_nxt)
                if p == 0:
                    @pl.when(k >= 2)
                    def _():
                        deg_wait(m - 4)
                if t == 0:
                    gather_start(m + 1, b_nxt)
                else:
                    @pl.when(k < (_NCH // _NBUF) - 1)
                    def _():
                        gather_start(m + 1, b_nxt)

                gather_wait(m, bt)
                dst_row = dst_v.at[m]
                out_row = adj_row(m)
                for j in range(_C // 16):
                    v = dst_row[pl.ds(j * 16, 16)] - p * _RANGE
                    v = jnp.where(v < 0, _DUMP, v)
                    v = jnp.minimum(v, _DUMP)
                    out_row[pl.ds(j * 16, 16)] = v
                if p == 0:
                    deg_start(m)
                scatter_start(m, bt)
            return carry

        lax.fori_loop(0, _NCH // _NBUF, body, 0)

        scatter_wait(_NCH - 1, (_NCH - 1) % _NBUF)
        if p == 0:
            for m in range(_NCH - 4, _NCH):
                deg_wait(m)

        plsc.subcore_barrier()
        q = c * _NPH + p
        pltpu.sync_copy(
            acc_sh.at[pl.ds(s * _ACC_PER_TILE, _ACC_PER_TILE)],
            agg_out.at[q, pl.ds(s * _ACC_PER_TILE, _ACC_PER_TILE)])

        if p == 0:
            @pl.when(s == 0)
            def _():
                pltpu.sync_copy(deg_sh, deg_out.at[c])
        plsc.subcore_barrier()


def _mm_body(x_ref, w_ref, o_ref):
    o_ref[...] = jnp.dot(x_ref[...], w_ref[...],
                         preferred_element_type=jnp.float32)


def _tc_matmul(x, w):
    return pl.pallas_call(
        _mm_body,
        grid=(_NBLK,),
        in_specs=[
            pl.BlockSpec((_ROWBLK, _D), lambda i: (i, 0)),
            pl.BlockSpec((_D, _D), lambda i: (0, 0)),
        ],
        out_specs=pl.BlockSpec((_ROWBLK, _D), lambda i: (i, 0)),
        out_shape=jax.ShapeDtypeStruct((2 * _NPAD, _D), jnp.float32),
    )(x, w)


def _layer_body(relu, next_w, x_ref, agg_ref, deg_ref, ws_ref, b_ref,
                *rest):
    if next_w:
        wn_ref, h_ref, t_ref = rest
    else:
        (h_ref,) = rest
    rdeg = 1.0 / jnp.maximum(deg_ref[...], 1.0)
    h = (jnp.dot(x_ref[...], ws_ref[...], preferred_element_type=jnp.float32)
         + agg_ref[0] * rdeg + b_ref[...])
    if relu:
        h = jnp.maximum(h, 0.0)
    h_ref[...] = h
    if next_w:
        t_ref[...] = jnp.dot(h, wn_ref[...],
                             preferred_element_type=jnp.float32)


def _tc_layer(x, agg, deg, w_self, b, relu, w_next=None):
    full = jax.ShapeDtypeStruct((2 * _NPAD, _D), jnp.float32)
    full_spec = pl.BlockSpec((_ROWBLK, _D), lambda i: (i, 0))
    blk_per_phase = _RANGE // _ROWBLK
    blk_per_pass = _NPAD // _ROWBLK
    in_specs = [
        full_spec,
        pl.BlockSpec((1, _ROWBLK, _D),
                     lambda i: (_NPH * (i // blk_per_pass)
                                + (i % blk_per_pass) // blk_per_phase,
                                (i % blk_per_pass) % blk_per_phase, 0)),
        pl.BlockSpec((_ROWBLK, 1), lambda i: (i, 0)),
        pl.BlockSpec((_D, _D), lambda i: (0, 0)),
        pl.BlockSpec((1, _D), lambda i: (0, 0)),
    ]
    out_shape = [full]
    out_specs = [full_spec]
    args = [x, agg, deg.reshape(2 * _NPAD, 1), w_self, b.reshape(1, _D)]
    if w_next is not None:
        in_specs.append(pl.BlockSpec((_D, _D), lambda i: (0, 0)))
        out_shape.append(full)
        out_specs.append(full_spec)
        args.append(w_next)
    outs = pl.pallas_call(
        functools.partial(_layer_body, relu, w_next is not None),
        grid=(_NBLK,),
        in_specs=in_specs,
        out_specs=out_specs,
        out_shape=out_shape,
    )(*args)
    return outs if w_next is not None else outs[0]


def _agg_layer(table, srcs, dsts, zrows, zdeg, ones):
    agg4, deg2 = _sc_segment_sum(table, srcs, dsts, zrows, zdeg, ones)
    return agg4, deg2.reshape(2 * _NPAD)


def _tiles(idx):
    return idx.reshape(_NTILES, _NCH, _C)


def kernel(x_l1, x_l0, edge_index0, edge_index1, edge_index2,
           W_self0, W_neigh0, b0, W_self1, W_neigh1, b1):
    zrows = jnp.zeros((_ACC_PER_TILE, _D), jnp.float32)
    zdeg = jnp.zeros((_NPAD,), jnp.float32)
    ones = jnp.ones((_C,), jnp.float32)

    src0, dst0 = edge_index0[0], edge_index0[1]
    src1, dst1 = edge_index1[0], edge_index1[1]
    src2, dst2 = edge_index2[0], edge_index2[1]
    srcsA = jnp.concatenate([_tiles(src0), _tiles(src1 + _NPAD)])
    dstsA = jnp.concatenate([_tiles(dst0), _tiles(dst1)])
    srcsB = jnp.concatenate([_tiles(src1), _tiles(src2 + _NPAD)])
    dstsB = jnp.concatenate([_tiles(dst1), _tiles(dst2)])

    pad = jnp.zeros((_NPAD - _N, _D), jnp.float32)
    xs = jnp.concatenate([x_l1, pad, x_l0, pad])

    table0 = _tc_matmul(xs, W_neigh0)
    agg0, deg0 = _agg_layer(table0, srcsA, dstsA, zrows, zdeg, ones)
    h, table1 = _tc_layer(xs, agg0, deg0, W_self0, b0, relu=True,
                          w_next=W_neigh1)

    agg1, deg1 = _agg_layer(table1, srcsB, dstsB, zrows, zdeg, ones)
    out = _tc_layer(h, agg1, deg1, W_self1, b1, relu=False)

    h_neib = out[:_N]
    h_seed = out[_NPAD:_NPAD + _N]
    return (h_seed, h_neib)

# --- scband reference (transcript-rebuilt; emitter-appended) ---
"""Pipeline reference for scband-graph-sage-85255100826267 (READ-ONLY COPY).

The authoritative reference and input builder live on the scoring server;
editing this copy changes nothing except your own understanding.
"""

import jax, jax.numpy as jnp
import numpy as np

N = 10000
E = 320000
D = 128
NUM_DST = N


def setup_inputs(seed: int = 0) -> dict:
    key = jax.random.key(seed)
    ks = jax.random.split(key, 16)
    inp = {}
    inp["x_l1"] = jax.random.normal(ks[0], (N, D), dtype=jnp.float32)
    inp["x_l0"] = jax.random.normal(ks[1], (N, D), dtype=jnp.float32)
    inp["edge_index0"] = jax.random.randint(ks[2], (2, E), 0, N, dtype=jnp.int32)
    inp["edge_index1"] = jax.random.randint(ks[3], (2, E), 0, N, dtype=jnp.int32)
    inp["edge_index2"] = jax.random.randint(ks[4], (2, E), 0, N, dtype=jnp.int32)
    # SAGEConv (mean aggregator) parameters: layer0 (in->hidden), layer1 (hidden->classes)
    inp["W_self0"] = jax.random.normal(ks[5], (D, D), dtype=jnp.float32) * 0.05
    inp["W_neigh0"] = jax.random.normal(ks[6], (D, D), dtype=jnp.float32) * 0.05
    inp["b0"] = jnp.zeros((D,), dtype=jnp.float32)
    inp["W_self1"] = jax.random.normal(ks[7], (D, D), dtype=jnp.float32) * 0.05
    inp["W_neigh1"] = jax.random.normal(ks[8], (D, D), dtype=jnp.float32) * 0.05
    inp["b1"] = jnp.zeros((D,), dtype=jnp.float32)
    return inp


def sage_conv_mean(edge_index, h_src, h_dst, W_self, W_neigh, b):
    # DGL SAGEConv with aggregator_type='mean':
    # h_neigh[v] = mean_{u in N(v)} h_src[u]; out = h_dst @ W_self + h_neigh @ W_neigh + b
    src = edge_index[0]
    dst = edge_index[1]
    num_dst = h_dst.shape[0]
    msg = jnp.take(h_src, src, axis=0)                      # gather  [E, D]
    agg = jax.ops.segment_sum(msg, dst, num_segments=num_dst)  # scatter-add [num_dst, D]
    deg = jax.ops.segment_sum(jnp.ones((src.shape[0],), dtype=h_src.dtype), dst, num_segments=num_dst)
    h_neigh = agg / jnp.clip(deg, 1.0, None)[:, None]
    return h_dst @ W_self + h_neigh @ W_neigh + b


def reference(x_l1, x_l0, edge_index0, edge_index1, edge_index2,
              W_self0, W_neigh0, b0, W_self1, W_neigh1, b1):
    blocks = [edge_index0, edge_index1, edge_index2]
    params = [(W_self0, W_neigh0, b0), (W_self1, W_neigh1, b1)]
    n_layers = len(params)

    # pass 1: x_l1 over blocks[:-1]
    h = x_l1
    for l, (p, blk) in enumerate(zip(params, blocks[:-1])):
        h_dst = h[:NUM_DST]
        h = sage_conv_mean(blk, h, h_dst, *p)
        if l != n_layers - 1:
            h = jax.nn.relu(h)  # activation; dropout=0.0 -> identity
    h_neib = h

    # pass 2: x_l0 over blocks[1:]
    h = x_l0
    for l, (p, blk) in enumerate(zip(params, blocks[1:])):
        h_dst = h[:NUM_DST]
        h = sage_conv_mean(blk, h, h_dst, *p)
        if l != n_layers - 1:
            h = jax.nn.relu(h)
    h_seed = h

    return (h_seed, h_neib)

if __name__ == "__main__":
    import jax
    _d = setup_inputs()
    print(jax.jit(kernel)(*tuple(_d.values())))

</pallas_src>

<mosaic_0001>
#map = affine_map<(d0, d1) -> (0, 0)>
#map1 = affine_map<(d0, d1) -> (0, 0, 0)>
#map2 = affine_map<(d0, d1) -> (0)>
module attributes {stable_mosaic.version = 14 : i64} {
  func.func @_sc_segment_sum(%arg0: i32, %arg1: i32, %arg2: memref<20480x128xf32, #tpu.memory_space<hbm>>, %arg3: memref<32x250x80xi32, #tpu.memory_space<hbm>>, %arg4: memref<32x250x80xi32, #tpu.memory_space<hbm>>, %arg5: memref<328x128xf32, #tpu.memory_space<hbm>>, %arg6: memref<10240xf32, #tpu.memory_space<hbm>>, %arg7: memref<80xf32, #tpu.memory_space<hbm>>, %arg8: memref<4x5248x128xf32, #tpu.memory_space<hbm>>, %arg9: memref<2x10240xf32, #tpu.memory_space<hbm>>, %arg10: memref<250x80xi32, #tpu.memory_space<vmem>>, %arg11: memref<250x80xi32, #tpu.memory_space<vmem>>, %arg12: memref<8x80xi32, #tpu.memory_space<vmem>>, %arg13: memref<80x128xf32, #tpu.memory_space<vmem>>, %arg14: memref<80x128xf32, #tpu.memory_space<vmem>>, %arg15: memref<80xf32, #tpu.memory_space<vmem>>, %arg16: memref<5248x128xf32, #tpu.memory_space<vmem_shared>>, %arg17: memref<10240xf32, #tpu.memory_space<vmem_shared>>, %arg18: memref<!tpu.dma_semaphore, #tpu.memory_space<semaphore_mem>>, %arg19: memref<!tpu.dma_semaphore, #tpu.memory_space<semaphore_mem>>, %arg20: memref<!tpu.dma_semaphore, #tpu.memory_space<semaphore_mem>>, %arg21: memref<!tpu.dma_semaphore, #tpu.memory_space<semaphore_mem>>, %arg22: memref<!tpu.dma_semaphore, #tpu.memory_space<semaphore_mem>>) attributes {dimension_semantics = [#tpu.dimension_semantics<core_parallel>, #tpu.dimension_semantics<subcore_parallel>], iteration_bounds = array<i64: 2, 16>, scalar_prefetch = 0 : i64, scratch_operands = 13 : i64, tpu.core_type = #tpu.core_type<sc_vector_subcore>, window_params = [{transform_indices = #map}, {transform_indices = #map1}, {transform_indices = #map1}, {transform_indices = #map}, {transform_indices = #map2}, {transform_indices = #map2}, {transform_indices = #map1}, {transform_indices = #map}]} {
    %mul3A = arith.constant 16 : i32
    %mul3A_0 = arith.muli %arg0, %mul3A : i32
    %add3A = arith.addi %mul3A_0, %arg1 : i32
    "tpu.region"() ({
      %run_scoped3A = tpu.sem_alloc : memref<!tpu.dma_semaphore, #tpu.memory_space<semaphore_mem>>
      %dma_start3A_94 = arith.constant 0 : i32
      %dma_start3A_95 = arith.constant 0 : i32
      %dma_start3A_96 = tpu.memref_slice %arg3[%add3A, %dma_start3A_94, %dma_start3A_95] : memref<32x250x80xi32, #tpu.memory_space<hbm>> -> memref<1x250x80xi32, #tpu.memory_space<hbm>>
      %dma_start3A_97 = tpu.memref_squeeze %dma_start3A_96 : memref<1x250x80xi32, #tpu.memory_space<hbm>> -> memref<250x80xi32, #tpu.memory_space<hbm>>
      %dma_start3A_98 = arith.constant 0 : i32
      %dma_start3A_99 = arith.constant 0 : i32
      %dma_start3A_100 = tpu.memref_slice %arg3[%add3A, %dma_start3A_98, %dma_start3A_99] : memref<32x250x80xi32, #tpu.memory_space<hbm>> -> memref<1x250x80xi32, #tpu.memory_space<hbm>>
      %dma_start3A_101 = tpu.memref_squeeze %dma_start3A_100 : memref<1x250x80xi32, #tpu.memory_space<hbm>> -> memref<250x80xi32, #tpu.memory_space<hbm>>
      tpu.enqueue_dma source(%dma_start3A_101 : memref<250x80xi32, #tpu.memory_space<hbm>>) target(%arg10 : memref<250x80xi32, #tpu.memory_space<vmem>>) target_semaphore(%run_scoped3A : memref<!tpu.dma_semaphore, #tpu.memory_space<semaphore_mem>>)
      %dma_wait3A_102 = arith.constant 0 : i32
      %dma_wait3A_103 = arith.constant 0 : i32
      %dma_wait3A_104 = tpu.memref_slice %arg3[%add3A, %dma_wait3A_102, %dma_wait3A_103] : memref<32x250x80xi32, #tpu.memory_space<hbm>> -> memref<1x250x80xi32, #tpu.memory_space<hbm>>
      %dma_wait3A_105 = tpu.memref_squeeze %dma_wait3A_104 : memref<1x250x80xi32, #tpu.memory_space<hbm>> -> memref<250x80xi32, #tpu.memory_space<hbm>>
      %dma_wait3A_106 = arith.constant 0 : i32
      %dma_wait3A_107 = arith.constant 0 : i32
      %dma_wait3A_108 = tpu.memref_slice %arg3[%add3A, %dma_wait3A_106, %dma_wait3A_107] : memref<32x250x80xi32, #tpu.memory_space<hbm>> -> memref<1x250x80xi32, #tpu.memory_space<hbm>>
      %dma_wait3A_109 = tpu.memref_squeeze %dma_wait3A_108 : memref<1x250x80xi32, #tpu.memory_space<hbm>> -> memref<250x80xi32, #tpu.memory_space<hbm>>
      tpu.wait_dma2 semaphore(%run_scoped3A : memref<!tpu.dma_semaphore, #tpu.memory_space<semaphore_mem>>) src(%dma_wait3A_109 : memref<250x80xi32, #tpu.memory_space<hbm>>) dst(%arg10 : memref<250x80xi32, #tpu.memory_space<vmem>>)
      tpu.yield
    }) : () -> ()
    "tpu.region"() ({
      %run_scoped3A = tpu.sem_alloc : memref<!tpu.dma_semaphore, #tpu.memory_space<semaphore_mem>>
      %dma_start3A_94 = arith.constant 0 : i32
      %dma_start3A_95 = arith.constant 0 : i32
      %dma_start3A_96 = tpu.memref_slice %arg4[%add3A, %dma_start3A_94, %dma_start3A_95] : memref<32x250x80xi32, #tpu.memory_space<hbm>> -> memref<1x250x80xi32, #tpu.memory_space<hbm>>
      %dma_start3A_97 = tpu.memref_squeeze %dma_start3A_96 : memref<1x250x80xi32, #tpu.memory_space<hbm>> -> memref<250x80xi32, #tpu.memory_space<hbm>>
      %dma_start3A_98 = arith.constant 0 : i32
      %dma_start3A_99 = arith.constant 0 : i32
      %dma_start3A_100 = tpu.memref_slice %arg4[%add3A, %dma_start3A_98, %dma_start3A_99] : memref<32x250x80xi32, #tpu.memory_space<hbm>> -> memref<1x250x80xi32, #tpu.memory_space<hbm>>
      %dma_start3A_101 = tpu.memref_squeeze %dma_start3A_100 : memref<1x250x80xi32, #tpu.memory_space<hbm>> -> memref<250x80xi32, #tpu.memory_space<hbm>>
      tpu.enqueue_dma source(%dma_start3A_101 : memref<250x80xi32, #tpu.memory_space<hbm>>) target(%arg11 : memref<250x80xi32, #tpu.memory_space<vmem>>) target_semaphore(%run_scoped3A : memref<!tpu.dma_semaphore, #tpu.memory_space<semaphore_mem>>)
      %dma_wait3A_102 = arith.constant 0 : i32
      %dma_wait3A_103 = arith.constant 0 : i32
      %dma_wait3A_104 = tpu.memref_slice %arg4[%add3A, %dma_wait3A_102, %dma_wait3A_103] : memref<32x250x80xi32, #tpu.memory_space<hbm>> -> memref<1x250x80xi32, #tpu.memory_space<hbm>>
      %dma_wait3A_105 = tpu.memref_squeeze %dma_wait3A_104 : memref<1x250x80xi32, #tpu.memory_space<hbm>> -> memref<250x80xi32, #tpu.memory_space<hbm>>
      %dma_wait3A_106 = arith.constant 0 : i32
      %dma_wait3A_107 = arith.constant 0 : i32
      %dma_wait3A_108 = tpu.memref_slice %arg4[%add3A, %dma_wait3A_106, %dma_wait3A_107] : memref<32x250x80xi32, #tpu.memory_space<hbm>> -> memref<1x250x80xi32, #tpu.memory_space<hbm>>
      %dma_wait3A_109 = tpu.memref_squeeze %dma_wait3A_108 : memref<1x250x80xi32, #tpu.memory_space<hbm>> -> memref<250x80xi32, #tpu.memory_space<hbm>>
      tpu.wait_dma2 semaphore(%run_scoped3A : memref<!tpu.dma_semaphore, #tpu.memory_space<semaphore_mem>>) src(%dma_wait3A_109 : memref<250x80xi32, #tpu.memory_space<hbm>>) dst(%arg11 : memref<250x80xi32, #tpu.memory_space<vmem>>)
      tpu.yield
    }) : () -> ()
    "tpu.region"() ({
      %run_scoped3A = tpu.sem_alloc : memref<!tpu.dma_semaphore, #tpu.memory_space<semaphore_mem>>
      tpu.enqueue_dma source(%arg7 : memref<80xf32, #tpu.memory_space<hbm>>) target(%arg15 : memref<80xf32, #tpu.memory_space<vmem>>) target_semaphore(%run_scoped3A : memref<!tpu.dma_semaphore, #tpu.memory_space<semaphore_mem>>)
      tpu.wait_dma2 semaphore(%run_scoped3A : memref<!tpu.dma_semaphore, #tpu.memory_space<semaphore_mem>>) src(%arg7 : memref<80xf32, #tpu.memory_space<hbm>>) dst(%arg15 : memref<80xf32, #tpu.memory_space<vmem>>)
      tpu.yield
    }) : () -> ()
    %mul3A_1 = arith.constant 328 : i32
    %mul3A_2 = arith.muli %arg1, %mul3A_1 : i32
    "tpu.region"() ({
      %run_scoped3A = tpu.sem_alloc : memref<!tpu.dma_semaphore, #tpu.memory_space<semaphore_mem>>
      %dma_start3A_94 = arith.constant 0 : i32
      %dma_start3A_95 = tpu.memref_slice %arg16[%mul3A_2, %dma_start3A_94] : memref<5248x128xf32, #tpu.memory_space<vmem_shared>> -> memref<328x128xf32, #tpu.memory_space<vmem_shared>>
      tpu.enqueue_dma source(%arg5 : memref<328x128xf32, #tpu.memory_space<hbm>>) target(%dma_start3A_95 : memref<328x128xf32, #tpu.memory_space<vmem_shared>>) target_semaphore(%run_scoped3A : memref<!tpu.dma_semaphore, #tpu.memory_space<semaphore_mem>>)
      %dma_wait3A_96 = arith.constant 0 : i32
      %dma_wait3A_97 = tpu.memref_slice %arg16[%mul3A_2, %dma_wait3A_96] : memref<5248x128xf32, #tpu.memory_space<vmem_shared>> -> memref<328x128xf32, #tpu.memory_space<vmem_shared>>
      tpu.wait_dma2 semaphore(%run_scoped3A : memref<!tpu.dma_semaphore, #tpu.memory_space<semaphore_mem>>) src(%arg5 : memref<328x128xf32, #tpu.memory_space<hbm>>) dst(%dma_wait3A_97 : memref<328x128xf32, #tpu.memory_space<vmem_shared>>)
      tpu.yield
    }) : () -> ()
    %eq3A = arith.constant 0 : i32
    %eq3A_3 = arith.cmpi eq, %arg1, %eq3A : i32
    %convert_element_type3A = arith.extui %eq3A_3 : i1 to i32
    %cond3A = arith.constant 0 : i32
    %cond3A_4 = arith.cmpi ne, %convert_element_type3A, %cond3A : i32
    scf.if %cond3A_4 {
      "tpu.region"() ({
        %run_scoped3A = tpu.sem_alloc : memref<!tpu.dma_semaphore, #tpu.memory_space<semaphore_mem>>
        tpu.enqueue_dma source(%arg6 : memref<10240xf32, #tpu.memory_space<hbm>>) target(%arg17 : memref<10240xf32, #tpu.memory_space<vmem_shared>>) target_semaphore(%run_scoped3A : memref<!tpu.dma_semaphore, #tpu.memory_space<semaphore_mem>>)
        tpu.wait_dma2 semaphore(%run_scoped3A : memref<!tpu.dma_semaphore, #tpu.memory_space<semaphore_mem>>) src(%arg6 : memref<10240xf32, #tpu.memory_space<hbm>>) dst(%arg17 : memref<10240xf32, #tpu.memory_space<vmem_shared>>)
        tpu.yield
      }) : () -> ()
    } else {
    }
    %barrier3A = arith.constant 0 : index
    tpu.barrier barrier_id(%barrier3A)
    %dma_start3A = arith.constant 0 : i32
    %dma_start3A_5 = arith.constant 0 : i32
    %dma_start3A_6 = tpu.memref_slice %arg10[%dma_start3A, %dma_start3A_5] : memref<250x80xi32, #tpu.memory_space<vmem>> -> memref<1x80xi32, #tpu.memory_space<vmem>>
    %dma_start3A_7 = tpu.memref_squeeze %dma_start3A_6 : memref<1x80xi32, #tpu.memory_space<vmem>> -> memref<80xi32, #tpu.memory_space<vmem>>
    %dma_start3A_8 = arith.constant 0 : i32
    %dma_start3A_9 = arith.constant 0 : i32
    %dma_start3A_10 = tpu.memref_slice %arg2[%dma_start3A_8, %dma_start3A_9] : memref<20480x128xf32, #tpu.memory_space<hbm>> -> memref<20480x128xf32, #tpu.memory_space<hbm>>
    tpu.enqueue_indirect_dma source(%dma_start3A_10 : memref<20480x128xf32, #tpu.memory_space<hbm>>) target(%arg13 : memref<80x128xf32, #tpu.memory_space<vmem>>) offsets(%dma_start3A_7 : memref<80xi32, #tpu.memory_space<vmem>>) semaphore(%arg18 : memref<!tpu.dma_semaphore, #tpu.memory_space<semaphore_mem>>)
    %scan3A = arith.constant 0 : i32
    %scan3A_11 = arith.constant 0 : i32
    %scan3A_12 = arith.constant 125 : i32
    %scan3A_13 = arith.addi %scan3A_11, %scan3A_12 : i32
    %scan3A_14 = arith.constant 1 : i32
    scf.for %scan3A_94 = %scan3A_11 to %scan3A_13 step %scan3A_14  : i32 {
      %mul3A_95 = arith.constant 2 : i32
      %mul3A_96 = arith.muli %mul3A_95, %scan3A_94 : i32
      %add3A_97 = arith.constant 0 : i32
      %add3A_98 = arith.addi %mul3A_96, %add3A_97 : i32
      %ge3A = arith.constant 1 : i32
      %ge3A_99 = arith.cmpi sge, %scan3A_94, %ge3A : i32
      %convert_element_type3A_100 = arith.extui %ge3A_99 : i1 to i32
      %cond3A_101 = arith.constant 0 : i32
      %cond3A_102 = arith.cmpi ne, %convert_element_type3A_100, %cond3A_101 : i32
      scf.if %cond3A_102 {
        %sub3A_491 = arith.constant 1 : i32
        %sub3A_492 = arith.subi %add3A_98, %sub3A_491 : i32
        %jit3A_493 = arith.constant 8 : i32
        %eq3A_494 = arith.constant 0 : i32
        %eq3A_495 = arith.cmpi eq, %jit3A_493, %eq3A_494 : i32
        %jit3A_496 = arith.constant 1 : i32
        %select_n3A_497 = arith.select %eq3A_495, %jit3A_496, %jit3A_493 : i32
        %rem3A_498 = arith.remsi %sub3A_492, %select_n3A_497 : i32
        %ne3A_499 = arith.constant 0 : i32
        %ne3A_500 = arith.cmpi ne, %rem3A_498, %ne3A_499 : i32
        %lt3A_501 = arith.constant 0 : i32
        %lt3A_502 = arith.cmpi slt, %rem3A_498, %lt3A_501 : i32
        %lt3A_503 = arith.constant 0 : i32
        %lt3A_504 = arith.cmpi slt, %select_n3A_497, %lt3A_503 : i32
        %ne3A_505 = arith.xori %lt3A_502, %lt3A_504 : i1
        %and3A_506 = arith.andi %ne3A_505, %ne3A_500 : i1
        %add3A_507 = arith.addi %rem3A_498, %select_n3A_497 : i32
        %select_n3A_508 = arith.select %and3A_506, %add3A_507, %rem3A_498 : i32
        %dma_wait3A_509 = arith.constant 0 : i32
        %dma_wait3A_510 = tpu.memref_slice %arg12[%select_n3A_508, %dma_wait3A_509] : memref<8x80xi32, #tpu.memory_space<vmem>> -> memref<1x80xi32, #tpu.memory_space<vmem>>
        %dma_wait3A_511 = tpu.memref_squeeze %dma_wait3A_510 : memref<1x80xi32, #tpu.memory_space<vmem>> -> memref<80xi32, #tpu.memory_space<vmem>>
        %dma_wait3A_512 = arith.constant 0 : i32
        %dma_wait3A_513 = arith.constant 0 : i32
        %dma_wait3A_514 = tpu.memref_slice %arg16[%dma_wait3A_512, %dma_wait3A_513] : memref<5248x128xf32, #tpu.memory_space<vmem_shared>> -> memref<5248x128xf32, #tpu.memory_space<vmem_shared>>
        tpu.wait_indirect_dma semaphore(%arg21 : memref<!tpu.dma_semaphore, #tpu.memory_space<semaphore_mem>>) src(%arg14 : memref<80x128xf32, #tpu.memory_space<vmem>>) dst(%dma_wait3A_514 : memref<5248x128xf32, #tpu.memory_space<vmem_shared>>)
      } else {
      }
      %ge3A_103 = arith.constant 2 : i32
      %ge3A_104 = arith.cmpi sge, %scan3A_94, %ge3A_103 : i32
      %convert_element_type3A_105 = arith.extui %ge3A_104 : i1 to i32
      %cond3A_106 = arith.constant 0 : i32
      %cond3A_107 = arith.cmpi ne, %convert_element_type3A_105, %cond3A_106 : i32
      scf.if %cond3A_107 {
        %sub3A_491 = arith.constant 4 : i32
        %sub3A_492 = arith.subi %add3A_98, %sub3A_491 : i32
        %dma_wait3A_493 = arith.constant 0 : i32
        %dma_wait3A_494 = tpu.memref_slice %arg11[%sub3A_492, %dma_wait3A_493] : memref<250x80xi32, #tpu.memory_space<vmem>> -> memref<1x80xi32, #tpu.memory_space<vmem>>
        %dma_wait3A_495 = tpu.memref_squeeze %dma_wait3A_494 : memref<1x80xi32, #tpu.memory_space<vmem>> -> memref<80xi32, #tpu.memory_space<vmem>>
        %dma_wait3A_496 = arith.constant 0 : i32
        %dma_wait3A_497 = tpu.memref_slice %arg17[%dma_wait3A_496] : memref<10240xf32, #tpu.memory_space<vmem_shared>> -> memref<10240xf32, #tpu.memory_space<vmem_shared>>
        tpu.wait_indirect_dma semaphore(%arg22 : memref<!tpu.dma_semaphore, #tpu.memory_space<semaphore_mem>>) src(%arg15 : memref<80xf32, #tpu.memory_space<vmem>>) dst(%dma_wait3A_497 : memref<10240xf32, #tpu.memory_space<vmem_shared>>)
      } else {
      }
      %add3A_108 = arith.constant 1 : i32
      %add3A_109 = arith.addi %add3A_98, %add3A_108 : i32
      %dma_start3A_110 = arith.constant 0 : i32
      %dma_start3A_111 = tpu.memref_slice %arg10[%add3A_109, %dma_start3A_110] : memref<250x80xi32, #tpu.memory_space<vmem>> -> memref<1x80xi32, #tpu.memory_space<vmem>>
      %dma_start3A_112 = tpu.memref_squeeze %dma_start3A_111 : memref<1x80xi32, #tpu.memory_space<vmem>> -> memref<80xi32, #tpu.memory_space<vmem>>
      %dma_start3A_113 = arith.constant 0 : i32
      %dma_start3A_114 = arith.constant 0 : i32
      %dma_start3A_115 = tpu.memref_slice %arg2[%dma_start3A_113, %dma_start3A_114] : memref<20480x128xf32, #tpu.memory_space<hbm>> -> memref<20480x128xf32, #tpu.memory_space<hbm>>
      tpu.enqueue_indirect_dma source(%dma_start3A_115 : memref<20480x128xf32, #tpu.memory_space<hbm>>) target(%arg14 : memref<80x128xf32, #tpu.memory_space<vmem>>) offsets(%dma_start3A_112 : memref<80xi32, #tpu.memory_space<vmem>>) semaphore(%arg19 : memref<!tpu.dma_semaphore, #tpu.memory_space<semaphore_mem>>)
      %dma_wait3A_116 = arith.constant 0 : i32
      %dma_wait3A_117 = tpu.memref_slice %arg10[%add3A_98, %dma_wait3A_116] : memref<250x80xi32, #tpu.memory_space<vmem>> -> memref<1x80xi32, #tpu.memory_space<vmem>>
      %dma_wait3A_118 = tpu.memref_squeeze %dma_wait3A_117 : memref<1x80xi32, #tpu.memory_space<vmem>> -> memref<80xi32, #tpu.memory_space<vmem>>
      %dma_wait3A_119 = arith.constant 0 : i32
      %dma_wait3A_120 = arith.constant 0 : i32
      %dma_wait3A_121 = tpu.memref_slice %arg2[%dma_wait3A_119, %dma_wait3A_120] : memref<20480x128xf32, #tpu.memory_space<hbm>> -> memref<20480x128xf32, #tpu.memory_space<hbm>>
      tpu.wait_indirect_dma semaphore(%arg18 : memref<!tpu.dma_semaphore, #tpu.memory_space<semaphore_mem>>) src(%dma_wait3A_121 : memref<20480x128xf32, #tpu.memory_space<hbm>>) dst(%arg13 : memref<80x128xf32, #tpu.memory_space<vmem>>)
      %jit3A = arith.constant 8 : i32
      %eq3A_122 = arith.constant 0 : i32
      %eq3A_123 = arith.cmpi eq, %jit3A, %eq3A_122 : i32
      %jit3A_124 = arith.constant 1 : i32
      %select_n3A = arith.select %eq3A_123, %jit3A_124, %jit3A : i32
      %rem3A = arith.remsi %add3A_98, %select_n3A : i32
      %ne3A = arith.constant 0 : i32
      %ne3A_125 = arith.cmpi ne, %rem3A, %ne3A : i32
      %lt3A = arith.constant 0 : i32
      %lt3A_126 = arith.cmpi slt, %rem3A, %lt3A : i32
      %lt3A_127 = arith.constant 0 : i32
      %lt3A_128 = arith.cmpi slt, %select_n3A, %lt3A_127 : i32
      %ne3A_129 = arith.xori %lt3A_126, %lt3A_128 : i1
      %and3A = arith.andi %ne3A_129, %ne3A_125 : i1
      %add3A_130 = arith.addi %rem3A, %select_n3A : i32
      %select_n3A_131 = arith.select %and3A, %add3A_130, %rem3A : i32
      %get3A = arith.constant 0 : i32
      %get3A_132 = tpu.memref_slice %arg11[%add3A_98, %get3A] : memref<250x80xi32, #tpu.memory_space<vmem>> -> memref<1x80xi32, #tpu.memory_space<vmem>>
      %get3A_133 = tpu.memref_squeeze %get3A_132 : memref<1x80xi32, #tpu.memory_space<vmem>> -> memref<80xi32, #tpu.memory_space<vmem>>
      %get3A_134 = arith.constant 0 : index
      %get3A_135 = tpu.vector_load %get3A_133[%get3A_134] {strides = array<i32>} : memref<80xi32, #tpu.memory_space<vmem>>, vector<16xi32>,
      %get3A_136 = vector.shape_cast %get3A_135 : vector<16xi32> to vector<16xi32>
      %sub3A = arith.constant 0 : i32
      %sub3A_137 = vector.broadcast %sub3A : i32 to vector<16xi32>
      %sub3A_138 = arith.subi %get3A_136, %sub3A_137 : vector<16xi32>
      %lt3A_139 = arith.constant 0 : i32
      %lt3A_140 = vector.broadcast %lt3A_139 : i32 to vector<16xi32>
      %lt3A_141 = arith.cmpi slt, %sub3A_138, %lt3A_140 : vector<16xi32>
      %jit3A_142 = arith.constant 5120 : i32
      %broadcast_in_dim3A = vector.broadcast %jit3A_142 : i32 to vector<16xi32>
      %select_n3A_143 = arith.select %lt3A_141, %broadcast_in_dim3A, %sub3A_138 : vector<16xi1>, vector<16xi32>
      %min3A = arith.constant 5120 : i32
      %min3A_144 = vector.broadcast %min3A : i32 to vector<16xi32>
      %min3A_145 = arith.minsi %select_n3A_143, %min3A_144 : vector<16xi32>
      %swap3A = arith.constant 0 : i32
      %swap3A_146 = tpu.memref_slice %arg12[%select_n3A_131, %swap3A] : memref<8x80xi32, #tpu.memory_space<vmem>> -> memref<1x80xi32, #tpu.memory_space<vmem>>
      %swap3A_147 = tpu.memref_squeeze %swap3A_146 : memref<1x80xi32, #tpu.memory_space<vmem>> -> memref<80xi32, #tpu.memory_space<vmem>>
      %swap3A_148 = arith.constant 0 : index
      %swap3A_149 = tpu.vector_load %swap3A_147[%swap3A_148] {strides = array<i32>} : memref<80xi32, #tpu.memory_space<vmem>>, vector<16xi32>,
      %swap3A_150 = vector.shape_cast %swap3A_149 : vector<16xi32> to vector<16xi32>
      %swap3A_151 = vector.shape_cast %min3A_145 : vector<16xi32> to vector<16xi32>
      tpu.vector_store %swap3A_147[%swap3A_148], %swap3A_151 {strides = array<i32>} : memref<80xi32, #tpu.memory_space<vmem>>, vector<16xi32>,
      %get3A_152 = arith.constant 0 : i32
      %get3A_153 = tpu.memref_slice %arg11[%add3A_98, %get3A_152] : memref<250x80xi32, #tpu.memory_space<vmem>> -> memref<1x80xi32, #tpu.memory_space<vmem>>
      %get3A_154 = tpu.memref_squeeze %get3A_153 : memref<1x80xi32, #tpu.memory_space<vmem>> -> memref<80xi32, #tpu.memory_space<vmem>>
      %get3A_155 = arith.constant 16 : index
      %get3A_156 = tpu.vector_load %get3A_154[%get3A_155] {strides = array<i32>} : memref<80xi32, #tpu.memory_space<vmem>>, vector<16xi32>,
      %get3A_157 = vector.shape_cast %get3A_156 : vector<16xi32> to vector<16xi32>
      %sub3A_158 = arith.constant 0 : i32
      %sub3A_159 = vector.broadcast %sub3A_158 : i32 to vector<16xi32>
      %sub3A_160 = arith.subi %get3A_157, %sub3A_159 : vector<16xi32>
      %lt3A_161 = arith.constant 0 : i32
      %lt3A_162 = vector.broadcast %lt3A_161 : i32 to vector<16xi32>
      %lt3A_163 = arith.cmpi slt, %sub3A_160, %lt3A_162 : vector<16xi32>
      %jit3A_164 = arith.constant 5120 : i32
      %broadcast_in_dim3A_165 = vector.broadcast %jit3A_164 : i32 to vector<16xi32>
      %select_n3A_166 = arith.select %lt3A_163, %broadcast_in_dim3A_165, %sub3A_160 : vector<16xi1>, vector<16xi32>
      %min3A_167 = arith.constant 5120 : i32
      %min3A_168 = vector.broadcast %min3A_167 : i32 to vector<16xi32>
      %min3A_169 = arith.minsi %select_n3A_166, %min3A_168 : vector<16xi32>
      %swap3A_170 = arith.constant 0 : i32
      %swap3A_171 = tpu.memref_slice %arg12[%select_n3A_131, %swap3A_170] : memref<8x80xi32, #tpu.memory_space<vmem>> -> memref<1x80xi32, #tpu.memory_space<vmem>>
      %swap3A_172 = tpu.memref_squeeze %swap3A_171 : memref<1x80xi32, #tpu.memory_space<vmem>> -> memref<80xi32, #tpu.memory_space<vmem>>
      %swap3A_173 = arith.constant 16 : index
      %swap3A_174 = tpu.vector_load %swap3A_172[%swap3A_173] {strides = array<i32>} : memref<80xi32, #tpu.memory_space<vmem>>, vector<16xi32>,
      %swap3A_175 = vector.shape_cast %swap3A_174 : vector<16xi32> to vector<16xi32>
      %swap3A_176 = vector.shape_cast %min3A_169 : vector<16xi32> to vector<16xi32>
      tpu.vector_store %swap3A_172[%swap3A_173], %swap3A_176 {strides = array<i32>} : memref<80xi32, #tpu.memory_space<vmem>>, vector<16xi32>,
      %get3A_177 = arith.constant 0 : i32
      %get3A_178 = tpu.memref_slice %arg11[%add3A_98, %get3A_177] : memref<250x80xi32, #tpu.memory_space<vmem>> -> memref<1x80xi32, #tpu.memory_space<vmem>>
      %get3A_179 = tpu.memref_squeeze %get3A_178 : memref<1x80xi32, #tpu.memory_space<vmem>> -> memref<80xi32, #tpu.memory_space<vmem>>
      %get3A_180 = arith.constant 32 : index
      %get3A_181 = tpu.vector_load %get3A_179[%get3A_180] {strides = array<i32>} : memref<80xi32, #tpu.memory_space<vmem>>, vector<16xi32>,
      %get3A_182 = vector.shape_cast %get3A_181 : vector<16xi32> to vector<16xi32>
      %sub3A_183 = arith.constant 0 : i32
      %sub3A_184 = vector.broadcast %sub3A_183 : i32 to vector<16xi32>
      %sub3A_185 = arith.subi %get3A_182, %sub3A_184 : vector<16xi32>
      %lt3A_186 = arith.constant 0 : i32
      %lt3A_187 = vector.broadcast %lt3A_186 : i32 to vector<16xi32>
      %lt3A_188 = arith.cmpi slt, %sub3A_185, %lt3A_187 : vector<16xi32>
      %jit3A_189 = arith.constant 5120 : i32
      %broadcast_in_dim3A_190 = vector.broadcast %jit3A_189 : i32 to vector<16xi32>
      %select_n3A_191 = arith.select %lt3A_188, %broadcast_in_dim3A_190, %sub3A_185 : vector<16xi1>, vector<16xi32>
      %min3A_192 = arith.constant 5120 : i32
      %min3A_193 = vector.broadcast %min3A_192 : i32 to vector<16xi32>
      %min3A_194 = arith.minsi %select_n3A_191, %min3A_193 : vector<16xi32>
      %swap3A_195 = arith.constant 0 : i32
      %swap3A_196 = tpu.memref_slice %arg12[%select_n3A_131, %swap3A_195] : memref<8x80xi32, #tpu.memory_space<vmem>> -> memref<1x80xi32, #tpu.memory_space<vmem>>
      %swap3A_197 = tpu.memref_squeeze %swap3A_196 : memref<1x80xi32, #tpu.memory_space<vmem>> -> memref<80xi32, #tpu.memory_space<vmem>>
      %swap3A_198 = arith.constant 32 : index
      %swap3A_199 = tpu.vector_load %swap3A_197[%swap3A_198] {strides = array<i32>} : memref<80xi32, #tpu.memory_space<vmem>>, vector<16xi32>,
      %swap3A_200 = vector.shape_cast %swap3A_199 : vector<16xi32> to vector<16xi32>
      %swap3A_201 = vector.shape_cast %min3A_194 : vector<16xi32> to vector<16xi32>
      tpu.vector_store %swap3A_197[%swap3A_198], %swap3A_201 {strides = array<i32>} : memref<80xi32, #tpu.memory_space<vmem>>, vector<16xi32>,
      %get3A_202 = arith.constant 0 : i32
      %get3A_203 = tpu.memref_slice %arg11[%add3A_98, %get3A_202] : memref<250x80xi32, #tpu.memory_space<vmem>> -> memref<1x80xi32, #tpu.memory_space<vmem>>
      %get3A_204 = tpu.memref_squeeze %get3A_203 : memref<1x80xi32, #tpu.memory_space<vmem>> -> memref<80xi32, #tpu.memory_space<vmem>>
      %get3A_205 = arith.constant 48 : index
      %get3A_206 = tpu.vector_load %get3A_204[%get3A_205] {strides = array<i32>} : memref<80xi32, #tpu.memory_space<vmem>>, vector<16xi32>,
      %get3A_207 = vector.shape_cast %get3A_206 : vector<16xi32> to vector<16xi32>
      %sub3A_208 = arith.constant 0 : i32
      %sub3A_209 = vector.broadcast %sub3A_208 : i32 to vector<16xi32>
      %sub3A_210 = arith.subi %get3A_207, %sub3A_209 : vector<16xi32>
      %lt3A_211 = arith.constant 0 : i32
      %lt3A_212 = vector.broadcast %lt3A_211 : i32 to vector<16xi32>
      %lt3A_213 = arith.cmpi slt, %sub3A_210, %lt3A_212 : vector<16xi32>
      %jit3A_214 = arith.constant 5120 : i32
      %broadcast_in_dim3A_215 = vector.broadcast %jit3A_214 : i32 to vector<16xi32>
      %select_n3A_216 = arith.select %lt3A_213, %broadcast_in_dim3A_215, %sub3A_210 : vector<16xi1>, vector<16xi32>
      %min3A_217 = arith.constant 5120 : i32
      %min3A_218 = vector.broadcast %min3A_217 : i32 to vector<16xi32>
      %min3A_219 = arith.minsi %select_n3A_216, %min3A_218 : vector<16xi32>
      %swap3A_220 = arith.constant 0 : i32
      %swap3A_221 = tpu.memref_slice %arg12[%select_n3A_131, %swap3A_220] : memref<8x80xi32, #tpu.memory_space<vmem>> -> memref<1x80xi32, #tpu.memory_space<vmem>>
      %swap3A_222 = tpu.memref_squeeze %swap3A_221 : memref<1x80xi32, #tpu.memory_space<vmem>> -> memref<80xi32, #tpu.memory_space<vmem>>
      %swap3A_223 = arith.constant 48 : index
      %swap3A_224 = tpu.vector_load %swap3A_222[%swap3A_223] {strides = array<i32>} : memref<80xi32, #tpu.memory_space<vmem>>, vector<16xi32>,
      %swap3A_225 = vector.shape_cast %swap3A_224 : vector<16xi32> to vector<16xi32>
      %swap3A_226 = vector.shape_cast %min3A_219 : vector<16xi32> to vector<16xi32>
      tpu.vector_store %swap3A_222[%swap3A_223], %swap3A_226 {strides = array<i32>} : memref<80xi32, #tpu.memory_space<vmem>>, vector<16xi32>,
      %get3A_227 = arith.constant 0 : i32
      %get3A_228 = tpu.memref_slice %arg11[%add3A_98, %get3A_227] : memref<250x80xi32, #tpu.memory_space<vmem>> -> memref<1x80xi32, #tpu.memory_space<vmem>>
      %get3A_229 = tpu.memref_squeeze %get3A_228 : memref<1x80xi32, #tpu.memory_space<vmem>> -> memref<80xi32, #tpu.memory_space<vmem>>
      %get3A_230 = arith.constant 64 : index
      %get3A_231 = tpu.vector_load %get3A_229[%get3A_230] {strides = array<i32>} : memref<80xi32, #tpu.memory_space<vmem>>, vector<16xi32>,
      %get3A_232 = vector.shape_cast %get3A_231 : vector<16xi32> to vector<16xi32>
      %sub3A_233 = arith.constant 0 : i32
      %sub3A_234 = vector.broadcast %sub3A_233 : i32 to vector<16xi32>
      %sub3A_235 = arith.subi %get3A_232, %sub3A_234 : vector<16xi32>
      %lt3A_236 = arith.constant 0 : i32
      %lt3A_237 = vector.broadcast %lt3A_236 : i32 to vector<16xi32>
      %lt3A_238 = arith.cmpi slt, %sub3A_235, %lt3A_237 : vector<16xi32>
      %jit3A_239 = arith.constant 5120 : i32
      %broadcast_in_dim3A_240 = vector.broadcast %jit3A_239 : i32 to vector<16xi32>
      %select_n3A_241 = arith.select %lt3A_238, %broadcast_in_dim3A_240, %sub3A_235 : vector<16xi1>, vector<16xi32>
      %min3A_242 = arith.constant 5120 : i32
      %min3A_243 = vector.broadcast %min3A_242 : i32 to vector<16xi32>
      %min3A_244 = arith.minsi %select_n3A_241, %min3A_243 : vector<16xi32>
      %swap3A_245 = arith.constant 0 : i32
      %swap3A_246 = tpu.memref_slice %arg12[%select_n3A_131, %swap3A_245] : memref<8x80xi32, #tpu.memory_space<vmem>> -> memref<1x80xi32, #tpu.memory_space<vmem>>
      %swap3A_247 = tpu.memref_squeeze %swap3A_246 : memref<1x80xi32, #tpu.memory_space<vmem>> -> memref<80xi32, #tpu.memory_space<vmem>>
      %swap3A_248 = arith.constant 64 : index
      %swap3A_249 = tpu.vector_load %swap3A_247[%swap3A_248] {strides = array<i32>} : memref<80xi32, #tpu.memory_space<vmem>>, vector<16xi32>,
      %swap3A_250 = vector.shape_cast %swap3A_249 : vector<16xi32> to vector<16xi32>
      %swap3A_251 = vector.shape_cast %min3A_244 : vector<16xi32> to vector<16xi32>
      tpu.vector_store %swap3A_247[%swap3A_248], %swap3A_251 {strides = array<i32>} : memref<80xi32, #tpu.memory_space<vmem>>, vector<16xi32>,
      %dma_start3A_252 = arith.constant 0 : i32
      %dma_start3A_253 = tpu.memref_slice %arg11[%add3A_98, %dma_start3A_252] : memref<250x80xi32, #tpu.memory_space<vmem>> -> memref<1x80xi32, #tpu.memory_space<vmem>>
      %dma_start3A_254 = tpu.memref_squeeze %dma_start3A_253 : memref<1x80xi32, #tpu.memory_space<vmem>> -> memref<80xi32, #tpu.memory_space<vmem>>
      %dma_start3A_255 = arith.constant 0 : i32
      %dma_start3A_256 = tpu.memref_slice %arg17[%dma_start3A_255] : memref<10240xf32, #tpu.memory_space<vmem_shared>> -> memref<10240xf32, #tpu.memory_space<vmem_shared>>
      tpu.enqueue_indirect_dma source(%arg15 : memref<80xf32, #tpu.memory_space<vmem>>) target(%dma_start3A_256 : memref<10240xf32, #tpu.memory_space<vmem_shared>>) offsets(%dma_start3A_254 : memref<80xi32, #tpu.memory_space<vmem>>) semaphore(%arg22 : memref<!tpu.dma_semaphore, #tpu.memory_space<semaphore_mem>>) {add = true}
      %jit3A_257 = arith.constant 8 : i32
      %eq3A_258 = arith.constant 0 : i32
      %eq3A_259 = arith.cmpi eq, %jit3A_257, %eq3A_258 : i32
      %jit3A_260 = arith.constant 1 : i32
      %select_n3A_261 = arith.select %eq3A_259, %jit3A_260, %jit3A_257 : i32
      %rem3A_262 = arith.remsi %add3A_98, %select_n3A_261 : i32
      %ne3A_263 = arith.constant 0 : i32
      %ne3A_264 = arith.cmpi ne, %rem3A_262, %ne3A_263 : i32
      %lt3A_265 = arith.constant 0 : i32
      %lt3A_266 = arith.cmpi slt, %rem3A_262, %lt3A_265 : i32
      %lt3A_267 = arith.constant 0 : i32
      %lt3A_268 = arith.cmpi slt, %select_n3A_261, %lt3A_267 : i32
      %ne3A_269 = arith.xori %lt3A_266, %lt3A_268 : i1
      %and3A_270 = arith.andi %ne3A_269, %ne3A_264 : i1
      %add3A_271 = arith.addi %rem3A_262, %select_n3A_261 : i32
      %select_n3A_272 = arith.select %and3A_270, %add3A_271, %rem3A_262 : i32
      %dma_start3A_273 = arith.constant 0 : i32
      %dma_start3A_274 = tpu.memref_slice %arg12[%select_n3A_272, %dma_start3A_273] : memref<8x80xi32, #tpu.memory_space<vmem>> -> memref<1x80xi32, #tpu.memory_space<vmem>>
      %dma_start3A_275 = tpu.memref_squeeze %dma_start3A_274 : memref<1x80xi32, #tpu.memory_space<vmem>> -> memref<80xi32, #tpu.memory_space<vmem>>
      %dma_start3A_276 = arith.constant 0 : i32
      %dma_start3A_277 = arith.constant 0 : i32
      %dma_start3A_278 = tpu.memref_slice %arg16[%dma_start3A_276, %dma_start3A_277] : memref<5248x128xf32, #tpu.memory_space<vmem_shared>> -> memref<5248x128xf32, #tpu.memory_space<vmem_shared>>
      tpu.enqueue_indirect_dma source(%arg13 : memref<80x128xf32, #tpu.memory_space<vmem>>) target(%dma_start3A_278 : memref<5248x128xf32, #tpu.memory_space<vmem_shared>>) offsets(%dma_start3A_275 : memref<80xi32, #tpu.memory_space<vmem>>) semaphore(%arg20 : memref<!tpu.dma_semaphore, #tpu.memory_space<semaphore_mem>>) {add = true}
      %mul3A_279 = arith.constant 2 : i32
      %mul3A_280 = arith.muli %mul3A_279, %scan3A_94 : i32
      %add3A_281 = arith.constant 1 : i32
      %add3A_282 = arith.addi %mul3A_280, %add3A_281 : i32
      %sub3A_283 = arith.constant 1 : i32
      %sub3A_284 = arith.subi %add3A_282, %sub3A_283 : i32
      %jit3A_285 = arith.constant 8 : i32
      %eq3A_286 = arith.constant 0 : i32
      %eq3A_287 = arith.cmpi eq, %jit3A_285, %eq3A_286 : i32
      %jit3A_288 = arith.constant 1 : i32
      %select_n3A_289 = arith.select %eq3A_287, %jit3A_288, %jit3A_285 : i32
      %rem3A_290 = arith.remsi %sub3A_284, %select_n3A_289 : i32
      %ne3A_291 = arith.constant 0 : i32
      %ne3A_292 = arith.cmpi ne, %rem3A_290, %ne3A_291 : i32
      %lt3A_293 = arith.constant 0 : i32
      %lt3A_294 = arith.cmpi slt, %rem3A_290, %lt3A_293 : i32
      %lt3A_295 = arith.constant 0 : i32
      %lt3A_296 = arith.cmpi slt, %select_n3A_289, %lt3A_295 : i32
      %ne3A_297 = arith.xori %lt3A_294, %lt3A_296 : i1
      %and3A_298 = arith.andi %ne3A_297, %ne3A_292 : i1
      %add3A_299 = arith.addi %rem3A_290, %select_n3A_289 : i32
      %select_n3A_300 = arith.select %and3A_298, %add3A_299, %rem3A_290 : i32
      %dma_wait3A_301 = arith.constant 0 : i32
      %dma_wait3A_302 = tpu.memref_slice %arg12[%select_n3A_300, %dma_wait3A_301] : memref<8x80xi32, #tpu.memory_space<vmem>> -> memref<1x80xi32, #tpu.memory_space<vmem>>
      %dma_wait3A_303 = tpu.memref_squeeze %dma_wait3A_302 : memref<1x80xi32, #tpu.memory_space<vmem>> -> memref<80xi32, #tpu.memory_space<vmem>>
      %dma_wait3A_304 = arith.constant 0 : i32
      %dma_wait3A_305 = arith.constant 0 : i32
      %dma_wait3A_306 = tpu.memref_slice %arg16[%dma_wait3A_304, %dma_wait3A_305] : memref<5248x128xf32, #tpu.memory_space<vmem_shared>> -> memref<5248x128xf32, #tpu.memory_space<vmem_shared>>
      tpu.wait_indirect_dma semaphore(%arg20 : memref<!tpu.dma_semaphore, #tpu.memory_space<semaphore_mem>>) src(%arg13 : memref<80x128xf32, #tpu.memory_space<vmem>>) dst(%dma_wait3A_306 : memref<5248x128xf32, #tpu.memory_space<vmem_shared>>)
      %ge3A_307 = arith.constant 2 : i32
      %ge3A_308 = arith.cmpi sge, %scan3A_94, %ge3A_307 : i32
      %convert_element_type3A_309 = arith.extui %ge3A_308 : i1 to i32
      %cond3A_310 = arith.constant 0 : i32
      %cond3A_311 = arith.cmpi ne, %convert_element_type3A_309, %cond3A_310 : i32
      scf.if %cond3A_311 {
        %sub3A_491 = arith.constant 4 : i32
        %sub3A_492 = arith.subi %add3A_282, %sub3A_491 : i32
        %dma_wait3A_493 = arith.constant 0 : i32
        %dma_wait3A_494 = tpu.memref_slice %arg11[%sub3A_492, %dma_wait3A_493] : memref<250x80xi32, #tpu.memory_space<vmem>> -> memref<1x80xi32, #tpu.memory_space<vmem>>
        %dma_wait3A_495 = tpu.memref_squeeze %dma_wait3A_494 : memref<1x80xi32, #tpu.memory_space<vmem>> -> memref<80xi32, #tpu.memory_space<vmem>>
        %dma_wait3A_496 = arith.constant 0 : i32
        %dma_wait3A_497 = tpu.memref_slice %arg17[%dma_wait3A_496] : memref<10240xf32, #tpu.memory_space<vmem_shared>> -> memref<10240xf32, #tpu.memory_space<vmem_shared>>
        tpu.wait_indirect_dma semaphore(%arg22 : memref<!tpu.dma_semaphore, #tpu.memory_space<semaphore_mem>>) src(%arg15 : memref<80xf32, #tpu.memory_space<vmem>>) dst(%dma_wait3A_497 : memref<10240xf32, #tpu.memory_space<vmem_shared>>)
      } else {
      }
      %lt3A_312 = arith.constant 124 : i32
      %lt3A_313 = arith.cmpi slt, %scan3A_94, %lt3A_312 : i32
      %convert_element_type3A_314 = arith.extui %lt3A_313 : i1 to i32
      %cond3A_315 = arith.constant 0 : i32
      %cond3A_316 = arith.cmpi ne, %convert_element_type3A_314, %cond3A_315 : i32
      scf.if %cond3A_316 {
        %add3A_491 = arith.constant 1 : i32
        %add3A_492 = arith.addi %add3A_282, %add3A_491 : i32
        %dma_start3A_493 = arith.constant 0 : i32
        %dma_start3A_494 = tpu.memref_slice %arg10[%add3A_492, %dma_start3A_493] : memref<250x80xi32, #tpu.memory_space<vmem>> -> memref<1x80xi32, #tpu.memory_space<vmem>>
        %dma_start3A_495 = tpu.memref_squeeze %dma_start3A_494 : memref<1x80xi32, #tpu.memory_space<vmem>> -> memref<80xi32, #tpu.memory_space<vmem>>
        %dma_start3A_496 = arith.constant 0 : i32
        %dma_start3A_497 = arith.constant 0 : i32
        %dma_start3A_498 = tpu.memref_slice %arg2[%dma_start3A_496, %dma_start3A_497] : memref<20480x128xf32, #tpu.memory_space<hbm>> -> memref<20480x128xf32, #tpu.memory_space<hbm>>
        tpu.enqueue_indirect_dma source(%dma_start3A_498 : memref<20480x128xf32, #tpu.memory_space<hbm>>) target(%arg13 : memref<80x128xf32, #tpu.memory_space<vmem>>) offsets(%dma_start3A_495 : memref<80xi32, #tpu.memory_space<vmem>>) semaphore(%arg18 : memref<!tpu.dma_semaphore, #tpu.memory_space<semaphore_mem>>)
      } else {
      }
      %dma_wait3A_317 = arith.constant 0 : i32
      %dma_wait3A_318 = tpu.memref_slice %arg10[%add3A_282, %dma_wait3A_317] : memref<250x80xi32, #tpu.memory_space<vmem>> -> memref<1x80xi32, #tpu.memory_space<vmem>>
      %dma_wait3A_319 = tpu.memref_squeeze %dma_wait3A_318 : memref<1x80xi32, #tpu.memory_space<vmem>> -> memref<80xi32, #tpu.memory_space<vmem>>
      %dma_wait3A_320 = arith.constant 0 : i32
      %dma_wait3A_321 = arith.constant 0 : i32
      %dma_wait3A_322 = tpu.memref_slice %arg2[%dma_wait3A_320, %dma_wait3A_321] : memref<20480x128xf32, #tpu.memory_space<hbm>> -> memref<20480x128xf32, #tpu.memory_space<hbm>>
      tpu.wait_indirect_dma semaphore(%arg19 : memref<!tpu.dma_semaphore, #tpu.memory_space<semaphore_mem>>) src(%dma_wait3A_322 : memref<20480x128xf32, #tpu.memory_space<hbm>>) dst(%arg14 : memref<80x128xf32, #tpu.memory_space<vmem>>)
      %jit3A_323 = arith.constant 8 : i32
      %eq3A_324 = arith.constant 0 : i32
      %eq3A_325 = arith.cmpi eq, %jit3A_323, %eq3A_324 : i32
      %jit3A_326 = arith.constant 1 : i32
      %select_n3A_327 = arith.select %eq3A_325, %jit3A_326, %jit3A_323 : i32
      %rem3A_328 = arith.remsi %add3A_282, %select_n3A_327 : i32
      %ne3A_329 = arith.constant 0 : i32
      %ne3A_330 = arith.cmpi ne, %rem3A_328, %ne3A_329 : i32
      %lt3A_331 = arith.constant 0 : i32
      %lt3A_332 = arith.cmpi slt, %rem3A_328, %lt3A_331 : i32
      %lt3A_333 = arith.constant 0 : i32
      %lt3A_334 = arith.cmpi slt, %select_n3A_327, %lt3A_333 : i32
      %ne3A_335 = arith.xori %lt3A_332, %lt3A_334 : i1
      %and3A_336 = arith.andi %ne3A_335, %ne3A_330 : i1
      %add3A_337 = arith.addi %rem3A_328, %select_n3A_327 : i32
      %select_n3A_338 = arith.select %and3A_336, %add3A_337, %rem3A_328 : i32
      %get3A_339 = arith.constant 0 : i32
      %get3A_340 = tpu.memref_slice %arg11[%add3A_282, %get3A_339] : memref<250x80xi32, #tpu.memory_space<vmem>> -> memref<1x80xi32, #tpu.memory_space<vmem>>
      %get3A_341 = tpu.memref_squeeze %get3A_340 : memref<1x80xi32, #tpu.memory_space<vmem>> -> memref<80xi32, #tpu.memory_space<vmem>>
      %get3A_342 = arith.constant 0 : index
      %get3A_343 = tpu.vector_load %get3A_341[%get3A_342] {strides = array<i32>} : memref<80xi32, #tpu.memory_space<vmem>>, vector<16xi32>,
      %get3A_344 = vector.shape_cast %get3A_343 : vector<16xi32> to vector<16xi32>
      %sub3A_345 = arith.constant 0 : i32
      %sub3A_346 = vector.broadcast %sub3A_345 : i32 to vector<16xi32>
      %sub3A_347 = arith.subi %get3A_344, %sub3A_346 : vector<16xi32>
      %lt3A_348 = arith.constant 0 : i32
      %lt3A_349 = vector.broadcast %lt3A_348 : i32 to vector<16xi32>
      %lt3A_350 = arith.cmpi slt, %sub3A_347, %lt3A_349 : vector<16xi32>
      %jit3A_351 = arith.constant 5120 : i32
      %broadcast_in_dim3A_352 = vector.broadcast %jit3A_351 : i32 to vector<16xi32>
      %select_n3A_353 = arith.select %lt3A_350, %broadcast_in_dim3A_352, %sub3A_347 : vector<16xi1>, vector<16xi32>
      %min3A_354 = arith.constant 5120 : i32
      %min3A_355 = vector.broadcast %min3A_354 : i32 to vector<16xi32>
      %min3A_356 = arith.minsi %select_n3A_353, %min3A_355 : vector<16xi32>
      %swap3A_357 = arith.constant 0 : i32
      %swap3A_358 = tpu.memref_slice %arg12[%select_n3A_338, %swap3A_357] : memref<8x80xi32, #tpu.memory_space<vmem>> -> memref<1x80xi32, #tpu.memory_space<vmem>>
      %swap3A_359 = tpu.memref_squeeze %swap3A_358 : memref<1x80xi32, #tpu.memory_space<vmem>> -> memref<80xi32, #tpu.memory_space<vmem>>
      %swap3A_360 = arith.constant 0 : index
      %swap3A_361 = tpu.vector_load %swap3A_359[%swap3A_360] {strides = array<i32>} : memref<80xi32, #tpu.memory_space<vmem>>, vector<16xi32>,
      %swap3A_362 = vector.shape_cast %swap3A_361 : vector<16xi32> to vector<16xi32>
      %swap3A_363 = vector.shape_cast %min3A_356 : vector<16xi32> to vector<16xi32>
      tpu.vector_store %swap3A_359[%swap3A_360], %swap3A_363 {strides = array<i32>} : memref<80xi32, #tpu.memory_space<vmem>>, vector<16xi32>,
      %get3A_364 = arith.constant 0 : i32
      %get3A_365 = tpu.memref_slice %arg11[%add3A_282, %get3A_364] : memref<250x80xi32, #tpu.memory_space<vmem>> -> memref<1x80xi32, #tpu.memory_space<vmem>>
      %get3A_366 = tpu.memref_squeeze %get3A_365 : memref<1x80xi32, #tpu.memory_space<vmem>> -> memref<80xi32, #tpu.memory_space<vmem>>
      %get3A_367 = arith.constant 16 : index
      %get3A_368 = tpu.vector_load %get3A_366[%get3A_367] {strides = array<i32>} : memref<80xi32, #tpu.memory_space<vmem>>, vector<16xi32>,
      %get3A_369 = vector.shape_cast %get3A_368 : vector<16xi32> to vector<16xi32>
      %sub3A_370 = arith.constant 0 : i32
      %sub3A_371 = vector.broadcast %sub3A_370 : i32 to vector<16xi32>
      %sub3A_372 = arith.subi %get3A_369, %sub3A_371 : vector<16xi32>
      %lt3A_373 = arith.constant 0 : i32
      %lt3A_374 = vector.broadcast %lt3A_373 : i32 to vector<16xi32>
      %lt3A_375 = arith.cmpi slt, %sub3A_372, %lt3A_374 : vector<16xi32>
      %jit3A_376 = arith.constant 5120 : i32
      %broadcast_in_dim3A_377 = vector.broadcast %jit3A_376 : i32 to vector<16xi32>
      %select_n3A_378 = arith.select %lt3A_375, %broadcast_in_dim3A_377, %sub3A_372 : vector<16xi1>, vector<16xi32>
      %min3A_379 = arith.constant 5120 : i32
      %min3A_380 = vector.broadcast %min3A_379 : i32 to vector<16xi32>
      %min3A_381 = arith.minsi %select_n3A_378, %min3A_380 : vector<16xi32>
      %swap3A_382 = arith.constant 0 : i32
      %swap3A_383 = tpu.memref_slice %arg12[%select_n3A_338, %swap3A_382] : memref<8x80xi32, #tpu.memory_space<vmem>> -> memref<1x80xi32, #tpu.memory_space<vmem>>
      %swap3A_384 = tpu.memref_squeeze %swap3A_383 : memref<1x80xi32, #tpu.memory_space<vmem>> -> memref<80xi32, #tpu.memory_space<vmem>>
      %swap3A_385 = arith.constant 16 : index
      %swap3A_386 = tpu.vector_load %swap3A_384[%swap3A_385] {strides = array<i32>} : memref<80xi32, #tpu.memory_space<vmem>>, vector<16xi32>,
      %swap3A_387 = vector.shape_cast %swap3A_386 : vector<16xi32> to vector<16xi32>
      %swap3A_388 = vector.shape_cast %min3A_381 : vector<16xi32> to vector<16xi32>
      tpu.vector_store %swap3A_384[%swap3A_385], %swap3A_388 {strides = array<i32>} : memref<80xi32, #tpu.memory_space<vmem>>, vector<16xi32>,
      %get3A_389 = arith.constant 0 : i32
      %get3A_390 = tpu.memref_slice %arg11[%add3A_282, %get3A_389] : memref<250x80xi32, #tpu.memory_space<vmem>> -> memref<1x80xi32, #tpu.memory_space<vmem>>
      %get3A_391 = tpu.memref_squeeze %get3A_390 : memref<1x80xi32, #tpu.memory_space<vmem>> -> memref<80xi32, #tpu.memory_space<vmem>>
      %get3A_392 = arith.constant 32 : index
      %get3A_393 = tpu.vector_load %get3A_391[%get3A_392] {strides = array<i32>} : memref<80xi32, #tpu.memory_space<vmem>>, vector<16xi32>,
      %get3A_394 = vector.shape_cast %get3A_393 : vector<16xi32> to vector<16xi32>
      %sub3A_395 = arith.constant 0 : i32
      %sub3A_396 = vector.broadcast %sub3A_395 : i32 to vector<16xi32>
      %sub3A_397 = arith.subi %get3A_394, %sub3A_396 : vector<16xi32>
      %lt3A_398 = arith.constant 0 : i32
      %lt3A_399 = vector.broadcast %lt3A_398 : i32 to vector<16xi32>
      %lt3A_400 = arith.cmpi slt, %sub3A_397, %lt3A_399 : vector<16xi32>
      %jit3A_401 = arith.constant 5120 : i32
      %broadcast_in_dim3A_402 = vector.broadcast %jit3A_401 : i32 to vector<16xi32>
      %select_n3A_403 = arith.select %lt3A_400, %broadcast_in_dim3A_402, %sub3A_397 : vector<16xi1>, vector<16xi32>
      %min3A_404 = arith.constant 5120 : i32
      %min3A_405 = vector.broadcast %min3A_404 : i32 to vector<16xi32>
      %min3A_406 = arith.minsi %select_n3A_403, %min3A_405 : vector<16xi32>
      %swap3A_407 = arith.constant 0 : i32
      %swap3A_408 = tpu.memref_slice %arg12[%select_n3A_338, %swap3A_407] : memref<8x80xi32, #tpu.memory_space<vmem>> -> memref<1x80xi32, #tpu.memory_space<vmem>>
      %swap3A_409 = tpu.memref_squeeze %swap3A_408 : memref<1x80xi32, #tpu.memory_space<vmem>> -> memref<80xi32, #tpu.memory_space<vmem>>
      %swap3A_410 = arith.constant 32 : index
      %swap3A_411 = tpu.vector_load %swap3A_409[%swap3A_410] {strides = array<i32>} : memref<80xi32, #tpu.memory_space<vmem>>, vector<16xi32>,
      %swap3A_412 = vector.shape_cast %swap3A_411 : vector<16xi32> to vector<16xi32>
      %swap3A_413 = vector.shape_cast %min3A_406 : vector<16xi32> to vector<16xi32>
      tpu.vector_store %swap3A_409[%swap3A_410], %swap3A_413 {strides = array<i32>} : memref<80xi32, #tpu.memory_space<vmem>>, vector<16xi32>,
      %get3A_414 = arith.constant 0 : i32
      %get3A_415 = tpu.memref_slice %arg11[%add3A_282, %get3A_414] : memref<250x80xi32, #tpu.memory_space<vmem>> -> memref<1x80xi32, #tpu.memory_space<vmem>>
      %get3A_416 = tpu.memref_squeeze %get3A_415 : memref<1x80xi32, #tpu.memory_space<vmem>> -> memref<80xi32, #tpu.memory_space<vmem>>
      %get3A_417 = arith.constant 48 : index
      %get3A_418 = tpu.vector_load %get3A_416[%get3A_417] {strides = array<i32>} : memref<80xi32, #tpu.memory_space<vmem>>, vector<16xi32>,
      %get3A_419 = vector.shape_cast %get3A_418 : vector<16xi32> to vector<16xi32>
      %sub3A_420 = arith.constant 0 : i32
      %sub3A_421 = vector.broadcast %sub3A_420 : i32 to vector<16xi32>
      %sub3A_422 = arith.subi %get3A_419, %sub3A_421 : vector<16xi32>
      %lt3A_423 = arith.constant 0 : i32
      %lt3A_424 = vector.broadcast %lt3A_423 : i32 to vector<16xi32>
      %lt3A_425 = arith.cmpi slt, %sub3A_422, %lt3A_424 : vector<16xi32>
      %jit3A_426 = arith.constant 5120 : i32
      %broadcast_in_dim3A_427 = vector.broadcast %jit3A_426 : i32 to vector<16xi32>
      %select_n3A_428 = arith.select %lt3A_425, %broadcast_in_dim3A_427, %sub3A_422 : vector<16xi1>, vector<16xi32>
      %min3A_429 = arith.constant 5120 : i32
      %min3A_430 = vector.broadcast %min3A_429 : i32 to vector<16xi32>
      %min3A_431 = arith.minsi %select_n3A_428, %min3A_430 : vector<16xi32>
      %swap3A_432 = arith.constant 0 : i32
      %swap3A_433 = tpu.memref_slice %arg12[%select_n3A_338, %swap3A_432] : memref<8x80xi32, #tpu.memory_space<vmem>> -> memref<1x80xi32, #tpu.memory_space<vmem>>
      %swap3A_434 = tpu.memref_squeeze %swap3A_433 : memref<1x80xi32, #tpu.memory_space<vmem>> -> memref<80xi32, #tpu.memory_space<vmem>>
      %swap3A_435 = arith.constant 48 : index
      %swap3A_436 = tpu.vector_load %swap3A_434[%swap3A_435] {strides = array<i32>} : memref<80xi32, #tpu.memory_space<vmem>>, vector<16xi32>,
      %swap3A_437 = vector.shape_cast %swap3A_436 : vector<16xi32> to vector<16xi32>
      %swap3A_438 = vector.shape_cast %min3A_431 : vector<16xi32> to vector<16xi32>
      tpu.vector_store %swap3A_434[%swap3A_435], %swap3A_438 {strides = array<i32>} : memref<80xi32, #tpu.memory_space<vmem>>, vector<16xi32>,
      %get3A_439 = arith.constant 0 : i32
      %get3A_440 = tpu.memref_slice %arg11[%add3A_282, %get3A_439] : memref<250x80xi32, #tpu.memory_space<vmem>> -> memref<1x80xi32, #tpu.memory_space<vmem>>
      %get3A_441 = tpu.memref_squeeze %get3A_440 : memref<1x80xi32, #tpu.memory_space<vmem>> -> memref<80xi32, #tpu.memory_space<vmem>>
      %get3A_442 = arith.constant 64 : index
      %get3A_443 = tpu.vector_load %get3A_441[%get3A_442] {strides = array<i32>} : memref<80xi32, #tpu.memory_space<vmem>>, vector<16xi32>,
      %get3A_444 = vector.shape_cast %get3A_443 : vector<16xi32> to vector<16xi32>
      %sub3A_445 = arith.constant 0 : i32
      %sub3A_446 = vector.broadcast %sub3A_445 : i32 to vector<16xi32>
      %sub3A_447 = arith.subi %get3A_444, %sub3A_446 : vector<16xi32>
      %lt3A_448 = arith.constant 0 : i32
      %lt3A_449 = vector.broadcast %lt3A_448 : i32 to vector<16xi32>
      %lt3A_450 = arith.cmpi slt, %sub3A_447, %lt3A_449 : vector<16xi32>
      %jit3A_451 = arith.constant 5120 : i32
      %broadcast_in_dim3A_452 = vector.broadcast %jit3A_451 : i32 to vector<16xi32>
      %select_n3A_453 = arith.select %lt3A_450, %broadcast_in_dim3A_452, %sub3A_447 : vector<16xi1>, vector<16xi32>
      %min3A_454 = arith.constant 5120 : i32
      %min3A_455 = vector.broadcast %min3A_454 : i32 to vector<16xi32>
      %min3A_456 = arith.minsi %select_n3A_453, %min3A_455 : vector<16xi32>
      %swap3A_457 = arith.constant 0 : i32
      %swap3A_458 = tpu.memref_slice %arg12[%select_n3A_338, %swap3A_457] : memref<8x80xi32, #tpu.memory_space<vmem>> -> memref<1x80xi32, #tpu.memory_space<vmem>>
      %swap3A_459 = tpu.memref_squeeze %swap3A_458 : memref<1x80xi32, #tpu.memory_space<vmem>> -> memref<80xi32, #tpu.memory_space<vmem>>
      %swap3A_460 = arith.constant 64 : index
      %swap3A_461 = tpu.vector_load %swap3A_459[%swap3A_460] {strides = array<i32>} : memref<80xi32, #tpu.memory_space<vmem>>, vector<16xi32>,
      %swap3A_462 = vector.shape_cast %swap3A_461 : vector<16xi32> to vector<16xi32>
      %swap3A_463 = vector.shape_cast %min3A_456 : vector<16xi32> to vector<16xi32>
      tpu.vector_store %swap3A_459[%swap3A_460], %swap3A_463 {strides = array<i32>} : memref<80xi32, #tpu.memory_space<vmem>>, vector<16xi32>,
      %dma_start3A_464 = arith.constant 0 : i32
      %dma_start3A_465 = tpu.memref_slice %arg11[%add3A_282, %dma_start3A_464] : memref<250x80xi32, #tpu.memory_space<vmem>> -> memref<1x80xi32, #tpu.memory_space<vmem>>
      %dma_start3A_466 = tpu.memref_squeeze %dma_start3A_465 : memref<1x80xi32, #tpu.memory_space<vmem>> -> memref<80xi32, #tpu.memory_space<vmem>>
      %dma_start3A_467 = arith.constant 0 : i32
      %dma_start3A_468 = tpu.memref_slice %arg17[%dma_start3A_467] : memref<10240xf32, #tpu.memory_space<vmem_shared>> -> memref<10240xf32, #tpu.memory_space<vmem_shared>>
      tpu.enqueue_indirect_dma source(%arg15 : memref<80xf32, #tpu.memory_space<vmem>>) target(%dma_start3A_468 : memref<10240xf32, #tpu.memory_space<vmem_shared>>) offsets(%dma_start3A_466 : memref<80xi32, #tpu.memory_space<vmem>>) semaphore(%arg22 : memref<!tpu.dma_semaphore, #tpu.memory_space<semaphore_mem>>) {add = true}
      %jit3A_469 = arith.constant 8 : i32
      %eq3A_470 = arith.constant 0 : i32
      %eq3A_471 = arith.cmpi eq, %jit3A_469, %eq3A_470 : i32
      %jit3A_472 = arith.constant 1 : i32
      %select_n3A_473 = arith.select %eq3A_471, %jit3A_472, %jit3A_469 : i32
      %rem3A_474 = arith.remsi %add3A_282, %select_n3A_473 : i32
      %ne3A_475 = arith.constant 0 : i32
      %ne3A_476 = arith.cmpi ne, %rem3A_474, %ne3A_475 : i32
      %lt3A_477 = arith.constant 0 : i32
      %lt3A_478 = arith.cmpi slt, %rem3A_474, %lt3A_477 : i32
      %lt3A_479 = arith.constant 0 : i32
      %lt3A_480 = arith.cmpi slt, %select_n3A_473, %lt3A_479 : i32
      %ne3A_481 = arith.xori %lt3A_478, %lt3A_480 : i1
      %and3A_482 = arith.andi %ne3A_481, %ne3A_476 : i1
      %add3A_483 = arith.addi %rem3A_474, %select_n3A_473 : i32
      %select_n3A_484 = arith.select %and3A_482, %add3A_483, %rem3A_474 : i32
      %dma_start3A_485 = arith.constant 0 : i32
      %dma_start3A_486 = tpu.memref_slice %arg12[%select_n3A_484, %dma_start3A_485] : memref<8x80xi32, #tpu.memory_space<vmem>> -> memref<1x80xi32, #tpu.memory_space<vmem>>
      %dma_start3A_487 = tpu.memref_squeeze %dma_start3A_486 : memref<1x80xi32, #tpu.memory_space<vmem>> -> memref<80xi32, #tpu.memory_space<vmem>>
      %dma_start3A_488 = arith.constant 0 : i32
      %dma_start3A_489 = arith.constant 0 : i32
      %dma_start3A_490 = tpu.memref_slice %arg16[%dma_start3A_488, %dma_start3A_489] : memref<5248x128xf32, #tpu.memory_space<vmem_shared>> -> memref<5248x128xf32, #tpu.memory_space<vmem_shared>>
      tpu.enqueue_indirect_dma source(%arg14 : memref<80x128xf32, #tpu.memory_space<vmem>>) target(%dma_start3A_490 : memref<5248x128xf32, #tpu.memory_space<vmem_shared>>) offsets(%dma_start3A_487 : memref<80xi32, #tpu.memory_space<vmem>>) semaphore(%arg21 : memref<!tpu.dma_semaphore, #tpu.memory_space<semaphore_mem>>) {add = true}
    }
    %scan3A_15 = arith.constant 125 : i32
    %dma_wait3A = arith.constant 1 : i32
    %dma_wait3A_16 = arith.constant 0 : i32
    %dma_wait3A_17 = tpu.memref_slice %arg12[%dma_wait3A, %dma_wait3A_16] : memref<8x80xi32, #tpu.memory_space<vmem>> -> memref<1x80xi32, #tpu.memory_space<vmem>>
    %dma_wait3A_18 = tpu.memref_squeeze %dma_wait3A_17 : memref<1x80xi32, #tpu.memory_space<vmem>> -> memref<80xi32, #tpu.memory_space<vmem>>
    %dma_wait3A_19 = arith.constant 0 : i32
    %dma_wait3A_20 = arith.constant 0 : i32
    %dma_wait3A_21 = tpu.memref_slice %arg16[%dma_wait3A_19, %dma_wait3A_20] : memref<5248x128xf32, #tpu.memory_space<vmem_shared>> -> memref<5248x128xf32, #tpu.memory_space<vmem_shared>>
    tpu.wait_indirect_dma semaphore(%arg21 : memref<!tpu.dma_semaphore, #tpu.memory_space<semaphore_mem>>) src(%arg14 : memref<80x128xf32, #tpu.memory_space<vmem>>) dst(%dma_wait3A_21 : memref<5248x128xf32, #tpu.memory_space<vmem_shared>>)
    %dma_wait3A_22 = arith.constant 246 : i32
    %dma_wait3A_23 = arith.constant 0 : i32
    %dma_wait3A_24 = tpu.memref_slice %arg11[%dma_wait3A_22, %dma_wait3A_23] : memref<250x80xi32, #tpu.memory_space<vmem>> -> memref<1x80xi32, #tpu.memory_space<vmem>>
    %dma_wait3A_25 = tpu.memref_squeeze %dma_wait3A_24 : memref<1x80xi32, #tpu.memory_space<vmem>> -> memref<80xi32, #tpu.memory_space<vmem>>
    %dma_wait3A_26 = arith.constant 0 : i32
    %dma_wait3A_27 = tpu.memref_slice %arg17[%dma_wait3A_26] : memref<10240xf32, #tpu.memory_space<vmem_shared>> -> memref<10240xf32, #tpu.memory_space<vmem_shared>>
    tpu.wait_indirect_dma semaphore(%arg22 : memref<!tpu.dma_semaphore, #tpu.memory_space<semaphore_mem>>) src(%arg15 : memref<80xf32, #tpu.memory_space<vmem>>) dst(%dma_wait3A_27 : memref<10240xf32, #tpu.memory_space<vmem_shared>>)
    %dma_wait3A_28 = arith.constant 247 : i32
    %dma_wait3A_29 = arith.constant 0 : i32
    %dma_wait3A_30 = tpu.memref_slice %arg11[%dma_wait3A_28, %dma_wait3A_29] : memref<250x80xi32, #tpu.memory_space<vmem>> -> memref<1x80xi32, #tpu.memory_space<vmem>>
    %dma_wait3A_31 = tpu.memref_squeeze %dma_wait3A_30 : memref<1x80xi32, #tpu.memory_space<vmem>> -> memref<80xi32, #tpu.memory_space<vmem>>
    %dma_wait3A_32 = arith.constant 0 : i32
    %dma_wait3A_33 = tpu.memref_slice %arg17[%dma_wait3A_32] : memref<10240xf32, #tpu.memory_space<vmem_shared>> -> memref<10240xf32, #tpu.memory_space<vmem_shared>>
    tpu.wait_indirect_dma semaphore(%arg22 : memref<!tpu.dma_semaphore, #tpu.memory_space<semaphore_mem>>) src(%arg15 : memref<80xf32, #tpu.memory_space<vmem>>) dst(%dma_wait3A_33 : memref<10240xf32, #tpu.memory_space<vmem_shared>>)
    %dma_wait3A_34 = arith.constant 248 : i32
    %dma_wait3A_35 = arith.constant 0 : i32
    %dma_wait3A_36 = tpu.memref_slice %arg11[%dma_wait3A_34, %dma_wait3A_35] : memref<250x80xi32, #tpu.memory_space<vmem>> -> memref<1x80xi32, #tpu.memory_space<vmem>>
    %dma_wait3A_37 = tpu.memref_squeeze %dma_wait3A_36 : memref<1x80xi32, #tpu.memory_space<vmem>> -> memref<80xi32, #tpu.memory_space<vmem>>
    %dma_wait3A_38 = arith.constant 0 : i32
    %dma_wait3A_39 = tpu.memref_slice %arg17[%dma_wait3A_38] : memref<10240xf32, #tpu.memory_space<vmem_shared>> -> memref<10240xf32, #tpu.memory_space<vmem_shared>>
    tpu.wait_indirect_dma semaphore(%arg22 : memref<!tpu.dma_semaphore, #tpu.memory_space<semaphore_mem>>) src(%arg15 : memref<80xf32, #tpu.memory_space<vmem>>) dst(%dma_wait3A_39 : memref<10240xf32, #tpu.memory_space<vmem_shared>>)
    %dma_wait3A_40 = arith.constant 249 : i32
    %dma_wait3A_41 = arith.constant 0 : i32
    %dma_wait3A_42 = tpu.memref_slice %arg11[%dma_wait3A_40, %dma_wait3A_41] : memref<250x80xi32, #tpu.memory_space<vmem>> -> memref<1x80xi32, #tpu.memory_space<vmem>>
    %dma_wait3A_43 = tpu.memref_squeeze %dma_wait3A_42 : memref<1x80xi32, #tpu.memory_space<vmem>> -> memref<80xi32, #tpu.memory_space<vmem>>
    %dma_wait3A_44 = arith.constant 0 : i32
    %dma_wait3A_45 = tpu.memref_slice %arg17[%dma_wait3A_44] : memref<10240xf32, #tpu.memory_space<vmem_shared>> -> memref<10240xf32, #tpu.memory_space<vmem_shared>>
    tpu.wait_indirect_dma semaphore(%arg22 : memref<!tpu.dma_semaphore, #tpu.memory_space<semaphore_mem>>) src(%arg15 : memref<80xf32, #tpu.memory_space<vmem>>) dst(%dma_wait3A_45 : memref<10240xf32, #tpu.memory_space<vmem_shared>>)
    %barrier3A_46 = arith.constant 0 : index
    tpu.barrier barrier_id(%barrier3A_46)
    %mul3A_47 = arith.constant 2 : i32
    %mul3A_48 = arith.muli %arg0, %mul3A_47 : i32
    %add3A_49 = arith.constant 0 : i32
    %add3A_50 = arith.addi %mul3A_48, %add3A_49 : i32
    %mul3A_51 = arith.constant 328 : i32
    %mul3A_52 = arith.muli %arg1, %mul3A_51 : i32
    %mul3A_53 = arith.constant 328 : i32
    %mul3A_54 = arith.muli %arg1, %mul3A_53 : i32
    "tpu.region"() ({
      %run_scoped3A = tpu.sem_alloc : memref<!tpu.dma_semaphore, #tpu.memory_space<semaphore_mem>>
      %dma_start3A_94 = arith.constant 0 : i32
      %dma_start3A_95 = tpu.memref_slice %arg8[%add3A_50, %mul3A_54, %dma_start3A_94] : memref<4x5248x128xf32, #tpu.memory_space<hbm>> -> memref<1x328x128xf32, #tpu.memory_space<hbm>>
      %dma_start3A_96 = tpu.memref_squeeze %dma_start3A_95 : memref<1x328x128xf32, #tpu.memory_space<hbm>> -> memref<328x128xf32, #tpu.memory_space<hbm>>
      %dma_start3A_97 = arith.constant 0 : i32
      %dma_start3A_98 = tpu.memref_slice %arg16[%mul3A_52, %dma_start3A_97] : memref<5248x128xf32, #tpu.memory_space<vmem_shared>> -> memref<328x128xf32, #tpu.memory_space<vmem_shared>>
      tpu.enqueue_dma source(%dma_start3A_98 : memref<328x128xf32, #tpu.memory_space<vmem_shared>>) target(%dma_start3A_96 : memref<328x128xf32, #tpu.memory_space<hbm>>) target_semaphore(%run_scoped3A : memref<!tpu.dma_semaphore, #tpu.memory_space<semaphore_mem>>)
      %dma_wait3A_99 = arith.constant 0 : i32
      %dma_wait3A_100 = tpu.memref_slice %arg8[%add3A_50, %mul3A_54, %dma_wait3A_99] : memref<4x5248x128xf32, #tpu.memory_space<hbm>> -> memref<1x328x128xf32, #tpu.memory_space<hbm>>
      %dma_wait3A_101 = tpu.memref_squeeze %dma_wait3A_100 : memref<1x328x128xf32, #tpu.memory_space<hbm>> -> memref<328x128xf32, #tpu.memory_space<hbm>>
      %dma_wait3A_102 = arith.constant 0 : i32
      %dma_wait3A_103 = tpu.memref_slice %arg16[%mul3A_52, %dma_wait3A_102] : memref<5248x128xf32, #tpu.memory_space<vmem_shared>> -> memref<328x128xf32, #tpu.memory_space<vmem_shared>>
      tpu.wait_dma2 semaphore(%run_scoped3A : memref<!tpu.dma_semaphore, #tpu.memory_space<semaphore_mem>>) src(%dma_wait3A_103 : memref<328x128xf32, #tpu.memory_space<vmem_shared>>) dst(%dma_wait3A_101 : memref<328x128xf32, #tpu.memory_space<hbm>>)
      tpu.yield
    }) : () -> ()
    %eq3A_55 = arith.constant 0 : i32
    %eq3A_56 = arith.cmpi eq, %arg1, %eq3A_55 : i32
    %convert_element_type3A_57 = arith.extui %eq3A_56 : i1 to i32
    %cond3A_58 = arith.constant 0 : i32
    %cond3A_59 = arith.cmpi ne, %convert_element_type3A_57, %cond3A_58 : i32
    scf.if %cond3A_59 {
      "tpu.region"() ({
        %run_scoped3A = tpu.sem_alloc : memref<!tpu.dma_semaphore, #tpu.memory_space<semaphore_mem>>
        %dma_start3A_94 = arith.constant 0 : i32
        %dma_start3A_95 = tpu.memref_slice %arg9[%arg0, %dma_start3A_94] : memref<2x10240xf32, #tpu.memory_space<hbm>> -> memref<1x10240xf32, #tpu.memory_space<hbm>>
        %dma_start3A_96 = tpu.memref_squeeze %dma_start3A_95 : memref<1x10240xf32, #tpu.memory_space<hbm>> -> memref<10240xf32, #tpu.memory_space<hbm>>
        tpu.enqueue_dma source(%arg17 : memref<10240xf32, #tpu.memory_space<vmem_shared>>) target(%dma_start3A_96 : memref<10240xf32, #tpu.memory_space<hbm>>) target_semaphore(%run_scoped3A : memref<!tpu.dma_semaphore, #tpu.memory_space<semaphore_mem>>)
        %dma_wait3A_97 = arith.constant 0 : i32
        %dma_wait3A_98 = tpu.memref_slice %arg9[%arg0, %dma_wait3A_97] : memref<2x10240xf32, #tpu.memory_space<hbm>> -> memref<1x10240xf32, #tpu.memory_space<hbm>>
        %dma_wait3A_99 = tpu.memref_squeeze %dma_wait3A_98 : memref<1x10240xf32, #tpu.memory_space<hbm>> -> memref<10240xf32, #tpu.memory_space<hbm>>
        tpu.wait_dma2 semaphore(%run_scoped3A : memref<!tpu.dma_semaphore, #tpu.memory_space<semaphore_mem>>) src(%arg17 : memref<10240xf32, #tpu.memory_space<vmem_shared>>) dst(%dma_wait3A_99 : memref<10240xf32, #tpu.memory_space<hbm>>)
        tpu.yield
      }) : () -> ()
    } else {
    }
    %barrier3A_60 = arith.constant 0 : index
    tpu.barrier barrier_id(%barrier3A_60)
    %mul3A_61 = arith.constant 328 : i32
    %mul3A_62 = arith.muli %arg1, %mul3A_61 : i32
    "tpu.region"() ({
      %run_scoped3A = tpu.sem_alloc : memref<!tpu.dma_semaphore, #tpu.memory_space<semaphore_mem>>
      %dma_start3A_94 = arith.constant 0 : i32
      %dma_start3A_95 = tpu.memref_slice %arg16[%mul3A_62, %dma_start3A_94] : memref<5248x128xf32, #tpu.memory_space<vmem_shared>> -> memref<328x128xf32, #tpu.memory_space<vmem_shared>>
      tpu.enqueue_dma source(%arg5 : memref<328x128xf32, #tpu.memory_space<hbm>>) target(%dma_start3A_95 : memref<328x128xf32, #tpu.memory_space<vmem_shared>>) target_semaphore(%run_scoped3A : memref<!tpu.dma_semaphore, #tpu.memory_space<semaphore_mem>>)
      %dma_wait3A_96 = arith.constant 0 : i32
      %dma_wait3A_97 = tpu.memref_slice %arg16[%mul3A_62, %dma_wait3A_96] : memref<5248x128xf32, #tpu.memory_space<vmem_shared>> -> memref<328x128xf32, #tpu.memory_space<vmem_shared>>
      tpu.wait_dma2 semaphore(%run_scoped3A : memref<!tpu.dma_semaphore, #tpu.memory_space<semaphore_mem>>) src(%arg5 : memref<328x128xf32, #tpu.memory_space<hbm>>) dst(%dma_wait3A_97 : memref<328x128xf32, #tpu.memory_space<vmem_shared>>)
      tpu.yield
    }) : () -> ()
    %barrier3A_63 = arith.constant 0 : index
    tpu.barrier barrier_id(%barrier3A_63)
    %dma_start3A_64 = arith.constant 0 : i32
    %dma_start3A_65 = arith.constant 0 : i32
    %dma_start3A_66 = tpu.memref_slice %arg10[%dma_start3A_64, %dma_start3A_65] : memref<250x80xi32, #tpu.memory_space<vmem>> -> memref<1x80xi32, #tpu.memory_space<vmem>>
    %dma_start3A_67 = tpu.memref_squeeze %dma_start3A_66 : memref<1x80xi32, #tpu.memory_space<vmem>> -> memref<80xi32, #tpu.memory_space<vmem>>
    %dma_start3A_68 = arith.constant 0 : i32
    %dma_start3A_69 = arith.constant 0 : i32
    %dma_start3A_70 = tpu.memref_slice %arg2[%dma_start3A_68, %dma_start3A_69] : memref<20480x128xf32, #tpu.memory_space<hbm>> -> memref<20480x128xf32, #tpu.memory_space<hbm>>
    tpu.enqueue_indirect_dma source(%dma_start3A_70 : memref<20480x128xf32, #tpu.memory_space<hbm>>) target(%arg13 : memref<80x128xf32, #tpu.memory_space<vmem>>) offsets(%dma_start3A_67 : memref<80xi32, #tpu.memory_space<vmem>>) semaphore(%arg18 : memref<!tpu.dma_semaphore, #tpu.memory_space<semaphore_mem>>)
    %scan3A_71 = arith.constant 0 : i32
    %scan3A_72 = arith.constant 0 : i32
    %scan3A_73 = arith.constant 125 : i32
    %scan3A_74 = arith.addi %scan3A_72, %scan3A_73 : i32
    %scan3A_75 = arith.constant 1 : i32
    scf.for %scan3A_94 = %scan3A_72 to %scan3A_74 step %scan3A_75  : i32 {
      %mul3A_95 = arith.constant 2 : i32
      %mul3A_96 = arith.muli %mul3A_95, %scan3A_94 : i32
      %add3A_97 = arith.constant 0 : i32
      %add3A_98 = arith.addi %mul3A_96, %add3A_97 : i32
      %ge3A = arith.constant 1 : i32
      %ge3A_99 = arith.cmpi sge, %scan3A_94, %ge3A : i32
      %convert_element_type3A_100 = arith.extui %ge3A_99 : i1 to i32
      %cond3A_101 = arith.constant 0 : i32
      %cond3A_102 = arith.cmpi ne, %convert_element_type3A_100, %cond3A_101 : i32
      scf.if %cond3A_102 {
        %sub3A_471 = arith.constant 1 : i32
        %sub3A_472 = arith.subi %add3A_98, %sub3A_471 : i32
        %jit3A_473 = arith.constant 8 : i32
        %eq3A_474 = arith.constant 0 : i32
        %eq3A_475 = arith.cmpi eq, %jit3A_473, %eq3A_474 : i32
        %jit3A_476 = arith.constant 1 : i32
        %select_n3A_477 = arith.select %eq3A_475, %jit3A_476, %jit3A_473 : i32
        %rem3A_478 = arith.remsi %sub3A_472, %select_n3A_477 : i32
        %ne3A_479 = arith.constant 0 : i32
        %ne3A_480 = arith.cmpi ne, %rem3A_478, %ne3A_479 : i32
        %lt3A_481 = arith.constant 0 : i32
        %lt3A_482 = arith.cmpi slt, %rem3A_478, %lt3A_481 : i32
        %lt3A_483 = arith.constant 0 : i32
        %lt3A_484 = arith.cmpi slt, %select_n3A_477, %lt3A_483 : i32
        %ne3A_485 = arith.xori %lt3A_482, %lt3A_484 : i1
        %and3A_486 = arith.andi %ne3A_485, %ne3A_480 : i1
        %add3A_487 = arith.addi %rem3A_478, %select_n3A_477 : i32
        %select_n3A_488 = arith.select %and3A_486, %add3A_487, %rem3A_478 : i32
        %dma_wait3A_489 = arith.constant 0 : i32
        %dma_wait3A_490 = tpu.memref_slice %arg12[%select_n3A_488, %dma_wait3A_489] : memref<8x80xi32, #tpu.memory_space<vmem>> -> memref<1x80xi32, #tpu.memory_space<vmem>>
        %dma_wait3A_491 = tpu.memref_squeeze %dma_wait3A_490 : memref<1x80xi32, #tpu.memory_space<vmem>> -> memref<80xi32, #tpu.memory_space<vmem>>
        %dma_wait3A_492 = arith.constant 0 : i32
        %dma_wait3A_493 = arith.constant 0 : i32
        %dma_wait3A_494 = tpu.memref_slice %arg16[%dma_wait3A_492, %dma_wait3A_493] : memref<5248x128xf32, #tpu.memory_space<vmem_shared>> -> memref<5248x128xf32, #tpu.memory_space<vmem_shared>>
        tpu.wait_indirect_dma semaphore(%arg21 : memref<!tpu.dma_semaphore, #tpu.memory_space<semaphore_mem>>) src(%arg14 : memref<80x128xf32, #tpu.memory_space<vmem>>) dst(%dma_wait3A_494 : memref<5248x128xf32, #tpu.memory_space<vmem_shared>>)
      } else {
      }
      %add3A_103 = arith.constant 1 : i32
      %add3A_104 = arith.addi %add3A_98, %add3A_103 : i32
      %dma_start3A_105 = arith.constant 0 : i32
      %dma_start3A_106 = tpu.memref_slice %arg10[%add3A_104, %dma_start3A_105] : memref<250x80xi32, #tpu.memory_space<vmem>> -> memref<1x80xi32, #tpu.memory_space<vmem>>
      %dma_start3A_107 = tpu.memref_squeeze %dma_start3A_106 : memref<1x80xi32, #tpu.memory_space<vmem>> -> memref<80xi32, #tpu.memory_space<vmem>>
      %dma_start3A_108 = arith.constant 0 : i32
      %dma_start3A_109 = arith.constant 0 : i32
      %dma_start3A_110 = tpu.memref_slice %arg2[%dma_start3A_108, %dma_start3A_109] : memref<20480x128xf32, #tpu.memory_space<hbm>> -> memref<20480x128xf32, #tpu.memory_space<hbm>>
      tpu.enqueue_indirect_dma source(%dma_start3A_110 : memref<20480x128xf32, #tpu.memory_space<hbm>>) target(%arg14 : memref<80x128xf32, #tpu.memory_space<vmem>>) offsets(%dma_start3A_107 : memref<80xi32, #tpu.memory_space<vmem>>) semaphore(%arg19 : memref<!tpu.dma_semaphore, #tpu.memory_space<semaphore_mem>>)
      %dma_wait3A_111 = arith.constant 0 : i32
      %dma_wait3A_112 = tpu.memref_slice %arg10[%add3A_98, %dma_wait3A_111] : memref<250x80xi32, #tpu.memory_space<vmem>> -> memref<1x80xi32, #tpu.memory_space<vmem>>
      %dma_wait3A_113 = tpu.memref_squeeze %dma_wait3A_112 : memref<1x80xi32, #tpu.memory_space<vmem>> -> memref<80xi32, #tpu.memory_space<vmem>>
      %dma_wait3A_114 = arith.constant 0 : i32
      %dma_wait3A_115 = arith.constant 0 : i32
      %dma_wait3A_116 = tpu.memref_slice %arg2[%dma_wait3A_114, %dma_wait3A_115] : memref<20480x128xf32, #tpu.memory_space<hbm>> -> memref<20480x128xf32, #tpu.memory_space<hbm>>
      tpu.wait_indirect_dma semaphore(%arg18 : memref<!tpu.dma_semaphore, #tpu.memory_space<semaphore_mem>>) src(%dma_wait3A_116 : memref<20480x128xf32, #tpu.memory_space<hbm>>) dst(%arg13 : memref<80x128xf32, #tpu.memory_space<vmem>>)
      %jit3A = arith.constant 8 : i32
      %eq3A_117 = arith.constant 0 : i32
      %eq3A_118 = arith.cmpi eq, %jit3A, %eq3A_117 : i32
      %jit3A_119 = arith.constant 1 : i32
      %select_n3A = arith.select %eq3A_118, %jit3A_119, %jit3A : i32
      %rem3A = arith.remsi %add3A_98, %select_n3A : i32
      %ne3A = arith.constant 0 : i32
      %ne3A_120 = arith.cmpi ne, %rem3A, %ne3A : i32
      %lt3A = arith.constant 0 : i32
      %lt3A_121 = arith.cmpi slt, %rem3A, %lt3A : i32
      %lt3A_122 = arith.constant 0 : i32
      %lt3A_123 = arith.cmpi slt, %select_n3A, %lt3A_122 : i32
      %ne3A_124 = arith.xori %lt3A_121, %lt3A_123 : i1
      %and3A = arith.andi %ne3A_124, %ne3A_120 : i1
      %add3A_125 = arith.addi %rem3A, %select_n3A : i32
      %select_n3A_126 = arith.select %and3A, %add3A_125, %rem3A : i32
      %get3A = arith.constant 0 : i32
      %get3A_127 = tpu.memref_slice %arg11[%add3A_98, %get3A] : memref<250x80xi32, #tpu.memory_space<vmem>> -> memref<1x80xi32, #tpu.memory_space<vmem>>
      %get3A_128 = tpu.memref_squeeze %get3A_127 : memref<1x80xi32, #tpu.memory_space<vmem>> -> memref<80xi32, #tpu.memory_space<vmem>>
      %get3A_129 = arith.constant 0 : index
      %get3A_130 = tpu.vector_load %get3A_128[%get3A_129] {strides = array<i32>} : memref<80xi32, #tpu.memory_space<vmem>>, vector<16xi32>,
      %get3A_131 = vector.shape_cast %get3A_130 : vector<16xi32> to vector<16xi32>
      %sub3A = arith.constant 5120 : i32
      %sub3A_132 = vector.broadcast %sub3A : i32 to vector<16xi32>
      %sub3A_133 = arith.subi %get3A_131, %sub3A_132 : vector<16xi32>
      %lt3A_134 = arith.constant 0 : i32
      %lt3A_135 = vector.broadcast %lt3A_134 : i32 to vector<16xi32>
      %lt3A_136 = arith.cmpi slt, %sub3A_133, %lt3A_135 : vector<16xi32>
      %jit3A_137 = arith.constant 5120 : i32
      %broadcast_in_dim3A = vector.broadcast %jit3A_137 : i32 to vector<16xi32>
      %select_n3A_138 = arith.select %lt3A_136, %broadcast_in_dim3A, %sub3A_133 : vector<16xi1>, vector<16xi32>
      %min3A = arith.constant 5120 : i32
      %min3A_139 = vector.broadcast %min3A : i32 to vector<16xi32>
      %min3A_140 = arith.minsi %select_n3A_138, %min3A_139 : vector<16xi32>
      %swap3A = arith.constant 0 : i32
      %swap3A_141 = tpu.memref_slice %arg12[%select_n3A_126, %swap3A] : memref<8x80xi32, #tpu.memory_space<vmem>> -> memref<1x80xi32, #tpu.memory_space<vmem>>
      %swap3A_142 = tpu.memref_squeeze %swap3A_141 : memref<1x80xi32, #tpu.memory_space<vmem>> -> memref<80xi32, #tpu.memory_space<vmem>>
      %swap3A_143 = arith.constant 0 : index
      %swap3A_144 = tpu.vector_load %swap3A_142[%swap3A_143] {strides = array<i32>} : memref<80xi32, #tpu.memory_space<vmem>>, vector<16xi32>,
      %swap3A_145 = vector.shape_cast %swap3A_144 : vector<16xi32> to vector<16xi32>
      %swap3A_146 = vector.shape_cast %min3A_140 : vector<16xi32> to vector<16xi32>
      tpu.vector_store %swap3A_142[%swap3A_143], %swap3A_146 {strides = array<i32>} : memref<80xi32, #tpu.memory_space<vmem>>, vector<16xi32>,
      %get3A_147 = arith.constant 0 : i32
      %get3A_148 = tpu.memref_slice %arg11[%add3A_98, %get3A_147] : memref<250x80xi32, #tpu.memory_space<vmem>> -> memref<1x80xi32, #tpu.memory_space<vmem>>
      %get3A_149 = tpu.memref_squeeze %get3A_148 : memref<1x80xi32, #tpu.memory_space<vmem>> -> memref<80xi32, #tpu.memory_space<vmem>>
      %get3A_150 = arith.constant 16 : index
      %get3A_151 = tpu.vector_load %get3A_149[%get3A_150] {strides = array<i32>} : memref<80xi32, #tpu.memory_space<vmem>>, vector<16xi32>,
      %get3A_152 = vector.shape_cast %get3A_151 : vector<16xi32> to vector<16xi32>
      %sub3A_153 = arith.constant 5120 : i32
      %sub3A_154 = vector.broadcast %sub3A_153 : i32 to vector<16xi32>
      %sub3A_155 = arith.subi %get3A_152, %sub3A_154 : vector<16xi32>
      %lt3A_156 = arith.constant 0 : i32
      %lt3A_157 = vector.broadcast %lt3A_156 : i32 to vector<16xi32>
      %lt3A_158 = arith.cmpi slt, %sub3A_155, %lt3A_157 : vector<16xi32>
      %jit3A_159 = arith.constant 5120 : i32
      %broadcast_in_dim3A_160 = vector.broadcast %jit3A_159 : i32 to vector<16xi32>
      %select_n3A_161 = arith.select %lt3A_158, %broadcast_in_dim3A_160, %sub3A_155 : vector<16xi1>, vector<16xi32>
      %min3A_162 = arith.constant 5120 : i32
      %min3A_163 = vector.broadcast %min3A_162 : i32 to vector<16xi32>
      %min3A_164 = arith.minsi %select_n3A_161, %min3A_163 : vector<16xi32>
      %swap3A_165 = arith.constant 0 : i32
      %swap3A_166 = tpu.memref_slice %arg12[%select_n3A_126, %swap3A_165] : memref<8x80xi32, #tpu.memory_space<vmem>> -> memref<1x80xi32, #tpu.memory_space<vmem>>
      %swap3A_167 = tpu.memref_squeeze %swap3A_166 : memref<1x80xi32, #tpu.memory_space<vmem>> -> memref<80xi32, #tpu.memory_space<vmem>>
      %swap3A_168 = arith.constant 16 : index
      %swap3A_169 = tpu.vector_load %swap3A_167[%swap3A_168] {strides = array<i32>} : memref<80xi32, #tpu.memory_space<vmem>>, vector<16xi32>,
      %swap3A_170 = vector.shape_cast %swap3A_169 : vector<16xi32> to vector<16xi32>
      %swap3A_171 = vector.shape_cast %min3A_164 : vector<16xi32> to vector<16xi32>
      tpu.vector_store %swap3A_167[%swap3A_168], %swap3A_171 {strides = array<i32>} : memref<80xi32, #tpu.memory_space<vmem>>, vector<16xi32>,
      %get3A_172 = arith.constant 0 : i32
      %get3A_173 = tpu.memref_slice %arg11[%add3A_98, %get3A_172] : memref<250x80xi32, #tpu.memory_space<vmem>> -> memref<1x80xi32, #tpu.memory_space<vmem>>
      %get3A_174 = tpu.memref_squeeze %get3A_173 : memref<1x80xi32, #tpu.memory_space<vmem>> -> memref<80xi32, #tpu.memory_space<vmem>>
      %get3A_175 = arith.constant 32 : index
      %get3A_176 = tpu.vector_load %get3A_174[%get3A_175] {strides = array<i32>} : memref<80xi32, #tpu.memory_space<vmem>>, vector<16xi32>,
      %get3A_177 = vector.shape_cast %get3A_176 : vector<16xi32> to vector<16xi32>
      %sub3A_178 = arith.constant 5120 : i32
      %sub3A_179 = vector.broadcast %sub3A_178 : i32 to vector<16xi32>
      %sub3A_180 = arith.subi %get3A_177, %sub3A_179 : vector<16xi32>
      %lt3A_181 = arith.constant 0 : i32
      %lt3A_182 = vector.broadcast %lt3A_181 : i32 to vector<16xi32>
      %lt3A_183 = arith.cmpi slt, %sub3A_180, %lt3A_182 : vector<16xi32>
      %jit3A_184 = arith.constant 5120 : i32
      %broadcast_in_dim3A_185 = vector.broadcast %jit3A_184 : i32 to vector<16xi32>
      %select_n3A_186 = arith.select %lt3A_183, %broadcast_in_dim3A_185, %sub3A_180 : vector<16xi1>, vector<16xi32>
      %min3A_187 = arith.constant 5120 : i32
      %min3A_188 = vector.broadcast %min3A_187 : i32 to vector<16xi32>
      %min3A_189 = arith.minsi %select_n3A_186, %min3A_188 : vector<16xi32>
      %swap3A_190 = arith.constant 0 : i32
      %swap3A_191 = tpu.memref_slice %arg12[%select_n3A_126, %swap3A_190] : memref<8x80xi32, #tpu.memory_space<vmem>> -> memref<1x80xi32, #tpu.memory_space<vmem>>
      %swap3A_192 = tpu.memref_squeeze %swap3A_191 : memref<1x80xi32, #tpu.memory_space<vmem>> -> memref<80xi32, #tpu.memory_space<vmem>>
      %swap3A_193 = arith.constant 32 : index
      %swap3A_194 = tpu.vector_load %swap3A_192[%swap3A_193] {strides = array<i32>} : memref<80xi32, #tpu.memory_space<vmem>>, vector<16xi32>,
      %swap3A_195 = vector.shape_cast %swap3A_194 : vector<16xi32> to vector<16xi32>
      %swap3A_196 = vector.shape_cast %min3A_189 : vector<16xi32> to vector<16xi32>
      tpu.vector_store %swap3A_192[%swap3A_193], %swap3A_196 {strides = array<i32>} : memref<80xi32, #tpu.memory_space<vmem>>, vector<16xi32>,
      %get3A_197 = arith.constant 0 : i32
      %get3A_198 = tpu.memref_slice %arg11[%add3A_98, %get3A_197] : memref<250x80xi32, #tpu.memory_space<vmem>> -> memref<1x80xi32, #tpu.memory_space<vmem>>
      %get3A_199 = tpu.memref_squeeze %get3A_198 : memref<1x80xi32, #tpu.memory_space<vmem>> -> memref<80xi32, #tpu.memory_space<vmem>>
      %get3A_200 = arith.constant 48 : index
      %get3A_201 = tpu.vector_load %get3A_199[%get3A_200] {strides = array<i32>} : memref<80xi32, #tpu.memory_space<vmem>>, vector<16xi32>,
      %get3A_202 = vector.shape_cast %get3A_201 : vector<16xi32> to vector<16xi32>
      %sub3A_203 = arith.constant 5120 : i32
      %sub3A_204 = vector.broadcast %sub3A_203 : i32 to vector<16xi32>
      %sub3A_205 = arith.subi %get3A_202, %sub3A_204 : vector<16xi32>
      %lt3A_206 = arith.constant 0 : i32
      %lt3A_207 = vector.broadcast %lt3A_206 : i32 to vector<16xi32>
      %lt3A_208 = arith.cmpi slt, %sub3A_205, %lt3A_207 : vector<16xi32>
      %jit3A_209 = arith.constant 5120 : i32
      %broadcast_in_dim3A_210 = vector.broadcast %jit3A_209 : i32 to vector<16xi32>
      %select_n3A_211 = arith.select %lt3A_208, %broadcast_in_dim3A_210, %sub3A_205 : vector<16xi1>, vector<16xi32>
      %min3A_212 = arith.constant 5120 : i32
      %min3A_213 = vector.broadcast %min3A_212 : i32 to vector<16xi32>
      %min3A_214 = arith.minsi %select_n3A_211, %min3A_213 : vector<16xi32>
      %swap3A_215 = arith.constant 0 : i32
      %swap3A_216 = tpu.memref_slice %arg12[%select_n3A_126, %swap3A_215] : memref<8x80xi32, #tpu.memory_space<vmem>> -> memref<1x80xi32, #tpu.memory_space<vmem>>
      %swap3A_217 = tpu.memref_squeeze %swap3A_216 : memref<1x80xi32, #tpu.memory_space<vmem>> -> memref<80xi32, #tpu.memory_space<vmem>>
      %swap3A_218 = arith.constant 48 : index
      %swap3A_219 = tpu.vector_load %swap3A_217[%swap3A_218] {strides = array<i32>} : memref<80xi32, #tpu.memory_space<vmem>>, vector<16xi32>,
      %swap3A_220 = vector.shape_cast %swap3A_219 : vector<16xi32> to vector<16xi32>
      %swap3A_221 = vector.shape_cast %min3A_214 : vector<16xi32> to vector<16xi32>
      tpu.vector_store %swap3A_217[%swap3A_218], %swap3A_221 {strides = array<i32>} : memref<80xi32, #tpu.memory_space<vmem>>, vector<16xi32>,
      %get3A_222 = arith.constant 0 : i32
      %get3A_223 = tpu.memref_slice %arg11[%add3A_98, %get3A_222] : memref<250x80xi32, #tpu.memory_space<vmem>> -> memref<1x80xi32, #tpu.memory_space<vmem>>
      %get3A_224 = tpu.memref_squeeze %get3A_223 : memref<1x80xi32, #tpu.memory_space<vmem>> -> memref<80xi32, #tpu.memory_space<vmem>>
      %get3A_225 = arith.constant 64 : index
      %get3A_226 = tpu.vector_load %get3A_224[%get3A_225] {strides = array<i32>} : memref<80xi32, #tpu.memory_space<vmem>>, vector<16xi32>,
      %get3A_227 = vector.shape_cast %get3A_226 : vector<16xi32> to vector<16xi32>
      %sub3A_228 = arith.constant 5120 : i32
      %sub3A_229 = vector.broadcast %sub3A_228 : i32 to vector<16xi32>
      %sub3A_230 = arith.subi %get3A_227, %sub3A_229 : vector<16xi32>
      %lt3A_231 = arith.constant 0 : i32
      %lt3A_232 = vector.broadcast %lt3A_231 : i32 to vector<16xi32>
      %lt3A_233 = arith.cmpi slt, %sub3A_230, %lt3A_232 : vector<16xi32>
      %jit3A_234 = arith.constant 5120 : i32
      %broadcast_in_dim3A_235 = vector.broadcast %jit3A_234 : i32 to vector<16xi32>
      %select_n3A_236 = arith.select %lt3A_233, %broadcast_in_dim3A_235, %sub3A_230 : vector<16xi1>, vector<16xi32>
      %min3A_237 = arith.constant 5120 : i32
      %min3A_238 = vector.broadcast %min3A_237 : i32 to vector<16xi32>
      %min3A_239 = arith.minsi %select_n3A_236, %min3A_238 : vector<16xi32>
      %swap3A_240 = arith.constant 0 : i32
      %swap3A_241 = tpu.memref_slice %arg12[%select_n3A_126, %swap3A_240] : memref<8x80xi32, #tpu.memory_space<vmem>> -> memref<1x80xi32, #tpu.memory_space<vmem>>
      %swap3A_242 = tpu.memref_squeeze %swap3A_241 : memref<1x80xi32, #tpu.memory_space<vmem>> -> memref<80xi32, #tpu.memory_space<vmem>>
      %swap3A_243 = arith.constant 64 : index
      %swap3A_244 = tpu.vector_load %swap3A_242[%swap3A_243] {strides = array<i32>} : memref<80xi32, #tpu.memory_space<vmem>>, vector<16xi32>,
      %swap3A_245 = vector.shape_cast %swap3A_244 : vector<16xi32> to vector<16xi32>
      %swap3A_246 = vector.shape_cast %min3A_239 : vector<16xi32> to vector<16xi32>
      tpu.vector_store %swap3A_242[%swap3A_243], %swap3A_246 {strides = array<i32>} : memref<80xi32, #tpu.memory_space<vmem>>, vector<16xi32>,
      %jit3A_247 = arith.constant 8 : i32
      %eq3A_248 = arith.constant 0 : i32
      %eq3A_249 = arith.cmpi eq, %jit3A_247, %eq3A_248 : i32
      %jit3A_250 = arith.constant 1 : i32
      %select_n3A_251 = arith.select %eq3A_249, %jit3A_250, %jit3A_247 : i32
      %rem3A_252 = arith.remsi %add3A_98, %select_n3A_251 : i32
      %ne3A_253 = arith.constant 0 : i32
      %ne3A_254 = arith.cmpi ne, %rem3A_252, %ne3A_253 : i32
      %lt3A_255 = arith.constant 0 : i32
      %lt3A_256 = arith.cmpi slt, %rem3A_252, %lt3A_255 : i32
      %lt3A_257 = arith.constant 0 : i32
      %lt3A_258 = arith.cmpi slt, %select_n3A_251, %lt3A_257 : i32
      %ne3A_259 = arith.xori %lt3A_256, %lt3A_258 : i1
      %and3A_260 = arith.andi %ne3A_259, %ne3A_254 : i1
      %add3A_261 = arith.addi %rem3A_252, %select_n3A_251 : i32
      %select_n3A_262 = arith.select %and3A_260, %add3A_261, %rem3A_252 : i32
      %dma_start3A_263 = arith.constant 0 : i32
      %dma_start3A_264 = tpu.memref_slice %arg12[%select_n3A_262, %dma_start3A_263] : memref<8x80xi32, #tpu.memory_space<vmem>> -> memref<1x80xi32, #tpu.memory_space<vmem>>
      %dma_start3A_265 = tpu.memref_squeeze %dma_start3A_264 : memref<1x80xi32, #tpu.memory_space<vmem>> -> memref<80xi32, #tpu.memory_space<vmem>>
      %dma_start3A_266 = arith.constant 0 : i32
      %dma_start3A_267 = arith.constant 0 : i32
      %dma_start3A_268 = tpu.memref_slice %arg16[%dma_start3A_266, %dma_start3A_267] : memref<5248x128xf32, #tpu.memory_space<vmem_shared>> -> memref<5248x128xf32, #tpu.memory_space<vmem_shared>>
      tpu.enqueue_indirect_dma source(%arg13 : memref<80x128xf32, #tpu.memory_space<vmem>>) target(%dma_start3A_268 : memref<5248x128xf32, #tpu.memory_space<vmem_shared>>) offsets(%dma_start3A_265 : memref<80xi32, #tpu.memory_space<vmem>>) semaphore(%arg20 : memref<!tpu.dma_semaphore, #tpu.memory_space<semaphore_mem>>) {add = true}
      %mul3A_269 = arith.constant 2 : i32
      %mul3A_270 = arith.muli %mul3A_269, %scan3A_94 : i32
      %add3A_271 = arith.constant 1 : i32
      %add3A_272 = arith.addi %mul3A_270, %add3A_271 : i32
      %sub3A_273 = arith.constant 1 : i32
      %sub3A_274 = arith.subi %add3A_272, %sub3A_273 : i32
      %jit3A_275 = arith.constant 8 : i32
      %eq3A_276 = arith.constant 0 : i32
      %eq3A_277 = arith.cmpi eq, %jit3A_275, %eq3A_276 : i32
      %jit3A_278 = arith.constant 1 : i32
      %select_n3A_279 = arith.select %eq3A_277, %jit3A_278, %jit3A_275 : i32
      %rem3A_280 = arith.remsi %sub3A_274, %select_n3A_279 : i32
      %ne3A_281 = arith.constant 0 : i32
      %ne3A_282 = arith.cmpi ne, %rem3A_280, %ne3A_281 : i32
      %lt3A_283 = arith.constant 0 : i32
      %lt3A_284 = arith.cmpi slt, %rem3A_280, %lt3A_283 : i32
      %lt3A_285 = arith.constant 0 : i32
      %lt3A_286 = arith.cmpi slt, %select_n3A_279, %lt3A_285 : i32
      %ne3A_287 = arith.xori %lt3A_284, %lt3A_286 : i1
      %and3A_288 = arith.andi %ne3A_287, %ne3A_282 : i1
      %add3A_289 = arith.addi %rem3A_280, %select_n3A_279 : i32
      %select_n3A_290 = arith.select %and3A_288, %add3A_289, %rem3A_280 : i32
      %dma_wait3A_291 = arith.constant 0 : i32
      %dma_wait3A_292 = tpu.memref_slice %arg12[%select_n3A_290, %dma_wait3A_291] : memref<8x80xi32, #tpu.memory_space<vmem>> -> memref<1x80xi32, #tpu.memory_space<vmem>>
      %dma_wait3A_293 = tpu.memref_squeeze %dma_wait3A_292 : memref<1x80xi32, #tpu.memory_space<vmem>> -> memref<80xi32, #tpu.memory_space<vmem>>
      %dma_wait3A_294 = arith.constant 0 : i32
      %dma_wait3A_295 = arith.constant 0 : i32
      %dma_wait3A_296 = tpu.memref_slice %arg16[%dma_wait3A_294, %dma_wait3A_295] : memref<5248x128xf32, #tpu.memory_space<vmem_shared>> -> memref<5248x128xf32, #tpu.memory_space<vmem_shared>>
      tpu.wait_indirect_dma semaphore(%arg20 : memref<!tpu.dma_semaphore, #tpu.memory_space<semaphore_mem>>) src(%arg13 : memref<80x128xf32, #tpu.memory_space<vmem>>) dst(%dma_wait3A_296 : memref<5248x128xf32, #tpu.memory_space<vmem_shared>>)
      %lt3A_297 = arith.constant 124 : i32
      %lt3A_298 = arith.cmpi slt, %scan3A_94, %lt3A_297 : i32
      %convert_element_type3A_299 = arith.extui %lt3A_298 : i1 to i32
      %cond3A_300 = arith.constant 0 : i32
      %cond3A_301 = arith.cmpi ne, %convert_element_type3A_299, %cond3A_300 : i32
      scf.if %cond3A_301 {
        %add3A_471 = arith.constant 1 : i32
        %add3A_472 = arith.addi %add3A_272, %add3A_471 : i32
        %dma_start3A_473 = arith.constant 0 : i32
        %dma_start3A_474 = tpu.memref_slice %arg10[%add3A_472, %dma_start3A_473] : memref<250x80xi32, #tpu.memory_space<vmem>> -> memref<1x80xi32, #tpu.memory_space<vmem>>
        %dma_start3A_475 = tpu.memref_squeeze %dma_start3A_474 : memref<1x80xi32, #tpu.memory_space<vmem>> -> memref<80xi32, #tpu.memory_space<vmem>>
        %dma_start3A_476 = arith.constant 0 : i32
        %dma_start3A_477 = arith.constant 0 : i32
        %dma_start3A_478 = tpu.memref_slice %arg2[%dma_start3A_476, %dma_start3A_477] : memref<20480x128xf32, #tpu.memory_space<hbm>> -> memref<20480x128xf32, #tpu.memory_space<hbm>>
        tpu.enqueue_indirect_dma source(%dma_start3A_478 : memref<20480x128xf32, #tpu.memory_space<hbm>>) target(%arg13 : memref<80x128xf32, #tpu.memory_space<vmem>>) offsets(%dma_start3A_475 : memref<80xi32, #tpu.memory_space<vmem>>) semaphore(%arg18 : memref<!tpu.dma_semaphore, #tpu.memory_space<semaphore_mem>>)
      } else {
      }
      %dma_wait3A_302 = arith.constant 0 : i32
      %dma_wait3A_303 = tpu.memref_slice %arg10[%add3A_272, %dma_wait3A_302] : memref<250x80xi32, #tpu.memory_space<vmem>> -> memref<1x80xi32, #tpu.memory_space<vmem>>
      %dma_wait3A_304 = tpu.memref_squeeze %dma_wait3A_303 : memref<1x80xi32, #tpu.memory_space<vmem>> -> memref<80xi32, #tpu.memory_space<vmem>>
      %dma_wait3A_305 = arith.constant 0 : i32
      %dma_wait3A_306 = arith.constant 0 : i32
      %dma_wait3A_307 = tpu.memref_slice %arg2[%dma_wait3A_305, %dma_wait3A_306] : memref<20480x128xf32, #tpu.memory_space<hbm>> -> memref<20480x128xf32, #tpu.memory_space<hbm>>
      tpu.wait_indirect_dma semaphore(%arg19 : memref<!tpu.dma_semaphore, #tpu.memory_space<semaphore_mem>>) src(%dma_wait3A_307 : memref<20480x128xf32, #tpu.memory_space<hbm>>) dst(%arg14 : memref<80x128xf32, #tpu.memory_space<vmem>>)
      %jit3A_308 = arith.constant 8 : i32
      %eq3A_309 = arith.constant 0 : i32
      %eq3A_310 = arith.cmpi eq, %jit3A_308, %eq3A_309 : i32
      %jit3A_311 = arith.constant 1 : i32
      %select_n3A_312 = arith.select %eq3A_310, %jit3A_311, %jit3A_308 : i32
      %rem3A_313 = arith.remsi %add3A_272, %select_n3A_312 : i32
      %ne3A_314 = arith.constant 0 : i32
      %ne3A_315 = arith.cmpi ne, %rem3A_313, %ne3A_314 : i32
      %lt3A_316 = arith.constant 0 : i32
      %lt3A_317 = arith.cmpi slt, %rem3A_313, %lt3A_316 : i32
      %lt3A_318 = arith.constant 0 : i32
      %lt3A_319 = arith.cmpi slt, %select_n3A_312, %lt3A_318 : i32
      %ne3A_320 = arith.xori %lt3A_317, %lt3A_319 : i1
      %and3A_321 = arith.andi %ne3A_320, %ne3A_315 : i1
      %add3A_322 = arith.addi %rem3A_313, %select_n3A_312 : i32
      %select_n3A_323 = arith.select %and3A_321, %add3A_322, %rem3A_313 : i32
      %get3A_324 = arith.constant 0 : i32
      %get3A_325 = tpu.memref_slice %arg11[%add3A_272, %get3A_324] : memref<250x80xi32, #tpu.memory_space<vmem>> -> memref<1x80xi32, #tpu.memory_space<vmem>>
      %get3A_326 = tpu.memref_squeeze %get3A_325 : memref<1x80xi32, #tpu.memory_space<vmem>> -> memref<80xi32, #tpu.memory_space<vmem>>
      %get3A_327 = arith.constant 0 : index
      %get3A_328 = tpu.vector_load %get3A_326[%get3A_327] {strides = array<i32>} : memref<80xi32, #tpu.memory_space<vmem>>, vector<16xi32>,
      %get3A_329 = vector.shape_cast %get3A_328 : vector<16xi32> to vector<16xi32>
      %sub3A_330 = arith.constant 5120 : i32
      %sub3A_331 = vector.broadcast %sub3A_330 : i32 to vector<16xi32>
      %sub3A_332 = arith.subi %get3A_329, %sub3A_331 : vector<16xi32>
      %lt3A_333 = arith.constant 0 : i32
      %lt3A_334 = vector.broadcast %lt3A_333 : i32 to vector<16xi32>
      %lt3A_335 = arith.cmpi slt, %sub3A_332, %lt3A_334 : vector<16xi32>
      %jit3A_336 = arith.constant 5120 : i32
      %broadcast_in_dim3A_337 = vector.broadcast %jit3A_336 : i32 to vector<16xi32>
      %select_n3A_338 = arith.select %lt3A_335, %broadcast_in_dim3A_337, %sub3A_332 : vector<16xi1>, vector<16xi32>
      %min3A_339 = arith.constant 5120 : i32
      %min3A_340 = vector.broadcast %min3A_339 : i32 to vector<16xi32>
      %min3A_341 = arith.minsi %select_n3A_338, %min3A_340 : vector<16xi32>
      %swap3A_342 = arith.constant 0 : i32
      %swap3A_343 = tpu.memref_slice %arg12[%select_n3A_323, %swap3A_342] : memref<8x80xi32, #tpu.memory_space<vmem>> -> memref<1x80xi32, #tpu.memory_space<vmem>>
      %swap3A_344 = tpu.memref_squeeze %swap3A_343 : memref<1x80xi32, #tpu.memory_space<vmem>> -> memref<80xi32, #tpu.memory_space<vmem>>
      %swap3A_345 = arith.constant 0 : index
      %swap3A_346 = tpu.vector_load %swap3A_344[%swap3A_345] {strides = array<i32>} : memref<80xi32, #tpu.memory_space<vmem>>, vector<16xi32>,
      %swap3A_347 = vector.shape_cast %swap3A_346 : vector<16xi32> to vector<16xi32>
      %swap3A_348 = vector.shape_cast %min3A_341 : vector<16xi32> to vector<16xi32>
      tpu.vector_store %swap3A_344[%swap3A_345], %swap3A_348 {strides = array<i32>} : memref<80xi32, #tpu.memory_space<vmem>>, vector<16xi32>,
      %get3A_349 = arith.constant 0 : i32
      %get3A_350 = tpu.memref_slice %arg11[%add3A_272, %get3A_349] : memref<250x80xi32, #tpu.memory_space<vmem>> -> memref<1x80xi32, #tpu.memory_space<vmem>>
      %get3A_351 = tpu.memref_squeeze %get3A_350 : memref<1x80xi32, #tpu.memory_space<vmem>> -> memref<80xi32, #tpu.memory_space<vmem>>
      %get3A_352 = arith.constant 16 : index
      %get3A_353 = tpu.vector_load %get3A_351[%get3A_352] {strides = array<i32>} : memref<80xi32, #tpu.memory_space<vmem>>, vector<16xi32>,
      %get3A_354 = vector.shape_cast %get3A_353 : vector<16xi32> to vector<16xi32>
      %sub3A_355 = arith.constant 5120 : i32
      %sub3A_356 = vector.broadcast %sub3A_355 : i32 to vector<16xi32>
      %sub3A_357 = arith.subi %get3A_354, %sub3A_356 : vector<16xi32>
      %lt3A_358 = arith.constant 0 : i32
      %lt3A_359 = vector.broadcast %lt3A_358 : i32 to vector<16xi32>
      %lt3A_360 = arith.cmpi slt, %sub3A_357, %lt3A_359 : vector<16xi32>
      %jit3A_361 = arith.constant 5120 : i32
      %broadcast_in_dim3A_362 = vector.broadcast %jit3A_361 : i32 to vector<16xi32>
      %select_n3A_363 = arith.select %lt3A_360, %broadcast_in_dim3A_362, %sub3A_357 : vector<16xi1>, vector<16xi32>
      %min3A_364 = arith.constant 5120 : i32
      %min3A_365 = vector.broadcast %min3A_364 : i32 to vector<16xi32>
      %min3A_366 = arith.minsi %select_n3A_363, %min3A_365 : vector<16xi32>
      %swap3A_367 = arith.constant 0 : i32
      %swap3A_368 = tpu.memref_slice %arg12[%select_n3A_323, %swap3A_367] : memref<8x80xi32, #tpu.memory_space<vmem>> -> memref<1x80xi32, #tpu.memory_space<vmem>>
      %swap3A_369 = tpu.memref_squeeze %swap3A_368 : memref<1x80xi32, #tpu.memory_space<vmem>> -> memref<80xi32, #tpu.memory_space<vmem>>
      %swap3A_370 = arith.constant 16 : index
      %swap3A_371 = tpu.vector_load %swap3A_369[%swap3A_370] {strides = array<i32>} : memref<80xi32, #tpu.memory_space<vmem>>, vector<16xi32>,
      %swap3A_372 = vector.shape_cast %swap3A_371 : vector<16xi32> to vector<16xi32>
      %swap3A_373 = vector.shape_cast %min3A_366 : vector<16xi32> to vector<16xi32>
      tpu.vector_store %swap3A_369[%swap3A_370], %swap3A_373 {strides = array<i32>} : memref<80xi32, #tpu.memory_space<vmem>>, vector<16xi32>,
      %get3A_374 = arith.constant 0 : i32
      %get3A_375 = tpu.memref_slice %arg11[%add3A_272, %get3A_374] : memref<250x80xi32, #tpu.memory_space<vmem>> -> memref<1x80xi32, #tpu.memory_space<vmem>>
      %get3A_376 = tpu.memref_squeeze %get3A_375 : memref<1x80xi32, #tpu.memory_space<vmem>> -> memref<80xi32, #tpu.memory_space<vmem>>
      %get3A_377 = arith.constant 32 : index
      %get3A_378 = tpu.vector_load %get3A_376[%get3A_377] {strides = array<i32>} : memref<80xi32, #tpu.memory_space<vmem>>, vector<16xi32>,
      %get3A_379 = vector.shape_cast %get3A_378 : vector<16xi32> to vector<16xi32>
      %sub3A_380 = arith.constant 5120 : i32
      %sub3A_381 = vector.broadcast %sub3A_380 : i32 to vector<16xi32>
      %sub3A_382 = arith.subi %get3A_379, %sub3A_381 : vector<16xi32>
      %lt3A_383 = arith.constant 0 : i32
      %lt3A_384 = vector.broadcast %lt3A_383 : i32 to vector<16xi32>
      %lt3A_385 = arith.cmpi slt, %sub3A_382, %lt3A_384 : vector<16xi32>
      %jit3A_386 = arith.constant 5120 : i32
      %broadcast_in_dim3A_387 = vector.broadcast %jit3A_386 : i32 to vector<16xi32>
      %select_n3A_388 = arith.select %lt3A_385, %broadcast_in_dim3A_387, %sub3A_382 : vector<16xi1>, vector<16xi32>
      %min3A_389 = arith.constant 5120 : i32
      %min3A_390 = vector.broadcast %min3A_389 : i32 to vector<16xi32>
      %min3A_391 = arith.minsi %select_n3A_388, %min3A_390 : vector<16xi32>
      %swap3A_392 = arith.constant 0 : i32
      %swap3A_393 = tpu.memref_slice %arg12[%select_n3A_323, %swap3A_392] : memref<8x80xi32, #tpu.memory_space<vmem>> -> memref<1x80xi32, #tpu.memory_space<vmem>>
      %swap3A_394 = tpu.memref_squeeze %swap3A_393 : memref<1x80xi32, #tpu.memory_space<vmem>> -> memref<80xi32, #tpu.memory_space<vmem>>
      %swap3A_395 = arith.constant 32 : index
      %swap3A_396 = tpu.vector_load %swap3A_394[%swap3A_395] {strides = array<i32>} : memref<80xi32, #tpu.memory_space<vmem>>, vector<16xi32>,
      %swap3A_397 = vector.shape_cast %swap3A_396 : vector<16xi32> to vector<16xi32>
      %swap3A_398 = vector.shape_cast %min3A_391 : vector<16xi32> to vector<16xi32>
      tpu.vector_store %swap3A_394[%swap3A_395], %swap3A_398 {strides = array<i32>} : memref<80xi32, #tpu.memory_space<vmem>>, vector<16xi32>,
      %get3A_399 = arith.constant 0 : i32
      %get3A_400 = tpu.memref_slice %arg11[%add3A_272, %get3A_399] : memref<250x80xi32, #tpu.memory_space<vmem>> -> memref<1x80xi32, #tpu.memory_space<vmem>>
      %get3A_401 = tpu.memref_squeeze %get3A_400 : memref<1x80xi32, #tpu.memory_space<vmem>> -> memref<80xi32, #tpu.memory_space<vmem>>
      %get3A_402 = arith.constant 48 : index
      %get3A_403 = tpu.vector_load %get3A_401[%get3A_402] {strides = array<i32>} : memref<80xi32, #tpu.memory_space<vmem>>, vector<16xi32>,
      %get3A_404 = vector.shape_cast %get3A_403 : vector<16xi32> to vector<16xi32>
      %sub3A_405 = arith.constant 5120 : i32
      %sub3A_406 = vector.broadcast %sub3A_405 : i32 to vector<16xi32>
      %sub3A_407 = arith.subi %get3A_404, %sub3A_406 : vector<16xi32>
      %lt3A_408 = arith.constant 0 : i32
      %lt3A_409 = vector.broadcast %lt3A_408 : i32 to vector<16xi32>
      %lt3A_410 = arith.cmpi slt, %sub3A_407, %lt3A_409 : vector<16xi32>
      %jit3A_411 = arith.constant 5120 : i32
      %broadcast_in_dim3A_412 = vector.broadcast %jit3A_411 : i32 to vector<16xi32>
      %select_n3A_413 = arith.select %lt3A_410, %broadcast_in_dim3A_412, %sub3A_407 : vector<16xi1>, vector<16xi32>
      %min3A_414 = arith.constant 5120 : i32
      %min3A_415 = vector.broadcast %min3A_414 : i32 to vector<16xi32>
      %min3A_416 = arith.minsi %select_n3A_413, %min3A_415 : vector<16xi32>
      %swap3A_417 = arith.constant 0 : i32
      %swap3A_418 = tpu.memref_slice %arg12[%select_n3A_323, %swap3A_417] : memref<8x80xi32, #tpu.memory_space<vmem>> -> memref<1x80xi32, #tpu.memory_space<vmem>>
      %swap3A_419 = tpu.memref_squeeze %swap3A_418 : memref<1x80xi32, #tpu.memory_space<vmem>> -> memref<80xi32, #tpu.memory_space<vmem>>
      %swap3A_420 = arith.constant 48 : index
      %swap3A_421 = tpu.vector_load %swap3A_419[%swap3A_420] {strides = array<i32>} : memref<80xi32, #tpu.memory_space<vmem>>, vector<16xi32>,
      %swap3A_422 = vector.shape_cast %swap3A_421 : vector<16xi32> to vector<16xi32>
      %swap3A_423 = vector.shape_cast %min3A_416 : vector<16xi32> to vector<16xi32>
      tpu.vector_store %swap3A_419[%swap3A_420], %swap3A_423 {strides = array<i32>} : memref<80xi32, #tpu.memory_space<vmem>>, vector<16xi32>,
      %get3A_424 = arith.constant 0 : i32
      %get3A_425 = tpu.memref_slice %arg11[%add3A_272, %get3A_424] : memref<250x80xi32, #tpu.memory_space<vmem>> -> memref<1x80xi32, #tpu.memory_space<vmem>>
      %get3A_426 = tpu.memref_squeeze %get3A_425 : memref<1x80xi32, #tpu.memory_space<vmem>> -> memref<80xi32, #tpu.memory_space<vmem>>
      %get3A_427 = arith.constant 64 : index
      %get3A_428 = tpu.vector_load %get3A_426[%get3A_427] {strides = array<i32>} : memref<80xi32, #tpu.memory_space<vmem>>, vector<16xi32>,
      %get3A_429 = vector.shape_cast %get3A_428 : vector<16xi32> to vector<16xi32>
      %sub3A_430 = arith.constant 5120 : i32
      %sub3A_431 = vector.broadcast %sub3A_430 : i32 to vector<16xi32>
      %sub3A_432 = arith.subi %get3A_429, %sub3A_431 : vector<16xi32>
      %lt3A_433 = arith.constant 0 : i32
      %lt3A_434 = vector.broadcast %lt3A_433 : i32 to vector<16xi32>
      %lt3A_435 = arith.cmpi slt, %sub3A_432, %lt3A_434 : vector<16xi32>
      %jit3A_436 = arith.constant 5120 : i32
      %broadcast_in_dim3A_437 = vector.broadcast %jit3A_436 : i32 to vector<16xi32>
      %select_n3A_438 = arith.select %lt3A_435, %broadcast_in_dim3A_437, %sub3A_432 : vector<16xi1>, vector<16xi32>
      %min3A_439 = arith.constant 5120 : i32
      %min3A_440 = vector.broadcast %min3A_439 : i32 to vector<16xi32>
      %min3A_441 = arith.minsi %select_n3A_438, %min3A_440 : vector<16xi32>
      %swap3A_442 = arith.constant 0 : i32
      %swap3A_443 = tpu.memref_slice %arg12[%select_n3A_323, %swap3A_442] : memref<8x80xi32, #tpu.memory_space<vmem>> -> memref<1x80xi32, #tpu.memory_space<vmem>>
      %swap3A_444 = tpu.memref_squeeze %swap3A_443 : memref<1x80xi32, #tpu.memory_space<vmem>> -> memref<80xi32, #tpu.memory_space<vmem>>
      %swap3A_445 = arith.constant 64 : index
      %swap3A_446 = tpu.vector_load %swap3A_444[%swap3A_445] {strides = array<i32>} : memref<80xi32, #tpu.memory_space<vmem>>, vector<16xi32>,
      %swap3A_447 = vector.shape_cast %swap3A_446 : vector<16xi32> to vector<16xi32>
      %swap3A_448 = vector.shape_cast %min3A_441 : vector<16xi32> to vector<16xi32>
      tpu.vector_store %swap3A_444[%swap3A_445], %swap3A_448 {strides = array<i32>} : memref<80xi32, #tpu.memory_space<vmem>>, vector<16xi32>,
      %jit3A_449 = arith.constant 8 : i32
      %eq3A_450 = arith.constant 0 : i32
      %eq3A_451 = arith.cmpi eq, %jit3A_449, %eq3A_450 : i32
      %jit3A_452 = arith.constant 1 : i32
      %select_n3A_453 = arith.select %eq3A_451, %jit3A_452, %jit3A_449 : i32
      %rem3A_454 = arith.remsi %add3A_272, %select_n3A_453 : i32
      %ne3A_455 = arith.constant 0 : i32
      %ne3A_456 = arith.cmpi ne, %rem3A_454, %ne3A_455 : i32
      %lt3A_457 = arith.constant 0 : i32
      %lt3A_458 = arith.cmpi slt, %rem3A_454, %lt3A_457 : i32
      %lt3A_459 = arith.constant 0 : i32
      %lt3A_460 = arith.cmpi slt, %select_n3A_453, %lt3A_459 : i32
      %ne3A_461 = arith.xori %lt3A_458, %lt3A_460 : i1
      %and3A_462 = arith.andi %ne3A_461, %ne3A_456 : i1
      %add3A_463 = arith.addi %rem3A_454, %select_n3A_453 : i32
      %select_n3A_464 = arith.select %and3A_462, %add3A_463, %rem3A_454 : i32
      %dma_start3A_465 = arith.constant 0 : i32
      %dma_start3A_466 = tpu.memref_slice %arg12[%select_n3A_464, %dma_start3A_465] : memref<8x80xi32, #tpu.memory_space<vmem>> -> memref<1x80xi32, #tpu.memory_space<vmem>>
      %dma_start3A_467 = tpu.memref_squeeze %dma_start3A_466 : memref<1x80xi32, #tpu.memory_space<vmem>> -> memref<80xi32, #tpu.memory_space<vmem>>
      %dma_start3A_468 = arith.constant 0 : i32
      %dma_start3A_469 = arith.constant 0 : i32
      %dma_start3A_470 = tpu.memref_slice %arg16[%dma_start3A_468, %dma_start3A_469] : memref<5248x128xf32, #tpu.memory_space<vmem_shared>> -> memref<5248x128xf32, #tpu.memory_space<vmem_shared>>
      tpu.enqueue_indirect_dma source(%arg14 : memref<80x128xf32, #tpu.memory_space<vmem>>) target(%dma_start3A_470 : memref<5248x128xf32, #tpu.memory_space<vmem_shared>>) offsets(%dma_start3A_467 : memref<80xi32, #tpu.memory_space<vmem>>) semaphore(%arg21 : memref<!tpu.dma_semaphore, #tpu.memory_space<semaphore_mem>>) {add = true}
    }
    %scan3A_76 = arith.constant 125 : i32
    %dma_wait3A_77 = arith.constant 1 : i32
    %dma_wait3A_78 = arith.constant 0 : i32
    %dma_wait3A_79 = tpu.memref_slice %arg12[%dma_wait3A_77, %dma_wait3A_78] : memref<8x80xi32, #tpu.memory_space<vmem>> -> memref<1x80xi32, #tpu.memory_space<vmem>>
    %dma_wait3A_80 = tpu.memref_squeeze %dma_wait3A_79 : memref<1x80xi32, #tpu.memory_space<vmem>> -> memref<80xi32, #tpu.memory_space<vmem>>
    %dma_wait3A_81 = arith.constant 0 : i32
    %dma_wait3A_82 = arith.constant 0 : i32
    %dma_wait3A_83 = tpu.memref_slice %arg16[%dma_wait3A_81, %dma_wait3A_82] : memref<5248x128xf32, #tpu.memory_space<vmem_shared>> -> memref<5248x128xf32, #tpu.memory_space<vmem_shared>>
    tpu.wait_indirect_dma semaphore(%arg21 : memref<!tpu.dma_semaphore, #tpu.memory_space<semaphore_mem>>) src(%arg14 : memref<80x128xf32, #tpu.memory_space<vmem>>) dst(%dma_wait3A_83 : memref<5248x128xf32, #tpu.memory_space<vmem_shared>>)
    %barrier3A_84 = arith.constant 0 : index
    tpu.barrier barrier_id(%barrier3A_84)
    %mul3A_85 = arith.constant 2 : i32
    %mul3A_86 = arith.muli %arg0, %mul3A_85 : i32
    %add3A_87 = arith.constant 1 : i32
    %add3A_88 = arith.addi %mul3A_86, %add3A_87 : i32
    %mul3A_89 = arith.constant 328 : i32
    %mul3A_90 = arith.muli %arg1, %mul3A_89 : i32
    %mul3A_91 = arith.constant 328 : i32
    %mul3A_92 = arith.muli %arg1, %mul3A_91 : i32
    "tpu.region"() ({
      %run_scoped3A = tpu.sem_alloc : memref<!tpu.dma_semaphore, #tpu.memory_space<semaphore_mem>>
      %dma_start3A_94 = arith.constant 0 : i32
      %dma_start3A_95 = tpu.memref_slice %arg8[%add3A_88, %mul3A_92, %dma_start3A_94] : memref<4x5248x128xf32, #tpu.memory_space<hbm>> -> memref<1x328x128xf32, #tpu.memory_space<hbm>>
      %dma_start3A_96 = tpu.memref_squeeze %dma_start3A_95 : memref<1x328x128xf32, #tpu.memory_space<hbm>> -> memref<328x128xf32, #tpu.memory_space<hbm>>
      %dma_start3A_97 = arith.constant 0 : i32
      %dma_start3A_98 = tpu.memref_slice %arg16[%mul3A_90, %dma_start3A_97] : memref<5248x128xf32, #tpu.memory_space<vmem_shared>> -> memref<328x128xf32, #tpu.memory_space<vmem_shared>>
      tpu.enqueue_dma source(%dma_start3A_98 : memref<328x128xf32, #tpu.memory_space<vmem_shared>>) target(%dma_start3A_96 : memref<328x128xf32, #tpu.memory_space<hbm>>) target_semaphore(%run_scoped3A : memref<!tpu.dma_semaphore, #tpu.memory_space<semaphore_mem>>)
      %dma_wait3A_99 = arith.constant 0 : i32
      %dma_wait3A_100 = tpu.memref_slice %arg8[%add3A_88, %mul3A_92, %dma_wait3A_99] : memref<4x5248x128xf32, #tpu.memory_space<hbm>> -> memref<1x328x128xf32, #tpu.memory_space<hbm>>
      %dma_wait3A_101 = tpu.memref_squeeze %dma_wait3A_100 : memref<1x328x128xf32, #tpu.memory_space<hbm>> -> memref<328x128xf32, #tpu.memory_space<hbm>>
      %dma_wait3A_102 = arith.constant 0 : i32
      %dma_wait3A_103 = tpu.memref_slice %arg16[%mul3A_90, %dma_wait3A_102] : memref<5248x128xf32, #tpu.memory_space<vmem_shared>> -> memref<328x128xf32, #tpu.memory_space<vmem_shared>>
      tpu.wait_dma2 semaphore(%run_scoped3A : memref<!tpu.dma_semaphore, #tpu.memory_space<semaphore_mem>>) src(%dma_wait3A_103 : memref<328x128xf32, #tpu.memory_space<vmem_shared>>) dst(%dma_wait3A_101 : memref<328x128xf32, #tpu.memory_space<hbm>>)
      tpu.yield
    }) : () -> ()
    %barrier3A_93 = arith.constant 0 : index
    tpu.barrier barrier_id(%barrier3A_93)
    return
  }
}

#map = affine_map<(d0, d1) -> (0, 0)>
#map1 = affine_map<(d0, d1) -> (0, 0, 0)>
#map2 = affine_map<(d0, d1) -> (0)>
module attributes {stable_mosaic.version = 14 : i64} {
  func.func @_sc_segment_sum(%arg0: i32, %arg1: i32, %arg2: memref<20480x128xf32, #tpu.memory_space<hbm>>, %arg3: memref<32x250x80xi32, #tpu.memory_space<hbm>>, %arg4: memref<32x250x80xi32, #tpu.memory_space<hbm>>, %arg5: memref<328x128xf32, #tpu.memory_space<hbm>>, %arg6: memref<10240xf32, #tpu.memory_space<hbm>>, %arg7: memref<80xf32, #tpu.memory_space<hbm>>, %arg8: memref<4x5248x128xf32, #tpu.memory_space<hbm>>, %arg9: memref<2x10240xf32, #tpu.memory_space<hbm>>, %arg10: memref<250x80xi32, #tpu.memory_space<vmem>>, %arg11: memref<250x80xi32, #tpu.memory_space<vmem>>, %arg12: memref<8x80xi32, #tpu.memory_space<vmem>>, %arg13: memref<80x128xf32, #tpu.memory_space<vmem>>, %arg14: memref<80x128xf32, #tpu.memory_space<vmem>>, %arg15: memref<80xf32, #tpu.memory_space<vmem>>, %arg16: memref<5248x128xf32, #tpu.memory_space<vmem_shared>>, %arg17: memref<10240xf32, #tpu.memory_space<vmem_shared>>, %arg18: memref<!tpu.dma_semaphore, #tpu.memory_space<semaphore_mem>>, %arg19: memref<!tpu.dma_semaphore, #tpu.memory_space<semaphore_mem>>, %arg20: memref<!tpu.dma_semaphore, #tpu.memory_space<semaphore_mem>>, %arg21: memref<!tpu.dma_semaphore, #tpu.memory_space<semaphore_mem>>, %arg22: memref<!tpu.dma_semaphore, #tpu.memory_space<semaphore_mem>>) attributes {dimension_semantics = [#tpu.dimension_semantics<core_parallel>, #tpu.dimension_semantics<subcore_parallel>], iteration_bounds = array<i64: 2, 16>, scalar_prefetch = 0 : i64, scratch_operands = 13 : i64, tpu.core_type = #tpu.core_type<sc_vector_subcore>, window_params = [{transform_indices = #map}, {transform_indices = #map1}, {transform_indices = #map1}, {transform_indices = #map}, {transform_indices = #map2}, {transform_indices = #map2}, {transform_indices = #map1}, {transform_indices = #map}]} {
    %mul3A = arith.constant 16 : i32
    %mul3A_0 = arith.muli %arg0, %mul3A : i32
    %add3A = arith.addi %mul3A_0, %arg1 : i32
    "tpu.region"() ({
      %run_scoped3A = tpu.sem_alloc : memref<!tpu.dma_semaphore, #tpu.memory_space<semaphore_mem>>
      %dma_start3A_94 = arith.constant 0 : i32
      %dma_start3A_95 = arith.constant 0 : i32
      %dma_start3A_96 = tpu.memref_slice %arg3[%add3A, %dma_start3A_94, %dma_start3A_95] : memref<32x250x80xi32, #tpu.memory_space<hbm>> -> memref<1x250x80xi32, #tpu.memory_space<hbm>>
      %dma_start3A_97 = tpu.memref_squeeze %dma_start3A_96 : memref<1x250x80xi32, #tpu.memory_space<hbm>> -> memref<250x80xi32, #tpu.memory_space<hbm>>
      %dma_start3A_98 = arith.constant 0 : i32
      %dma_start3A_99 = arith.constant 0 : i32
      %dma_start3A_100 = tpu.memref_slice %arg3[%add3A, %dma_start3A_98, %dma_start3A_99] : memref<32x250x80xi32, #tpu.memory_space<hbm>> -> memref<1x250x80xi32, #tpu.memory_space<hbm>>
      %dma_start3A_101 = tpu.memref_squeeze %dma_start3A_100 : memref<1x250x80xi32, #tpu.memory_space<hbm>> -> memref<250x80xi32, #tpu.memory_space<hbm>>
      tpu.enqueue_dma source(%dma_start3A_101 : memref<250x80xi32, #tpu.memory_space<hbm>>) target(%arg10 : memref<250x80xi32, #tpu.memory_space<vmem>>) target_semaphore(%run_scoped3A : memref<!tpu.dma_semaphore, #tpu.memory_space<semaphore_mem>>)
      %dma_wait3A_102 = arith.constant 0 : i32
      %dma_wait3A_103 = arith.constant 0 : i32
      %dma_wait3A_104 = tpu.memref_slice %arg3[%add3A, %dma_wait3A_102, %dma_wait3A_103] : memref<32x250x80xi32, #tpu.memory_space<hbm>> -> memref<1x250x80xi32, #tpu.memory_space<hbm>>
      %dma_wait3A_105 = tpu.memref_squeeze %dma_wait3A_104 : memref<1x250x80xi32, #tpu.memory_space<hbm>> -> memref<250x80xi32, #tpu.memory_space<hbm>>
      %dma_wait3A_106 = arith.constant 0 : i32
      %dma_wait3A_107 = arith.constant 0 : i32
      %dma_wait3A_108 = tpu.memref_slice %arg3[%add3A, %dma_wait3A_106, %dma_wait3A_107] : memref<32x250x80xi32, #tpu.memory_space<hbm>> -> memref<1x250x80xi32, #tpu.memory_space<hbm>>
      %dma_wait3A_109 = tpu.memref_squeeze %dma_wait3A_108 : memref<1x250x80xi32, #tpu.memory_space<hbm>> -> memref<250x80xi32, #tpu.memory_space<hbm>>
      tpu.wait_dma2 semaphore(%run_scoped3A : memref<!tpu.dma_semaphore, #tpu.memory_space<semaphore_mem>>) src(%dma_wait3A_109 : memref<250x80xi32, #tpu.memory_space<hbm>>) dst(%arg10 : memref<250x80xi32, #tpu.memory_space<vmem>>)
      tpu.yield
    }) : () -> ()
    "tpu.region"() ({
      %run_scoped3A = tpu.sem_alloc : memref<!tpu.dma_semaphore, #tpu.memory_space<semaphore_mem>>
      %dma_start3A_94 = arith.constant 0 : i32
      %dma_start3A_95 = arith.constant 0 : i32
      %dma_start3A_96 = tpu.memref_slice %arg4[%add3A, %dma_start3A_94, %dma_start3A_95] : memref<32x250x80xi32, #tpu.memory_space<hbm>> -> memref<1x250x80xi32, #tpu.memory_space<hbm>>
      %dma_start3A_97 = tpu.memref_squeeze %dma_start3A_96 : memref<1x250x80xi32, #tpu.memory_space<hbm>> -> memref<250x80xi32, #tpu.memory_space<hbm>>
      %dma_start3A_98 = arith.constant 0 : i32
      %dma_start3A_99 = arith.constant 0 : i32
      %dma_start3A_100 = tpu.memref_slice %arg4[%add3A, %dma_start3A_98, %dma_start3A_99] : memref<32x250x80xi32, #tpu.memory_space<hbm>> -> memref<1x250x80xi32, #tpu.memory_space<hbm>>
      %dma_start3A_101 = tpu.memref_squeeze %dma_start3A_100 : memref<1x250x80xi32, #tpu.memory_space<hbm>> -> memref<250x80xi32, #tpu.memory_space<hbm>>
      tpu.enqueue_dma source(%dma_start3A_101 : memref<250x80xi32, #tpu.memory_space<hbm>>) target(%arg11 : memref<250x80xi32, #tpu.memory_space<vmem>>) target_semaphore(%run_scoped3A : memref<!tpu.dma_semaphore, #tpu.memory_space<semaphore_mem>>)
      %dma_wait3A_102 = arith.constant 0 : i32
      %dma_wait3A_103 = arith.constant 0 : i32
      %dma_wait3A_104 = tpu.memref_slice %arg4[%add3A, %dma_wait3A_102, %dma_wait3A_103] : memref<32x250x80xi32, #tpu.memory_space<hbm>> -> memref<1x250x80xi32, #tpu.memory_space<hbm>>
      %dma_wait3A_105 = tpu.memref_squeeze %dma_wait3A_104 : memref<1x250x80xi32, #tpu.memory_space<hbm>> -> memref<250x80xi32, #tpu.memory_space<hbm>>
      %dma_wait3A_106 = arith.constant 0 : i32
      %dma_wait3A_107 = arith.constant 0 : i32
      %dma_wait3A_108 = tpu.memref_slice %arg4[%add3A, %dma_wait3A_106, %dma_wait3A_107] : memref<32x250x80xi32, #tpu.memory_space<hbm>> -> memref<1x250x80xi32, #tpu.memory_space<hbm>>
      %dma_wait3A_109 = tpu.memref_squeeze %dma_wait3A_108 : memref<1x250x80xi32, #tpu.memory_space<hbm>> -> memref<250x80xi32, #tpu.memory_space<hbm>>
      tpu.wait_dma2 semaphore(%run_scoped3A : memref<!tpu.dma_semaphore, #tpu.memory_space<semaphore_mem>>) src(%dma_wait3A_109 : memref<250x80xi32, #tpu.memory_space<hbm>>) dst(%arg11 : memref<250x80xi32, #tpu.memory_space<vmem>>)
      tpu.yield
    }) : () -> ()
    "tpu.region"() ({
      %run_scoped3A = tpu.sem_alloc : memref<!tpu.dma_semaphore, #tpu.memory_space<semaphore_mem>>
      tpu.enqueue_dma source(%arg7 : memref<80xf32, #tpu.memory_space<hbm>>) target(%arg15 : memref<80xf32, #tpu.memory_space<vmem>>) target_semaphore(%run_scoped3A : memref<!tpu.dma_semaphore, #tpu.memory_space<semaphore_mem>>)
      tpu.wait_dma2 semaphore(%run_scoped3A : memref<!tpu.dma_semaphore, #tpu.memory_space<semaphore_mem>>) src(%arg7 : memref<80xf32, #tpu.memory_space<hbm>>) dst(%arg15 : memref<80xf32, #tpu.memory_space<vmem>>)
      tpu.yield
    }) : () -> ()
    %mul3A_1 = arith.constant 328 : i32
    %mul3A_2 = arith.muli %arg1, %mul3A_1 : i32
    "tpu.region"() ({
      %run_scoped3A = tpu.sem_alloc : memref<!tpu.dma_semaphore, #tpu.memory_space<semaphore_mem>>
      %dma_start3A_94 = arith.constant 0 : i32
      %dma_start3A_95 = tpu.memref_slice %arg16[%mul3A_2, %dma_start3A_94] : memref<5248x128xf32, #tpu.memory_space<vmem_shared>> -> memref<328x128xf32, #tpu.memory_space<vmem_shared>>
      tpu.enqueue_dma source(%arg5 : memref<328x128xf32, #tpu.memory_space<hbm>>) target(%dma_start3A_95 : memref<328x128xf32, #tpu.memory_space<vmem_shared>>) target_semaphore(%run_scoped3A : memref<!tpu.dma_semaphore, #tpu.memory_space<semaphore_mem>>)
      %dma_wait3A_96 = arith.constant 0 : i32
      %dma_wait3A_97 = tpu.memref_slice %arg16[%mul3A_2, %dma_wait3A_96] : memref<5248x128xf32, #tpu.memory_space<vmem_shared>> -> memref<328x128xf32, #tpu.memory_space<vmem_shared>>
      tpu.wait_dma2 semaphore(%run_scoped3A : memref<!tpu.dma_semaphore, #tpu.memory_space<semaphore_mem>>) src(%arg5 : memref<328x128xf32, #tpu.memory_space<hbm>>) dst(%dma_wait3A_97 : memref<328x128xf32, #tpu.memory_space<vmem_shared>>)
      tpu.yield
    }) : () -> ()
    %eq3A = arith.constant 0 : i32
    %eq3A_3 = arith.cmpi eq, %arg1, %eq3A : i32
    %convert_element_type3A = arith.extui %eq3A_3 : i1 to i32
    %cond3A = arith.constant 0 : i32
    %cond3A_4 = arith.cmpi ne, %convert_element_type3A, %cond3A : i32
    scf.if %cond3A_4 {
      "tpu.region"() ({
        %run_scoped3A = tpu.sem_alloc : memref<!tpu.dma_semaphore, #tpu.memory_space<semaphore_mem>>
        tpu.enqueue_dma source(%arg6 : memref<10240xf32, #tpu.memory_space<hbm>>) target(%arg17 : memref<10240xf32, #tpu.memory_space<vmem_shared>>) target_semaphore(%run_scoped3A : memref<!tpu.dma_semaphore, #tpu.memory_space<semaphore_mem>>)
        tpu.wait_dma2 semaphore(%run_scoped3A : memref<!tpu.dma_semaphore, #tpu.memory_space<semaphore_mem>>) src(%arg6 : memref<10240xf32, #tpu.memory_space<hbm>>) dst(%arg17 : memref<10240xf32, #tpu.memory_space<vmem_shared>>)
        tpu.yield
      }) : () -> ()
    } else {
    }
    %barrier3A = arith.constant 0 : index
    tpu.barrier barrier_id(%barrier3A)
    %dma_start3A = arith.constant 0 : i32
    %dma_start3A_5 = arith.constant 0 : i32
    %dma_start3A_6 = tpu.memref_slice %arg10[%dma_start3A, %dma_start3A_5] : memref<250x80xi32, #tpu.memory_space<vmem>> -> memref<1x80xi32, #tpu.memory_space<vmem>>
    %dma_start3A_7 = tpu.memref_squeeze %dma_start3A_6 : memref<1x80xi32, #tpu.memory_space<vmem>> -> memref<80xi32, #tpu.memory_space<vmem>>
    %dma_start3A_8 = arith.constant 0 : i32
    %dma_start3A_9 = arith.constant 0 : i32
    %dma_start3A_10 = tpu.memref_slice %arg2[%dma_start3A_8, %dma_start3A_9] : memref<20480x128xf32, #tpu.memory_space<hbm>> -> memref<20480x128xf32, #tpu.memory_space<hbm>>
    tpu.enqueue_indirect_dma source(%dma_start3A_10 : memref<20480x128xf32, #tpu.memory_space<hbm>>) target(%arg13 : memref<80x128xf32, #tpu.memory_space<vmem>>) offsets(%dma_start3A_7 : memref<80xi32, #tpu.memory_space<vmem>>) semaphore(%arg18 : memref<!tpu.dma_semaphore, #tpu.memory_space<semaphore_mem>>)
    %scan3A = arith.constant 0 : i32
    %scan3A_11 = arith.constant 0 : i32
    %scan3A_12 = arith.constant 125 : i32
    %scan3A_13 = arith.addi %scan3A_11, %scan3A_12 : i32
    %scan3A_14 = arith.constant 1 : i32
    scf.for %scan3A_94 = %scan3A_11 to %scan3A_13 step %scan3A_14  : i32 {
      %mul3A_95 = arith.constant 2 : i32
      %mul3A_96 = arith.muli %mul3A_95, %scan3A_94 : i32
      %add3A_97 = arith.constant 0 : i32
      %add3A_98 = arith.addi %mul3A_96, %add3A_97 : i32
      %ge3A = arith.constant 1 : i32
      %ge3A_99 = arith.cmpi sge, %scan3A_94, %ge3A : i32
      %convert_element_type3A_100 = arith.extui %ge3A_99 : i1 to i32
      %cond3A_101 = arith.constant 0 : i32
      %cond3A_102 = arith.cmpi ne, %convert_element_type3A_100, %cond3A_101 : i32
      scf.if %cond3A_102 {
        %sub3A_491 = arith.constant 1 : i32
        %sub3A_492 = arith.subi %add3A_98, %sub3A_491 : i32
        %jit3A_493 = arith.constant 8 : i32
        %eq3A_494 = arith.constant 0 : i32
        %eq3A_495 = arith.cmpi eq, %jit3A_493, %eq3A_494 : i32
        %jit3A_496 = arith.constant 1 : i32
        %select_n3A_497 = arith.select %eq3A_495, %jit3A_496, %jit3A_493 : i32
        %rem3A_498 = arith.remsi %sub3A_492, %select_n3A_497 : i32
        %ne3A_499 = arith.constant 0 : i32
        %ne3A_500 = arith.cmpi ne, %rem3A_498, %ne3A_499 : i32
        %lt3A_501 = arith.constant 0 : i32
        %lt3A_502 = arith.cmpi slt, %rem3A_498, %lt3A_501 : i32
        %lt3A_503 = arith.constant 0 : i32
        %lt3A_504 = arith.cmpi slt, %select_n3A_497, %lt3A_503 : i32
        %ne3A_505 = arith.xori %lt3A_502, %lt3A_504 : i1
        %and3A_506 = arith.andi %ne3A_505, %ne3A_500 : i1
        %add3A_507 = arith.addi %rem3A_498, %select_n3A_497 : i32
        %select_n3A_508 = arith.select %and3A_506, %add3A_507, %rem3A_498 : i32
        %dma_wait3A_509 = arith.constant 0 : i32
        %dma_wait3A_510 = tpu.memref_slice %arg12[%select_n3A_508, %dma_wait3A_509] : memref<8x80xi32, #tpu.memory_space<vmem>> -> memref<1x80xi32, #tpu.memory_space<vmem>>
        %dma_wait3A_511 = tpu.memref_squeeze %dma_wait3A_510 : memref<1x80xi32, #tpu.memory_space<vmem>> -> memref<80xi32, #tpu.memory_space<vmem>>
        %dma_wait3A_512 = arith.constant 0 : i32
        %dma_wait3A_513 = arith.constant 0 : i32
        %dma_wait3A_514 = tpu.memref_slice %arg16[%dma_wait3A_512, %dma_wait3A_513] : memref<5248x128xf32, #tpu.memory_space<vmem_shared>> -> memref<5248x128xf32, #tpu.memory_space<vmem_shared>>
        tpu.wait_indirect_dma semaphore(%arg21 : memref<!tpu.dma_semaphore, #tpu.memory_space<semaphore_mem>>) src(%arg14 : memref<80x128xf32, #tpu.memory_space<vmem>>) dst(%dma_wait3A_514 : memref<5248x128xf32, #tpu.memory_space<vmem_shared>>)
      } else {
      }
      %ge3A_103 = arith.constant 2 : i32
      %ge3A_104 = arith.cmpi sge, %scan3A_94, %ge3A_103 : i32
      %convert_element_type3A_105 = arith.extui %ge3A_104 : i1 to i32
      %cond3A_106 = arith.constant 0 : i32
      %cond3A_107 = arith.cmpi ne, %convert_element_type3A_105, %cond3A_106 : i32
      scf.if %cond3A_107 {
        %sub3A_491 = arith.constant 4 : i32
        %sub3A_492 = arith.subi %add3A_98, %sub3A_491 : i32
        %dma_wait3A_493 = arith.constant 0 : i32
        %dma_wait3A_494 = tpu.memref_slice %arg11[%sub3A_492, %dma_wait3A_493] : memref<250x80xi32, #tpu.memory_space<vmem>> -> memref<1x80xi32, #tpu.memory_space<vmem>>
        %dma_wait3A_495 = tpu.memref_squeeze %dma_wait3A_494 : memref<1x80xi32, #tpu.memory_space<vmem>> -> memref<80xi32, #tpu.memory_space<vmem>>
        %dma_wait3A_496 = arith.constant 0 : i32
        %dma_wait3A_497 = tpu.memref_slice %arg17[%dma_wait3A_496] : memref<10240xf32, #tpu.memory_space<vmem_shared>> -> memref<10240xf32, #tpu.memory_space<vmem_shared>>
        tpu.wait_indirect_dma semaphore(%arg22 : memref<!tpu.dma_semaphore, #tpu.memory_space<semaphore_mem>>) src(%arg15 : memref<80xf32, #tpu.memory_space<vmem>>) dst(%dma_wait3A_497 : memref<10240xf32, #tpu.memory_space<vmem_shared>>)
      } else {
      }
      %add3A_108 = arith.constant 1 : i32
      %add3A_109 = arith.addi %add3A_98, %add3A_108 : i32
      %dma_start3A_110 = arith.constant 0 : i32
      %dma_start3A_111 = tpu.memref_slice %arg10[%add3A_109, %dma_start3A_110] : memref<250x80xi32, #tpu.memory_space<vmem>> -> memref<1x80xi32, #tpu.memory_space<vmem>>
      %dma_start3A_112 = tpu.memref_squeeze %dma_start3A_111 : memref<1x80xi32, #tpu.memory_space<vmem>> -> memref<80xi32, #tpu.memory_space<vmem>>
      %dma_start3A_113 = arith.constant 0 : i32
      %dma_start3A_114 = arith.constant 0 : i32
      %dma_start3A_115 = tpu.memref_slice %arg2[%dma_start3A_113, %dma_start3A_114] : memref<20480x128xf32, #tpu.memory_space<hbm>> -> memref<20480x128xf32, #tpu.memory_space<hbm>>
      tpu.enqueue_indirect_dma source(%dma_start3A_115 : memref<20480x128xf32, #tpu.memory_space<hbm>>) target(%arg14 : memref<80x128xf32, #tpu.memory_space<vmem>>) offsets(%dma_start3A_112 : memref<80xi32, #tpu.memory_space<vmem>>) semaphore(%arg19 : memref<!tpu.dma_semaphore, #tpu.memory_space<semaphore_mem>>)
      %dma_wait3A_116 = arith.constant 0 : i32
      %dma_wait3A_117 = tpu.memref_slice %arg10[%add3A_98, %dma_wait3A_116] : memref<250x80xi32, #tpu.memory_space<vmem>> -> memref<1x80xi32, #tpu.memory_space<vmem>>
      %dma_wait3A_118 = tpu.memref_squeeze %dma_wait3A_117 : memref<1x80xi32, #tpu.memory_space<vmem>> -> memref<80xi32, #tpu.memory_space<vmem>>
      %dma_wait3A_119 = arith.constant 0 : i32
      %dma_wait3A_120 = arith.constant 0 : i32
      %dma_wait3A_121 = tpu.memref_slice %arg2[%dma_wait3A_119, %dma_wait3A_120] : memref<20480x128xf32, #tpu.memory_space<hbm>> -> memref<20480x128xf32, #tpu.memory_space<hbm>>
      tpu.wait_indirect_dma semaphore(%arg18 : memref<!tpu.dma_semaphore, #tpu.memory_space<semaphore_mem>>) src(%dma_wait3A_121 : memref<20480x128xf32, #tpu.memory_space<hbm>>) dst(%arg13 : memref<80x128xf32, #tpu.memory_space<vmem>>)
      %jit3A = arith.constant 8 : i32
      %eq3A_122 = arith.constant 0 : i32
      %eq3A_123 = arith.cmpi eq, %jit3A, %eq3A_122 : i32
      %jit3A_124 = arith.constant 1 : i32
      %select_n3A = arith.select %eq3A_123, %jit3A_124, %jit3A : i32
      %rem3A = arith.remsi %add3A_98, %select_n3A : i32
      %ne3A = arith.constant 0 : i32
      %ne3A_125 = arith.cmpi ne, %rem3A, %ne3A : i32
      %lt3A = arith.constant 0 : i32
      %lt3A_126 = arith.cmpi slt, %rem3A, %lt3A : i32
      %lt3A_127 = arith.constant 0 : i32
      %lt3A_128 = arith.cmpi slt, %select_n3A, %lt3A_127 : i32
      %ne3A_129 = arith.xori %lt3A_126, %lt3A_128 : i1
      %and3A = arith.andi %ne3A_129, %ne3A_125 : i1
      %add3A_130 = arith.addi %rem3A, %select_n3A : i32
      %select_n3A_131 = arith.select %and3A, %add3A_130, %rem3A : i32
      %get3A = arith.constant 0 : i32
      %get3A_132 = tpu.memref_slice %arg11[%add3A_98, %get3A] : memref<250x80xi32, #tpu.memory_space<vmem>> -> memref<1x80xi32, #tpu.memory_space<vmem>>
      %get3A_133 = tpu.memref_squeeze %get3A_132 : memref<1x80xi32, #tpu.memory_space<vmem>> -> memref<80xi32, #tpu.memory_space<vmem>>
      %get3A_134 = arith.constant 0 : index
      %get3A_135 = tpu.vector_load %get3A_133[%get3A_134] {strides = array<i32>} : memref<80xi32, #tpu.memory_space<vmem>>, vector<16xi32>,
      %get3A_136 = vector.shape_cast %get3A_135 : vector<16xi32> to vector<16xi32>
      %sub3A = arith.constant 0 : i32
      %sub3A_137 = vector.broadcast %sub3A : i32 to vector<16xi32>
      %sub3A_138 = arith.subi %get3A_136, %sub3A_137 : vector<16xi32>
      %lt3A_139 = arith.constant 0 : i32
      %lt3A_140 = vector.broadcast %lt3A_139 : i32 to vector<16xi32>
      %lt3A_141 = arith.cmpi slt, %sub3A_138, %lt3A_140 : vector<16xi32>
      %jit3A_142 = arith.constant 5120 : i32
      %broadcast_in_dim3A = vector.broadcast %jit3A_142 : i32 to vector<16xi32>
      %select_n3A_143 = arith.select %lt3A_141, %broadcast_in_dim3A, %sub3A_138 : vector<16xi1>, vector<16xi32>
      %min3A = arith.constant 5120 : i32
      %min3A_144 = vector.broadcast %min3A : i32 to vector<16xi32>
      %min3A_145 = arith.minsi %select_n3A_143, %min3A_144 : vector<16xi32>
      %swap3A = arith.constant 0 : i32
      %swap3A_146 = tpu.memref_slice %arg12[%select_n3A_131, %swap3A] : memref<8x80xi32, #tpu.memory_space<vmem>> -> memref<1x80xi32, #tpu.memory_space<vmem>>
      %swap3A_147 = tpu.memref_squeeze %swap3A_146 : memref<1x80xi32, #tpu.memory_space<vmem>> -> memref<80xi32, #tpu.memory_space<vmem>>
      %swap3A_148 = arith.constant 0 : index
      %swap3A_149 = tpu.vector_load %swap3A_147[%swap3A_148] {strides = array<i32>} : memref<80xi32, #tpu.memory_space<vmem>>, vector<16xi32>,
      %swap3A_150 = vector.shape_cast %swap3A_149 : vector<16xi32> to vector<16xi32>
      %swap3A_151 = vector.shape_cast %min3A_145 : vector<16xi32> to vector<16xi32>
      tpu.vector_store %swap3A_147[%swap3A_148], %swap3A_151 {strides = array<i32>} : memref<80xi32, #tpu.memory_space<vmem>>, vector<16xi32>,
      %get3A_152 = arith.constant 0 : i32
      %get3A_153 = tpu.memref_slice %arg11[%add3A_98, %get3A_152] : memref<250x80xi32, #tpu.memory_space<vmem>> -> memref<1x80xi32, #tpu.memory_space<vmem>>
      %get3A_154 = tpu.memref_squeeze %get3A_153 : memref<1x80xi32, #tpu.memory_space<vmem>> -> memref<80xi32, #tpu.memory_space<vmem>>
      %get3A_155 = arith.constant 16 : index
      %get3A_156 = tpu.vector_load %get3A_154[%get3A_155] {strides = array<i32>} : memref<80xi32, #tpu.memory_space<vmem>>, vector<16xi32>,
      %get3A_157 = vector.shape_cast %get3A_156 : vector<16xi32> to vector<16xi32>
      %sub3A_158 = arith.constant 0 : i32
      %sub3A_159 = vector.broadcast %sub3A_158 : i32 to vector<16xi32>
      %sub3A_160 = arith.subi %get3A_157, %sub3A_159 : vector<16xi32>
      %lt3A_161 = arith.constant 0 : i32
      %lt3A_162 = vector.broadcast %lt3A_161 : i32 to vector<16xi32>
      %lt3A_163 = arith.cmpi slt, %sub3A_160, %lt3A_162 : vector<16xi32>
      %jit3A_164 = arith.constant 5120 : i32
      %broadcast_in_dim3A_165 = vector.broadcast %jit3A_164 : i32 to vector<16xi32>
      %select_n3A_166 = arith.select %lt3A_163, %broadcast_in_dim3A_165, %sub3A_160 : vector<16xi1>, vector<16xi32>
      %min3A_167 = arith.constant 5120 : i32
      %min3A_168 = vector.broadcast %min3A_167 : i32 to vector<16xi32>
      %min3A_169 = arith.minsi %select_n3A_166, %min3A_168 : vector<16xi32>
      %swap3A_170 = arith.constant 0 : i32
      %swap3A_171 = tpu.memref_slice %arg12[%select_n3A_131, %swap3A_170] : memref<8x80xi32, #tpu.memory_space<vmem>> -> memref<1x80xi32, #tpu.memory_space<vmem>>
      %swap3A_172 = tpu.memref_squeeze %swap3A_171 : memref<1x80xi32, #tpu.memory_space<vmem>> -> memref<80xi32, #tpu.memory_space<vmem>>
      %swap3A_173 = arith.constant 16 : index
      %swap3A_174 = tpu.vector_load %swap3A_172[%swap3A_173] {strides = array<i32>} : memref<80xi32, #tpu.memory_space<vmem>>, vector<16xi32>,
      %swap3A_175 = vector.shape_cast %swap3A_174 : vector<16xi32> to vector<16xi32>
      %swap3A_176 = vector.shape_cast %min3A_169 : vector<16xi32> to vector<16xi32>
      tpu.vector_store %swap3A_172[%swap3A_173], %swap3A_176 {strides = array<i32>} : memref<80xi32, #tpu.memory_space<vmem>>, vector<16xi32>,
      %get3A_177 = arith.constant 0 : i32
      %get3A_178 = tpu.memref_slice %arg11[%add3A_98, %get3A_177] : memref<250x80xi32, #tpu.memory_space<vmem>> -> memref<1x80xi32, #tpu.memory_space<vmem>>
      %get3A_179 = tpu.memref_squeeze %get3A_178 : memref<1x80xi32, #tpu.memory_space<vmem>> -> memref<80xi32, #tpu.memory_space<vmem>>
      %get3A_180 = arith.constant 32 : index
      %get3A_181 = tpu.vector_load %get3A_179[%get3A_180] {strides = array<i32>} : memref<80xi32, #tpu.memory_space<vmem>>, vector<16xi32>,
      %get3A_182 = vector.shape_cast %get3A_181 : vector<16xi32> to vector<16xi32>
      %sub3A_183 = arith.constant 0 : i32
      %sub3A_184 = vector.broadcast %sub3A_183 : i32 to vector<16xi32>
      %sub3A_185 = arith.subi %get3A_182, %sub3A_184 : vector<16xi32>
      %lt3A_186 = arith.constant 0 : i32
      %lt3A_187 = vector.broadcast %lt3A_186 : i32 to vector<16xi32>
      %lt3A_188 = arith.cmpi slt, %sub3A_185, %lt3A_187 : vector<16xi32>
      %jit3A_189 = arith.constant 5120 : i32
      %broadcast_in_dim3A_190 = vector.broadcast %jit3A_189 : i32 to vector<16xi32>
      %select_n3A_191 = arith.select %lt3A_188, %broadcast_in_dim3A_190, %sub3A_185 : vector<16xi1>, vector<16xi32>
      %min3A_192 = arith.constant 5120 : i32
      %min3A_193 = vector.broadcast %min3A_192 : i32 to vector<16xi32>
      %min3A_194 = arith.minsi %select_n3A_191, %min3A_193 : vector<16xi32>
      %swap3A_195 = arith.constant 0 : i32
      %swap3A_196 = tpu.memref_slice %arg12[%select_n3A_131, %swap3A_195] : memref<8x80xi32, #tpu.memory_space<vmem>> -> memref<1x80xi32, #tpu.memory_space<vmem>>
      %swap3A_197 = tpu.memref_squeeze %swap3A_196 : memref<1x80xi32, #tpu.memory_space<vmem>> -> memref<80xi32, #tpu.memory_space<vmem>>
      %swap3A_198 = arith.constant 32 : index
      %swap3A_199 = tpu.vector_load %swap3A_197[%swap3A_198] {strides = array<i32>} : memref<80xi32, #tpu.memory_space<vmem>>, vector<16xi32>,
      %swap3A_200 = vector.shape_cast %swap3A_199 : vector<16xi32> to vector<16xi32>
      %swap3A_201 = vector.shape_cast %min3A_194 : vector<16xi32> to vector<16xi32>
      tpu.vector_store %swap3A_197[%swap3A_198], %swap3A_201 {strides = array<i32>} : memref<80xi32, #tpu.memory_space<vmem>>, vector<16xi32>,
      %get3A_202 = arith.constant 0 : i32
      %get3A_203 = tpu.memref_slice %arg11[%add3A_98, %get3A_202] : memref<250x80xi32, #tpu.memory_space<vmem>> -> memref<1x80xi32, #tpu.memory_space<vmem>>
      %get3A_204 = tpu.memref_squeeze %get3A_203 : memref<1x80xi32, #tpu.memory_space<vmem>> -> memref<80xi32, #tpu.memory_space<vmem>>
      %get3A_205 = arith.constant 48 : index
      %get3A_206 = tpu.vector_load %get3A_204[%get3A_205] {strides = array<i32>} : memref<80xi32, #tpu.memory_space<vmem>>, vector<16xi32>,
      %get3A_207 = vector.shape_cast %get3A_206 : vector<16xi32> to vector<16xi32>
      %sub3A_208 = arith.constant 0 : i32
      %sub3A_209 = vector.broadcast %sub3A_208 : i32 to vector<16xi32>
      %sub3A_210 = arith.subi %get3A_207, %sub3A_209 : vector<16xi32>
      %lt3A_211 = arith.constant 0 : i32
      %lt3A_212 = vector.broadcast %lt3A_211 : i32 to vector<16xi32>
      %lt3A_213 = arith.cmpi slt, %sub3A_210, %lt3A_212 : vector<16xi32>
      %jit3A_214 = arith.constant 5120 : i32
      %broadcast_in_dim3A_215 = vector.broadcast %jit3A_214 : i32 to vector<16xi32>
      %select_n3A_216 = arith.select %lt3A_213, %broadcast_in_dim3A_215, %sub3A_210 : vector<16xi1>, vector<16xi32>
      %min3A_217 = arith.constant 5120 : i32
      %min3A_218 = vector.broadcast %min3A_217 : i32 to vector<16xi32>
      %min3A_219 = arith.minsi %select_n3A_216, %min3A_218 : vector<16xi32>
      %swap3A_220 = arith.constant 0 : i32
      %swap3A_221 = tpu.memref_slice %arg12[%select_n3A_131, %swap3A_220] : memref<8x80xi32, #tpu.memory_space<vmem>> -> memref<1x80xi32, #tpu.memory_space<vmem>>
      %swap3A_222 = tpu.memref_squeeze %swap3A_221 : memref<1x80xi32, #tpu.memory_space<vmem>> -> memref<80xi32, #tpu.memory_space<vmem>>
      %swap3A_223 = arith.constant 48 : index
      %swap3A_224 = tpu.vector_load %swap3A_222[%swap3A_223] {strides = array<i32>} : memref<80xi32, #tpu.memory_space<vmem>>, vector<16xi32>,
      %swap3A_225 = vector.shape_cast %swap3A_224 : vector<16xi32> to vector<16xi32>
      %swap3A_226 = vector.shape_cast %min3A_219 : vector<16xi32> to vector<16xi32>
      tpu.vector_store %swap3A_222[%swap3A_223], %swap3A_226 {strides = array<i32>} : memref<80xi32, #tpu.memory_space<vmem>>, vector<16xi32>,
      %get3A_227 = arith.constant 0 : i32
      %get3A_228 = tpu.memref_slice %arg11[%add3A_98, %get3A_227] : memref<250x80xi32, #tpu.memory_space<vmem>> -> memref<1x80xi32, #tpu.memory_space<vmem>>
      %get3A_229 = tpu.memref_squeeze %get3A_228 : memref<1x80xi32, #tpu.memory_space<vmem>> -> memref<80xi32, #tpu.memory_space<vmem>>
      %get3A_230 = arith.constant 64 : index
      %get3A_231 = tpu.vector_load %get3A_229[%get3A_230] {strides = array<i32>} : memref<80xi32, #tpu.memory_space<vmem>>, vector<16xi32>,
      %get3A_232 = vector.shape_cast %get3A_231 : vector<16xi32> to vector<16xi32>
      %sub3A_233 = arith.constant 0 : i32
      %sub3A_234 = vector.broadcast %sub3A_233 : i32 to vector<16xi32>
      %sub3A_235 = arith.subi %get3A_232, %sub3A_234 : vector<16xi32>
      %lt3A_236 = arith.constant 0 : i32
      %lt3A_237 = vector.broadcast %lt3A_236 : i32 to vector<16xi32>
      %lt3A_238 = arith.cmpi slt, %sub3A_235, %lt3A_237 : vector<16xi32>
      %jit3A_239 = arith.constant 5120 : i32
      %broadcast_in_dim3A_240 = vector.broadcast %jit3A_239 : i32 to vector<16xi32>
      %select_n3A_241 = arith.select %lt3A_238, %broadcast_in_dim3A_240, %sub3A_235 : vector<16xi1>, vector<16xi32>
      %min3A_242 = arith.constant 5120 : i32
      %min3A_243 = vector.broadcast %min3A_242 : i32 to vector<16xi32>
      %min3A_244 = arith.minsi %select_n3A_241, %min3A_243 : vector<16xi32>
      %swap3A_245 = arith.constant 0 : i32
      %swap3A_246 = tpu.memref_slice %arg12[%select_n3A_131, %swap3A_245] : memref<8x80xi32, #tpu.memory_space<vmem>> -> memref<1x80xi32, #tpu.memory_space<vmem>>
      %swap3A_247 = tpu.memref_squeeze %swap3A_246 : memref<1x80xi32, #tpu.memory_space<vmem>> -> memref<80xi32, #tpu.memory_space<vmem>>
      %swap3A_248 = arith.constant 64 : index
      %swap3A_249 = tpu.vector_load %swap3A_247[%swap3A_248] {strides = array<i32>} : memref<80xi32, #tpu.memory_space<vmem>>, vector<16xi32>,
      %swap3A_250 = vector.shape_cast %swap3A_249 : vector<16xi32> to vector<16xi32>
      %swap3A_251 = vector.shape_cast %min3A_244 : vector<16xi32> to vector<16xi32>
      tpu.vector_store %swap3A_247[%swap3A_248], %swap3A_251 {strides = array<i32>} : memref<80xi32, #tpu.memory_space<vmem>>, vector<16xi32>,
      %dma_start3A_252 = arith.constant 0 : i32
      %dma_start3A_253 = tpu.memref_slice %arg11[%add3A_98, %dma_start3A_252] : memref<250x80xi32, #tpu.memory_space<vmem>> -> memref<1x80xi32, #tpu.memory_space<vmem>>
      %dma_start3A_254 = tpu.memref_squeeze %dma_start3A_253 : memref<1x80xi32, #tpu.memory_space<vmem>> -> memref<80xi32, #tpu.memory_space<vmem>>
      %dma_start3A_255 = arith.constant 0 : i32
      %dma_start3A_256 = tpu.memref_slice %arg17[%dma_start3A_255] : memref<10240xf32, #tpu.memory_space<vmem_shared>> -> memref<10240xf32, #tpu.memory_space<vmem_shared>>
      tpu.enqueue_indirect_dma source(%arg15 : memref<80xf32, #tpu.memory_space<vmem>>) target(%dma_start3A_256 : memref<10240xf32, #tpu.memory_space<vmem_shared>>) offsets(%dma_start3A_254 : memref<80xi32, #tpu.memory_space<vmem>>) semaphore(%arg22 : memref<!tpu.dma_semaphore, #tpu.memory_space<semaphore_mem>>) {add = true}
      %jit3A_257 = arith.constant 8 : i32
      %eq3A_258 = arith.constant 0 : i32
      %eq3A_259 = arith.cmpi eq, %jit3A_257, %eq3A_258 : i32
      %jit3A_260 = arith.constant 1 : i32
      %select_n3A_261 = arith.select %eq3A_259, %jit3A_260, %jit3A_257 : i32
      %rem3A_262 = arith.remsi %add3A_98, %select_n3A_261 : i32
      %ne3A_263 = arith.constant 0 : i32
      %ne3A_264 = arith.cmpi ne, %rem3A_262, %ne3A_263 : i32
      %lt3A_265 = arith.constant 0 : i32
      %lt3A_266 = arith.cmpi slt, %rem3A_262, %lt3A_265 : i32
      %lt3A_267 = arith.constant 0 : i32
      %lt3A_268 = arith.cmpi slt, %select_n3A_261, %lt3A_267 : i32
      %ne3A_269 = arith.xori %lt3A_266, %lt3A_268 : i1
      %and3A_270 = arith.andi %ne3A_269, %ne3A_264 : i1
      %add3A_271 = arith.addi %rem3A_262, %select_n3A_261 : i32
      %select_n3A_272 = arith.select %and3A_270, %add3A_271, %rem3A_262 : i32
      %dma_start3A_273 = arith.constant 0 : i32
      %dma_start3A_274 = tpu.memref_slice %arg12[%select_n3A_272, %dma_start3A_273] : memref<8x80xi32, #tpu.memory_space<vmem>> -> memref<1x80xi32, #tpu.memory_space<vmem>>
      %dma_start3A_275 = tpu.memref_squeeze %dma_start3A_274 : memref<1x80xi32, #tpu.memory_space<vmem>> -> memref<80xi32, #tpu.memory_space<vmem>>
      %dma_start3A_276 = arith.constant 0 : i32
      %dma_start3A_277 = arith.constant 0 : i32
      %dma_start3A_278 = tpu.memref_slice %arg16[%dma_start3A_276, %dma_start3A_277] : memref<5248x128xf32, #tpu.memory_space<vmem_shared>> -> memref<5248x128xf32, #tpu.memory_space<vmem_shared>>
      tpu.enqueue_indirect_dma source(%arg13 : memref<80x128xf32, #tpu.memory_space<vmem>>) target(%dma_start3A_278 : memref<5248x128xf32, #tpu.memory_space<vmem_shared>>) offsets(%dma_start3A_275 : memref<80xi32, #tpu.memory_space<vmem>>) semaphore(%arg20 : memref<!tpu.dma_semaphore, #tpu.memory_space<semaphore_mem>>) {add = true}
      %mul3A_279 = arith.constant 2 : i32
      %mul3A_280 = arith.muli %mul3A_279, %scan3A_94 : i32
      %add3A_281 = arith.constant 1 : i32
      %add3A_282 = arith.addi %mul3A_280, %add3A_281 : i32
      %sub3A_283 = arith.constant 1 : i32
      %sub3A_284 = arith.subi %add3A_282, %sub3A_283 : i32
      %jit3A_285 = arith.constant 8 : i32
      %eq3A_286 = arith.constant 0 : i32
      %eq3A_287 = arith.cmpi eq, %jit3A_285, %eq3A_286 : i32
      %jit3A_288 = arith.constant 1 : i32
      %select_n3A_289 = arith.select %eq3A_287, %jit3A_288, %jit3A_285 : i32
      %rem3A_290 = arith.remsi %sub3A_284, %select_n3A_289 : i32
      %ne3A_291 = arith.constant 0 : i32
      %ne3A_292 = arith.cmpi ne, %rem3A_290, %ne3A_291 : i32
      %lt3A_293 = arith.constant 0 : i32
      %lt3A_294 = arith.cmpi slt, %rem3A_290, %lt3A_293 : i32
      %lt3A_295 = arith.constant 0 : i32
      %lt3A_296 = arith.cmpi slt, %select_n3A_289, %lt3A_295 : i32
      %ne3A_297 = arith.xori %lt3A_294, %lt3A_296 : i1
      %and3A_298 = arith.andi %ne3A_297, %ne3A_292 : i1
      %add3A_299 = arith.addi %rem3A_290, %select_n3A_289 : i32
      %select_n3A_300 = arith.select %and3A_298, %add3A_299, %rem3A_290 : i32
      %dma_wait3A_301 = arith.constant 0 : i32
      %dma_wait3A_302 = tpu.memref_slice %arg12[%select_n3A_300, %dma_wait3A_301] : memref<8x80xi32, #tpu.memory_space<vmem>> -> memref<1x80xi32, #tpu.memory_space<vmem>>
      %dma_wait3A_303 = tpu.memref_squeeze %dma_wait3A_302 : memref<1x80xi32, #tpu.memory_space<vmem>> -> memref<80xi32, #tpu.memory_space<vmem>>
      %dma_wait3A_304 = arith.constant 0 : i32
      %dma_wait3A_305 = arith.constant 0 : i32
      %dma_wait3A_306 = tpu.memref_slice %arg16[%dma_wait3A_304, %dma_wait3A_305] : memref<5248x128xf32, #tpu.memory_space<vmem_shared>> -> memref<5248x128xf32, #tpu.memory_space<vmem_shared>>
      tpu.wait_indirect_dma semaphore(%arg20 : memref<!tpu.dma_semaphore, #tpu.memory_space<semaphore_mem>>) src(%arg13 : memref<80x128xf32, #tpu.memory_space<vmem>>) dst(%dma_wait3A_306 : memref<5248x128xf32, #tpu.memory_space<vmem_shared>>)
      %ge3A_307 = arith.constant 2 : i32
      %ge3A_308 = arith.cmpi sge, %scan3A_94, %ge3A_307 : i32
      %convert_element_type3A_309 = arith.extui %ge3A_308 : i1 to i32
      %cond3A_310 = arith.constant 0 : i32
      %cond3A_311 = arith.cmpi ne, %convert_element_type3A_309, %cond3A_310 : i32
      scf.if %cond3A_311 {
        %sub3A_491 = arith.constant 4 : i32
        %sub3A_492 = arith.subi %add3A_282, %sub3A_491 : i32
        %dma_wait3A_493 = arith.constant 0 : i32
        %dma_wait3A_494 = tpu.memref_slice %arg11[%sub3A_492, %dma_wait3A_493] : memref<250x80xi32, #tpu.memory_space<vmem>> -> memref<1x80xi32, #tpu.memory_space<vmem>>
        %dma_wait3A_495 = tpu.memref_squeeze %dma_wait3A_494 : memref<1x80xi32, #tpu.memory_space<vmem>> -> memref<80xi32, #tpu.memory_space<vmem>>
        %dma_wait3A_496 = arith.constant 0 : i32
        %dma_wait3A_497 = tpu.memref_slice %arg17[%dma_wait3A_496] : memref<10240xf32, #tpu.memory_space<vmem_shared>> -> memref<10240xf32, #tpu.memory_space<vmem_shared>>
        tpu.wait_indirect_dma semaphore(%arg22 : memref<!tpu.dma_semaphore, #tpu.memory_space<semaphore_mem>>) src(%arg15 : memref<80xf32, #tpu.memory_space<vmem>>) dst(%dma_wait3A_497 : memref<10240xf32, #tpu.memory_space<vmem_shared>>)
      } else {
      }
      %lt3A_312 = arith.constant 124 : i32
      %lt3A_313 = arith.cmpi slt, %scan3A_94, %lt3A_312 : i32
      %convert_element_type3A_314 = arith.extui %lt3A_313 : i1 to i32
      %cond3A_315 = arith.constant 0 : i32
      %cond3A_316 = arith.cmpi ne, %convert_element_type3A_314, %cond3A_315 : i32
      scf.if %cond3A_316 {
        %add3A_491 = arith.constant 1 : i32
        %add3A_492 = arith.addi %add3A_282, %add3A_491 : i32
        %dma_start3A_493 = arith.constant 0 : i32
        %dma_start3A_494 = tpu.memref_slice %arg10[%add3A_492, %dma_start3A_493] : memref<250x80xi32, #tpu.memory_space<vmem>> -> memref<1x80xi32, #tpu.memory_space<vmem>>
        %dma_start3A_495 = tpu.memref_squeeze %dma_start3A_494 : memref<1x80xi32, #tpu.memory_space<vmem>> -> memref<80xi32, #tpu.memory_space<vmem>>
        %dma_start3A_496 = arith.constant 0 : i32
        %dma_start3A_497 = arith.constant 0 : i32
        %dma_start3A_498 = tpu.memref_slice %arg2[%dma_start3A_496, %dma_start3A_497] : memref<20480x128xf32, #tpu.memory_space<hbm>> -> memref<20480x128xf32, #tpu.memory_space<hbm>>
        tpu.enqueue_indirect_dma source(%dma_start3A_498 : memref<20480x128xf32, #tpu.memory_space<hbm>>) target(%arg13 : memref<80x128xf32, #tpu.memory_space<vmem>>) offsets(%dma_start3A_495 : memref<80xi32, #tpu.memory_space<vmem>>) semaphore(%arg18 : memref<!tpu.dma_semaphore, #tpu.memory_space<semaphore_mem>>)
      } else {
      }
      %dma_wait3A_317 = arith.constant 0 : i32
      %dma_wait3A_318 = tpu.memref_slice %arg10[%add3A_282, %dma_wait3A_317] : memref<250x80xi32, #tpu.memory_space<vmem>> -> memref<1x80xi32, #tpu.memory_space<vmem>>
      %dma_wait3A_319 = tpu.memref_squeeze %dma_wait3A_318 : memref<1x80xi32, #tpu.memory_space<vmem>> -> memref<80xi32, #tpu.memory_space<vmem>>
      %dma_wait3A_320 = arith.constant 0 : i32
      %dma_wait3A_321 = arith.constant 0 : i32
      %dma_wait3A_322 = tpu.memref_slice %arg2[%dma_wait3A_320, %dma_wait3A_321] : memref<20480x128xf32, #tpu.memory_space<hbm>> -> memref<20480x128xf32, #tpu.memory_space<hbm>>
      tpu.wait_indirect_dma semaphore(%arg19 : memref<!tpu.dma_semaphore, #tpu.memory_space<semaphore_mem>>) src(%dma_wait3A_322 : memref<20480x128xf32, #tpu.memory_space<hbm>>) dst(%arg14 : memref<80x128xf32, #tpu.memory_space<vmem>>)
      %jit3A_323 = arith.constant 8 : i32
      %eq3A_324 = arith.constant 0 : i32
      %eq3A_325 = arith.cmpi eq, %jit3A_323, %eq3A_324 : i32
      %jit3A_326 = arith.constant 1 : i32
      %select_n3A_327 = arith.select %eq3A_325, %jit3A_326, %jit3A_323 : i32
      %rem3A_328 = arith.remsi %add3A_282, %select_n3A_327 : i32
      %ne3A_329 = arith.constant 0 : i32
      %ne3A_330 = arith.cmpi ne, %rem3A_328, %ne3A_329 : i32
      %lt3A_331 = arith.constant 0 : i32
      %lt3A_332 = arith.cmpi slt, %rem3A_328, %lt3A_331 : i32
      %lt3A_333 = arith.constant 0 : i32
      %lt3A_334 = arith.cmpi slt, %select_n3A_327, %lt3A_333 : i32
      %ne3A_335 = arith.xori %lt3A_332, %lt3A_334 : i1
      %and3A_336 = arith.andi %ne3A_335, %ne3A_330 : i1
      %add3A_337 = arith.addi %rem3A_328, %select_n3A_327 : i32
      %select_n3A_338 = arith.select %and3A_336, %add3A_337, %rem3A_328 : i32
      %get3A_339 = arith.constant 0 : i32
      %get3A_340 = tpu.memref_slice %arg11[%add3A_282, %get3A_339] : memref<250x80xi32, #tpu.memory_space<vmem>> -> memref<1x80xi32, #tpu.memory_space<vmem>>
      %get3A_341 = tpu.memref_squeeze %get3A_340 : memref<1x80xi32, #tpu.memory_space<vmem>> -> memref<80xi32, #tpu.memory_space<vmem>>
      %get3A_342 = arith.constant 0 : index
      %get3A_343 = tpu.vector_load %get3A_341[%get3A_342] {strides = array<i32>} : memref<80xi32, #tpu.memory_space<vmem>>, vector<16xi32>,
      %get3A_344 = vector.shape_cast %get3A_343 : vector<16xi32> to vector<16xi32>
      %sub3A_345 = arith.constant 0 : i32
      %sub3A_346 = vector.broadcast %sub3A_345 : i32 to vector<16xi32>
      %sub3A_347 = arith.subi %get3A_344, %sub3A_346 : vector<16xi32>
      %lt3A_348 = arith.constant 0 : i32
      %lt3A_349 = vector.broadcast %lt3A_348 : i32 to vector<16xi32>
      %lt3A_350 = arith.cmpi slt, %sub3A_347, %lt3A_349 : vector<16xi32>
      %jit3A_351 = arith.constant 5120 : i32
      %broadcast_in_dim3A_352 = vector.broadcast %jit3A_351 : i32 to vector<16xi32>
      %select_n3A_353 = arith.select %lt3A_350, %broadcast_in_dim3A_352, %sub3A_347 : vector<16xi1>, vector<16xi32>
      %min3A_354 = arith.constant 5120 : i32
      %min3A_355 = vector.broadcast %min3A_354 : i32 to vector<16xi32>
      %min3A_356 = arith.minsi %select_n3A_353, %min3A_355 : vector<16xi32>
      %swap3A_357 = arith.constant 0 : i32
      %swap3A_358 = tpu.memref_slice %arg12[%select_n3A_338, %swap3A_357] : memref<8x80xi32, #tpu.memory_space<vmem>> -> memref<1x80xi32, #tpu.memory_space<vmem>>
      %swap3A_359 = tpu.memref_squeeze %swap3A_358 : memref<1x80xi32, #tpu.memory_space<vmem>> -> memref<80xi32, #tpu.memory_space<vmem>>
      %swap3A_360 = arith.constant 0 : index
      %swap3A_361 = tpu.vector_load %swap3A_359[%swap3A_360] {strides = array<i32>} : memref<80xi32, #tpu.memory_space<vmem>>, vector<16xi32>,
      %swap3A_362 = vector.shape_cast %swap3A_361 : vector<16xi32> to vector<16xi32>
      %swap3A_363 = vector.shape_cast %min3A_356 : vector<16xi32> to vector<16xi32>
      tpu.vector_store %swap3A_359[%swap3A_360], %swap3A_363 {strides = array<i32>} : memref<80xi32, #tpu.memory_space<vmem>>, vector<16xi32>,
      %get3A_364 = arith.constant 0 : i32
      %get3A_365 = tpu.memref_slice %arg11[%add3A_282, %get3A_364] : memref<250x80xi32, #tpu.memory_space<vmem>> -> memref<1x80xi32, #tpu.memory_space<vmem>>
      %get3A_366 = tpu.memref_squeeze %get3A_365 : memref<1x80xi32, #tpu.memory_space<vmem>> -> memref<80xi32, #tpu.memory_space<vmem>>
      %get3A_367 = arith.constant 16 : index
      %get3A_368 = tpu.vector_load %get3A_366[%get3A_367] {strides = array<i32>} : memref<80xi32, #tpu.memory_space<vmem>>, vector<16xi32>,
      %get3A_369 = vector.shape_cast %get3A_368 : vector<16xi32> to vector<16xi32>
      %sub3A_370 = arith.constant 0 : i32
      %sub3A_371 = vector.broadcast %sub3A_370 : i32 to vector<16xi32>
      %sub3A_372 = arith.subi %get3A_369, %sub3A_371 : vector<16xi32>
      %lt3A_373 = arith.constant 0 : i32
      %lt3A_374 = vector.broadcast %lt3A_373 : i32 to vector<16xi32>
      %lt3A_375 = arith.cmpi slt, %sub3A_372, %lt3A_374 : vector<16xi32>
      %jit3A_376 = arith.constant 5120 : i32
      %broadcast_in_dim3A_377 = vector.broadcast %jit3A_376 : i32 to vector<16xi32>
      %select_n3A_378 = arith.select %lt3A_375, %broadcast_in_dim3A_377, %sub3A_372 : vector<16xi1>, vector<16xi32>
      %min3A_379 = arith.constant 5120 : i32
      %min3A_380 = vector.broadcast %min3A_379 : i32 to vector<16xi32>
      %min3A_381 = arith.minsi %select_n3A_378, %min3A_380 : vector<16xi32>
      %swap3A_382 = arith.constant 0 : i32
      %swap3A_383 = tpu.memref_slice %arg12[%select_n3A_338, %swap3A_382] : memref<8x80xi32, #tpu.memory_space<vmem>> -> memref<1x80xi32, #tpu.memory_space<vmem>>
      %swap3A_384 = tpu.memref_squeeze %swap3A_383 : memref<1x80xi32, #tpu.memory_space<vmem>> -> memref<80xi32, #tpu.memory_space<vmem>>
      %swap3A_385 = arith.constant 16 : index
      %swap3A_386 = tpu.vector_load %swap3A_384[%swap3A_385] {strides = array<i32>} : memref<80xi32, #tpu.memory_space<vmem>>, vector<16xi32>,
      %swap3A_387 = vector.shape_cast %swap3A_386 : vector<16xi32> to vector<16xi32>
      %swap3A_388 = vector.shape_cast %min3A_381 : vector<16xi32> to vector<16xi32>
      tpu.vector_store %swap3A_384[%swap3A_385], %swap3A_388 {strides = array<i32>} : memref<80xi32, #tpu.memory_space<vmem>>, vector<16xi32>,
      %get3A_389 = arith.constant 0 : i32
      %get3A_390 = tpu.memref_slice %arg11[%add3A_282, %get3A_389] : memref<250x80xi32, #tpu.memory_space<vmem>> -> memref<1x80xi32, #tpu.memory_space<vmem>>
      %get3A_391 = tpu.memref_squeeze %get3A_390 : memref<1x80xi32, #tpu.memory_space<vmem>> -> memref<80xi32, #tpu.memory_space<vmem>>
      %get3A_392 = arith.constant 32 : index
      %get3A_393 = tpu.vector_load %get3A_391[%get3A_392] {strides = array<i32>} : memref<80xi32, #tpu.memory_space<vmem>>, vector<16xi32>,
      %get3A_394 = vector.shape_cast %get3A_393 : vector<16xi32> to vector<16xi32>
      %sub3A_395 = arith.constant 0 : i32
      %sub3A_396 = vector.broadcast %sub3A_395 : i32 to vector<16xi32>
      %sub3A_397 = arith.subi %get3A_394, %sub3A_396 : vector<16xi32>
      %lt3A_398 = arith.constant 0 : i32
      %lt3A_399 = vector.broadcast %lt3A_398 : i32 to vector<16xi32>
      %lt3A_400 = arith.cmpi slt, %sub3A_397, %lt3A_399 : vector<16xi32>
      %jit3A_401 = arith.constant 5120 : i32
      %broadcast_in_dim3A_402 = vector.broadcast %jit3A_401 : i32 to vector<16xi32>
      %select_n3A_403 = arith.select %lt3A_400, %broadcast_in_dim3A_402, %sub3A_397 : vector<16xi1>, vector<16xi32>
      %min3A_404 = arith.constant 5120 : i32
      %min3A_405 = vector.broadcast %min3A_404 : i32 to vector<16xi32>
      %min3A_406 = arith.minsi %select_n3A_403, %min3A_405 : vector<16xi32>
      %swap3A_407 = arith.constant 0 : i32
      %swap3A_408 = tpu.memref_slice %arg12[%select_n3A_338, %swap3A_407] : memref<8x80xi32, #tpu.memory_space<vmem>> -> memref<1x80xi32, #tpu.memory_space<vmem>>
      %swap3A_409 = tpu.memref_squeeze %swap3A_408 : memref<1x80xi32, #tpu.memory_space<vmem>> -> memref<80xi32, #tpu.memory_space<vmem>>
      %swap3A_410 = arith.constant 32 : index
      %swap3A_411 = tpu.vector_load %swap3A_409[%swap3A_410] {strides = array<i32>} : memref<80xi32, #tpu.memory_space<vmem>>, vector<16xi32>,
      %swap3A_412 = vector.shape_cast %swap3A_411 : vector<16xi32> to vector<16xi32>
      %swap3A_413 = vector.shape_cast %min3A_406 : vector<16xi32> to vector<16xi32>
      tpu.vector_store %swap3A_409[%swap3A_410], %swap3A_413 {strides = array<i32>} : memref<80xi32, #tpu.memory_space<vmem>>, vector<16xi32>,
      %get3A_414 = arith.constant 0 : i32
      %get3A_415 = tpu.memref_slice %arg11[%add3A_282, %get3A_414] : memref<250x80xi32, #tpu.memory_space<vmem>> -> memref<1x80xi32, #tpu.memory_space<vmem>>
      %get3A_416 = tpu.memref_squeeze %get3A_415 : memref<1x80xi32, #tpu.memory_space<vmem>> -> memref<80xi32, #tpu.memory_space<vmem>>
      %get3A_417 = arith.constant 48 : index
      %get3A_418 = tpu.vector_load %get3A_416[%get3A_417] {strides = array<i32>} : memref<80xi32, #tpu.memory_space<vmem>>, vector<16xi32>,
      %get3A_419 = vector.shape_cast %get3A_418 : vector<16xi32> to vector<16xi32>
      %sub3A_420 = arith.constant 0 : i32
      %sub3A_421 = vector.broadcast %sub3A_420 : i32 to vector<16xi32>
      %sub3A_422 = arith.subi %get3A_419, %sub3A_421 : vector<16xi32>
      %lt3A_423 = arith.constant 0 : i32
      %lt3A_424 = vector.broadcast %lt3A_423 : i32 to vector<16xi32>
      %lt3A_425 = arith.cmpi slt, %sub3A_422, %lt3A_424 : vector<16xi32>
      %jit3A_426 = arith.constant 5120 : i32
      %broadcast_in_dim3A_427 = vector.broadcast %jit3A_426 : i32 to vector<16xi32>
      %select_n3A_428 = arith.select %lt3A_425, %broadcast_in_dim3A_427, %sub3A_422 : vector<16xi1>, vector<16xi32>
      %min3A_429 = arith.constant 5120 : i32
      %min3A_430 = vector.broadcast %min3A_429 : i32 to vector<16xi32>
      %min3A_431 = arith.minsi %select_n3A_428, %min3A_430 : vector<16xi32>
      %swap3A_432 = arith.constant 0 : i32
      %swap3A_433 = tpu.memref_slice %arg12[%select_n3A_338, %swap3A_432] : memref<8x80xi32, #tpu.memory_space<vmem>> -> memref<1x80xi32, #tpu.memory_space<vmem>>
      %swap3A_434 = tpu.memref_squeeze %swap3A_433 : memref<1x80xi32, #tpu.memory_space<vmem>> -> memref<80xi32, #tpu.memory_space<vmem>>
      %swap3A_435 = arith.constant 48 : index
      %swap3A_436 = tpu.vector_load %swap3A_434[%swap3A_435] {strides = array<i32>} : memref<80xi32, #tpu.memory_space<vmem>>, vector<16xi32>,
      %swap3A_437 = vector.shape_cast %swap3A_436 : vector<16xi32> to vector<16xi32>
      %swap3A_438 = vector.shape_cast %min3A_431 : vector<16xi32> to vector<16xi32>
      tpu.vector_store %swap3A_434[%swap3A_435], %swap3A_438 {strides = array<i32>} : memref<80xi32, #tpu.memory_space<vmem>>, vector<16xi32>,
      %get3A_439 = arith.constant 0 : i32
      %get3A_440 = tpu.memref_slice %arg11[%add3A_282, %get3A_439] : memref<250x80xi32, #tpu.memory_space<vmem>> -> memref<1x80xi32, #tpu.memory_space<vmem>>
      %get3A_441 = tpu.memref_squeeze %get3A_440 : memref<1x80xi32, #tpu.memory_space<vmem>> -> memref<80xi32, #tpu.memory_space<vmem>>
      %get3A_442 = arith.constant 64 : index
      %get3A_443 = tpu.vector_load %get3A_441[%get3A_442] {strides = array<i32>} : memref<80xi32, #tpu.memory_space<vmem>>, vector<16xi32>,
      %get3A_444 = vector.shape_cast %get3A_443 : vector<16xi32> to vector<16xi32>
      %sub3A_445 = arith.constant 0 : i32
      %sub3A_446 = vector.broadcast %sub3A_445 : i32 to vector<16xi32>
      %sub3A_447 = arith.subi %get3A_444, %sub3A_446 : vector<16xi32>
      %lt3A_448 = arith.constant 0 : i32
      %lt3A_449 = vector.broadcast %lt3A_448 : i32 to vector<16xi32>
      %lt3A_450 = arith.cmpi slt, %sub3A_447, %lt3A_449 : vector<16xi32>
      %jit3A_451 = arith.constant 5120 : i32
      %broadcast_in_dim3A_452 = vector.broadcast %jit3A_451 : i32 to vector<16xi32>
      %select_n3A_453 = arith.select %lt3A_450, %broadcast_in_dim3A_452, %sub3A_447 : vector<16xi1>, vector<16xi32>
      %min3A_454 = arith.constant 5120 : i32
      %min3A_455 = vector.broadcast %min3A_454 : i32 to vector<16xi32>
      %min3A_456 = arith.minsi %select_n3A_453, %min3A_455 : vector<16xi32>
      %swap3A_457 = arith.constant 0 : i32
      %swap3A_458 = tpu.memref_slice %arg12[%select_n3A_338, %swap3A_457] : memref<8x80xi32, #tpu.memory_space<vmem>> -> memref<1x80xi32, #tpu.memory_space<vmem>>
      %swap3A_459 = tpu.memref_squeeze %swap3A_458 : memref<1x80xi32, #tpu.memory_space<vmem>> -> memref<80xi32, #tpu.memory_space<vmem>>
      %swap3A_460 = arith.constant 64 : index
      %swap3A_461 = tpu.vector_load %swap3A_459[%swap3A_460] {strides = array<i32>} : memref<80xi32, #tpu.memory_space<vmem>>, vector<16xi32>,
      %swap3A_462 = vector.shape_cast %swap3A_461 : vector<16xi32> to vector<16xi32>
      %swap3A_463 = vector.shape_cast %min3A_456 : vector<16xi32> to vector<16xi32>
      tpu.vector_store %swap3A_459[%swap3A_460], %swap3A_463 {strides = array<i32>} : memref<80xi32, #tpu.memory_space<vmem>>, vector<16xi32>,
      %dma_start3A_464 = arith.constant 0 : i32
      %dma_start3A_465 = tpu.memref_slice %arg11[%add3A_282, %dma_start3A_464] : memref<250x80xi32, #tpu.memory_space<vmem>> -> memref<1x80xi32, #tpu.memory_space<vmem>>
      %dma_start3A_466 = tpu.memref_squeeze %dma_start3A_465 : memref<1x80xi32, #tpu.memory_space<vmem>> -> memref<80xi32, #tpu.memory_space<vmem>>
      %dma_start3A_467 = arith.constant 0 : i32
      %dma_start3A_468 = tpu.memref_slice %arg17[%dma_start3A_467] : memref<10240xf32, #tpu.memory_space<vmem_shared>> -> memref<10240xf32, #tpu.memory_space<vmem_shared>>
      tpu.enqueue_indirect_dma source(%arg15 : memref<80xf32, #tpu.memory_space<vmem>>) target(%dma_start3A_468 : memref<10240xf32, #tpu.memory_space<vmem_shared>>) offsets(%dma_start3A_466 : memref<80xi32, #tpu.memory_space<vmem>>) semaphore(%arg22 : memref<!tpu.dma_semaphore, #tpu.memory_space<semaphore_mem>>) {add = true}
      %jit3A_469 = arith.constant 8 : i32
      %eq3A_470 = arith.constant 0 : i32
      %eq3A_471 = arith.cmpi eq, %jit3A_469, %eq3A_470 : i32
      %jit3A_472 = arith.constant 1 : i32
      %select_n3A_473 = arith.select %eq3A_471, %jit3A_472, %jit3A_469 : i32
      %rem3A_474 = arith.remsi %add3A_282, %select_n3A_473 : i32
      %ne3A_475 = arith.constant 0 : i32
      %ne3A_476 = arith.cmpi ne, %rem3A_474, %ne3A_475 : i32
      %lt3A_477 = arith.constant 0 : i32
      %lt3A_478 = arith.cmpi slt, %rem3A_474, %lt3A_477 : i32
      %lt3A_479 = arith.constant 0 : i32
      %lt3A_480 = arith.cmpi slt, %select_n3A_473, %lt3A_479 : i32
      %ne3A_481 = arith.xori %lt3A_478, %lt3A_480 : i1
      %and3A_482 = arith.andi %ne3A_481, %ne3A_476 : i1
      %add3A_483 = arith.addi %rem3A_474, %select_n3A_473 : i32
      %select_n3A_484 = arith.select %and3A_482, %add3A_483, %rem3A_474 : i32
      %dma_start3A_485 = arith.constant 0 : i32
      %dma_start3A_486 = tpu.memref_slice %arg12[%select_n3A_484, %dma_start3A_485] : memref<8x80xi32, #tpu.memory_space<vmem>> -> memref<1x80xi32, #tpu.memory_space<vmem>>
      %dma_start3A_487 = tpu.memref_squeeze %dma_start3A_486 : memref<1x80xi32, #tpu.memory_space<vmem>> -> memref<80xi32, #tpu.memory_space<vmem>>
      %dma_start3A_488 = arith.constant 0 : i32
      %dma_start3A_489 = arith.constant 0 : i32
      %dma_start3A_490 = tpu.memref_slice %arg16[%dma_start3A_488, %dma_start3A_489] : memref<5248x128xf32, #tpu.memory_space<vmem_shared>> -> memref<5248x128xf32, #tpu.memory_space<vmem_shared>>
      tpu.enqueue_indirect_dma source(%arg14 : memref<80x128xf32, #tpu.memory_space<vmem>>) target(%dma_start3A_490 : memref<5248x128xf32, #tpu.memory_space<vmem_shared>>) offsets(%dma_start3A_487 : memref<80xi32, #tpu.memory_space<vmem>>) semaphore(%arg21 : memref<!tpu.dma_semaphore, #tpu.memory_space<semaphore_mem>>) {add = true}
    }
    %scan3A_15 = arith.constant 125 : i32
    %dma_wait3A = arith.constant 1 : i32
    %dma_wait3A_16 = arith.constant 0 : i32
    %dma_wait3A_17 = tpu.memref_slice %arg12[%dma_wait3A, %dma_wait3A_16] : memref<8x80xi32, #tpu.memory_space<vmem>> -> memref<1x80xi32, #tpu.memory_space<vmem>>
    %dma_wait3A_18 = tpu.memref_squeeze %dma_wait3A_17 : memref<1x80xi32, #tpu.memory_space<vmem>> -> memref<80xi32, #tpu.memory_space<vmem>>
    %dma_wait3A_19 = arith.constant 0 : i32
    %dma_wait3A_20 = arith.constant 0 : i32
    %dma_wait3A_21 = tpu.memref_slice %arg16[%dma_wait3A_19, %dma_wait3A_20] : memref<5248x128xf32, #tpu.memory_space<vmem_shared>> -> memref<5248x128xf32, #tpu.memory_space<vmem_shared>>
    tpu.wait_indirect_dma semaphore(%arg21 : memref<!tpu.dma_semaphore, #tpu.memory_space<semaphore_mem>>) src(%arg14 : memref<80x128xf32, #tpu.memory_space<vmem>>) dst(%dma_wait3A_21 : memref<5248x128xf32, #tpu.memory_space<vmem_shared>>)
    %dma_wait3A_22 = arith.constant 246 : i32
    %dma_wait3A_23 = arith.constant 0 : i32
    %dma_wait3A_24 = tpu.memref_slice %arg11[%dma_wait3A_22, %dma_wait3A_23] : memref<250x80xi32, #tpu.memory_space<vmem>> -> memref<1x80xi32, #tpu.memory_space<vmem>>
    %dma_wait3A_25 = tpu.memref_squeeze %dma_wait3A_24 : memref<1x80xi32, #tpu.memory_space<vmem>> -> memref<80xi32, #tpu.memory_space<vmem>>
    %dma_wait3A_26 = arith.constant 0 : i32
    %dma_wait3A_27 = tpu.memref_slice %arg17[%dma_wait3A_26] : memref<10240xf32, #tpu.memory_space<vmem_shared>> -> memref<10240xf32, #tpu.memory_space<vmem_shared>>
    tpu.wait_indirect_dma semaphore(%arg22 : memref<!tpu.dma_semaphore, #tpu.memory_space<semaphore_mem>>) src(%arg15 : memref<80xf32, #tpu.memory_space<vmem>>) dst(%dma_wait3A_27 : memref<10240xf32, #tpu.memory_space<vmem_shared>>)
    %dma_wait3A_28 = arith.constant 247 : i32
    %dma_wait3A_29 = arith.constant 0 : i32
    %dma_wait3A_30 = tpu.memref_slice %arg11[%dma_wait3A_28, %dma_wait3A_29] : memref<250x80xi32, #tpu.memory_space<vmem>> -> memref<1x80xi32, #tpu.memory_space<vmem>>
    %dma_wait3A_31 = tpu.memref_squeeze %dma_wait3A_30 : memref<1x80xi32, #tpu.memory_space<vmem>> -> memref<80xi32, #tpu.memory_space<vmem>>
    %dma_wait3A_32 = arith.constant 0 : i32
    %dma_wait3A_33 = tpu.memref_slice %arg17[%dma_wait3A_32] : memref<10240xf32, #tpu.memory_space<vmem_shared>> -> memref<10240xf32, #tpu.memory_space<vmem_shared>>
    tpu.wait_indirect_dma semaphore(%arg22 : memref<!tpu.dma_semaphore, #tpu.memory_space<semaphore_mem>>) src(%arg15 : memref<80xf32, #tpu.memory_space<vmem>>) dst(%dma_wait3A_33 : memref<10240xf32, #tpu.memory_space<vmem_shared>>)
    %dma_wait3A_34 = arith.constant 248 : i32
    %dma_wait3A_35 = arith.constant 0 : i32
    %dma_wait3A_36 = tpu.memref_slice %arg11[%dma_wait3A_34, %dma_wait3A_35] : memref<250x80xi32, #tpu.memory_space<vmem>> -> memref<1x80xi32, #tpu.memory_space<vmem>>
    %dma_wait3A_37 = tpu.memref_squeeze %dma_wait3A_36 : memref<1x80xi32, #tpu.memory_space<vmem>> -> memref<80xi32, #tpu.memory_space<vmem>>
    %dma_wait3A_38 = arith.constant 0 : i32
    %dma_wait3A_39 = tpu.memref_slice %arg17[%dma_wait3A_38] : memref<10240xf32, #tpu.memory_space<vmem_shared>> -> memref<10240xf32, #tpu.memory_space<vmem_shared>>
    tpu.wait_indirect_dma semaphore(%arg22 : memref<!tpu.dma_semaphore, #tpu.memory_space<semaphore_mem>>) src(%arg15 : memref<80xf32, #tpu.memory_space<vmem>>) dst(%dma_wait3A_39 : memref<10240xf32, #tpu.memory_space<vmem_shared>>)
    %dma_wait3A_40 = arith.constant 249 : i32
    %dma_wait3A_41 = arith.constant 0 : i32
    %dma_wait3A_42 = tpu.memref_slice %arg11[%dma_wait3A_40, %dma_wait3A_41] : memref<250x80xi32, #tpu.memory_space<vmem>> -> memref<1x80xi32, #tpu.memory_space<vmem>>
    %dma_wait3A_43 = tpu.memref_squeeze %dma_wait3A_42 : memref<1x80xi32, #tpu.memory_space<vmem>> -> memref<80xi32, #tpu.memory_space<vmem>>
    %dma_wait3A_44 = arith.constant 0 : i32
    %dma_wait3A_45 = tpu.memref_slice %arg17[%dma_wait3A_44] : memref<10240xf32, #tpu.memory_space<vmem_shared>> -> memref<10240xf32, #tpu.memory_space<vmem_shared>>
    tpu.wait_indirect_dma semaphore(%arg22 : memref<!tpu.dma_semaphore, #tpu.memory_space<semaphore_mem>>) src(%arg15 : memref<80xf32, #tpu.memory_space<vmem>>) dst(%dma_wait3A_45 : memref<10240xf32, #tpu.memory_space<vmem_shared>>)
    %barrier3A_46 = arith.constant 0 : index
    tpu.barrier barrier_id(%barrier3A_46)
    %mul3A_47 = arith.constant 2 : i32
    %mul3A_48 = arith.muli %arg0, %mul3A_47 : i32
    %add3A_49 = arith.constant 0 : i32
    %add3A_50 = arith.addi %mul3A_48, %add3A_49 : i32
    %mul3A_51 = arith.constant 328 : i32
    %mul3A_52 = arith.muli %arg1, %mul3A_51 : i32
    %mul3A_53 = arith.constant 328 : i32
    %mul3A_54 = arith.muli %arg1, %mul3A_53 : i32
    "tpu.region"() ({
      %run_scoped3A = tpu.sem_alloc : memref<!tpu.dma_semaphore, #tpu.memory_space<semaphore_mem>>
      %dma_start3A_94 = arith.constant 0 : i32
      %dma_start3A_95 = tpu.memref_slice %arg8[%add3A_50, %mul3A_54, %dma_start3A_94] : memref<4x5248x128xf32, #tpu.memory_space<hbm>> -> memref<1x328x128xf32, #tpu.memory_space<hbm>>
      %dma_start3A_96 = tpu.memref_squeeze %dma_start3A_95 : memref<1x328x128xf32, #tpu.memory_space<hbm>> -> memref<328x128xf32, #tpu.memory_space<hbm>>
      %dma_start3A_97 = arith.constant 0 : i32
      %dma_start3A_98 = tpu.memref_slice %arg16[%mul3A_52, %dma_start3A_97] : memref<5248x128xf32, #tpu.memory_space<vmem_shared>> -> memref<328x128xf32, #tpu.memory_space<vmem_shared>>
      tpu.enqueue_dma source(%dma_start3A_98 : memref<328x128xf32, #tpu.memory_space<vmem_shared>>) target(%dma_start3A_96 : memref<328x128xf32, #tpu.memory_space<hbm>>) target_semaphore(%run_scoped3A : memref<!tpu.dma_semaphore, #tpu.memory_space<semaphore_mem>>)
      %dma_wait3A_99 = arith.constant 0 : i32
      %dma_wait3A_100 = tpu.memref_slice %arg8[%add3A_50, %mul3A_54, %dma_wait3A_99] : memref<4x5248x128xf32, #tpu.memory_space<hbm>> -> memref<1x328x128xf32, #tpu.memory_space<hbm>>
      %dma_wait3A_101 = tpu.memref_squeeze %dma_wait3A_100 : memref<1x328x128xf32, #tpu.memory_space<hbm>> -> memref<328x128xf32, #tpu.memory_space<hbm>>
      %dma_wait3A_102 = arith.constant 0 : i32
      %dma_wait3A_103 = tpu.memref_slice %arg16[%mul3A_52, %dma_wait3A_102] : memref<5248x128xf32, #tpu.memory_space<vmem_shared>> -> memref<328x128xf32, #tpu.memory_space<vmem_shared>>
      tpu.wait_dma2 semaphore(%run_scoped3A : memref<!tpu.dma_semaphore, #tpu.memory_space<semaphore_mem>>) src(%dma_wait3A_103 : memref<328x128xf32, #tpu.memory_space<vmem_shared>>) dst(%dma_wait3A_101 : memref<328x128xf32, #tpu.memory_space<hbm>>)
      tpu.yield
    }) : () -> ()
    %eq3A_55 = arith.constant 0 : i32
    %eq3A_56 = arith.cmpi eq, %arg1, %eq3A_55 : i32
    %convert_element_type3A_57 = arith.extui %eq3A_56 : i1 to i32
    %cond3A_58 = arith.constant 0 : i32
    %cond3A_59 = arith.cmpi ne, %convert_element_type3A_57, %cond3A_58 : i32
    scf.if %cond3A_59 {
      "tpu.region"() ({
        %run_scoped3A = tpu.sem_alloc : memref<!tpu.dma_semaphore, #tpu.memory_space<semaphore_mem>>
        %dma_start3A_94 = arith.constant 0 : i32
        %dma_start3A_95 = tpu.memref_slice %arg9[%arg0, %dma_start3A_94] : memref<2x10240xf32, #tpu.memory_space<hbm>> -> memref<1x10240xf32, #tpu.memory_space<hbm>>
        %dma_start3A_96 = tpu.memref_squeeze %dma_start3A_95 : memref<1x10240xf32, #tpu.memory_space<hbm>> -> memref<10240xf32, #tpu.memory_space<hbm>>
        tpu.enqueue_dma source(%arg17 : memref<10240xf32, #tpu.memory_space<vmem_shared>>) target(%dma_start3A_96 : memref<10240xf32, #tpu.memory_space<hbm>>) target_semaphore(%run_scoped3A : memref<!tpu.dma_semaphore, #tpu.memory_space<semaphore_mem>>)
        %dma_wait3A_97 = arith.constant 0 : i32
        %dma_wait3A_98 = tpu.memref_slice %arg9[%arg0, %dma_wait3A_97] : memref<2x10240xf32, #tpu.memory_space<hbm>> -> memref<1x10240xf32, #tpu.memory_space<hbm>>
        %dma_wait3A_99 = tpu.memref_squeeze %dma_wait3A_98 : memref<1x10240xf32, #tpu.memory_space<hbm>> -> memref<10240xf32, #tpu.memory_space<hbm>>
        tpu.wait_dma2 semaphore(%run_scoped3A : memref<!tpu.dma_semaphore, #tpu.memory_space<semaphore_mem>>) src(%arg17 : memref<10240xf32, #tpu.memory_space<vmem_shared>>) dst(%dma_wait3A_99 : memref<10240xf32, #tpu.memory_space<hbm>>)
        tpu.yield
      }) : () -> ()
    } else {
    }
    %barrier3A_60 = arith.constant 0 : index
    tpu.barrier barrier_id(%barrier3A_60)
    %mul3A_61 = arith.constant 328 : i32
    %mul3A_62 = arith.muli %arg1, %mul3A_61 : i32
    "tpu.region"() ({
      %run_scoped3A = tpu.sem_alloc : memref<!tpu.dma_semaphore, #tpu.memory_space<semaphore_mem>>
      %dma_start3A_94 = arith.constant 0 : i32
      %dma_start3A_95 = tpu.memref_slice %arg16[%mul3A_62, %dma_start3A_94] : memref<5248x128xf32, #tpu.memory_space<vmem_shared>> -> memref<328x128xf32, #tpu.memory_space<vmem_shared>>
      tpu.enqueue_dma source(%arg5 : memref<328x128xf32, #tpu.memory_space<hbm>>) target(%dma_start3A_95 : memref<328x128xf32, #tpu.memory_space<vmem_shared>>) target_semaphore(%run_scoped3A : memref<!tpu.dma_semaphore, #tpu.memory_space<semaphore_mem>>)
      %dma_wait3A_96 = arith.constant 0 : i32
      %dma_wait3A_97 = tpu.memref_slice %arg16[%mul3A_62, %dma_wait3A_96] : memref<5248x128xf32, #tpu.memory_space<vmem_shared>> -> memref<328x128xf32, #tpu.memory_space<vmem_shared>>
      tpu.wait_dma2 semaphore(%run_scoped3A : memref<!tpu.dma_semaphore, #tpu.memory_space<semaphore_mem>>) src(%arg5 : memref<328x128xf32, #tpu.memory_space<hbm>>) dst(%dma_wait3A_97 : memref<328x128xf32, #tpu.memory_space<vmem_shared>>)
      tpu.yield
    }) : () -> ()
    %barrier3A_63 = arith.constant 0 : index
    tpu.barrier barrier_id(%barrier3A_63)
    %dma_start3A_64 = arith.constant 0 : i32
    %dma_start3A_65 = arith.constant 0 : i32
    %dma_start3A_66 = tpu.memref_slice %arg10[%dma_start3A_64, %dma_start3A_65] : memref<250x80xi32, #tpu.memory_space<vmem>> -> memref<1x80xi32, #tpu.memory_space<vmem>>
    %dma_start3A_67 = tpu.memref_squeeze %dma_start3A_66 : memref<1x80xi32, #tpu.memory_space<vmem>> -> memref<80xi32, #tpu.memory_space<vmem>>
    %dma_start3A_68 = arith.constant 0 : i32
    %dma_start3A_69 = arith.constant 0 : i32
    %dma_start3A_70 = tpu.memref_slice %arg2[%dma_start3A_68, %dma_start3A_69] : memref<20480x128xf32, #tpu.memory_space<hbm>> -> memref<20480x128xf32, #tpu.memory_space<hbm>>
    tpu.enqueue_indirect_dma source(%dma_start3A_70 : memref<20480x128xf32, #tpu.memory_space<hbm>>) target(%arg13 : memref<80x128xf32, #tpu.memory_space<vmem>>) offsets(%dma_start3A_67 : memref<80xi32, #tpu.memory_space<vmem>>) semaphore(%arg18 : memref<!tpu.dma_semaphore, #tpu.memory_space<semaphore_mem>>)
    %scan3A_71 = arith.constant 0 : i32
    %scan3A_72 = arith.constant 0 : i32
    %scan3A_73 = arith.constant 125 : i32
    %scan3A_74 = arith.addi %scan3A_72, %scan3A_73 : i32
    %scan3A_75 = arith.constant 1 : i32
    scf.for %scan3A_94 = %scan3A_72 to %scan3A_74 step %scan3A_75  : i32 {
      %mul3A_95 = arith.constant 2 : i32
      %mul3A_96 = arith.muli %mul3A_95, %scan3A_94 : i32
      %add3A_97 = arith.constant 0 : i32
      %add3A_98 = arith.addi %mul3A_96, %add3A_97 : i32
      %ge3A = arith.constant 1 : i32
      %ge3A_99 = arith.cmpi sge, %scan3A_94, %ge3A : i32
      %convert_element_type3A_100 = arith.extui %ge3A_99 : i1 to i32
      %cond3A_101 = arith.constant 0 : i32
      %cond3A_102 = arith.cmpi ne, %convert_element_type3A_100, %cond3A_101 : i32
      scf.if %cond3A_102 {
        %sub3A_471 = arith.constant 1 : i32
        %sub3A_472 = arith.subi %add3A_98, %sub3A_471 : i32
        %jit3A_473 = arith.constant 8 : i32
        %eq3A_474 = arith.constant 0 : i32
        %eq3A_475 = arith.cmpi eq, %jit3A_473, %eq3A_474 : i32
        %jit3A_476 = arith.constant 1 : i32
        %select_n3A_477 = arith.select %eq3A_475, %jit3A_476, %jit3A_473 : i32
        %rem3A_478 = arith.remsi %sub3A_472, %select_n3A_477 : i32
        %ne3A_479 = arith.constant 0 : i32
        %ne3A_480 = arith.cmpi ne, %rem3A_478, %ne3A_479 : i32
        %lt3A_481 = arith.constant 0 : i32
        %lt3A_482 = arith.cmpi slt, %rem3A_478, %lt3A_481 : i32
        %lt3A_483 = arith.constant 0 : i32
        %lt3A_484 = arith.cmpi slt, %select_n3A_477, %lt3A_483 : i32
        %ne3A_485 = arith.xori %lt3A_482, %lt3A_484 : i1
        %and3A_486 = arith.andi %ne3A_485, %ne3A_480 : i1
        %add3A_487 = arith.addi %rem3A_478, %select_n3A_477 : i32
        %select_n3A_488 = arith.select %and3A_486, %add3A_487, %rem3A_478 : i32
        %dma_wait3A_489 = arith.constant 0 : i32
        %dma_wait3A_490 = tpu.memref_slice %arg12[%select_n3A_488, %dma_wait3A_489] : memref<8x80xi32, #tpu.memory_space<vmem>> -> memref<1x80xi32, #tpu.memory_space<vmem>>
        %dma_wait3A_491 = tpu.memref_squeeze %dma_wait3A_490 : memref<1x80xi32, #tpu.memory_space<vmem>> -> memref<80xi32, #tpu.memory_space<vmem>>
        %dma_wait3A_492 = arith.constant 0 : i32
        %dma_wait3A_493 = arith.constant 0 : i32
        %dma_wait3A_494 = tpu.memref_slice %arg16[%dma_wait3A_492, %dma_wait3A_493] : memref<5248x128xf32, #tpu.memory_space<vmem_shared>> -> memref<5248x128xf32, #tpu.memory_space<vmem_shared>>
        tpu.wait_indirect_dma semaphore(%arg21 : memref<!tpu.dma_semaphore, #tpu.memory_space<semaphore_mem>>) src(%arg14 : memref<80x128xf32, #tpu.memory_space<vmem>>) dst(%dma_wait3A_494 : memref<5248x128xf32, #tpu.memory_space<vmem_shared>>)
      } else {
      }
      %add3A_103 = arith.constant 1 : i32
      %add3A_104 = arith.addi %add3A_98, %add3A_103 : i32
      %dma_start3A_105 = arith.constant 0 : i32
      %dma_start3A_106 = tpu.memref_slice %arg10[%add3A_104, %dma_start3A_105] : memref<250x80xi32, #tpu.memory_space<vmem>> -> memref<1x80xi32, #tpu.memory_space<vmem>>
      %dma_start3A_107 = tpu.memref_squeeze %dma_start3A_106 : memref<1x80xi32, #tpu.memory_space<vmem>> -> memref<80xi32, #tpu.memory_space<vmem>>
      %dma_start3A_108 = arith.constant 0 : i32
      %dma_start3A_109 = arith.constant 0 : i32
      %dma_start3A_110 = tpu.memref_slice %arg2[%dma_start3A_108, %dma_start3A_109] : memref<20480x128xf32, #tpu.memory_space<hbm>> -> memref<20480x128xf32, #tpu.memory_space<hbm>>
      tpu.enqueue_indirect_dma source(%dma_start3A_110 : memref<20480x128xf32, #tpu.memory_space<hbm>>) target(%arg14 : memref<80x128xf32, #tpu.memory_space<vmem>>) offsets(%dma_start3A_107 : memref<80xi32, #tpu.memory_space<vmem>>) semaphore(%arg19 : memref<!tpu.dma_semaphore, #tpu.memory_space<semaphore_mem>>)
      %dma_wait3A_111 = arith.constant 0 : i32
      %dma_wait3A_112 = tpu.memref_slice %arg10[%add3A_98, %dma_wait3A_111] : memref<250x80xi32, #tpu.memory_space<vmem>> -> memref<1x80xi32, #tpu.memory_space<vmem>>
      %dma_wait3A_113 = tpu.memref_squeeze %dma_wait3A_112 : memref<1x80xi32, #tpu.memory_space<vmem>> -> memref<80xi32, #tpu.memory_space<vmem>>
      %dma_wait3A_114 = arith.constant 0 : i32
      %dma_wait3A_115 = arith.constant 0 : i32
      %dma_wait3A_116 = tpu.memref_slice %arg2[%dma_wait3A_114, %dma_wait3A_115] : memref<20480x128xf32, #tpu.memory_space<hbm>> -> memref<20480x128xf32, #tpu.memory_space<hbm>>
      tpu.wait_indirect_dma semaphore(%arg18 : memref<!tpu.dma_semaphore, #tpu.memory_space<semaphore_mem>>) src(%dma_wait3A_116 : memref<20480x128xf32, #tpu.memory_space<hbm>>) dst(%arg13 : memref<80x128xf32, #tpu.memory_space<vmem>>)
      %jit3A = arith.constant 8 : i32
      %eq3A_117 = arith.constant 0 : i32
      %eq3A_118 = arith.cmpi eq, %jit3A, %eq3A_117 : i32
      %jit3A_119 = arith.constant 1 : i32
      %select_n3A = arith.select %eq3A_118, %jit3A_119, %jit3A : i32
      %rem3A = arith.remsi %add3A_98, %select_n3A : i32
      %ne3A = arith.constant 0 : i32
      %ne3A_120 = arith.cmpi ne, %rem3A, %ne3A : i32
      %lt3A = arith.constant 0 : i32
      %lt3A_121 = arith.cmpi slt, %rem3A, %lt3A : i32
      %lt3A_122 = arith.constant 0 : i32
      %lt3A_123 = arith.cmpi slt, %select_n3A, %lt3A_122 : i32
      %ne3A_124 = arith.xori %lt3A_121, %lt3A_123 : i1
      %and3A = arith.andi %ne3A_124, %ne3A_120 : i1
      %add3A_125 = arith.addi %rem3A, %select_n3A : i32
      %select_n3A_126 = arith.select %and3A, %add3A_125, %rem3A : i32
      %get3A = arith.constant 0 : i32
      %get3A_127 = tpu.memref_slice %arg11[%add3A_98, %get3A] : memref<250x80xi32, #tpu.memory_space<vmem>> -> memref<1x80xi32, #tpu.memory_space<vmem>>
      %get3A_128 = tpu.memref_squeeze %get3A_127 : memref<1x80xi32, #tpu.memory_space<vmem>> -> memref<80xi32, #tpu.memory_space<vmem>>
      %get3A_129 = arith.constant 0 : index
      %get3A_130 = tpu.vector_load %get3A_128[%get3A_129] {strides = array<i32>} : memref<80xi32, #tpu.memory_space<vmem>>, vector<16xi32>,
      %get3A_131 = vector.shape_cast %get3A_130 : vector<16xi32> to vector<16xi32>
      %sub3A = arith.constant 5120 : i32
      %sub3A_132 = vector.broadcast %sub3A : i32 to vector<16xi32>
      %sub3A_133 = arith.subi %get3A_131, %sub3A_132 : vector<16xi32>
      %lt3A_134 = arith.constant 0 : i32
      %lt3A_135 = vector.broadcast %lt3A_134 : i32 to vector<16xi32>
      %lt3A_136 = arith.cmpi slt, %sub3A_133, %lt3A_135 : vector<16xi32>
      %jit3A_137 = arith.constant 5120 : i32
      %broadcast_in_dim3A = vector.broadcast %jit3A_137 : i32 to vector<16xi32>
      %select_n3A_138 = arith.select %lt3A_136, %broadcast_in_dim3A, %sub3A_133 : vector<16xi1>, vector<16xi32>
      %min3A = arith.constant 5120 : i32
      %min3A_139 = vector.broadcast %min3A : i32 to vector<16xi32>
      %min3A_140 = arith.minsi %select_n3A_138, %min3A_139 : vector<16xi32>
      %swap3A = arith.constant 0 : i32
      %swap3A_141 = tpu.memref_slice %arg12[%select_n3A_126, %swap3A] : memref<8x80xi32, #tpu.memory_space<vmem>> -> memref<1x80xi32, #tpu.memory_space<vmem>>
      %swap3A_142 = tpu.memref_squeeze %swap3A_141 : memref<1x80xi32, #tpu.memory_space<vmem>> -> memref<80xi32, #tpu.memory_space<vmem>>
      %swap3A_143 = arith.constant 0 : index
      %swap3A_144 = tpu.vector_load %swap3A_142[%swap3A_143] {strides = array<i32>} : memref<80xi32, #tpu.memory_space<vmem>>, vector<16xi32>,
      %swap3A_145 = vector.shape_cast %swap3A_144 : vector<16xi32> to vector<16xi32>
      %swap3A_146 = vector.shape_cast %min3A_140 : vector<16xi32> to vector<16xi32>
      tpu.vector_store %swap3A_142[%swap3A_143], %swap3A_146 {strides = array<i32>} : memref<80xi32, #tpu.memory_space<vmem>>, vector<16xi32>,
      %get3A_147 = arith.constant 0 : i32
      %get3A_148 = tpu.memref_slice %arg11[%add3A_98, %get3A_147] : memref<250x80xi32, #tpu.memory_space<vmem>> -> memref<1x80xi32, #tpu.memory_space<vmem>>
      %get3A_149 = tpu.memref_squeeze %get3A_148 : memref<1x80xi32, #tpu.memory_space<vmem>> -> memref<80xi32, #tpu.memory_space<vmem>>
      %get3A_150 = arith.constant 16 : index
      %get3A_151 = tpu.vector_load %get3A_149[%get3A_150] {strides = array<i32>} : memref<80xi32, #tpu.memory_space<vmem>>, vector<16xi32>,
      %get3A_152 = vector.shape_cast %get3A_151 : vector<16xi32> to vector<16xi32>
      %sub3A_153 = arith.constant 5120 : i32
      %sub3A_154 = vector.broadcast %sub3A_153 : i32 to vector<16xi32>
      %sub3A_155 = arith.subi %get3A_152, %sub3A_154 : vector<16xi32>
      %lt3A_156 = arith.constant 0 : i32
      %lt3A_157 = vector.broadcast %lt3A_156 : i32 to vector<16xi32>
      %lt3A_158 = arith.cmpi slt, %sub3A_155, %lt3A_157 : vector<16xi32>
      %jit3A_159 = arith.constant 5120 : i32
      %broadcast_in_dim3A_160 = vector.broadcast %jit3A_159 : i32 to vector<16xi32>
      %select_n3A_161 = arith.select %lt3A_158, %broadcast_in_dim3A_160, %sub3A_155 : vector<16xi1>, vector<16xi32>
      %min3A_162 = arith.constant 5120 : i32
      %min3A_163 = vector.broadcast %min3A_162 : i32 to vector<16xi32>
      %min3A_164 = arith.minsi %select_n3A_161, %min3A_163 : vector<16xi32>
      %swap3A_165 = arith.constant 0 : i32
      %swap3A_166 = tpu.memref_slice %arg12[%select_n3A_126, %swap3A_165] : memref<8x80xi32, #tpu.memory_space<vmem>> -> memref<1x80xi32, #tpu.memory_space<vmem>>
      %swap3A_167 = tpu.memref_squeeze %swap3A_166 : memref<1x80xi32, #tpu.memory_space<vmem>> -> memref<80xi32, #tpu.memory_space<vmem>>
      %swap3A_168 = arith.constant 16 : index
      %swap3A_169 = tpu.vector_load %swap3A_167[%swap3A_168] {strides = array<i32>} : memref<80xi32, #tpu.memory_space<vmem>>, vector<16xi32>,
      %swap3A_170 = vector.shape_cast %swap3A_169 : vector<16xi32> to vector<16xi32>
      %swap3A_171 = vector.shape_cast %min3A_164 : vector<16xi32> to vector<16xi32>
      tpu.vector_store %swap3A_167[%swap3A_168], %swap3A_171 {strides = array<i32>} : memref<80xi32, #tpu.memory_space<vmem>>, vector<16xi32>,
      %get3A_172 = arith.constant 0 : i32
      %get3A_173 = tpu.memref_slice %arg11[%add3A_98, %get3A_172] : memref<250x80xi32, #tpu.memory_space<vmem>> -> memref<1x80xi32, #tpu.memory_space<vmem>>
      %get3A_174 = tpu.memref_squeeze %get3A_173 : memref<1x80xi32, #tpu.memory_space<vmem>> -> memref<80xi32, #tpu.memory_space<vmem>>
      %get3A_175 = arith.constant 32 : index
      %get3A_176 = tpu.vector_load %get3A_174[%get3A_175] {strides = array<i32>} : memref<80xi32, #tpu.memory_space<vmem>>, vector<16xi32>,
      %get3A_177 = vector.shape_cast %get3A_176 : vector<16xi32> to vector<16xi32>
      %sub3A_178 = arith.constant 5120 : i32
      %sub3A_179 = vector.broadcast %sub3A_178 : i32 to vector<16xi32>
      %sub3A_180 = arith.subi %get3A_177, %sub3A_179 : vector<16xi32>
      %lt3A_181 = arith.constant 0 : i32
      %lt3A_182 = vector.broadcast %lt3A_181 : i32 to vector<16xi32>
      %lt3A_183 = arith.cmpi slt, %sub3A_180, %lt3A_182 : vector<16xi32>
      %jit3A_184 = arith.constant 5120 : i32
      %broadcast_in_dim3A_185 = vector.broadcast %jit3A_184 : i32 to vector<16xi32>
      %select_n3A_186 = arith.select %lt3A_183, %broadcast_in_dim3A_185, %sub3A_180 : vector<16xi1>, vector<16xi32>
      %min3A_187 = arith.constant 5120 : i32
      %min3A_188 = vector.broadcast %min3A_187 : i32 to vector<16xi32>
      %min3A_189 = arith.minsi %select_n3A_186, %min3A_188 : vector<16xi32>
      %swap3A_190 = arith.constant 0 : i32
      %swap3A_191 = tpu.memref_slice %arg12[%select_n3A_126, %swap3A_190] : memref<8x80xi32, #tpu.memory_space<vmem>> -> memref<1x80xi32, #tpu.memory_space<vmem>>
      %swap3A_192 = tpu.memref_squeeze %swap3A_191 : memref<1x80xi32, #tpu.memory_space<vmem>> -> memref<80xi32, #tpu.memory_space<vmem>>
      %swap3A_193 = arith.constant 32 : index
      %swap3A_194 = tpu.vector_load %swap3A_192[%swap3A_193] {strides = array<i32>} : memref<80xi32, #tpu.memory_space<vmem>>, vector<16xi32>,
      %swap3A_195 = vector.shape_cast %swap3A_194 : vector<16xi32> to vector<16xi32>
      %swap3A_196 = vector.shape_cast %min3A_189 : vector<16xi32> to vector<16xi32>
      tpu.vector_store %swap3A_192[%swap3A_193], %swap3A_196 {strides = array<i32>} : memref<80xi32, #tpu.memory_space<vmem>>, vector<16xi32>,
      %get3A_197 = arith.constant 0 : i32
      %get3A_198 = tpu.memref_slice %arg11[%add3A_98, %get3A_197] : memref<250x80xi32, #tpu.memory_space<vmem>> -> memref<1x80xi32, #tpu.memory_space<vmem>>
      %get3A_199 = tpu.memref_squeeze %get3A_198 : memref<1x80xi32, #tpu.memory_space<vmem>> -> memref<80xi32, #tpu.memory_space<vmem>>
      %get3A_200 = arith.constant 48 : index
      %get3A_201 = tpu.vector_load %get3A_199[%get3A_200] {strides = array<i32>} : memref<80xi32, #tpu.memory_space<vmem>>, vector<16xi32>,
      %get3A_202 = vector.shape_cast %get3A_201 : vector<16xi32> to vector<16xi32>
      %sub3A_203 = arith.constant 5120 : i32
      %sub3A_204 = vector.broadcast %sub3A_203 : i32 to vector<16xi32>
      %sub3A_205 = arith.subi %get3A_202, %sub3A_204 : vector<16xi32>
      %lt3A_206 = arith.constant 0 : i32
      %lt3A_207 = vector.broadcast %lt3A_206 : i32 to vector<16xi32>
      %lt3A_208 = arith.cmpi slt, %sub3A_205, %lt3A_207 : vector<16xi32>
      %jit3A_209 = arith.constant 5120 : i32
      %broadcast_in_dim3A_210 = vector.broadcast %jit3A_209 : i32 to vector<16xi32>
      %select_n3A_211 = arith.select %lt3A_208, %broadcast_in_dim3A_210, %sub3A_205 : vector<16xi1>, vector<16xi32>
      %min3A_212 = arith.constant 5120 : i32
      %min3A_213 = vector.broadcast %min3A_212 : i32 to vector<16xi32>
      %min3A_214 = arith.minsi %select_n3A_211, %min3A_213 : vector<16xi32>
      %swap3A_215 = arith.constant 0 : i32
      %swap3A_216 = tpu.memref_slice %arg12[%select_n3A_126, %swap3A_215] : memref<8x80xi32, #tpu.memory_space<vmem>> -> memref<1x80xi32, #tpu.memory_space<vmem>>
      %swap3A_217 = tpu.memref_squeeze %swap3A_216 : memref<1x80xi32, #tpu.memory_space<vmem>> -> memref<80xi32, #tpu.memory_space<vmem>>
      %swap3A_218 = arith.constant 48 : index
      %swap3A_219 = tpu.vector_load %swap3A_217[%swap3A_218] {strides = array<i32>} : memref<80xi32, #tpu.memory_space<vmem>>, vector<16xi32>,
      %swap3A_220 = vector.shape_cast %swap3A_219 : vector<16xi32> to vector<16xi32>
      %swap3A_221 = vector.shape_cast %min3A_214 : vector<16xi32> to vector<16xi32>
      tpu.vector_store %swap3A_217[%swap3A_218], %swap3A_221 {strides = array<i32>} : memref<80xi32, #tpu.memory_space<vmem>>, vector<16xi32>,
      %get3A_222 = arith.constant 0 : i32
      %get3A_223 = tpu.memref_slice %arg11[%add3A_98, %get3A_222] : memref<250x80xi32, #tpu.memory_space<vmem>> -> memref<1x80xi32, #tpu.memory_space<vmem>>
      %get3A_224 = tpu.memref_squeeze %get3A_223 : memref<1x80xi32, #tpu.memory_space<vmem>> -> memref<80xi32, #tpu.memory_space<vmem>>
      %get3A_225 = arith.constant 64 : index
      %get3A_226 = tpu.vector_load %get3A_224[%get3A_225] {strides = array<i32>} : memref<80xi32, #tpu.memory_space<vmem>>, vector<16xi32>,
      %get3A_227 = vector.shape_cast %get3A_226 : vector<16xi32> to vector<16xi32>
      %sub3A_228 = arith.constant 5120 : i32
      %sub3A_229 = vector.broadcast %sub3A_228 : i32 to vector<16xi32>
      %sub3A_230 = arith.subi %get3A_227, %sub3A_229 : vector<16xi32>
      %lt3A_231 = arith.constant 0 : i32
      %lt3A_232 = vector.broadcast %lt3A_231 : i32 to vector<16xi32>
      %lt3A_233 = arith.cmpi slt, %sub3A_230, %lt3A_232 : vector<16xi32>
      %jit3A_234 = arith.constant 5120 : i32
      %broadcast_in_dim3A_235 = vector.broadcast %jit3A_234 : i32 to vector<16xi32>
      %select_n3A_236 = arith.select %lt3A_233, %broadcast_in_dim3A_235, %sub3A_230 : vector<16xi1>, vector<16xi32>
      %min3A_237 = arith.constant 5120 : i32
      %min3A_238 = vector.broadcast %min3A_237 : i32 to vector<16xi32>
      %min3A_239 = arith.minsi %select_n3A_236, %min3A_238 : vector<16xi32>
      %swap3A_240 = arith.constant 0 : i32
      %swap3A_241 = tpu.memref_slice %arg12[%select_n3A_126, %swap3A_240] : memref<8x80xi32, #tpu.memory_space<vmem>> -> memref<1x80xi32, #tpu.memory_space<vmem>>
      %swap3A_242 = tpu.memref_squeeze %swap3A_241 : memref<1x80xi32, #tpu.memory_space<vmem>> -> memref<80xi32, #tpu.memory_space<vmem>>
      %swap3A_243 = arith.constant 64 : index
      %swap3A_244 = tpu.vector_load %swap3A_242[%swap3A_243] {strides = array<i32>} : memref<80xi32, #tpu.memory_space<vmem>>, vector<16xi32>,
      %swap3A_245 = vector.shape_cast %swap3A_244 : vector<16xi32> to vector<16xi32>
      %swap3A_246 = vector.shape_cast %min3A_239 : vector<16xi32> to vector<16xi32>
      tpu.vector_store %swap3A_242[%swap3A_243], %swap3A_246 {strides = array<i32>} : memref<80xi32, #tpu.memory_space<vmem>>, vector<16xi32>,
      %jit3A_247 = arith.constant 8 : i32
      %eq3A_248 = arith.constant 0 : i32
      %eq3A_249 = arith.cmpi eq, %jit3A_247, %eq3A_248 : i32
      %jit3A_250 = arith.constant 1 : i32
      %select_n3A_251 = arith.select %eq3A_249, %jit3A_250, %jit3A_247 : i32
      %rem3A_252 = arith.remsi %add3A_98, %select_n3A_251 : i32
      %ne3A_253 = arith.constant 0 : i32
      %ne3A_254 = arith.cmpi ne, %rem3A_252, %ne3A_253 : i32
      %lt3A_255 = arith.constant 0 : i32
      %lt3A_256 = arith.cmpi slt, %rem3A_252, %lt3A_255 : i32
      %lt3A_257 = arith.constant 0 : i32
      %lt3A_258 = arith.cmpi slt, %select_n3A_251, %lt3A_257 : i32
      %ne3A_259 = arith.xori %lt3A_256, %lt3A_258 : i1
      %and3A_260 = arith.andi %ne3A_259, %ne3A_254 : i1
      %add3A_261 = arith.addi %rem3A_252, %select_n3A_251 : i32
      %select_n3A_262 = arith.select %and3A_260, %add3A_261, %rem3A_252 : i32
      %dma_start3A_263 = arith.constant 0 : i32
      %dma_start3A_264 = tpu.memref_slice %arg12[%select_n3A_262, %dma_start3A_263] : memref<8x80xi32, #tpu.memory_space<vmem>> -> memref<1x80xi32, #tpu.memory_space<vmem>>
      %dma_start3A_265 = tpu.memref_squeeze %dma_start3A_264 : memref<1x80xi32, #tpu.memory_space<vmem>> -> memref<80xi32, #tpu.memory_space<vmem>>
      %dma_start3A_266 = arith.constant 0 : i32
      %dma_start3A_267 = arith.constant 0 : i32
      %dma_start3A_268 = tpu.memref_slice %arg16[%dma_start3A_266, %dma_start3A_267] : memref<5248x128xf32, #tpu.memory_space<vmem_shared>> -> memref<5248x128xf32, #tpu.memory_space<vmem_shared>>
      tpu.enqueue_indirect_dma source(%arg13 : memref<80x128xf32, #tpu.memory_space<vmem>>) target(%dma_start3A_268 : memref<5248x128xf32, #tpu.memory_space<vmem_shared>>) offsets(%dma_start3A_265 : memref<80xi32, #tpu.memory_space<vmem>>) semaphore(%arg20 : memref<!tpu.dma_semaphore, #tpu.memory_space<semaphore_mem>>) {add = true}
      %mul3A_269 = arith.constant 2 : i32
      %mul3A_270 = arith.muli %mul3A_269, %scan3A_94 : i32
      %add3A_271 = arith.constant 1 : i32
      %add3A_272 = arith.addi %mul3A_270, %add3A_271 : i32
      %sub3A_273 = arith.constant 1 : i32
      %sub3A_274 = arith.subi %add3A_272, %sub3A_273 : i32
      %jit3A_275 = arith.constant 8 : i32
      %eq3A_276 = arith.constant 0 : i32
      %eq3A_277 = arith.cmpi eq, %jit3A_275, %eq3A_276 : i32
      %jit3A_278 = arith.constant 1 : i32
      %select_n3A_279 = arith.select %eq3A_277, %jit3A_278, %jit3A_275 : i32
      %rem3A_280 = arith.remsi %sub3A_274, %select_n3A_279 : i32
      %ne3A_281 = arith.constant 0 : i32
      %ne3A_282 = arith.cmpi ne, %rem3A_280, %ne3A_281 : i32
      %lt3A_283 = arith.constant 0 : i32
      %lt3A_284 = arith.cmpi slt, %rem3A_280, %lt3A_283 : i32
      %lt3A_285 = arith.constant 0 : i32
      %lt3A_286 = arith.cmpi slt, %select_n3A_279, %lt3A_285 : i32
      %ne3A_287 = arith.xori %lt3A_284, %lt3A_286 : i1
      %and3A_288 = arith.andi %ne3A_287, %ne3A_282 : i1
      %add3A_289 = arith.addi %rem3A_280, %select_n3A_279 : i32
      %select_n3A_290 = arith.select %and3A_288, %add3A_289, %rem3A_280 : i32
      %dma_wait3A_291 = arith.constant 0 : i32
      %dma_wait3A_292 = tpu.memref_slice %arg12[%select_n3A_290, %dma_wait3A_291] : memref<8x80xi32, #tpu.memory_space<vmem>> -> memref<1x80xi32, #tpu.memory_space<vmem>>
      %dma_wait3A_293 = tpu.memref_squeeze %dma_wait3A_292 : memref<1x80xi32, #tpu.memory_space<vmem>> -> memref<80xi32, #tpu.memory_space<vmem>>
      %dma_wait3A_294 = arith.constant 0 : i32
      %dma_wait3A_295 = arith.constant 0 : i32
      %dma_wait3A_296 = tpu.memref_slice %arg16[%dma_wait3A_294, %dma_wait3A_295] : memref<5248x128xf32, #tpu.memory_space<vmem_shared>> -> memref<5248x128xf32, #tpu.memory_space<vmem_shared>>
      tpu.wait_indirect_dma semaphore(%arg20 : memref<!tpu.dma_semaphore, #tpu.memory_space<semaphore_mem>>) src(%arg13 : memref<80x128xf32, #tpu.memory_space<vmem>>) dst(%dma_wait3A_296 : memref<5248x128xf32, #tpu.memory_space<vmem_shared>>)
      %lt3A_297 = arith.constant 124 : i32
      %lt3A_298 = arith.cmpi slt, %scan3A_94, %lt3A_297 : i32
      %convert_element_type3A_299 = arith.extui %lt3A_298 : i1 to i32
      %cond3A_300 = arith.constant 0 : i32
      %cond3A_301 = arith.cmpi ne, %convert_element_type3A_299, %cond3A_300 : i32
      scf.if %cond3A_301 {
        %add3A_471 = arith.constant 1 : i32
        %add3A_472 = arith.addi %add3A_272, %add3A_471 : i32
        %dma_start3A_473 = arith.constant 0 : i32
        %dma_start3A_474 = tpu.memref_slice %arg10[%add3A_472, %dma_start3A_473] : memref<250x80xi32, #tpu.memory_space<vmem>> -> memref<1x80xi32, #tpu.memory_space<vmem>>
        %dma_start3A_475 = tpu.memref_squeeze %dma_start3A_474 : memref<1x80xi32, #tpu.memory_space<vmem>> -> memref<80xi32, #tpu.memory_space<vmem>>
        %dma_start3A_476 = arith.constant 0 : i32
        %dma_start3A_477 = arith.constant 0 : i32
        %dma_start3A_478 = tpu.memref_slice %arg2[%dma_start3A_476, %dma_start3A_477] : memref<20480x128xf32, #tpu.memory_space<hbm>> -> memref<20480x128xf32, #tpu.memory_space<hbm>>
        tpu.enqueue_indirect_dma source(%dma_start3A_478 : memref<20480x128xf32, #tpu.memory_space<hbm>>) target(%arg13 : memref<80x128xf32, #tpu.memory_space<vmem>>) offsets(%dma_start3A_475 : memref<80xi32, #tpu.memory_space<vmem>>) semaphore(%arg18 : memref<!tpu.dma_semaphore, #tpu.memory_space<semaphore_mem>>)
      } else {
      }
      %dma_wait3A_302 = arith.constant 0 : i32
      %dma_wait3A_303 = tpu.memref_slice %arg10[%add3A_272, %dma_wait3A_302] : memref<250x80xi32, #tpu.memory_space<vmem>> -> memref<1x80xi32, #tpu.memory_space<vmem>>
      %dma_wait3A_304 = tpu.memref_squeeze %dma_wait3A_303 : memref<1x80xi32, #tpu.memory_space<vmem>> -> memref<80xi32, #tpu.memory_space<vmem>>
      %dma_wait3A_305 = arith.constant 0 : i32
      %dma_wait3A_306 = arith.constant 0 : i32
      %dma_wait3A_307 = tpu.memref_slice %arg2[%dma_wait3A_305, %dma_wait3A_306] : memref<20480x128xf32, #tpu.memory_space<hbm>> -> memref<20480x128xf32, #tpu.memory_space<hbm>>
      tpu.wait_indirect_dma semaphore(%arg19 : memref<!tpu.dma_semaphore, #tpu.memory_space<semaphore_mem>>) src(%dma_wait3A_307 : memref<20480x128xf32, #tpu.memory_space<hbm>>) dst(%arg14 : memref<80x128xf32, #tpu.memory_space<vmem>>)
      %jit3A_308 = arith.constant 8 : i32
      %eq3A_309 = arith.constant 0 : i32
      %eq3A_310 = arith.cmpi eq, %jit3A_308, %eq3A_309 : i32
      %jit3A_311 = arith.constant 1 : i32
      %select_n3A_312 = arith.select %eq3A_310, %jit3A_311, %jit3A_308 : i32
      %rem3A_313 = arith.remsi %add3A_272, %select_n3A_312 : i32
      %ne3A_314 = arith.constant 0 : i32
      %ne3A_315 = arith.cmpi ne, %rem3A_313, %ne3A_314 : i32
      %lt3A_316 = arith.constant 0 : i32
      %lt3A_317 = arith.cmpi slt, %rem3A_313, %lt3A_316 : i32
      %lt3A_318 = arith.constant 0 : i32
      %lt3A_319 = arith.cmpi slt, %select_n3A_312, %lt3A_318 : i32
      %ne3A_320 = arith.xori %lt3A_317, %lt3A_319 : i1
      %and3A_321 = arith.andi %ne3A_320, %ne3A_315 : i1
      %add3A_322 = arith.addi %rem3A_313, %select_n3A_312 : i32
      %select_n3A_323 = arith.select %and3A_321, %add3A_322, %rem3A_313 : i32
      %get3A_324 = arith.constant 0 : i32
      %get3A_325 = tpu.memref_slice %arg11[%add3A_272, %get3A_324] : memref<250x80xi32, #tpu.memory_space<vmem>> -> memref<1x80xi32, #tpu.memory_space<vmem>>
      %get3A_326 = tpu.memref_squeeze %get3A_325 : memref<1x80xi32, #tpu.memory_space<vmem>> -> memref<80xi32, #tpu.memory_space<vmem>>
      %get3A_327 = arith.constant 0 : index
      %get3A_328 = tpu.vector_load %get3A_326[%get3A_327] {strides = array<i32>} : memref<80xi32, #tpu.memory_space<vmem>>, vector<16xi32>,
      %get3A_329 = vector.shape_cast %get3A_328 : vector<16xi32> to vector<16xi32>
      %sub3A_330 = arith.constant 5120 : i32
      %sub3A_331 = vector.broadcast %sub3A_330 : i32 to vector<16xi32>
      %sub3A_332 = arith.subi %get3A_329, %sub3A_331 : vector<16xi32>
      %lt3A_333 = arith.constant 0 : i32
      %lt3A_334 = vector.broadcast %lt3A_333 : i32 to vector<16xi32>
      %lt3A_335 = arith.cmpi slt, %sub3A_332, %lt3A_334 : vector<16xi32>
      %jit3A_336 = arith.constant 5120 : i32
      %broadcast_in_dim3A_337 = vector.broadcast %jit3A_336 : i32 to vector<16xi32>
      %select_n3A_338 = arith.select %lt3A_335, %broadcast_in_dim3A_337, %sub3A_332 : vector<16xi1>, vector<16xi32>
      %min3A_339 = arith.constant 5120 : i32
      %min3A_340 = vector.broadcast %min3A_339 : i32 to vector<16xi32>
      %min3A_341 = arith.minsi %select_n3A_338, %min3A_340 : vector<16xi32>
      %swap3A_342 = arith.constant 0 : i32
      %swap3A_343 = tpu.memref_slice %arg12[%select_n3A_323, %swap3A_342] : memref<8x80xi32, #tpu.memory_space<vmem>> -> memref<1x80xi32, #tpu.memory_space<vmem>>
      %swap3A_344 = tpu.memref_squeeze %swap3A_343 : memref<1x80xi32, #tpu.memory_space<vmem>> -> memref<80xi32, #tpu.memory_space<vmem>>
      %swap3A_345 = arith.constant 0 : index
      %swap3A_346 = tpu.vector_load %swap3A_344[%swap3A_345] {strides = array<i32>} : memref<80xi32, #tpu.memory_space<vmem>>, vector<16xi32>,
      %swap3A_347 = vector.shape_cast %swap3A_346 : vector<16xi32> to vector<16xi32>
      %swap3A_348 = vector.shape_cast %min3A_341 : vector<16xi32> to vector<16xi32>
      tpu.vector_store %swap3A_344[%swap3A_345], %swap3A_348 {strides = array<i32>} : memref<80xi32, #tpu.memory_space<vmem>>, vector<16xi32>,
      %get3A_349 = arith.constant 0 : i32
      %get3A_350 = tpu.memref_slice %arg11[%add3A_272, %get3A_349] : memref<250x80xi32, #tpu.memory_space<vmem>> -> memref<1x80xi32, #tpu.memory_space<vmem>>
      %get3A_351 = tpu.memref_squeeze %get3A_350 : memref<1x80xi32, #tpu.memory_space<vmem>> -> memref<80xi32, #tpu.memory_space<vmem>>
      %get3A_352 = arith.constant 16 : index
      %get3A_353 = tpu.vector_load %get3A_351[%get3A_352] {strides = array<i32>} : memref<80xi32, #tpu.memory_space<vmem>>, vector<16xi32>,
      %get3A_354 = vector.shape_cast %get3A_353 : vector<16xi32> to vector<16xi32>
      %sub3A_355 = arith.constant 5120 : i32
      %sub3A_356 = vector.broadcast %sub3A_355 : i32 to vector<16xi32>
      %sub3A_357 = arith.subi %get3A_354, %sub3A_356 : vector<16xi32>
      %lt3A_358 = arith.constant 0 : i32
      %lt3A_359 = vector.broadcast %lt3A_358 : i32 to vector<16xi32>
      %lt3A_360 = arith.cmpi slt, %sub3A_357, %lt3A_359 : vector<16xi32>
      %jit3A_361 = arith.constant 5120 : i32
      %broadcast_in_dim3A_362 = vector.broadcast %jit3A_361 : i32 to vector<16xi32>
      %select_n3A_363 = arith.select %lt3A_360, %broadcast_in_dim3A_362, %sub3A_357 : vector<16xi1>, vector<16xi32>
      %min3A_364 = arith.constant 5120 : i32
      %min3A_365 = vector.broadcast %min3A_364 : i32 to vector<16xi32>
      %min3A_366 = arith.minsi %select_n3A_363, %min3A_365 : vector<16xi32>
      %swap3A_367 = arith.constant 0 : i32
      %swap3A_368 = tpu.memref_slice %arg12[%select_n3A_323, %swap3A_367] : memref<8x80xi32, #tpu.memory_space<vmem>> -> memref<1x80xi32, #tpu.memory_space<vmem>>
      %swap3A_369 = tpu.memref_squeeze %swap3A_368 : memref<1x80xi32, #tpu.memory_space<vmem>> -> memref<80xi32, #tpu.memory_space<vmem>>
      %swap3A_370 = arith.constant 16 : index
      %swap3A_371 = tpu.vector_load %swap3A_369[%swap3A_370] {strides = array<i32>} : memref<80xi32, #tpu.memory_space<vmem>>, vector<16xi32>,
      %swap3A_372 = vector.shape_cast %swap3A_371 : vector<16xi32> to vector<16xi32>
      %swap3A_373 = vector.shape_cast %min3A_366 : vector<16xi32> to vector<16xi32>
      tpu.vector_store %swap3A_369[%swap3A_370], %swap3A_373 {strides = array<i32>} : memref<80xi32, #tpu.memory_space<vmem>>, vector<16xi32>,
      %get3A_374 = arith.constant 0 : i32
      %get3A_375 = tpu.memref_slice %arg11[%add3A_272, %get3A_374] : memref<250x80xi32, #tpu.memory_space<vmem>> -> memref<1x80xi32, #tpu.memory_space<vmem>>
      %get3A_376 = tpu.memref_squeeze %get3A_375 : memref<1x80xi32, #tpu.memory_space<vmem>> -> memref<80xi32, #tpu.memory_space<vmem>>
      %get3A_377 = arith.constant 32 : index
      %get3A_378 = tpu.vector_load %get3A_376[%get3A_377] {strides = array<i32>} : memref<80xi32, #tpu.memory_space<vmem>>, vector<16xi32>,
      %get3A_379 = vector.shape_cast %get3A_378 : vector<16xi32> to vector<16xi32>
      %sub3A_380 = arith.constant 5120 : i32
      %sub3A_381 = vector.broadcast %sub3A_380 : i32 to vector<16xi32>
      %sub3A_382 = arith.subi %get3A_379, %sub3A_381 : vector<16xi32>
      %lt3A_383 = arith.constant 0 : i32
      %lt3A_384 = vector.broadcast %lt3A_383 : i32 to vector<16xi32>
      %lt3A_385 = arith.cmpi slt, %sub3A_382, %lt3A_384 : vector<16xi32>
      %jit3A_386 = arith.constant 5120 : i32
      %broadcast_in_dim3A_387 = vector.broadcast %jit3A_386 : i32 to vector<16xi32>
      %select_n3A_388 = arith.select %lt3A_385, %broadcast_in_dim3A_387, %sub3A_382 : vector<16xi1>, vector<16xi32>
      %min3A_389 = arith.constant 5120 : i32
      %min3A_390 = vector.broadcast %min3A_389 : i32 to vector<16xi32>
      %min3A_391 = arith.minsi %select_n3A_388, %min3A_390 : vector<16xi32>
      %swap3A_392 = arith.constant 0 : i32
      %swap3A_393 = tpu.memref_slice %arg12[%select_n3A_323, %swap3A_392] : memref<8x80xi32, #tpu.memory_space<vmem>> -> memref<1x80xi32, #tpu.memory_space<vmem>>
      %swap3A_394 = tpu.memref_squeeze %swap3A_393 : memref<1x80xi32, #tpu.memory_space<vmem>> -> memref<80xi32, #tpu.memory_space<vmem>>
      %swap3A_395 = arith.constant 32 : index
      %swap3A_396 = tpu.vector_load %swap3A_394[%swap3A_395] {strides = array<i32>} : memref<80xi32, #tpu.memory_space<vmem>>, vector<16xi32>,
      %swap3A_397 = vector.shape_cast %swap3A_396 : vector<16xi32> to vector<16xi32>
      %swap3A_398 = vector.shape_cast %min3A_391 : vector<16xi32> to vector<16xi32>
      tpu.vector_store %swap3A_394[%swap3A_395], %swap3A_398 {strides = array<i32>} : memref<80xi32, #tpu.memory_space<vmem>>, vector<16xi32>,
      %get3A_399 = arith.constant 0 : i32
      %get3A_400 = tpu.memref_slice %arg11[%add3A_272, %get3A_399] : memref<250x80xi32, #tpu.memory_space<vmem>> -> memref<1x80xi32, #tpu.memory_space<vmem>>
      %get3A_401 = tpu.memref_squeeze %get3A_400 : memref<1x80xi32, #tpu.memory_space<vmem>> -> memref<80xi32, #tpu.memory_space<vmem>>
      %get3A_402 = arith.constant 48 : index
      %get3A_403 = tpu.vector_load %get3A_401[%get3A_402] {strides = array<i32>} : memref<80xi32, #tpu.memory_space<vmem>>, vector<16xi32>,
      %get3A_404 = vector.shape_cast %get3A_403 : vector<16xi32> to vector<16xi32>
      %sub3A_405 = arith.constant 5120 : i32
      %sub3A_406 = vector.broadcast %sub3A_405 : i32 to vector<16xi32>
      %sub3A_407 = arith.subi %get3A_404, %sub3A_406 : vector<16xi32>
      %lt3A_408 = arith.constant 0 : i32
      %lt3A_409 = vector.broadcast %lt3A_408 : i32 to vector<16xi32>
      %lt3A_410 = arith.cmpi slt, %sub3A_407, %lt3A_409 : vector<16xi32>
      %jit3A_411 = arith.constant 5120 : i32
      %broadcast_in_dim3A_412 = vector.broadcast %jit3A_411 : i32 to vector<16xi32>
      %select_n3A_413 = arith.select %lt3A_410, %broadcast_in_dim3A_412, %sub3A_407 : vector<16xi1>, vector<16xi32>
      %min3A_414 = arith.constant 5120 : i32
      %min3A_415 = vector.broadcast %min3A_414 : i32 to vector<16xi32>
      %min3A_416 = arith.minsi %select_n3A_413, %min3A_415 : vector<16xi32>
      %swap3A_417 = arith.constant 0 : i32
      %swap3A_418 = tpu.memref_slice %arg12[%select_n3A_323, %swap3A_417] : memref<8x80xi32, #tpu.memory_space<vmem>> -> memref<1x80xi32, #tpu.memory_space<vmem>>
      %swap3A_419 = tpu.memref_squeeze %swap3A_418 : memref<1x80xi32, #tpu.memory_space<vmem>> -> memref<80xi32, #tpu.memory_space<vmem>>
      %swap3A_420 = arith.constant 48 : index
      %swap3A_421 = tpu.vector_load %swap3A_419[%swap3A_420] {strides = array<i32>} : memref<80xi32, #tpu.memory_space<vmem>>, vector<16xi32>,
      %swap3A_422 = vector.shape_cast %swap3A_421 : vector<16xi32> to vector<16xi32>
      %swap3A_423 = vector.shape_cast %min3A_416 : vector<16xi32> to vector<16xi32>
      tpu.vector_store %swap3A_419[%swap3A_420], %swap3A_423 {strides = array<i32>} : memref<80xi32, #tpu.memory_space<vmem>>, vector<16xi32>,
      %get3A_424 = arith.constant 0 : i32
      %get3A_425 = tpu.memref_slice %arg11[%add3A_272, %get3A_424] : memref<250x80xi32, #tpu.memory_space<vmem>> -> memref<1x80xi32, #tpu.memory_space<vmem>>
      %get3A_426 = tpu.memref_squeeze %get3A_425 : memref<1x80xi32, #tpu.memory_space<vmem>> -> memref<80xi32, #tpu.memory_space<vmem>>
      %get3A_427 = arith.constant 64 : index
      %get3A_428 = tpu.vector_load %get3A_426[%get3A_427] {strides = array<i32>} : memref<80xi32, #tpu.memory_space<vmem>>, vector<16xi32>,
      %get3A_429 = vector.shape_cast %get3A_428 : vector<16xi32> to vector<16xi32>
      %sub3A_430 = arith.constant 5120 : i32
      %sub3A_431 = vector.broadcast %sub3A_430 : i32 to vector<16xi32>
      %sub3A_432 = arith.subi %get3A_429, %sub3A_431 : vector<16xi32>
      %lt3A_433 = arith.constant 0 : i32
      %lt3A_434 = vector.broadcast %lt3A_433 : i32 to vector<16xi32>
      %lt3A_435 = arith.cmpi slt, %sub3A_432, %lt3A_434 : vector<16xi32>
      %jit3A_436 = arith.constant 5120 : i32
      %broadcast_in_dim3A_437 = vector.broadcast %jit3A_436 : i32 to vector<16xi32>
      %select_n3A_438 = arith.select %lt3A_435, %broadcast_in_dim3A_437, %sub3A_432 : vector<16xi1>, vector<16xi32>
      %min3A_439 = arith.constant 5120 : i32
      %min3A_440 = vector.broadcast %min3A_439 : i32 to vector<16xi32>
      %min3A_441 = arith.minsi %select_n3A_438, %min3A_440 : vector<16xi32>
      %swap3A_442 = arith.constant 0 : i32
      %swap3A_443 = tpu.memref_slice %arg12[%select_n3A_323, %swap3A_442] : memref<8x80xi32, #tpu.memory_space<vmem>> -> memref<1x80xi32, #tpu.memory_space<vmem>>
      %swap3A_444 = tpu.memref_squeeze %swap3A_443 : memref<1x80xi32, #tpu.memory_space<vmem>> -> memref<80xi32, #tpu.memory_space<vmem>>
      %swap3A_445 = arith.constant 64 : index
      %swap3A_446 = tpu.vector_load %swap3A_444[%swap3A_445] {strides = array<i32>} : memref<80xi32, #tpu.memory_space<vmem>>, vector<16xi32>,
      %swap3A_447 = vector.shape_cast %swap3A_446 : vector<16xi32> to vector<16xi32>
      %swap3A_448 = vector.shape_cast %min3A_441 : vector<16xi32> to vector<16xi32>
      tpu.vector_store %swap3A_444[%swap3A_445], %swap3A_448 {strides = array<i32>} : memref<80xi32, #tpu.memory_space<vmem>>, vector<16xi32>,
      %jit3A_449 = arith.constant 8 : i32
      %eq3A_450 = arith.constant 0 : i32
      %eq3A_451 = arith.cmpi eq, %jit3A_449, %eq3A_450 : i32
      %jit3A_452 = arith.constant 1 : i32
      %select_n3A_453 = arith.select %eq3A_451, %jit3A_452, %jit3A_449 : i32
      %rem3A_454 = arith.remsi %add3A_272, %select_n3A_453 : i32
      %ne3A_455 = arith.constant 0 : i32
      %ne3A_456 = arith.cmpi ne, %rem3A_454, %ne3A_455 : i32
      %lt3A_457 = arith.constant 0 : i32
      %lt3A_458 = arith.cmpi slt, %rem3A_454, %lt3A_457 : i32
      %lt3A_459 = arith.constant 0 : i32
      %lt3A_460 = arith.cmpi slt, %select_n3A_453, %lt3A_459 : i32
      %ne3A_461 = arith.xori %lt3A_458, %lt3A_460 : i1
      %and3A_462 = arith.andi %ne3A_461, %ne3A_456 : i1
      %add3A_463 = arith.addi %rem3A_454, %select_n3A_453 : i32
      %select_n3A_464 = arith.select %and3A_462, %add3A_463, %rem3A_454 : i32
      %dma_start3A_465 = arith.constant 0 : i32
      %dma_start3A_466 = tpu.memref_slice %arg12[%select_n3A_464, %dma_start3A_465] : memref<8x80xi32, #tpu.memory_space<vmem>> -> memref<1x80xi32, #tpu.memory_space<vmem>>
      %dma_start3A_467 = tpu.memref_squeeze %dma_start3A_466 : memref<1x80xi32, #tpu.memory_space<vmem>> -> memref<80xi32, #tpu.memory_space<vmem>>
      %dma_start3A_468 = arith.constant 0 : i32
      %dma_start3A_469 = arith.constant 0 : i32
      %dma_start3A_470 = tpu.memref_slice %arg16[%dma_start3A_468, %dma_start3A_469] : memref<5248x128xf32, #tpu.memory_space<vmem_shared>> -> memref<5248x128xf32, #tpu.memory_space<vmem_shared>>
      tpu.enqueue_indirect_dma source(%arg14 : memref<80x128xf32, #tpu.memory_space<vmem>>) target(%dma_start3A_470 : memref<5248x128xf32, #tpu.memory_space<vmem_shared>>) offsets(%dma_start3A_467 : memref<80xi32, #tpu.memory_space<vmem>>) semaphore(%arg21 : memref<!tpu.dma_semaphore, #tpu.memory_space<semaphore_mem>>) {add = true}
    }
    %scan3A_76 = arith.constant 125 : i32
    %dma_wait3A_77 = arith.constant 1 : i32
    %dma_wait3A_78 = arith.constant 0 : i32
    %dma_wait3A_79 = tpu.memref_slice %arg12[%dma_wait3A_77, %dma_wait3A_78] : memref<8x80xi32, #tpu.memory_space<vmem>> -> memref<1x80xi32, #tpu.memory_space<vmem>>
    %dma_wait3A_80 = tpu.memref_squeeze %dma_wait3A_79 : memref<1x80xi32, #tpu.memory_space<vmem>> -> memref<80xi32, #tpu.memory_space<vmem>>
    %dma_wait3A_81 = arith.constant 0 : i32
    %dma_wait3A_82 = arith.constant 0 : i32
    %dma_wait3A_83 = tpu.memref_slice %arg16[%dma_wait3A_81, %dma_wait3A_82] : memref<5248x128xf32, #tpu.memory_space<vmem_shared>> -> memref<5248x128xf32, #tpu.memory_space<vmem_shared>>
    tpu.wait_indirect_dma semaphore(%arg21 : memref<!tpu.dma_semaphore, #tpu.memory_space<semaphore_mem>>) src(%arg14 : memref<80x128xf32, #tpu.memory_space<vmem>>) dst(%dma_wait3A_83 : memref<5248x128xf32, #tpu.memory_space<vmem_shared>>)
    %barrier3A_84 = arith.constant 0 : index
    tpu.barrier barrier_id(%barrier3A_84)
    %mul3A_85 = arith.constant 2 : i32
    %mul3A_86 = arith.muli %arg0, %mul3A_85 : i32
    %add3A_87 = arith.constant 1 : i32
    %add3A_88 = arith.addi %mul3A_86, %add3A_87 : i32
    %mul3A_89 = arith.constant 328 : i32
    %mul3A_90 = arith.muli %arg1, %mul3A_89 : i32
    %mul3A_91 = arith.constant 328 : i32
    %mul3A_92 = arith.muli %arg1, %mul3A_91 : i32
    "tpu.region"() ({
      %run_scoped3A = tpu.sem_alloc : memref<!tpu.dma_semaphore, #tpu.memory_space<semaphore_mem>>
      %dma_start3A_94 = arith.constant 0 : i32
      %dma_start3A_95 = tpu.memref_slice %arg8[%add3A_88, %mul3A_92, %dma_start3A_94] : memref<4x5248x128xf32, #tpu.memory_space<hbm>> -> memref<1x328x128xf32, #tpu.memory_space<hbm>>
      %dma_start3A_96 = tpu.memref_squeeze %dma_start3A_95 : memref<1x328x128xf32, #tpu.memory_space<hbm>> -> memref<328x128xf32, #tpu.memory_space<hbm>>
      %dma_start3A_97 = arith.constant 0 : i32
      %dma_start3A_98 = tpu.memref_slice %arg16[%mul3A_90, %dma_start3A_97] : memref<5248x128xf32, #tpu.memory_space<vmem_shared>> -> memref<328x128xf32, #tpu.memory_space<vmem_shared>>
      tpu.enqueue_dma source(%dma_start3A_98 : memref<328x128xf32, #tpu.memory_space<vmem_shared>>) target(%dma_start3A_96 : memref<328x128xf32, #tpu.memory_space<hbm>>) target_semaphore(%run_scoped3A : memref<!tpu.dma_semaphore, #tpu.memory_space<semaphore_mem>>)
      %dma_wait3A_99 = arith.constant 0 : i32
      %dma_wait3A_100 = tpu.memref_slice %arg8[%add3A_88, %mul3A_92, %dma_wait3A_99] : memref<4x5248x128xf32, #tpu.memory_space<hbm>> -> memref<1x328x128xf32, #tpu.memory_space<hbm>>
      %dma_wait3A_101 = tpu.memref_squeeze %dma_wait3A_100 : memref<1x328x128xf32, #tpu.memory_space<hbm>> -> memref<328x128xf32, #tpu.memory_space<hbm>>
      %dma_wait3A_102 = arith.constant 0 : i32
      %dma_wait3A_103 = tpu.memref_slice %arg16[%mul3A_90, %dma_wait3A_102] : memref<5248x128xf32, #tpu.memory_space<vmem_shared>> -> memref<328x128xf32, #tpu.memory_space<vmem_shared>>
      tpu.wait_dma2 semaphore(%run_scoped3A : memref<!tpu.dma_semaphore, #tpu.memory_space<semaphore_mem>>) src(%dma_wait3A_103 : memref<328x128xf32, #tpu.memory_space<vmem_shared>>) dst(%dma_wait3A_101 : memref<328x128xf32, #tpu.memory_space<hbm>>)
      tpu.yield
    }) : () -> ()
    %barrier3A_93 = arith.constant 0 : index
    tpu.barrier barrier_id(%barrier3A_93)
    return
  }
}

module attributes {stable_mosaic.version = 14 : i64} {
  func.func @_mm_body(%arg0: i32, %arg1: memref<1024x128xf32, #tpu.memory_space<vmem>>, %arg2: memref<128x128xf32, #tpu.memory_space<vmem>>, %arg3: memref<1024x128xf32, #tpu.memory_space<vmem>>) attributes {dimension_semantics = [#tpu.dimension_semantics<arbitrary>], iteration_bounds = array<i64: 20>, scalar_prefetch = 0 : i64, scratch_operands = 0 : i64, tpu.core_type = #tpu.core_type<tc>, window_params = [{transform_indices = @transform_0, window_bounds = array<i64: 1024, 128>}, {pipeline_mode = #tpu.pipeline_mode<synchronous>, transform_indices = @transform_1, window_bounds = array<i64: 128, 128>}, {transform_indices = @transform_2, window_bounds = array<i64: 1024, 128>}]} {
    %get3A = arith.constant 0 : index
    %get3A_0 = arith.constant 0 : index
    %get3A_1 = vector.load %arg1[%get3A, %get3A_0] : memref<1024x128xf32, #tpu.memory_space<vmem>>, vector<1024x128xf32>
    %get3A_2 = arith.constant 0 : index
    %get3A_3 = arith.constant 0 : index
    %get3A_4 = vector.load %arg2[%get3A_2, %get3A_3] : memref<128x128xf32, #tpu.memory_space<vmem>>, vector<128x128xf32>
    %dot_general3A = arith.constant dense<0.000000e+00> : vector<1024x128xf32>
    %dot_general3A_5 = tpu.matmul %get3A_1, %get3A_4, %dot_general3A {dimension_numbers = #tpu.dot_dimension_numbers<[1], [0], [0], [1], [0, 0, 1, 1], [], []>, transpose_lhs_hint = false} : vector<1024x128xf32>, vector<128x128xf32>, vector<1024x128xf32> -> vector<1024x128xf32>
    %swap3A = arith.constant 0 : index
    %swap3A_6 = arith.constant 0 : index
    %swap3A_7 = vector.load %arg3[%swap3A, %swap3A_6] : memref<1024x128xf32, #tpu.memory_space<vmem>>, vector<1024x128xf32>
    tpu.vector_store %arg3[%swap3A, %swap3A_6], %dot_general3A_5 {strides = array<i32>} : memref<1024x128xf32, #tpu.memory_space<vmem>>, vector<1024x128xf32>,
    return
  }
  func.func @transform_0(%arg0: i32) -> (i32, i32) {
    %c0_i32 = arith.constant 0 : i32
    %c0_i32_0 = arith.constant 0 : i32
    return %arg0, %c0_i32 : i32, i32
  }
  func.func @transform_1(%arg0: i32) -> (i32, i32) {
    %c0_i32 = arith.constant 0 : i32
    %c0_i32_0 = arith.constant 0 : i32
    %c0_i32_1 = arith.constant 0 : i32
    return %c0_i32, %c0_i32_0 : i32, i32
  }
  func.func @transform_2(%arg0: i32) -> (i32, i32) {
    %c0_i32 = arith.constant 0 : i32
    %c0_i32_0 = arith.constant 0 : i32
    return %arg0, %c0_i32 : i32, i32
  }
}

module attributes {stable_mosaic.version = 14 : i64} {
  func.func @_layer_body(%arg0: i32, %arg1: memref<1024x128xf32, #tpu.memory_space<vmem>>, %arg2: memref<1x1024x128xf32, #tpu.memory_space<vmem>>, %arg3: memref<1024x1xf32, #tpu.memory_space<vmem>>, %arg4: memref<128x128xf32, #tpu.memory_space<vmem>>, %arg5: memref<1x128xf32, #tpu.memory_space<vmem>>, %arg6: memref<128x128xf32, #tpu.memory_space<vmem>>, %arg7: memref<1024x128xf32, #tpu.memory_space<vmem>>, %arg8: memref<1024x128xf32, #tpu.memory_space<vmem>>) attributes {dimension_semantics = [#tpu.dimension_semantics<arbitrary>], iteration_bounds = array<i64: 20>, scalar_prefetch = 0 : i64, scratch_operands = 0 : i64, tpu.core_type = #tpu.core_type<tc>, window_params = [{transform_indices = @transform_0, window_bounds = array<i64: 1024, 128>}, {transform_indices = @transform_1, window_bounds = array<i64: 1, 1024, 128>}, {transform_indices = @transform_2, window_bounds = array<i64: 1024, 1>}, {pipeline_mode = #tpu.pipeline_mode<synchronous>, transform_indices = @transform_3, window_bounds = array<i64: 128, 128>}, {pipeline_mode = #tpu.pipeline_mode<synchronous>, transform_indices = @transform_4, window_bounds = array<i64: 1, 128>}, {pipeline_mode = #tpu.pipeline_mode<synchronous>, transform_indices = @transform_5, window_bounds = array<i64: 128, 128>}, {transform_indices = @transform_6, window_bounds = array<i64: 1024, 128>}, {transform_indices = @transform_7, window_bounds = array<i64: 1024, 128>}]} {
    %get3A = arith.constant 0 : index
    %get3A_0 = arith.constant 0 : index
    %get3A_1 = vector.load %arg3[%get3A, %get3A_0] : memref<1024x1xf32, #tpu.memory_space<vmem>>, vector<1024x1xf32>
    %max3A = arith.constant 1.000000e+00 : f32
    %max3A_2 = vector.broadcast %max3A : f32 to vector<1024x1xf32>
    %max3A_3 = arith.maximumf %get3A_1, %max3A_2 : vector<1024x1xf32>
    %div3A = arith.constant 1.000000e+00 : f32
    %div3A_4 = vector.broadcast %div3A : f32 to vector<1024x1xf32>
    %div3A_5 = arith.divf %div3A_4, %max3A_3 : vector<1024x1xf32>
    %get3A_6 = arith.constant 0 : index
    %get3A_7 = arith.constant 0 : index
    %get3A_8 = vector.load %arg1[%get3A_6, %get3A_7] : memref<1024x128xf32, #tpu.memory_space<vmem>>, vector<1024x128xf32>
    %get3A_9 = arith.constant 0 : index
    %get3A_10 = arith.constant 0 : index
    %get3A_11 = vector.load %arg4[%get3A_9, %get3A_10] : memref<128x128xf32, #tpu.memory_space<vmem>>, vector<128x128xf32>
    %dot_general3A = arith.constant dense<0.000000e+00> : vector<1024x128xf32>
    %dot_general3A_12 = tpu.matmul %get3A_8, %get3A_11, %dot_general3A {dimension_numbers = #tpu.dot_dimension_numbers<[1], [0], [0], [1], [0, 0, 1, 1], [], []>, transpose_lhs_hint = false} : vector<1024x128xf32>, vector<128x128xf32>, vector<1024x128xf32> -> vector<1024x128xf32>
    %get3A_13 = arith.constant 0 : index
    %get3A_14 = arith.constant 0 : index
    %get3A_15 = arith.constant 0 : index
    %get3A_16 = vector.load %arg2[%get3A_13, %get3A_14, %get3A_15] : memref<1x1024x128xf32, #tpu.memory_space<vmem>>, vector<1x1024x128xf32>
    %get3A_17 = vector.shape_cast %get3A_16 : vector<1x1024x128xf32> to vector<1024x128xf32>
    %mul3A = vector.broadcast %div3A_5 : vector<1024x1xf32> to vector<1024x128xf32>
    %mul3A_18 = arith.mulf %get3A_17, %mul3A : vector<1024x128xf32>
    %add3A = arith.addf %dot_general3A_12, %mul3A_18 : vector<1024x128xf32>
    %get3A_19 = arith.constant 0 : index
    %get3A_20 = arith.constant 0 : index
    %get3A_21 = vector.load %arg5[%get3A_19, %get3A_20] : memref<1x128xf32, #tpu.memory_space<vmem>>, vector<1x128xf32>
    %add3A_22 = vector.broadcast %get3A_21 : vector<1x128xf32> to vector<1024x128xf32>
    %add3A_23 = arith.addf %add3A, %add3A_22 : vector<1024x128xf32>
    %max3A_24 = arith.constant 0.000000e+00 : f32
    %max3A_25 = vector.broadcast %max3A_24 : f32 to vector<1024x128xf32>
    %max3A_26 = arith.maximumf %add3A_23, %max3A_25 : vector<1024x128xf32>
    %swap3A = arith.constant 0 : index
    %swap3A_27 = arith.constant 0 : index
    %swap3A_28 = vector.load %arg7[%swap3A, %swap3A_27] : memref<1024x128xf32, #tpu.memory_space<vmem>>, vector<1024x128xf32>
    tpu.vector_store %arg7[%swap3A, %swap3A_27], %max3A_26 {strides = array<i32>} : memref<1024x128xf32, #tpu.memory_space<vmem>>, vector<1024x128xf32>,
    %get3A_29 = arith.constant 0 : index
    %get3A_30 = arith.constant 0 : index
    %get3A_31 = vector.load %arg6[%get3A_29, %get3A_30] : memref<128x128xf32, #tpu.memory_space<vmem>>, vector<128x128xf32>
    %dot_general3A_32 = arith.constant dense<0.000000e+00> : vector<1024x128xf32>
    %dot_general3A_33 = tpu.matmul %max3A_26, %get3A_31, %dot_general3A_32 {dimension_numbers = #tpu.dot_dimension_numbers<[1], [0], [0], [1], [0, 0, 1, 1], [], []>, transpose_lhs_hint = false} : vector<1024x128xf32>, vector<128x128xf32>, vector<1024x128xf32> -> vector<1024x128xf32>
    %swap3A_34 = arith.constant 0 : index
    %swap3A_35 = arith.constant 0 : index
    %swap3A_36 = vector.load %arg8[%swap3A_34, %swap3A_35] : memref<1024x128xf32, #tpu.memory_space<vmem>>, vector<1024x128xf32>
    tpu.vector_store %arg8[%swap3A_34, %swap3A_35], %dot_general3A_33 {strides = array<i32>} : memref<1024x128xf32, #tpu.memory_space<vmem>>, vector<1024x128xf32>,
    return
  }
  func.func @transform_0(%arg0: i32) -> (i32, i32) {
    %c0_i32 = arith.constant 0 : i32
    %c0_i32_0 = arith.constant 0 : i32
    return %arg0, %c0_i32 : i32, i32
  }
  func.func @transform_1(%arg0: i32) -> (i32, i32, i32) {
    %jit3A = arith.constant 10 : i32
    %div3A = arith.divsi %arg0, %jit3A : i32
    %sign3A = arith.constant 0 : i32
    %sign3A_0 = arith.cmpi sgt, %arg0, %sign3A : i32
    %sign3A_1 = arith.extui %sign3A_0 : i1 to i32
    %sign3A_2 = arith.constant 0 : i32
    %sign3A_3 = arith.cmpi slt, %arg0, %sign3A_2 : i32
    %sign3A_4 = arith.extui %sign3A_3 : i1 to i32
    %sign3A_5 = arith.subi %sign3A_1, %sign3A_4 : i32
    %sign3A_6 = arith.constant 0 : i32
    %sign3A_7 = arith.cmpi sgt, %jit3A, %sign3A_6 : i32
    %sign3A_8 = arith.extui %sign3A_7 : i1 to i32
    %sign3A_9 = arith.constant 0 : i32
    %sign3A_10 = arith.cmpi slt, %jit3A, %sign3A_9 : i32
    %sign3A_11 = arith.extui %sign3A_10 : i1 to i32
    %sign3A_12 = arith.subi %sign3A_8, %sign3A_11 : i32
    %ne3A = arith.cmpi ne, %sign3A_5, %sign3A_12 : i32
    %rem3A = arith.remsi %arg0, %jit3A : i32
    %ne3A_13 = arith.constant 0 : i32
    %ne3A_14 = arith.cmpi ne, %rem3A, %ne3A_13 : i32
    %and3A = arith.andi %ne3A, %ne3A_14 : i1
    %sub3A = arith.constant 1 : i32
    %sub3A_15 = arith.subi %div3A, %sub3A : i32
    %select_n3A = arith.select %and3A, %sub3A_15, %div3A : i32
    %mul3A = arith.constant 2 : i32
    %mul3A_16 = arith.muli %mul3A, %select_n3A : i32
    %jit3A_17 = arith.constant 10 : i32
    %eq3A = arith.constant 0 : i32
    %eq3A_18 = arith.cmpi eq, %jit3A_17, %eq3A : i32
    %jit3A_19 = arith.constant 1 : i32
    %select_n3A_20 = arith.select %eq3A_18, %jit3A_19, %jit3A_17 : i32
    %rem3A_21 = arith.remsi %arg0, %select_n3A_20 : i32
    %ne3A_22 = arith.constant 0 : i32
    %ne3A_23 = arith.cmpi ne, %rem3A_21, %ne3A_22 : i32
    %lt3A = arith.constant 0 : i32
    %lt3A_24 = arith.cmpi slt, %rem3A_21, %lt3A : i32
    %lt3A_25 = arith.constant 0 : i32
    %lt3A_26 = arith.cmpi slt, %select_n3A_20, %lt3A_25 : i32
    %ne3A_27 = arith.xori %lt3A_24, %lt3A_26 : i1
    %and3A_28 = arith.andi %ne3A_27, %ne3A_23 : i1
    %add3A = arith.addi %rem3A_21, %select_n3A_20 : i32
    %select_n3A_29 = arith.select %and3A_28, %add3A, %rem3A_21 : i32
    %jit3A_30 = arith.constant 5 : i32
    %div3A_31 = arith.divsi %select_n3A_29, %jit3A_30 : i32
    %sign3A_32 = arith.constant 0 : i32
    %sign3A_33 = arith.cmpi sgt, %select_n3A_29, %sign3A_32 : i32
    %sign3A_34 = arith.extui %sign3A_33 : i1 to i32
    %sign3A_35 = arith.constant 0 : i32
    %sign3A_36 = arith.cmpi slt, %select_n3A_29, %sign3A_35 : i32
    %sign3A_37 = arith.extui %sign3A_36 : i1 to i32
    %sign3A_38 = arith.subi %sign3A_34, %sign3A_37 : i32
    %sign3A_39 = arith.constant 0 : i32
    %sign3A_40 = arith.cmpi sgt, %jit3A_30, %sign3A_39 : i32
    %sign3A_41 = arith.extui %sign3A_40 : i1 to i32
    %sign3A_42 = arith.constant 0 : i32
    %sign3A_43 = arith.cmpi slt, %jit3A_30, %sign3A_42 : i32
    %sign3A_44 = arith.extui %sign3A_43 : i1 to i32
    %sign3A_45 = arith.subi %sign3A_41, %sign3A_44 : i32
    %ne3A_46 = arith.cmpi ne, %sign3A_38, %sign3A_45 : i32
    %rem3A_47 = arith.remsi %select_n3A_29, %jit3A_30 : i32
    %ne3A_48 = arith.constant 0 : i32
    %ne3A_49 = arith.cmpi ne, %rem3A_47, %ne3A_48 : i32
    %and3A_50 = arith.andi %ne3A_46, %ne3A_49 : i1
    %sub3A_51 = arith.constant 1 : i32
    %sub3A_52 = arith.subi %div3A_31, %sub3A_51 : i32
    %select_n3A_53 = arith.select %and3A_50, %sub3A_52, %div3A_31 : i32
    %add3A_54 = arith.addi %mul3A_16, %select_n3A_53 : i32
    %jit3A_55 = arith.constant 10 : i32
    %eq3A_56 = arith.constant 0 : i32
    %eq3A_57 = arith.cmpi eq, %jit3A_55, %eq3A_56 : i32
    %jit3A_58 = arith.constant 1 : i32
    %select_n3A_59 = arith.select %eq3A_57, %jit3A_58, %jit3A_55 : i32
    %rem3A_60 = arith.remsi %arg0, %select_n3A_59 : i32
    %ne3A_61 = arith.constant 0 : i32
    %ne3A_62 = arith.cmpi ne, %rem3A_60, %ne3A_61 : i32
    %lt3A_63 = arith.constant 0 : i32
    %lt3A_64 = arith.cmpi slt, %rem3A_60, %lt3A_63 : i32
    %lt3A_65 = arith.constant 0 : i32
    %lt3A_66 = arith.cmpi slt, %select_n3A_59, %lt3A_65 : i32
    %ne3A_67 = arith.xori %lt3A_64, %lt3A_66 : i1
    %and3A_68 = arith.andi %ne3A_67, %ne3A_62 : i1
    %add3A_69 = arith.addi %rem3A_60, %select_n3A_59 : i32
    %select_n3A_70 = arith.select %and3A_68, %add3A_69, %rem3A_60 : i32
    %jit3A_71 = arith.constant 5 : i32
    %eq3A_72 = arith.constant 0 : i32
    %eq3A_73 = arith.cmpi eq, %jit3A_71, %eq3A_72 : i32
    %jit3A_74 = arith.constant 1 : i32
    %select_n3A_75 = arith.select %eq3A_73, %jit3A_74, %jit3A_71 : i32
    %rem3A_76 = arith.remsi %select_n3A_70, %select_n3A_75 : i32
    %ne3A_77 = arith.constant 0 : i32
    %ne3A_78 = arith.cmpi ne, %rem3A_76, %ne3A_77 : i32
    %lt3A_79 = arith.constant 0 : i32
    %lt3A_80 = arith.cmpi slt, %rem3A_76, %lt3A_79 : i32
    %lt3A_81 = arith.constant 0 : i32
    %lt3A_82 = arith.cmpi slt, %select_n3A_75, %lt3A_81 : i32
    %ne3A_83 = arith.xori %lt3A_80, %lt3A_82 : i1
    %and3A_84 = arith.andi %ne3A_83, %ne3A_78 : i1
    %add3A_85 = arith.addi %rem3A_76, %select_n3A_75 : i32
    %select_n3A_86 = arith.select %and3A_84, %add3A_85, %rem3A_76 : i32
    %c0_i32 = arith.constant 0 : i32
    %c0_i32_87 = arith.constant 0 : i32
    return %add3A_54, %select_n3A_86, %c0_i32 : i32, i32, i32
  }
  func.func @transform_2(%arg0: i32) -> (i32, i32) {
    %c0_i32 = arith.constant 0 : i32
    %c0_i32_0 = arith.constant 0 : i32
    return %arg0, %c0_i32 : i32, i32
  }
  func.func @transform_3(%arg0: i32) -> (i32, i32) {
    %c0_i32 = arith.constant 0 : i32
    %c0_i32_0 = arith.constant 0 : i32
    %c0_i32_1 = arith.constant 0 : i32
    return %c0_i32, %c0_i32_0 : i32, i32
  }
  func.func @transform_4(%arg0: i32) -> (i32, i32) {
    %c0_i32 = arith.constant 0 : i32
    %c0_i32_0 = arith.constant 0 : i32
    %c0_i32_1 = arith.constant 0 : i32
    return %c0_i32, %c0_i32_0 : i32, i32
  }
  func.func @transform_5(%arg0: i32) -> (i32, i32) {
    %c0_i32 = arith.constant 0 : i32
    %c0_i32_0 = arith.constant 0 : i32
    %c0_i32_1 = arith.constant 0 : i32
    return %c0_i32, %c0_i32_0 : i32, i32
  }
  func.func @transform_6(%arg0: i32) -> (i32, i32) {
    %c0_i32 = arith.constant 0 : i32
    %c0_i32_0 = arith.constant 0 : i32
    return %arg0, %c0_i32 : i32, i32
  }
  func.func @transform_7(%arg0: i32) -> (i32, i32) {
    %c0_i32 = arith.constant 0 : i32
    %c0_i32_0 = arith.constant 0 : i32
    return %arg0, %c0_i32 : i32, i32
  }
}

module attributes {stable_mosaic.version = 14 : i64} {
  func.func @_layer_body(%arg0: i32, %arg1: memref<1024x128xf32, #tpu.memory_space<vmem>>, %arg2: memref<1x1024x128xf32, #tpu.memory_space<vmem>>, %arg3: memref<1024x1xf32, #tpu.memory_space<vmem>>, %arg4: memref<128x128xf32, #tpu.memory_space<vmem>>, %arg5: memref<1x128xf32, #tpu.memory_space<vmem>>, %arg6: memref<1024x128xf32, #tpu.memory_space<vmem>>) attributes {dimension_semantics = [#tpu.dimension_semantics<arbitrary>], iteration_bounds = array<i64: 20>, scalar_prefetch = 0 : i64, scratch_operands = 0 : i64, tpu.core_type = #tpu.core_type<tc>, window_params = [{transform_indices = @transform_0, window_bounds = array<i64: 1024, 128>}, {transform_indices = @transform_1, window_bounds = array<i64: 1, 1024, 128>}, {transform_indices = @transform_2, window_bounds = array<i64: 1024, 1>}, {pipeline_mode = #tpu.pipeline_mode<synchronous>, transform_indices = @transform_3, window_bounds = array<i64: 128, 128>}, {pipeline_mode = #tpu.pipeline_mode<synchronous>, transform_indices = @transform_4, window_bounds = array<i64: 1, 128>}, {transform_indices = @transform_5, window_bounds = array<i64: 1024, 128>}]} {
    %get3A = arith.constant 0 : index
    %get3A_0 = arith.constant 0 : index
    %get3A_1 = vector.load %arg3[%get3A, %get3A_0] : memref<1024x1xf32, #tpu.memory_space<vmem>>, vector<1024x1xf32>
    %max3A = arith.constant 1.000000e+00 : f32
    %max3A_2 = vector.broadcast %max3A : f32 to vector<1024x1xf32>
    %max3A_3 = arith.maximumf %get3A_1, %max3A_2 : vector<1024x1xf32>
    %div3A = arith.constant 1.000000e+00 : f32
    %div3A_4 = vector.broadcast %div3A : f32 to vector<1024x1xf32>
    %div3A_5 = arith.divf %div3A_4, %max3A_3 : vector<1024x1xf32>
    %get3A_6 = arith.constant 0 : index
    %get3A_7 = arith.constant 0 : index
    %get3A_8 = vector.load %arg1[%get3A_6, %get3A_7] : memref<1024x128xf32, #tpu.memory_space<vmem>>, vector<1024x128xf32>
    %get3A_9 = arith.constant 0 : index
    %get3A_10 = arith.constant 0 : index
    %get3A_11 = vector.load %arg4[%get3A_9, %get3A_10] : memref<128x128xf32, #tpu.memory_space<vmem>>, vector<128x128xf32>
    %dot_general3A = arith.constant dense<0.000000e+00> : vector<1024x128xf32>
    %dot_general3A_12 = tpu.matmul %get3A_8, %get3A_11, %dot_general3A {dimension_numbers = #tpu.dot_dimension_numbers<[1], [0], [0], [1], [0, 0, 1, 1], [], []>, transpose_lhs_hint = false} : vector<1024x128xf32>, vector<128x128xf32>, vector<1024x128xf32> -> vector<1024x128xf32>
    %get3A_13 = arith.constant 0 : index
    %get3A_14 = arith.constant 0 : index
    %get3A_15 = arith.constant 0 : index
    %get3A_16 = vector.load %arg2[%get3A_13, %get3A_14, %get3A_15] : memref<1x1024x128xf32, #tpu.memory_space<vmem>>, vector<1x1024x128xf32>
    %get3A_17 = vector.shape_cast %get3A_16 : vector<1x1024x128xf32> to vector<1024x128xf32>
    %mul3A = vector.broadcast %div3A_5 : vector<1024x1xf32> to vector<1024x128xf32>
    %mul3A_18 = arith.mulf %get3A_17, %mul3A : vector<1024x128xf32>
    %add3A = arith.addf %dot_general3A_12, %mul3A_18 : vector<1024x128xf32>
    %get3A_19 = arith.constant 0 : index
    %get3A_20 = arith.constant 0 : index
    %get3A_21 = vector.load %arg5[%get3A_19, %get3A_20] : memref<1x128xf32, #tpu.memory_space<vmem>>, vector<1x128xf32>
    %add3A_22 = vector.broadcast %get3A_21 : vector<1x128xf32> to vector<1024x128xf32>
    %add3A_23 = arith.addf %add3A, %add3A_22 : vector<1024x128xf32>
    %swap3A = arith.constant 0 : index
    %swap3A_24 = arith.constant 0 : index
    %swap3A_25 = vector.load %arg6[%swap3A, %swap3A_24] : memref<1024x128xf32, #tpu.memory_space<vmem>>, vector<1024x128xf32>
    tpu.vector_store %arg6[%swap3A, %swap3A_24], %add3A_23 {strides = array<i32>} : memref<1024x128xf32, #tpu.memory_space<vmem>>, vector<1024x128xf32>,
    return
  }
  func.func @transform_0(%arg0: i32) -> (i32, i32) {
    %c0_i32 = arith.constant 0 : i32
    %c0_i32_0 = arith.constant 0 : i32
    return %arg0, %c0_i32 : i32, i32
  }
  func.func @transform_1(%arg0: i32) -> (i32, i32, i32) {
    %jit3A = arith.constant 10 : i32
    %div3A = arith.divsi %arg0, %jit3A : i32
    %sign3A = arith.constant 0 : i32
    %sign3A_0 = arith.cmpi sgt, %arg0, %sign3A : i32
    %sign3A_1 = arith.extui %sign3A_0 : i1 to i32
    %sign3A_2 = arith.constant 0 : i32
    %sign3A_3 = arith.cmpi slt, %arg0, %sign3A_2 : i32
    %sign3A_4 = arith.extui %sign3A_3 : i1 to i32
    %sign3A_5 = arith.subi %sign3A_1, %sign3A_4 : i32
    %sign3A_6 = arith.constant 0 : i32
    %sign3A_7 = arith.cmpi sgt, %jit3A, %sign3A_6 : i32
    %sign3A_8 = arith.extui %sign3A_7 : i1 to i32
    %sign3A_9 = arith.constant 0 : i32
    %sign3A_10 = arith.cmpi slt, %jit3A, %sign3A_9 : i32
    %sign3A_11 = arith.extui %sign3A_10 : i1 to i32
    %sign3A_12 = arith.subi %sign3A_8, %sign3A_11 : i32
    %ne3A = arith.cmpi ne, %sign3A_5, %sign3A_12 : i32
    %rem3A = arith.remsi %arg0, %jit3A : i32
    %ne3A_13 = arith.constant 0 : i32
    %ne3A_14 = arith.cmpi ne, %rem3A, %ne3A_13 : i32
    %and3A = arith.andi %ne3A, %ne3A_14 : i1
    %sub3A = arith.constant 1 : i32
    %sub3A_15 = arith.subi %div3A, %sub3A : i32
    %select_n3A = arith.select %and3A, %sub3A_15, %div3A : i32
    %mul3A = arith.constant 2 : i32
    %mul3A_16 = arith.muli %mul3A, %select_n3A : i32
    %jit3A_17 = arith.constant 10 : i32
    %eq3A = arith.constant 0 : i32
    %eq3A_18 = arith.cmpi eq, %jit3A_17, %eq3A : i32
    %jit3A_19 = arith.constant 1 : i32
    %select_n3A_20 = arith.select %eq3A_18, %jit3A_19, %jit3A_17 : i32
    %rem3A_21 = arith.remsi %arg0, %select_n3A_20 : i32
    %ne3A_22 = arith.constant 0 : i32
    %ne3A_23 = arith.cmpi ne, %rem3A_21, %ne3A_22 : i32
    %lt3A = arith.constant 0 : i32
    %lt3A_24 = arith.cmpi slt, %rem3A_21, %lt3A : i32
    %lt3A_25 = arith.constant 0 : i32
    %lt3A_26 = arith.cmpi slt, %select_n3A_20, %lt3A_25 : i32
    %ne3A_27 = arith.xori %lt3A_24, %lt3A_26 : i1
    %and3A_28 = arith.andi %ne3A_27, %ne3A_23 : i1
    %add3A = arith.addi %rem3A_21, %select_n3A_20 : i32
    %select_n3A_29 = arith.select %and3A_28, %add3A, %rem3A_21 : i32
    %jit3A_30 = arith.constant 5 : i32
    %div3A_31 = arith.divsi %select_n3A_29, %jit3A_30 : i32
    %sign3A_32 = arith.constant 0 : i32
    %sign3A_33 = arith.cmpi sgt, %select_n3A_29, %sign3A_32 : i32
    %sign3A_34 = arith.extui %sign3A_33 : i1 to i32
    %sign3A_35 = arith.constant 0 : i32
    %sign3A_36 = arith.cmpi slt, %select_n3A_29, %sign3A_35 : i32
    %sign3A_37 = arith.extui %sign3A_36 : i1 to i32
    %sign3A_38 = arith.subi %sign3A_34, %sign3A_37 : i32
    %sign3A_39 = arith.constant 0 : i32
    %sign3A_40 = arith.cmpi sgt, %jit3A_30, %sign3A_39 : i32
    %sign3A_41 = arith.extui %sign3A_40 : i1 to i32
    %sign3A_42 = arith.constant 0 : i32
    %sign3A_43 = arith.cmpi slt, %jit3A_30, %sign3A_42 : i32
    %sign3A_44 = arith.extui %sign3A_43 : i1 to i32
    %sign3A_45 = arith.subi %sign3A_41, %sign3A_44 : i32
    %ne3A_46 = arith.cmpi ne, %sign3A_38, %sign3A_45 : i32
    %rem3A_47 = arith.remsi %select_n3A_29, %jit3A_30 : i32
    %ne3A_48 = arith.constant 0 : i32
    %ne3A_49 = arith.cmpi ne, %rem3A_47, %ne3A_48 : i32
    %and3A_50 = arith.andi %ne3A_46, %ne3A_49 : i1
    %sub3A_51 = arith.constant 1 : i32
    %sub3A_52 = arith.subi %div3A_31, %sub3A_51 : i32
    %select_n3A_53 = arith.select %and3A_50, %sub3A_52, %div3A_31 : i32
    %add3A_54 = arith.addi %mul3A_16, %select_n3A_53 : i32
    %jit3A_55 = arith.constant 10 : i32
    %eq3A_56 = arith.constant 0 : i32
    %eq3A_57 = arith.cmpi eq, %jit3A_55, %eq3A_56 : i32
    %jit3A_58 = arith.constant 1 : i32
    %select_n3A_59 = arith.select %eq3A_57, %jit3A_58, %jit3A_55 : i32
    %rem3A_60 = arith.remsi %arg0, %select_n3A_59 : i32
    %ne3A_61 = arith.constant 0 : i32
    %ne3A_62 = arith.cmpi ne, %rem3A_60, %ne3A_61 : i32
    %lt3A_63 = arith.constant 0 : i32
    %lt3A_64 = arith.cmpi slt, %rem3A_60, %lt3A_63 : i32
    %lt3A_65 = arith.constant 0 : i32
    %lt3A_66 = arith.cmpi slt, %select_n3A_59, %lt3A_65 : i32
    %ne3A_67 = arith.xori %lt3A_64, %lt3A_66 : i1
    %and3A_68 = arith.andi %ne3A_67, %ne3A_62 : i1
    %add3A_69 = arith.addi %rem3A_60, %select_n3A_59 : i32
    %select_n3A_70 = arith.select %and3A_68, %add3A_69, %rem3A_60 : i32
    %jit3A_71 = arith.constant 5 : i32
    %eq3A_72 = arith.constant 0 : i32
    %eq3A_73 = arith.cmpi eq, %jit3A_71, %eq3A_72 : i32
    %jit3A_74 = arith.constant 1 : i32
    %select_n3A_75 = arith.select %eq3A_73, %jit3A_74, %jit3A_71 : i32
    %rem3A_76 = arith.remsi %select_n3A_70, %select_n3A_75 : i32
    %ne3A_77 = arith.constant 0 : i32
    %ne3A_78 = arith.cmpi ne, %rem3A_76, %ne3A_77 : i32
    %lt3A_79 = arith.constant 0 : i32
    %lt3A_80 = arith.cmpi slt, %rem3A_76, %lt3A_79 : i32
    %lt3A_81 = arith.constant 0 : i32
    %lt3A_82 = arith.cmpi slt, %select_n3A_75, %lt3A_81 : i32
    %ne3A_83 = arith.xori %lt3A_80, %lt3A_82 : i1
    %and3A_84 = arith.andi %ne3A_83, %ne3A_78 : i1
    %add3A_85 = arith.addi %rem3A_76, %select_n3A_75 : i32
    %select_n3A_86 = arith.select %and3A_84, %add3A_85, %rem3A_76 : i32
    %c0_i32 = arith.constant 0 : i32
    %c0_i32_87 = arith.constant 0 : i32
    return %add3A_54, %select_n3A_86, %c0_i32 : i32, i32, i32
  }
  func.func @transform_2(%arg0: i32) -> (i32, i32) {
    %c0_i32 = arith.constant 0 : i32
    %c0_i32_0 = arith.constant 0 : i32
    return %arg0, %c0_i32 : i32, i32
  }
  func.func @transform_3(%arg0: i32) -> (i32, i32) {
    %c0_i32 = arith.constant 0 : i32
    %c0_i32_0 = arith.constant 0 : i32
    %c0_i32_1 = arith.constant 0 : i32
    return %c0_i32, %c0_i32_0 : i32, i32
  }
  func.func @transform_4(%arg0: i32) -> (i32, i32) {
    %c0_i32 = arith.constant 0 : i32
    %c0_i32_0 = arith.constant 0 : i32
    %c0_i32_1 = arith.constant 0 : i32
    return %c0_i32, %c0_i32_0 : i32, i32
  }
  func.func @transform_5(%arg0: i32) -> (i32, i32) {
    %c0_i32 = arith.constant 0 : i32
    %c0_i32_0 = arith.constant 0 : i32
    return %arg0, %c0_i32 : i32, i32
  }
}

</mosaic_0001>

<sc_bundles>
// kernel: kernel.10.cloned.1.call-start
scs
__scs_entry_jumppad:
0x0: {  	(pc) =	sbr.rel $0x88, $3  }
0x1: {  	(tag) =	ssettag $0x0;
	lr =	simm.s32 $0x1  }
0x2: {  	[smem:$0x3F96] =	sst lr;
	_ =	strace $0xD0000000  }
0x3: {  	_ = 	snop  }
0x4: {  	_ = 	snop  }
0x5: {  	_ = 	snop  }
0x6: {  	_ = 	snop  }
0x7: {  	_ = 	snop  }
__scs_overlays_trampoline_lowered:
0x8: {  	[smem:$0x3FA5] =	sst s0  }
0x9: {  	[smem:$0x3FA6] =	sst s1  }
0xa: {  	[smem:$0x3FA7] =	sst s2  }
0xb: {  	[smem:$0x3FA8] =	sst s3  }
0xc: {  	[smem:$0x3FA9] =	sst s4  }
0xd: {  	[smem:$0x3FAA] =	sst s5  }
0xe: {  	[smem:$0x3FAB] =	sst s6  }
0xf: {  	[smem:$0x3FAC] =	sst s7  }
0x10: {  	[smem:$0x3FAD] =	sst s8  }
0x11: {  	[smem:$0x3FAE] =	sst s9;
	s0 =	simm.s32 @!p0 $0x0  }
0x12: {  	s1 =	sld [smem:$0x3F94];
	s0 =	simm.s32 @p0 $0x1  }
0x13: {  	[smem:$0x3FAF] =	sst s0;
	s0 =	simm.s32 @!p1 $0x0  }
0x14: {  	s2 =	sld [smem:$0x3F93];
	s0 =	simm.s32 @p1 $0x1  }
0x15: {  	[smem:$0x3FB0] =	sst s0;
	s0 =	simm.s32 @!p2 $0x0  }
0x16: {  	s3 =	sld [smem:$0x3FDB];
	s0 =	simm.s32 @p2 $0x1  }
0x17: {  	s4 =	simm.s32 $0x1BF5;
	[smem:$0x3FB2] =	sst s0  }
0x18: {  	s0 =	sld [smem:$0x3F95];
	_ =	swait.ge [sflag:s4], $0x0  }
0x19: {  	s7 =	sld [smem:$0x3F96]  }
0x1a: {  	s8 =	sadd.s32 $0xFFFFE003, lr  }
0x1b: {  	s9 =	sadd.s32 $0xFFFFFEF7, lr;
	s5 =	simm.s32 $0xFFFFFFFF;
	p2 =	slt.u32 s8, $0xFFFFF086  }
0x1c: {  	p1 =	slt.u32 s9, $0xF7A;
	s5 =	simm.s32 @!p2 $0x0  }
0x1d: {  	s5 =	simm.s32 @p1 $0x1;
	p0 =	seq.s32 s7, s2  }
0x1e: {  	s7 =	smul.u32 @!p0 $0xF7A, s2;
	p2 =	seq.s32 @!p0 s5, $0x0  }
0x1f: {  	s9 =	smul.u32 $0xF7A, s1;
	s8 =	simm.s32 @!p0 $0x1BF5;
	p2 =	por !p2, p0  }
0x20: {  	[sflag:s8] =	ssyncset.s32 @!p0 $0xFFFFF086;
	s6 =	sadd.s32 @!p0 s3, s7;
	s7 =	simm.s32 @!p0 $0x108  }
0x21: {  	s3 =	sadd.s32 s3, s9;
	s6 =	sadd.s32 @!p0 $0x88, s6;
	s7 =	simm.s32 @p2 $0x1082  }
0x22: {  	[simem:s7], [sflag:s8] =	dma.local @!p0 [hbm:s6], $0xF7A  }
0x23: {  	s9 =	sor.u32 $0xD0000000, s2;
	s6 =	simm.s32 $0x108;
	_ =	swait.ge @!p0 [sflag:s8], $0x0  }
0x24: {  	s3 =	sadd.s32 $0x88, s3;
	s6 =	simm.s32 @!p1 $0x1082;
	[sflag:s4] =	ssyncset.s32 $0xFFFFF086  }
0x25: {  	[simem:s6], [sflag:s4] =	dma.local [hbm:s3], $0xF7A  }
0x26: {  	[smem:$0x3F96] =	sst s1;
	(tag) =	ssettag s2;
	_ =	strace s9  }
0x27: {  	s1 =	sld [smem:$0x3FA6]  }
0x28: {  	s2 =	sld [smem:$0x3FA7]  }
0x29: {  	s4 =	sld [smem:$0x3FA9]  }
0x2a: {  	p0 =	seq.s32 s5, $0x0;
	s5 =	sld [smem:$0x3FAA]  }
0x2b: {  	s6 =	sld [smem:$0x3FAB]  }
0x2c: {  	s7 =	sld [smem:$0x3FAC]  }
0x2d: {  	s3 =	simm.s32 $0x108;
	s8 =	sld [smem:$0x3FAD]  }
0x2e: {  	s3 =	simm.s32 @!p0 $0x1082;
	s9 =	sld [smem:$0x3FAE]  }
0x2f: {  	lr =	sadd.s32 s0, s3;
	s0 =	sld [smem:$0x3FA5]  }
0x30: {  	s3 =	sld [smem:$0x3FA8]  }
0x31: {  	[smem:$0x3FB1] =	sst s10  }
0x32: {  	s10 =	sld [smem:$0x3FAF];
	_ =	sdelay $0x3  }
0x33: {  	p0 =	seq.s32 s10, $0x1;
	s10 =	sld [smem:$0x3FB1];
	_ =	sdelay $0x3  }
0x34: {  	[smem:$0x3FB1] =	sst s10  }
0x35: {  	s10 =	sld [smem:$0x3FB0];
	_ =	sdelay $0x3  }
0x36: {  	p1 =	seq.s32 s10, $0x1;
	s10 =	sld [smem:$0x3FB1];
	_ =	sdelay $0x3  }
0x37: {  	[smem:$0x3FB1] =	sst s10  }
0x38: {  	s10 =	sld [smem:$0x3FB2]  }
0x39: {  	_ = 	snop;
	(pc) =	sbr.ind lr, $3  }
0x3a: {  	_ = 	snop  }
0x3b: {  	_ = 	snop  }
0x3c: {  	p2 =	seq.s32 s10, $0x1;
	s10 =	sld [smem:$0x3FB1]  }
0x3d: {  	_ =	shalt  }
0x3e: {  	_ =	shalt  }
0x3f: {  	_ =	shalt  }
0x40: {  	_ =	shalt  }
0x41: {  	_ =	shalt  }
0x42: {  	_ =	shalt  }
0x43: {  	_ =	shalt  }
0x44: {  	_ =	shalt  }
0x45: {  	_ =	shalt  }
0x46: {  	_ =	shalt  }
0x47: {  	_ =	shalt  }
0x48: {  	_ =	shalt  }
0x49: {  	_ =	shalt  }
0x4a: {  	_ =	shalt  }
0x4b: {  	_ =	shalt  }
0x4c: {  	_ =	shalt  }
0x4d: {  	_ =	shalt  }
0x4e: {  	_ =	shalt  }
0x4f: {  	_ =	shalt  }
0x50: {  	_ =	shalt  }
0x51: {  	_ =	shalt  }
0x52: {  	_ =	shalt  }
0x53: {  	_ =	shalt  }
0x54: {  	_ =	shalt  }
0x55: {  	_ =	shalt  }
0x56: {  	_ =	shalt  }
0x57: {  	_ =	shalt  }
0x58: {  	_ =	shalt  }
0x59: {  	_ =	shalt  }
0x5a: {  	_ =	shalt  }
0x5b: {  	_ =	shalt  }
0x5c: {  	_ =	shalt  }
0x5d: {  	_ =	shalt  }
0x5e: {  	_ =	shalt  }
0x5f: {  	_ =	shalt  }
0x60: {  	_ =	shalt  }
0x61: {  	_ =	shalt  }
0x62: {  	_ =	shalt  }
0x63: {  	_ =	shalt  }
0x64: {  	_ =	shalt  }
0x65: {  	_ =	shalt  }
0x66: {  	_ =	shalt  }
0x67: {  	_ =	shalt  }
0x68: {  	_ =	shalt  }
0x69: {  	_ =	shalt  }
0x6a: {  	_ =	shalt  }
0x6b: {  	_ =	shalt  }
0x6c: {  	_ =	shalt  }
0x6d: {  	_ =	shalt  }
0x6e: {  	_ =	shalt  }
0x6f: {  	_ =	shalt  }
0x70: {  	_ =	shalt  }
0x71: {  	_ =	shalt  }
0x72: {  	_ =	shalt  }
0x73: {  	_ =	shalt  }
0x74: {  	_ =	shalt  }
0x75: {  	_ =	shalt  }
0x76: {  	_ =	shalt  }
0x77: {  	_ =	shalt  }
0x78: {  	_ =	shalt  }
0x79: {  	_ =	shalt  }
0x7a: {  	_ =	shalt  }
0x7b: {  	_ =	shalt  }
0x7c: {  	_ =	shalt  }
0x7d: {  	_ =	shalt  }
0x7e: {  	_ =	shalt  }
0x7f: {  	_ =	shalt  }
0x80: {  	_ =	shalt  }
0x81: {  	_ =	shalt  }
0x82: {  	_ =	shalt  }
0x83: {  	_ =	shalt  }
0x84: {  	_ =	shalt  }
0x85: {  	_ =	shalt  }
0x86: {  	_ =	shalt  }
0x87: {  	_ =	shalt  }
.Lfunc_end0:
.L_simem_size_0:
called_computation.1_lowered:
.L_overlay_start_0:
0x88: {  	s2 =	sld [smem:$0x3FD9]  }
0x89: {  	s3 =	sld [smem:$0x3FFE];
	_ =	sdelay $0x1  }
0x8a: {  	s1 =	srdreg.scid  }
0x8b: {  	s0 =	sand.u32 $0x1, s1  }
0x8c: {  	s14 =	sshll.u32 s0, $0xA;
	s2 =	sadd.s32 s3, s2  }
0x8d: {  	s2 =	sadd.s32 s2, s14  }
0x8e: {  	[smem:$0x3FBD] =	sst s2  }
0x8f: {  	_ = 	snop  }
0x90: {  	s2 =	sld [smem:$0x3FD0];
	_ =	sdelay $0x2  }
0x91: {  	s15 =	simm.s32 $0xA;
	s4 =	simm.s32 $0x10  }
0x92: {  	[smem:s4], [sflag:s15] =	dma.local [hbm:s2], $0x1  }
0x93: {  	_ =	swait.eq [sflag:s15], $0x1  }
0x94: {  	[sflag:s15] =	ssyncset.done $0x0  }
0x95: {  	s16 =	sld [smem:$0x10];
	[sflag:s15] =	ssyncadd.s32 $0xFFFFFFFF  }
0x96: {  	s17 =	sld [smem:$0x11];
	(tm) =	ssettm $0x1  }
0x97: {  	s18 =	sld [smem:$0x3FFB];
	_ =	sdelay $0x3  }
0x98: {  	_ =	strace s18  }
0x99: {  	s4 =	sld [smem:$0x3FFC];
	_ =	sdelay $0x3  }
0x9a: {  	_ =	strace s4  }
0x9b: {  	s4 =	sld [smem:$0x3FFD];
	_ =	sdelay $0x3  }
0x9c: {  	_ =	strace s4  }
0x9d: {  	_ =	strace $0x8FFFFFFF  }
0x9e: {  	s19 =	sld [smem:$0x3FDB];
	_ =	sdelay $0x1  }
0x9f: {  	s5 =	simm.s32 $_scs_section_size  }
0xa0: {  	s6 =	simm.s32 $_size__tile_overlayer_lowered;
	s7 =	simm.s32 $_tile_overlayer_lowered  }
0xa1: {  	s22 =	simm.s32 $0x1BFF;
	s21 =	sshll.u32 s7, $0x1;
	s4 =	sadd.s32 s5, s19  }
0xa2: {  	s8 =	simm.s32 $0x0;
	s20 =	sshll.u32 s6, $0x1;
	s6 =	sadd.s32 s21, s4  }
0xa3: {  	[timem:s8], [sflag:s22] =	dma.local [hbm:s6], s20  }
0xa4: {  	_ =	swait.ge [sflag:s22], s20  }
0xa5: {  	s5 =	ssub.s32 $0x0, s20;
	[sflag:s22] =	ssyncset.done $0x0  }
0xa6: {  	[sflag:s22] =	ssyncadd.s32 s5;
	_ =	sdelay $0x1  }
0xa7: {  	s23 =	simm.s32 $0x1B8B  }
0xa8: {  	_ =	swait.ge [sflag:s23], $0x1  }
0xa9: {  	[sflag:s23] =	ssyncset.done $0x0  }
0xaa: {  	s25 =	simm.s32 $0x1B8E;
	s24 =	sld [smem:$0x3FFE];
	[sflag:s23] =	ssyncadd.s32 $0xFFFFFFFF  }
0xab: {  	s26 =	simm.s32 $execute0_lowered;
	[smem:$0x3FD2] =	sst s25  }
0xac: {  	s6 =	sshll.u32 s26, $0x1;
	_ =	strace $0x80000049;
	[dreg:$0x1] =	wrdreg $0xFFFFFFFF  }
0xad: {  	s28 =	simm.s32 $_size_execute0_lowered;
	s4 =	sadd.s32 s4, s6;
	[dreg:$0x0] =	wrdreg $0x0  }
0xae: {  	s6 =	sshll.u32 s28, $0x1;
	[dreg:$0x2] =	wrdreg s4  }
0xaf: {  	[dreg:$0x3] =	wrdreg s6  }
0xb0: {  	[dreg:$0x4] =	wrdreg $0xC0  }
0xb1: {  	_ =	task [dreg:s8], $0x5FFFF  }
0xb2: {  	[dreg:$0x1] =	wrdreg $0xFFFFFFFF  }
0xb3: {  	[dreg:$0x0] =	wrdreg $0x60  }
0xb4: {  	[dreg:$0x2] =	wrdreg s24  }
0xb5: {  	[dreg:$0x3] =	wrdreg s17  }
0xb6: {  	[dreg:$0x4] =	wrdreg s16  }
0xb7: {  	[dreg:$0x5] =	wrdreg $0x154800  }
0xb8: {  	[dreg:$0x6] =	wrdreg $0x1F8800  }
0xb9: {  	[dreg:$0x7] =	wrdreg $0x9  }
0xba: {  	_ =	task.clear_ibuf [dreg:s8], $0x8FFFF;
	_ =	strace $0x90000049  }
0xbb: {  	s29 =	simm.s32 $0x9;
	_ =	strace $0x8000004B  }
0xbc: {  	_ =	swait.ge [sflag:s29], $0x1  }
0xbd: {  	[sflag:s29] =	ssyncadd.s32 $0xFFFFFFFF  }
0xbe: {  	_ =	strace $0x9000004B  }
0xbf: {  	_ =	sfence  }
0xc0: {  	s30 =	sld [smem:$0x0];
	_ =	sdelay $0x2  }
0xc1: {  	s31 =	sshll.u32 s1, $0xD;
	s1 =	sshrl.u32 s1, $0x2  }
0xc2: {  	s3 =	sand.u32 $0x4000, s31;
	s1 =	sadd.s32 s1, s30  }
0xc3: {  	s0 =	sor.u32 s3, s0;
	s1 =	sshll.u32 s1, $0x11  }
0xc4: {  	s0 =	sor.u32 s1, s0  }
0xc5: {  	s0 =	sadd.s32 $0x8F2B, s0  }
0xc6: {  	[sflag:s0] =	ssyncadd.remote.s32 $0x1  }
0xc7: {  	_ =	sfence.sel $0xFFFF  }
0xc8: {  	[dreg:$0x0] =	wrdreg $0xFFFFFFFF;
	(pc) =	sbr.abs _section_cstart, $3  }
0xc9: {  	[dreg:$0x1] =	wrdreg $0xFFFFFFFF  }
0xca: {  	_ =	task.clear_ibuf [dreg:s8], $0x2FFFF;
	_ =	strace $0x9FFFFFFF  }
0xcb: {  	(tm) =	ssettm $0x7FFFFFFF  }
tec
execute0_lowered:
.L_overlay_start_1:
0x0: {  	(tag) =	ssettag $0x1  }
0x1: {  	s0 =	rddreg [dreg:$0x0]  }
0x2: {  	s6 =	rddreg [dreg:$0x1]  }
0x3: {  	s7 =	rddreg [dreg:$0x2]  }
0x4: {  	s1 =	rddreg [dreg:$0x3]  }
0x5: {  	s2 =	rddreg [dreg:$0x4]  }
0x6: {  	s4 =	srdreg.scid;
	s3 =	simm.s32 $0x0;
	s15 =	stileid.u32  }
0x7: {  	s16 =	simm.s32 $0x15400;
	s28 =	simm.s32 $0x5;
	s29 =	simm.s32 $0x0  }
0x8: {  	s10 =	sand.u32 $0x1, s4;
	s5 =	sshll.u32 s15, $0xC;
	s8 =	smul.u32 $0xA400, s15  }
0x9: {  	[smem:$0x7FF] =	sst s3;
	s13 =	sadd.s32 $0xC2E00, s0;
	s21 =	smul.u32 $0x29000, s15  }
0xa: {  	s14 =	sadd.s32 $0xC3400, s0;
	p0 =	sne.s32 s15, $0x0;
	s31 =	sshll.u32 s15, $0x6  }
0xb: {  	s4 =	sshll.u32 s10, $0x10;
	_ =	strace $0x8000004A;
	[dreg:$0x6] =	wrdreg s13  }
0xc: {  	s11 =	smul.u32 $0x148000, s10;
	s20 =	ssub.s32 $0x2, s10;
	[dreg:$0x7] =	wrdreg s14  }
0xd: {  	s30 =	sshll.u32 s10, $0x4;
	s14 =	simm.s32 $0x6;
	s17 =	sor.u32 $0x1C06, s31  }
0xe: {  	s19 =	sshrl.u32 @!p0 s2, $0x3;
	s9 =	sor.u32 s5, s4;
	s4 =	sadd.s32 $0xC3600, s0  }
0xf: {  	s5 =	sadd.s32 $0xC1800, s0;
	s22 =	sshrl.u32 s20, $0x1;
	s25 =	sshrl.u32 s21, $0x2  }
0x10: {  	s21 =	simm.s32 $0x10400;
	s12 =	sadd.s32 s9, s0;
	s8 =	sadd.s32 s8, s11  }
0x11: {  	s23 =	ssub.s32 s20, s22;
	s9 =	sadd.s32 s6, s9;
	s26 =	sadd.s32 s25, s1  }
0x12: {  	s11 =	sadd.s32 s7, s30;
	s20 =	simm.s32 $0x50;
	s22 =	simm.s32 $0x12C00  }
0x13: {  	s25 =	simm.s32 $0x2;
	s8 =	sshrl.u32 s8, $0x3;
	s24 =	sadd.s32 $0x116000, s12  }
0x14: {  	s13 =	smax.u32 s23, $0x1;
	s18 =	sshrl.u32 s26, $0x3;
	s23 =	simm.s32 $0x1  }
0x15: {  	s26 =	simm.s32 $0x4;
	s0 =	sadd.s32 s8, s0;
	[dreg:$0x8] =	wrdreg s24  }
0x16: {  	s24 =	simm.s32 $0x3;
	s10 =	sadd.s32 $0x1800, s0;
	s12 =	sadd.s32 $0x16000, s0  }
.LBB2_1:
0x17: {  	s0 =	rddreg [dreg:$0x8]  }
0x18: {  	[tilespmem:s3], [sflag:$0x6] =	stream.linear.gather [hbm4b:s0+s3], $0x7D00, $0x38;
	[tilespmem:$0x1FB00] =	vst v63  }
0x19: {  	_ =	swait.ge [sflag:s14], $0x7D00  }
0x1a: {  	[sflag:s14] =	ssyncset.done $0x0  }
0x1b: {  	s15 =	simm.s32 $0x8000;
	[sflag:s14] =	ssyncadd.s32 $0xFFFF8300  }
0x1c: {  	[tilespmem:s15], [sflag:$0x6] =	stream.linear.gather [hbm4b:s9+s3], $0x7D00, $0x38;
	[tilespmem:$0x1FB00] =	vst v63  }
0x1d: {  	_ =	swait.ge [sflag:s14], $0x7D00  }
0x1e: {  	[sflag:s14] =	ssyncset.done $0x0  }
0x1f: {  	s6 =	rddreg [dreg:$0x7];
	[sflag:s14] =	ssyncadd.s32 $0xFFFF8300  }
0x20: {  	[tilespmem:s16], [sflag:$0x6] =	stream.linear.gather [hbm4b:s6+s3], $0x80, $0x38;
	[tilespmem:$0x1FB00] =	vst v63  }
0x21: {  	_ =	swait.ge [sflag:s14], $0x80  }
0x22: {  	[sflag:s14] =	ssyncset.done $0x0  }
0x23: {  	[sflag:s14] =	ssyncadd.s32 $0xFFFFFF80  }
0x24: {  	[spmem:s18], [sflag:s17] =	dma.local [hbm:s5], $0x1480  }
0x25: {  	_ =	swait.ge [sflag:s14], $0x1480  }
0x26: {  	[sflag:s14] =	ssyncset.done $0x0  }
0x27: {  	s0 =	rddreg [dreg:$0x6];
	[sflag:s14] =	ssyncadd.s32 $0xFFFFEB80  }
0x28: {  	[spmem:s19], [sflag:s17] =	dma.local @!p0 [hbm:s0], $0x500  }
0x29: {  	s0 =	simm.s32 @!p0 $0x6  }
0x2a: {  	_ =	swait.ge @!p0 [sflag:s0], $0x500  }
0x2b: {  	[sflag:s0] =	ssyncset.done @!p0 $0x0  }
0x2c: {  	p1 =	por $0x1, $0x1;
	[sflag:s0] =	ssyncadd.s32 @!p0 $0xFFFFFB00  }
0x2d: {  	s0 =	simm.s32 @!p1 $0x4;
	[bflag:$0x0] =	sbarrier.arrive $0xFFFF  }
0x2e: {  	[tilespmem:s21], [sflag:$0x1] =	stream.indirect.gather [hbm4b:s4+s20], $0x80, s3, s20, $0xb8;
	[tilespmem:$0x1FB00] =	vst v63  }
0x2f: {  	p3 =	por @!p1 $0x0, $0x0;
	_ =	swait.ge @!p1 [sflag:s0], $0x2800  }
0x30: {  	p2 =	por p3, p1;
	[sflag:s0] =	ssyncset.done @!p1 $0x0  }
0x31: {  	[sflag:s0] =	ssyncadd.s32 @!p1 $0xFFFFD800;
	s0 =	simm.s32 @!p2 $0x5  }
0x32: {  	_ =	swait.ge @!p2 [sflag:s0], $0x50  }
0x33: {  	[sflag:s0] =	ssyncset.done @!p2 $0x0  }
0x34: {  	s7 =	simm.s32 $0x80;
	[sflag:s0] =	ssyncadd.s32 @!p2 $0xFFFFFFB0  }
0x35: {  	[tilespmem:s22], [sflag:$0x2] =	stream.indirect.gather [hbm4b:s4+s20], $0x80, s7, s20, $0xb8;
	[tilespmem:$0x1FB00] =	vst v63  }
0x36: {  	_ =	swait.ge [sflag:s23], $0x2800  }
0x37: {  	[sflag:s23] =	ssyncset.done $0x0  }
0x38: {  	s0 =	simm.s32 $0x0;
	[sflag:s23] =	ssyncadd.s32 $0xFFFFD800  }
0x39: {  	v0 =	vld [tilespmem:s0+$0x8000];
	_ =	sdelay $0x4  }
0x3a: {  	vm0 =	vlt.s32 v0, $0x1400  }
0x3b: {  	s6 =	simm.s32 $0x0;
	vm1 =	vlt.s32 v0, $0x0;
	v0 =	vnsel vm0, $0x1400, v0  }
0x3c: {  	s6 =	sand.u32 $0x300, s6;
	v0 =	vsel vm1, $0x1400, v0  }
0x3d: {  	[tilespmem:s6+$0x10000] =	vst v0  }
0x3e: {  	v0 =	vld [tilespmem:s0+$0x8010];
	_ =	sdelay $0x4  }
0x3f: {  	vm10 =	vlt.s32 v0, $0x1400  }
0x40: {  	vm11 =	vlt.s32 v0, $0x0;
	v0 =	vnsel vm10, $0x1400, v0  }
0x41: {  	v0 =	vsel vm11, $0x1400, v0  }
0x42: {  	[tilespmem:s6+$0x10010] =	vst v0  }
0x43: {  	v0 =	vld [tilespmem:s0+$0x8020];
	_ =	sdelay $0x4  }
0x44: {  	vm12 =	vlt.s32 v0, $0x1400  }
0x45: {  	vm13 =	vlt.s32 v0, $0x0;
	v0 =	vnsel vm12, $0x1400, v0  }
0x46: {  	v0 =	vsel vm13, $0x1400, v0  }
0x47: {  	[tilespmem:s6+$0x10020] =	vst v0  }
0x48: {  	v0 =	vld [tilespmem:s0+$0x8030];
	_ =	sdelay $0x4  }
0x49: {  	vm14 =	vlt.s32 v0, $0x1400  }
0x4a: {  	vm15 =	vlt.s32 v0, $0x0;
	v0 =	vnsel vm14, $0x1400, v0  }
0x4b: {  	v0 =	vsel vm15, $0x1400, v0  }
0x4c: {  	[tilespmem:s6+$0x10030] =	vst v0  }
0x4d: {  	v0 =	vld [tilespmem:s0+$0x8040];
	_ =	sdelay $0x4  }
0x4e: {  	vm4 =	vlt.s32 v0, $0x1400  }
0x4f: {  	vm5 =	vlt.s32 v0, $0x0;
	v0 =	vnsel vm4, $0x1400, v0  }
0x50: {  	v0 =	vsel vm5, $0x1400, v0  }
0x51: {  	p4 =	por @!p1 $0x0, $0x0;
	s7 =	simm.s32 $0x8000;
	[tilespmem:s6+$0x10040] =	vst v0  }
0x52: {  	[spmem:s2] =	stream.indirect.scatter.add.f32 [tilespmem:s16], [sflag:$0x5], $0x1, s7, s20, $0xb8;
	[tilespmem:$0x1FB00] =	vst v63  }
0x53: {  	p3 =	por !p3, p1;
	p2 =	por @!p2 $0x1, $0x1;
	s6 =	sor.u32 $0x10000, s6  }
0x54: {  	[spmem:s1] =	stream.indirect.scatter.add.f32 [tilespmem:s21], [sflag:$0x3], $0x80, s6, s20, $0xb8;
	[tilespmem:$0x1FB00] =	vst v63  }
0x55: {  	p2 =	por @!p3 p4, p4;
	p3 =	por $0x0, $0x0;
	_ =	swait.ge [sflag:s24], $0x2800  }
0x56: {  	p3 =	por @!p1 p2, p2;
	[sflag:s24] =	ssyncset.done $0x0  }
0x57: {  	s6 =	simm.s32 @p3 $0x5;
	[sflag:s24] =	ssyncadd.s32 $0xFFFFD800  }
0x58: {  	p1 =	por $0x0, $0x0;
	_ =	swait.ge @p3 [sflag:s6], $0x50  }
0x59: {  	s15 =	simm.s32 @!p1 $0x50;
	[sflag:s6] =	ssyncset.done @p3 $0x0  }
0x5a: {  	s7 =	simm.s32 @!p1 $0x10400;
	[sflag:s6] =	ssyncadd.s32 @p3 $0xFFFFFFB0;
	s6 =	simm.s32 @!p1 $0x100  }
0x5b: {  	[tilespmem:s7], [sflag:$0x1] =	stream.indirect.gather @!p1 [hbm4b:s4+s15], $0x80, s6, s15, $0xb8;
	[tilespmem:$0x1FB00] =	vst v63  }
0x5c: {  	_ =	swait.ge [sflag:s25], $0x2800  }
0x5d: {  	[sflag:s25] =	ssyncset.done $0x0  }
0x5e: {  	[sflag:s25] =	ssyncadd.s32 $0xFFFFD800  }
0x5f: {  	v63 =	vld [tilespmem:s0+$0x8080];
	_ =	sdelay $0x4  }
0x60: {  	vm6 =	vlt.s32 v63, $0x1400  }
0x61: {  	s8 =	simm.s32 $0x80;
	vm7 =	vlt.s32 v63, $0x0;
	v0 =	vnsel vm6, $0x1400, v63  }
0x62: {  	s6 =	sand.u32 $0x380, s8;
	v0 =	vsel vm7, $0x1400, v0  }
0x63: {  	[tilespmem:s6+$0x10000] =	vst v0  }
0x64: {  	v0 =	vld [tilespmem:s0+$0x8090];
	_ =	sdelay $0x4  }
0x65: {  	vm8 =	vlt.s32 v0, $0x1400  }
0x66: {  	vm9 =	vlt.s32 v0, $0x0;
	v0 =	vnsel vm8, $0x1400, v0  }
0x67: {  	v0 =	vsel vm9, $0x1400, v0  }
0x68: {  	[tilespmem:s6+$0x10010] =	vst v0  }
0x69: {  	v0 =	vld [tilespmem:s0+$0x80A0];
	_ =	sdelay $0x4  }
0x6a: {  	vm10 =	vlt.s32 v0, $0x1400  }
0x6b: {  	vm11 =	vlt.s32 v0, $0x0;
	v0 =	vnsel vm10, $0x1400, v0  }
0x6c: {  	v0 =	vsel vm11, $0x1400, v0  }
0x6d: {  	[tilespmem:s6+$0x10020] =	vst v0  }
0x6e: {  	v0 =	vld [tilespmem:s0+$0x80B0];
	_ =	sdelay $0x4  }
0x6f: {  	vm12 =	vlt.s32 v0, $0x1400  }
0x70: {  	vm13 =	vlt.s32 v0, $0x0;
	v0 =	vnsel vm12, $0x1400, v0  }
0x71: {  	v0 =	vsel vm13, $0x1400, v0  }
0x72: {  	[tilespmem:s6+$0x10030] =	vst v0  }
0x73: {  	v0 =	vld [tilespmem:s0+$0x80C0];
	_ =	sdelay $0x4  }
0x74: {  	vm14 =	vlt.s32 v0, $0x1400  }
0x75: {  	vm15 =	vlt.s32 v0, $0x0;
	v0 =	vnsel vm14, $0x1400, v0  }
0x76: {  	s31 =	simm.s32 $0x400;
	s30 =	simm.s32 $0x180;
	p2 =	por $0x0, $0x0;
	v0 =	vsel vm15, $0x1400, v0  }
0x77: {  	s15 =	simm.s32 $0x8080;
	s7 =	sor.u32 $0x10000, s6;
	s0 =	simm.s32 $0x800;
	[tilespmem:s6+$0x10040] =	vst v0  }
0x78: {  	[spmem:s2] =	stream.indirect.scatter.add.f32 [tilespmem:s16], [sflag:$0x5], $0x1, s15, s20, $0xb8;
	[tilespmem:$0x1FB00] =	vst v63  }
.LBB2_2:
0x79: {  	s15 =	simm.s32 @!p2 $0x4  }
0x7a: {  	p4 =	seq.s32 @!p2 s31, $0x400;
	s6 =	smov.u32 s0;
	s0 =	sadd.s32 $0x400, s0  }
0x7b: {  	[spmem:s1] =	stream.indirect.scatter.add.f32 [tilespmem:s22], [sflag:$0x4], $0x80, s7, s20, $0xb8;
	[tilespmem:$0x1FB00] =	vst v63  }
0x7c: {  	p1 =	sne.s32 s0, $0x1F400;
	p3 =	por !p4, p2;
	_ =	swait.ge @!p2 [sflag:s15], $0x2800  }
0x7d: {  	p5 =	por p4, p2;
	[sflag:s15] =	ssyncset.done @!p2 $0x0  }
0x7e: {  	s7 =	simm.s32 @!p5 $0x5;
	p4 =	por @!p5 $0x1, $0x1;
	[sflag:s15] =	ssyncadd.s32 @!p2 $0xFFFFD800  }
0x7f: {  	_ =	swait.ge @!p5 [sflag:s7], $0x50  }
0x80: {  	s15 =	sshra.s32 s31, $0x2;
	[sflag:s7] =	ssyncset.done @!p5 $0x0  }
0x81: {  	[sflag:s7] =	ssyncadd.s32 @!p5 $0xFFFFFFB0;
	s7 =	sadd.s32 $0x80, s15  }
0x82: {  	[tilespmem:s22], [sflag:$0x2] =	stream.indirect.gather [hbm4b:s4+s20], $0x80, s7, s20, $0xb8;
	[tilespmem:$0x1FB00] =	vst v63  }
0x83: {  	_ =	swait.ge [sflag:s23], $0x2800  }
0x84: {  	[sflag:s23] =	ssyncset.done $0x0  }
0x85: {  	[sflag:s23] =	ssyncadd.s32 $0xFFFFD800  }
0x86: {  	v0 =	vld [tilespmem:s15+$0x8000];
	_ =	sdelay $0x4  }
0x87: {  	vm0 =	vlt.s32 v0, $0x1400  }
0x88: {  	s7 =	sadd.s32 $0xFFFFFF80, s30;
	vm1 =	vlt.s32 v0, $0x0;
	v0 =	vnsel vm0, $0x1400, v0  }
0x89: {  	s7 =	sand.u32 $0x300, s7;
	v0 =	vsel vm1, $0x1400, v0  }
0x8a: {  	[tilespmem:s7+$0x10000] =	vst v0  }
0x8b: {  	v0 =	vld [tilespmem:s15+$0x8010];
	_ =	sdelay $0x4  }
0x8c: {  	vm0 =	vlt.s32 v0, $0x1400  }
0x8d: {  	vm1 =	vlt.s32 v0, $0x0;
	v0 =	vnsel vm0, $0x1400, v0  }
0x8e: {  	v0 =	vsel vm1, $0x1400, v0  }
0x8f: {  	[tilespmem:s7+$0x10010] =	vst v0  }
0x90: {  	v0 =	vld [tilespmem:s15+$0x8020];
	_ =	sdelay $0x4  }
0x91: {  	vm0 =	vlt.s32 v0, $0x1400  }
0x92: {  	vm1 =	vlt.s32 v0, $0x0;
	v0 =	vnsel vm0, $0x1400, v0  }
0x93: {  	v0 =	vsel vm1, $0x1400, v0  }
0x94: {  	[tilespmem:s7+$0x10020] =	vst v0  }
0x95: {  	v0 =	vld [tilespmem:s15+$0x8030];
	_ =	sdelay $0x4  }
0x96: {  	vm0 =	vlt.s32 v0, $0x1400  }
0x97: {  	vm1 =	vlt.s32 v0, $0x0;
	v0 =	vnsel vm0, $0x1400, v0  }
0x98: {  	v0 =	vsel vm1, $0x1400, v0  }
0x99: {  	[tilespmem:s7+$0x10030] =	vst v0  }
0x9a: {  	v0 =	vld [tilespmem:s15+$0x8040];
	_ =	sdelay $0x4  }
0x9b: {  	vm0 =	vlt.s32 v0, $0x1400  }
0x9c: {  	vm1 =	vlt.s32 v0, $0x0;
	v0 =	vnsel vm0, $0x1400, v0  }
0x9d: {  	v0 =	vsel vm1, $0x1400, v0  }
0x9e: {  	s8 =	sadd.s32 $0x8000, s15;
	[tilespmem:s7+$0x10040] =	vst v0  }
0x9f: {  	[spmem:s2] =	stream.indirect.scatter.add.f32 [tilespmem:s16], [sflag:$0x5], $0x1, s8, s20, $0xb8;
	[tilespmem:$0x1FB00] =	vst v63  }
0xa0: {  	p5 =	por @!p2 $0x0, $0x0;
	s7 =	sor.u32 $0x10000, s7  }
0xa1: {  	[spmem:s1] =	stream.indirect.scatter.add.f32 [tilespmem:s21], [sflag:$0x3], $0x80, s7, s20, $0xb8;
	[tilespmem:$0x1FB00] =	vst v63  }
0xa2: {  	p4 =	por @!p3 p5, p5;
	p3 =	por $0x0, $0x0;
	_ =	swait.ge [sflag:s24], $0x2800  }
0xa3: {  	p3 =	por @!p2 p4, p4;
	[sflag:s24] =	ssyncset.done $0x0  }
0xa4: {  	s7 =	simm.s32 @p3 $0x5;
	[sflag:s24] =	ssyncadd.s32 $0xFFFFD800  }
0xa5: {  	p2 =	seq.s32 s31, $0x1F000;
	_ =	swait.ge @p3 [sflag:s7], $0x50  }
0xa6: {  	s8 =	sshra.s32 @!p2 s31, $0x2;
	s31 =	simm.s32 @!p2 $0x10400;
	[sflag:s7] =	ssyncset.done @p3 $0x0  }
0xa7: {  	[sflag:s7] =	ssyncadd.s32 @p3 $0xFFFFFFB0;
	s7 =	sadd.s32 @!p2 $0x100, s8;
	s8 =	simm.s32 @!p2 $0x50  }
0xa8: {  	[tilespmem:s31], [sflag:$0x1] =	stream.indirect.gather @!p2 [hbm4b:s4+s8], $0x80, s7, s8, $0xb8;
	[tilespmem:$0x1FB00] =	vst v63  }
0xa9: {  	s31 =	smov.u32 s6;
	_ =	swait.ge [sflag:s25], $0x2800  }
0xaa: {  	[sflag:s25] =	ssyncset.done $0x0  }
0xab: {  	[sflag:s25] =	ssyncadd.s32 $0xFFFFD800  }
0xac: {  	v0 =	vld [tilespmem:s15+$0x8080];
	_ =	sdelay $0x4  }
0xad: {  	vm0 =	vlt.s32 v0, $0x1400  }
0xae: {  	vm1 =	vlt.s32 v0, $0x0;
	v0 =	vnsel vm0, $0x1400, v0  }
0xaf: {  	s6 =	sand.u32 $0x380, s30;
	v0 =	vsel vm1, $0x1400, v0  }
0xb0: {  	[tilespmem:s6+$0x10000] =	vst v0  }
0xb1: {  	v0 =	vld [tilespmem:s15+$0x8090];
	_ =	sdelay $0x4  }
0xb2: {  	vm0 =	vlt.s32 v0, $0x1400  }
0xb3: {  	vm1 =	vlt.s32 v0, $0x0;
	v0 =	vnsel vm0, $0x1400, v0  }
0xb4: {  	v0 =	vsel vm1, $0x1400, v0  }
0xb5: {  	[tilespmem:s6+$0x10010] =	vst v0  }
0xb6: {  	v0 =	vld [tilespmem:s15+$0x80A0];
	_ =	sdelay $0x4  }
0xb7: {  	vm0 =	vlt.s32 v0, $0x1400  }
0xb8: {  	vm1 =	vlt.s32 v0, $0x0;
	v0 =	vnsel vm0, $0x1400, v0  }
0xb9: {  	v0 =	vsel vm1, $0x1400, v0  }
0xba: {  	[tilespmem:s6+$0x10020] =	vst v0  }
0xbb: {  	v0 =	vld [tilespmem:s15+$0x80B0];
	_ =	sdelay $0x4  }
0xbc: {  	vm0 =	vlt.s32 v0, $0x1400  }
0xbd: {  	vm1 =	vlt.s32 v0, $0x0;
	v0 =	vnsel vm0, $0x1400, v0  }
0xbe: {  	v0 =	vsel vm1, $0x1400, v0  }
0xbf: {  	[tilespmem:s6+$0x10030] =	vst v0  }
0xc0: {  	v0 =	vld [tilespmem:s15+$0x80C0];
	_ =	sdelay $0x4  }
.Ltmp0:
0xc1: {  	vm0 =	vlt.s32 v0, $0x1400;
	(pc) =	sbr.rel @p1 .LBB2_2-.Ltmp0, $4  }
0xc2: {  	vm1 =	vlt.s32 v0, $0x0;
	v0 =	vnsel vm0, $0x1400, v0  }
0xc3: {  	s30 =	sadd.s32 $0x100, s30;
	v0 =	vsel vm1, $0x1400, v0  }
0xc4: {  	s8 =	sadd.s32 $0x8080, s15;
	p2 =	seq.s32 s31, $0x0;
	s7 =	sor.u32 $0x10000, s6;
	[tilespmem:s6+$0x10040] =	vst v0  }
0xc5: {  	[spmem:s2] =	stream.indirect.scatter.add.f32 [tilespmem:s16], [sflag:$0x5], $0x1, s8, s20, $0xb8;
	[tilespmem:$0x1FB00] =	vst v63  }
0xc6: {  	s0 =	simm.s32 @!p2 $0x4  }
0xc7: {  	[spmem:s1] =	stream.indirect.scatter.add.f32 [tilespmem:s22], [sflag:$0x4], $0x80, s7, s20, $0xb8;
	[tilespmem:$0x1FB00] =	vst v63  }
0xc8: {  	p3 =	seq.s32 @!p2 s31, $0x400;
	_ =	swait.ge @!p2 [sflag:s0], $0x2800  }
0xc9: {  	p1 =	por p3, p2;
	[sflag:s0] =	ssyncset.done @!p2 $0x0  }
0xca: {  	s6 =	simm.s32 @!p1 $0x5;
	[sflag:s0] =	ssyncadd.s32 @!p2 $0xFFFFD800  }
0xcb: {  	_ =	swait.ge @!p1 [sflag:s6], $0x50  }
0xcc: {  	s0 =	sshra.s32 s31, $0x2;
	[sflag:s6] =	ssyncset.done @!p1 $0x0  }
0xcd: {  	s7 =	sadd.s32 $0x80, s0;
	[sflag:s6] =	ssyncadd.s32 @!p1 $0xFFFFFFB0  }
0xce: {  	[tilespmem:s22], [sflag:$0x2] =	stream.indirect.gather [hbm4b:s4+s20], $0x80, s7, s20, $0xb8;
	[tilespmem:$0x1FB00] =	vst v63  }
0xcf: {  	_ =	swait.ge [sflag:s23], $0x2800  }
0xd0: {  	[sflag:s23] =	ssyncset.done $0x0  }
0xd1: {  	[sflag:s23] =	ssyncadd.s32 $0xFFFFD800  }
0xd2: {  	v0 =	vld [tilespmem:s0+$0x8000];
	_ =	sdelay $0x4  }
0xd3: {  	vm0 =	vlt.s32 v0, $0x1400  }
0xd4: {  	s8 =	sadd.s32 $0xFFFFFF80, s30;
	vm1 =	vlt.s32 v0, $0x0;
	v0 =	vnsel vm0, $0x1400, v0  }
0xd5: {  	s6 =	sand.u32 $0x300, s8;
	v0 =	vsel vm1, $0x1400, v0  }
0xd6: {  	[tilespmem:s6+$0x10000] =	vst v0  }
0xd7: {  	v0 =	vld [tilespmem:s0+$0x8010];
	_ =	sdelay $0x4  }
0xd8: {  	vm14 =	vlt.s32 v0, $0x1400  }
0xd9: {  	vm15 =	vlt.s32 v0, $0x0;
	v0 =	vnsel vm14, $0x1400, v0  }
0xda: {  	v0 =	vsel vm15, $0x1400, v0  }
0xdb: {  	[tilespmem:s6+$0x10010] =	vst v0  }
0xdc: {  	v0 =	vld [tilespmem:s0+$0x8020];
	_ =	sdelay $0x4  }
0xdd: {  	vm4 =	vlt.s32 v0, $0x1400  }
0xde: {  	vm5 =	vlt.s32 v0, $0x0;
	v0 =	vnsel vm4, $0x1400, v0  }
0xdf: {  	v0 =	vsel vm5, $0x1400, v0  }
0xe0: {  	[tilespmem:s6+$0x10020] =	vst v0  }
0xe1: {  	v0 =	vld [tilespmem:s0+$0x8030];
	_ =	sdelay $0x4  }
0xe2: {  	vm6 =	vlt.s32 v0, $0x1400  }
0xe3: {  	vm7 =	vlt.s32 v0, $0x0;
	v0 =	vnsel vm6, $0x1400, v0  }
0xe4: {  	v0 =	vsel vm7, $0x1400, v0  }
0xe5: {  	[tilespmem:s6+$0x10030] =	vst v0  }
0xe6: {  	v0 =	vld [tilespmem:s0+$0x8040];
	_ =	sdelay $0x4  }
0xe7: {  	vm8 =	vlt.s32 v0, $0x1400  }
0xe8: {  	vm9 =	vlt.s32 v0, $0x0;
	v0 =	vnsel vm8, $0x1400, v0  }
0xe9: {  	v0 =	vsel vm9, $0x1400, v0  }
0xea: {  	p4 =	por @!p2 $0x0, $0x0;
	s15 =	sadd.s32 $0x8000, s0;
	[tilespmem:s6+$0x10040] =	vst v0  }
0xeb: {  	[spmem:s2] =	stream.indirect.scatter.add.f32 [tilespmem:s16], [sflag:$0x5], $0x1, s15, s20, $0xb8;
	[tilespmem:$0x1FB00] =	vst v63  }
0xec: {  	p3 =	por !p3, p2;
	p1 =	por @!p1 $0x1, $0x1;
	s6 =	sor.u32 $0x10000, s6  }
0xed: {  	[spmem:s1] =	stream.indirect.scatter.add.f32 [tilespmem:s21], [sflag:$0x3], $0x80, s6, s20, $0xb8;
	[tilespmem:$0x1FB00] =	vst v63  }
0xee: {  	p1 =	por @!p3 p4, p4;
	p3 =	por $0x0, $0x0;
	_ =	swait.ge [sflag:s24], $0x2800  }
0xef: {  	p3 =	por @!p2 p1, p1;
	[sflag:s24] =	ssyncset.done $0x0  }
0xf0: {  	s6 =	simm.s32 @p3 $0x5;
	[sflag:s24] =	ssyncadd.s32 $0xFFFFD800  }
0xf1: {  	p1 =	seq.s32 s31, $0x1F000;
	_ =	swait.ge @p3 [sflag:s6], $0x50  }
0xf2: {  	s7 =	sshra.s32 @!p1 s31, $0x2;
	s8 =	simm.s32 @!p1 $0x10400;
	[sflag:s6] =	ssyncset.done @p3 $0x0  }
0xf3: {  	[sflag:s6] =	ssyncadd.s32 @p3 $0xFFFFFFB0;
	s6 =	sadd.s32 @!p1 $0x100, s7;
	s7 =	simm.s32 @!p1 $0x50  }
0xf4: {  	[tilespmem:s8], [sflag:$0x1] =	stream.indirect.gather @!p1 [hbm4b:s4+s7], $0x80, s6, s7, $0xb8;
	[tilespmem:$0x1FB00] =	vst v63  }
0xf5: {  	_ =	swait.ge [sflag:s25], $0x2800  }
0xf6: {  	[sflag:s25] =	ssyncset.done $0x0  }
0xf7: {  	[sflag:s25] =	ssyncadd.s32 $0xFFFFD800  }
0xf8: {  	v0 =	vld [tilespmem:s0+$0x8080];
	_ =	sdelay $0x4  }
0xf9: {  	vm10 =	vlt.s32 v0, $0x1400  }
0xfa: {  	vm11 =	vlt.s32 v0, $0x0;
	v0 =	vnsel vm10, $0x1400, v0  }
0xfb: {  	s8 =	sand.u32 $0x380, s30;
	v0 =	vsel vm11, $0x1400, v0  }
0xfc: {  	[tilespmem:s8+$0x10000] =	vst v0  }
0xfd: {  	v0 =	vld [tilespmem:s0+$0x8090];
	_ =	sdelay $0x4  }
0xfe: {  	vm12 =	vlt.s32 v0, $0x1400  }
0xff: {  	vm13 =	vlt.s32 v0, $0x0;
	v0 =	vnsel vm12, $0x1400, v0  }
0x100: {  	v0 =	vsel vm13, $0x1400, v0  }
0x101: {  	[tilespmem:s8+$0x10010] =	vst v0  }
0x102: {  	v0 =	vld [tilespmem:s0+$0x80A0];
	_ =	sdelay $0x4  }
0x103: {  	vm14 =	vlt.s32 v0, $0x1400  }
0x104: {  	vm15 =	vlt.s32 v0, $0x0;
	v0 =	vnsel vm14, $0x1400, v0  }
0x105: {  	v0 =	vsel vm15, $0x1400, v0  }
0x106: {  	[tilespmem:s8+$0x10020] =	vst v0  }
0x107: {  	v0 =	vld [tilespmem:s0+$0x80B0];
	_ =	sdelay $0x4  }
0x108: {  	vm4 =	vlt.s32 v0, $0x1400  }
0x109: {  	vm5 =	vlt.s32 v0, $0x0;
	v0 =	vnsel vm4, $0x1400, v0  }
0x10a: {  	v0 =	vsel vm5, $0x1400, v0  }
0x10b: {  	[tilespmem:s8+$0x10030] =	vst v0  }
0x10c: {  	v0 =	vld [tilespmem:s0+$0x80C0];
	_ =	sdelay $0x4  }
0x10d: {  	vm6 =	vlt.s32 v0, $0x1400  }
0x10e: {  	vm7 =	vlt.s32 v0, $0x0;
	v0 =	vnsel vm6, $0x1400, v0  }
0x10f: {  	v0 =	vsel vm7, $0x1400, v0  }
0x110: {  	s0 =	sadd.s32 $0x8080, s0;
	[tilespmem:s8+$0x10040] =	vst v0  }
0x111: {  	[spmem:s2] =	stream.indirect.scatter.add.f32 [tilespmem:s16], [sflag:$0x5], $0x1, s0, s20, $0xb8;
	[tilespmem:$0x1FB00] =	vst v63  }
0x112: {  	s15 =	sor.u32 $0x10000, s8  }
0x113: {  	[spmem:s1] =	stream.indirect.scatter.add.f32 [tilespmem:s22], [sflag:$0x4], $0x80, s15, s20, $0xb8;
	[tilespmem:$0x1FB00] =	vst v63  }
0x114: {  	_ =	swait.ge [sflag:s26], $0x2800  }
0x115: {  	[sflag:s26] =	ssyncset.done $0x0  }
0x116: {  	[sflag:s26] =	ssyncadd.s32 $0xFFFFD800  }
0x117: {  	_ =	swait.ge [sflag:s28], $0x50  }
0x118: {  	[sflag:s28] =	ssyncset.done $0x0  }
0x119: {  	[sflag:s28] =	ssyncadd.s32 $0xFFFFFFB0  }
0x11a: {  	_ =	swait.ge [sflag:s28], $0x50  }
0x11b: {  	[sflag:s28] =	ssyncset.done $0x0  }
0x11c: {  	[sflag:s28] =	ssyncadd.s32 $0xFFFFFFB0  }
0x11d: {  	_ =	swait.ge [sflag:s28], $0x50  }
0x11e: {  	[sflag:s28] =	ssyncset.done $0x0  }
0x11f: {  	[sflag:s28] =	ssyncadd.s32 $0xFFFFFFB0  }
0x120: {  	_ =	swait.ge [sflag:s28], $0x50  }
0x121: {  	[sflag:s28] =	ssyncset.done $0x0  }
0x122: {  	[sflag:s28] =	ssyncadd.s32 $0xFFFFFFB0  }
0x123: {  	[bflag:$0x0] =	sbarrier.arrive $0xFFFF  }
0x124: {  	[hbm:s10], [sflag:s17] =	dma.local [spmem:s18], $0x1480  }
0x125: {  	_ =	swait.ge [sflag:s14], $0x1480  }
0x126: {  	s6 =	simm.s32 @!p0 $0x20;
	[sflag:s14] =	ssyncset.done $0x0  }
0x127: {  	s7 =	simm.s32 @!p0 $0x10;
	s0 =	simm.s32 @!p0 $0x1;
	[sflag:s14] =	ssyncadd.s32 $0xFFFFEB80  }
0x128: {  	[hbm:s11@s6], [sflag:s17] =	dma.strided @!p0 [spmem:s19@s7], $0x500, s0, $0x10   }
0x129: {  	s0 =	simm.s32 @!p0 $0x6  }
0x12a: {  	_ =	swait.ge @!p0 [sflag:s0], $0x500  }
0x12b: {  	[sflag:s0] =	ssyncset.done @!p0 $0x0  }
0x12c: {  	[sflag:s0] =	ssyncadd.s32 @!p0 $0xFFFFFB00  }
0x12d: {  	[bflag:$0x0] =	sbarrier.arrive $0xFFFF  }
0x12e: {  	[spmem:s18], [sflag:s17] =	dma.local [hbm:s5], $0x1480  }
0x12f: {  	_ =	swait.ge [sflag:s14], $0x1480  }
0x130: {  	[sflag:s14] =	ssyncset.done $0x0  }
0x131: {  	p1 =	por $0x1, $0x1;
	[sflag:s14] =	ssyncadd.s32 $0xFFFFEB80  }
0x132: {  	s6 =	simm.s32 $0x0;
	s0 =	simm.s32 @!p1 $0x4;
	[bflag:$0x0] =	sbarrier.arrive $0xFFFF  }
0x133: {  	[tilespmem:s21], [sflag:$0x1] =	stream.indirect.gather [hbm4b:s4+s20], $0x80, s6, s20, $0xb8;
	[tilespmem:$0x1FB00] =	vst v63  }
0x134: {  	_ =	swait.ge @!p1 [sflag:s0], $0x2800  }
0x135: {  	[sflag:s0] =	ssyncset.done @!p1 $0x0  }
0x136: {  	s7 =	simm.s32 $0x80;
	[sflag:s0] =	ssyncadd.s32 @!p1 $0xFFFFD800  }
0x137: {  	[tilespmem:s22], [sflag:$0x2] =	stream.indirect.gather [hbm4b:s4+s20], $0x80, s7, s20, $0xb8;
	[tilespmem:$0x1FB00] =	vst v63  }
0x138: {  	_ =	swait.ge [sflag:s23], $0x2800  }
0x139: {  	[sflag:s23] =	ssyncset.done $0x0  }
0x13a: {  	s0 =	simm.s32 $0x0;
	[sflag:s23] =	ssyncadd.s32 $0xFFFFD800  }
0x13b: {  	v0 =	vld [tilespmem:s0+$0x8000];
	_ =	sdelay $0x4  }
0x13c: {  	v0 =	vadd.s32 $0xFFFFEC00, v0  }
0x13d: {  	vm8 =	vlt.s32 v0, $0x1400  }
0x13e: {  	s8 =	simm.s32 $0x0;
	vm9 =	vlt.s32 v0, $0x0;
	v0 =	vnsel vm8, $0x1400, v0  }
0x13f: {  	s6 =	sand.u32 $0x300, s8;
	v0 =	vsel vm9, $0x1400, v0  }
0x140: {  	[tilespmem:s6+$0x10000] =	vst v0  }
0x141: {  	v0 =	vld [tilespmem:s0+$0x8010];
	_ =	sdelay $0x4  }
0x142: {  	v0 =	vadd.s32 $0xFFFFEC00, v0  }
0x143: {  	vm10 =	vlt.s32 v0, $0x1400  }
0x144: {  	vm11 =	vlt.s32 v0, $0x0;
	v0 =	vnsel vm10, $0x1400, v0  }
0x145: {  	v0 =	vsel vm11, $0x1400, v0  }
0x146: {  	[tilespmem:s6+$0x10010] =	vst v0  }
0x147: {  	v0 =	vld [tilespmem:s0+$0x8020];
	_ =	sdelay $0x4  }
0x148: {  	v0 =	vadd.s32 $0xFFFFEC00, v0  }
0x149: {  	vm12 =	vlt.s32 v0, $0x1400  }
0x14a: {  	vm13 =	vlt.s32 v0, $0x0;
	v0 =	vnsel vm12, $0x1400, v0  }
0x14b: {  	v0 =	vsel vm13, $0x1400, v0  }
0x14c: {  	[tilespmem:s6+$0x10020] =	vst v0  }
0x14d: {  	v0 =	vld [tilespmem:s0+$0x8030];
	_ =	sdelay $0x4  }
0x14e: {  	v0 =	vadd.s32 $0xFFFFEC00, v0  }
0x14f: {  	vm14 =	vlt.s32 v0, $0x1400  }
0x150: {  	vm15 =	vlt.s32 v0, $0x0;
	v0 =	vnsel vm14, $0x1400, v0  }
0x151: {  	v0 =	vsel vm15, $0x1400, v0  }
0x152: {  	[tilespmem:s6+$0x10030] =	vst v0  }
0x153: {  	v0 =	vld [tilespmem:s0+$0x8040];
	_ =	sdelay $0x4  }
0x154: {  	v0 =	vadd.s32 $0xFFFFEC00, v0  }
0x155: {  	vm4 =	vlt.s32 v0, $0x1400  }
0x156: {  	vm5 =	vlt.s32 v0, $0x0;
	v0 =	vnsel vm4, $0x1400, v0  }
0x157: {  	v0 =	vsel vm5, $0x1400, v0  }
0x158: {  	s15 =	sor.u32 $0x10000, s6;
	[tilespmem:s6+$0x10040] =	vst v0  }
0x159: {  	[spmem:s1] =	stream.indirect.scatter.add.f32 [tilespmem:s21], [sflag:$0x3], $0x80, s15, s20, $0xb8;
	[tilespmem:$0x1FB00] =	vst v63  }
0x15a: {  	p1 =	por $0x0, $0x0;
	_ =	swait.ge [sflag:s24], $0x2800  }
0x15b: {  	s7 =	simm.s32 @!p1 $0x100;
	[sflag:s24] =	ssyncset.done $0x0  }
0x15c: {  	s8 =	simm.s32 @!p1 $0x50;
	s6 =	simm.s32 @!p1 $0x10400;
	[sflag:s24] =	ssyncadd.s32 $0xFFFFD800  }
0x15d: {  	[tilespmem:s6], [sflag:$0x1] =	stream.indirect.gather @!p1 [hbm4b:s4+s8], $0x80, s7, s8, $0xb8;
	[tilespmem:$0x1FB00] =	vst v63  }
0x15e: {  	_ =	swait.ge [sflag:s25], $0x2800  }
0x15f: {  	[sflag:s25] =	ssyncset.done $0x0  }
0x160: {  	[sflag:s25] =	ssyncadd.s32 $0xFFFFD800  }
0x161: {  	v0 =	vld [tilespmem:s0+$0x8080];
	_ =	sdelay $0x4  }
0x162: {  	v0 =	vadd.s32 $0xFFFFEC00, v0  }
0x163: {  	vm6 =	vlt.s32 v0, $0x1400  }
0x164: {  	s31 =	simm.s32 $0x80;
	vm7 =	vlt.s32 v0, $0x0;
	v0 =	vnsel vm6, $0x1400, v0  }
0x165: {  	s6 =	sand.u32 $0x380, s31;
	v0 =	vsel vm7, $0x1400, v0  }
0x166: {  	[tilespmem:s6+$0x10000] =	vst v0  }
0x167: {  	v0 =	vld [tilespmem:s0+$0x8090];
	_ =	sdelay $0x4  }
0x168: {  	v0 =	vadd.s32 $0xFFFFEC00, v0  }
0x169: {  	vm8 =	vlt.s32 v0, $0x1400  }
0x16a: {  	vm9 =	vlt.s32 v0, $0x0;
	v0 =	vnsel vm8, $0x1400, v0  }
0x16b: {  	v0 =	vsel vm9, $0x1400, v0  }
0x16c: {  	[tilespmem:s6+$0x10010] =	vst v0  }
0x16d: {  	v0 =	vld [tilespmem:s0+$0x80A0];
	_ =	sdelay $0x4  }
0x16e: {  	v0 =	vadd.s32 $0xFFFFEC00, v0  }
0x16f: {  	vm10 =	vlt.s32 v0, $0x1400  }
0x170: {  	vm11 =	vlt.s32 v0, $0x0;
	v0 =	vnsel vm10, $0x1400, v0  }
0x171: {  	v0 =	vsel vm11, $0x1400, v0  }
0x172: {  	[tilespmem:s6+$0x10020] =	vst v0  }
0x173: {  	v0 =	vld [tilespmem:s0+$0x80B0];
	_ =	sdelay $0x4  }
0x174: {  	v0 =	vadd.s32 $0xFFFFEC00, v0  }
0x175: {  	vm12 =	vlt.s32 v0, $0x1400  }
0x176: {  	vm13 =	vlt.s32 v0, $0x0;
	v0 =	vnsel vm12, $0x1400, v0  }
0x177: {  	v0 =	vsel vm13, $0x1400, v0  }
0x178: {  	[tilespmem:s6+$0x10030] =	vst v0  }
0x179: {  	v0 =	vld [tilespmem:s0+$0x80C0];
	_ =	sdelay $0x4  }
0x17a: {  	v0 =	vadd.s32 $0xFFFFEC00, v0  }
0x17b: {  	vm14 =	vlt.s32 v0, $0x1400  }
0x17c: {  	p2 =	por $0x0, $0x0;
	vm15 =	vlt.s32 v0, $0x0;
	v0 =	vnsel vm14, $0x1400, v0  }
0x17d: {  	s30 =	simm.s32 $0x400;
	s7 =	sor.u32 $0x10000, s6;
	s0 =	simm.s32 $0x800;
	v0 =	vsel vm15, $0x1400, v0  }
.LBB2_4:
0x17e: {  	s8 =	simm.s32 @!p2 $0x4  }
0x17f: {  	[tilespmem:s6+$0x10040] =	vst v0;
	s31 =	sadd.s32 $0x100, s31;
	s6 =	smov.u32 s0;
	s0 =	sadd.s32 $0x400, s0  }
0x180: {  	[spmem:s1] =	stream.indirect.scatter.add.f32 [tilespmem:s22], [sflag:$0x4], $0x80, s7, s20, $0xb8;
	[tilespmem:$0x1FB00] =	vst v63  }
0x181: {  	p1 =	sne.s32 s0, $0x1F400;
	_ =	swait.ge @!p2 [sflag:s8], $0x2800  }
0x182: {  	s15 =	sshra.s32 s30, $0x2;
	[sflag:s8] =	ssyncset.done @!p2 $0x0  }
0x183: {  	s7 =	sadd.s32 $0x80, s15;
	[sflag:s8] =	ssyncadd.s32 @!p2 $0xFFFFD800  }
0x184: {  	[tilespmem:s22], [sflag:$0x2] =	stream.indirect.gather [hbm4b:s4+s20], $0x80, s7, s20, $0xb8;
	[tilespmem:$0x1FB00] =	vst v63  }
0x185: {  	_ =	swait.ge [sflag:s23], $0x2800  }
0x186: {  	[sflag:s23] =	ssyncset.done $0x0  }
0x187: {  	[sflag:s23] =	ssyncadd.s32 $0xFFFFD800  }
0x188: {  	v0 =	vld [tilespmem:s15+$0x8000];
	_ =	sdelay $0x4  }
0x189: {  	v0 =	vadd.s32 $0xFFFFEC00, v0  }
0x18a: {  	vm0 =	vlt.s32 v0, $0x1400  }
0x18b: {  	s7 =	sadd.s32 $0xFFFFFF80, s31;
	vm1 =	vlt.s32 v0, $0x0;
	v0 =	vnsel vm0, $0x1400, v0  }
0x18c: {  	s7 =	sand.u32 $0x300, s7;
	v0 =	vsel vm1, $0x1400, v0  }
0x18d: {  	[tilespmem:s7+$0x10000] =	vst v0  }
0x18e: {  	v0 =	vld [tilespmem:s15+$0x8010];
	_ =	sdelay $0x4  }
0x18f: {  	v0 =	vadd.s32 $0xFFFFEC00, v0  }
0x190: {  	vm0 =	vlt.s32 v0, $0x1400  }
0x191: {  	vm1 =	vlt.s32 v0, $0x0;
	v0 =	vnsel vm0, $0x1400, v0  }
0x192: {  	v0 =	vsel vm1, $0x1400, v0  }
0x193: {  	[tilespmem:s7+$0x10010] =	vst v0  }
0x194: {  	v0 =	vld [tilespmem:s15+$0x8020];
	_ =	sdelay $0x4  }
0x195: {  	v0 =	vadd.s32 $0xFFFFEC00, v0  }
0x196: {  	vm0 =	vlt.s32 v0, $0x1400  }
0x197: {  	vm1 =	vlt.s32 v0, $0x0;
	v0 =	vnsel vm0, $0x1400, v0  }
0x198: {  	v0 =	vsel vm1, $0x1400, v0  }
0x199: {  	[tilespmem:s7+$0x10020] =	vst v0  }
0x19a: {  	v0 =	vld [tilespmem:s15+$0x8030];
	_ =	sdelay $0x4  }
0x19b: {  	v0 =	vadd.s32 $0xFFFFEC00, v0  }
0x19c: {  	vm0 =	vlt.s32 v0, $0x1400  }
0x19d: {  	vm1 =	vlt.s32 v0, $0x0;
	v0 =	vnsel vm0, $0x1400, v0  }
0x19e: {  	v0 =	vsel vm1, $0x1400, v0  }
0x19f: {  	[tilespmem:s7+$0x10030] =	vst v0  }
0x1a0: {  	v0 =	vld [tilespmem:s15+$0x8040];
	_ =	sdelay $0x4  }
0x1a1: {  	v0 =	vadd.s32 $0xFFFFEC00, v0  }
0x1a2: {  	vm0 =	vlt.s32 v0, $0x1400  }
0x1a3: {  	vm1 =	vlt.s32 v0, $0x0;
	v0 =	vnsel vm0, $0x1400, v0  }
0x1a4: {  	v0 =	vsel vm1, $0x1400, v0  }
0x1a5: {  	s8 =	sor.u32 $0x10000, s7;
	[tilespmem:s7+$0x10040] =	vst v0  }
0x1a6: {  	[spmem:s1] =	stream.indirect.scatter.add.f32 [tilespmem:s21], [sflag:$0x3], $0x80, s8, s20, $0xb8;
	[tilespmem:$0x1FB00] =	vst v63  }
0x1a7: {  	p2 =	seq.s32 s30, $0x1F000;
	_ =	swait.ge [sflag:s24], $0x2800  }
0x1a8: {  	s7 =	sshra.s32 @!p2 s30, $0x2;
	s8 =	simm.s32 @!p2 $0x10400;
	[sflag:s24] =	ssyncset.done $0x0  }
0x1a9: {  	s30 =	simm.s32 @!p2 $0x50;
	s7 =	sadd.s32 @!p2 $0x100, s7;
	[sflag:s24] =	ssyncadd.s32 $0xFFFFD800  }
0x1aa: {  	[tilespmem:s8], [sflag:$0x1] =	stream.indirect.gather @!p2 [hbm4b:s4+s30], $0x80, s7, s30, $0xb8;
	[tilespmem:$0x1FB00] =	vst v63  }
0x1ab: {  	s30 =	smov.u32 s6;
	_ =	swait.ge [sflag:s25], $0x2800  }
0x1ac: {  	[sflag:s25] =	ssyncset.done $0x0  }
0x1ad: {  	[sflag:s25] =	ssyncadd.s32 $0xFFFFD800  }
0x1ae: {  	v0 =	vld [tilespmem:s15+$0x8080];
	_ =	sdelay $0x4  }
0x1af: {  	v0 =	vadd.s32 $0xFFFFEC00, v0  }
0x1b0: {  	vm0 =	vlt.s32 v0, $0x1400  }
0x1b1: {  	vm1 =	vlt.s32 v0, $0x0;
	v0 =	vnsel vm0, $0x1400, v0  }
0x1b2: {  	s6 =	sand.u32 $0x380, s31;
	v0 =	vsel vm1, $0x1400, v0  }
0x1b3: {  	[tilespmem:s6+$0x10000] =	vst v0  }
0x1b4: {  	v0 =	vld [tilespmem:s15+$0x8090];
	_ =	sdelay $0x4  }
0x1b5: {  	v0 =	vadd.s32 $0xFFFFEC00, v0  }
0x1b6: {  	vm0 =	vlt.s32 v0, $0x1400  }
0x1b7: {  	vm1 =	vlt.s32 v0, $0x0;
	v0 =	vnsel vm0, $0x1400, v0  }
0x1b8: {  	v0 =	vsel vm1, $0x1400, v0  }
0x1b9: {  	[tilespmem:s6+$0x10010] =	vst v0  }
0x1ba: {  	v0 =	vld [tilespmem:s15+$0x80A0];
	_ =	sdelay $0x4  }
0x1bb: {  	v0 =	vadd.s32 $0xFFFFEC00, v0  }
0x1bc: {  	vm0 =	vlt.s32 v0, $0x1400  }
0x1bd: {  	vm1 =	vlt.s32 v0, $0x0;
	v0 =	vnsel vm0, $0x1400, v0  }
0x1be: {  	v0 =	vsel vm1, $0x1400, v0  }
0x1bf: {  	[tilespmem:s6+$0x10020] =	vst v0  }
0x1c0: {  	v0 =	vld [tilespmem:s15+$0x80B0];
	_ =	sdelay $0x4  }
0x1c1: {  	v0 =	vadd.s32 $0xFFFFEC00, v0  }
0x1c2: {  	vm0 =	vlt.s32 v0, $0x1400  }
0x1c3: {  	vm1 =	vlt.s32 v0, $0x0;
	v0 =	vnsel vm0, $0x1400, v0  }
0x1c4: {  	v0 =	vsel vm1, $0x1400, v0  }
0x1c5: {  	[tilespmem:s6+$0x10030] =	vst v0  }
0x1c6: {  	v0 =	vld [tilespmem:s15+$0x80C0];
	_ =	sdelay $0x3  }
.Ltmp1:
0x1c7: {  	(pc) =	sbr.rel @p1 .LBB2_4-.Ltmp1, $4  }
0x1c8: {  	v0 =	vadd.s32 $0xFFFFEC00, v0  }
0x1c9: {  	vm0 =	vlt.s32 v0, $0x1400  }
0x1ca: {  	vm1 =	vlt.s32 v0, $0x0;
	v0 =	vnsel vm0, $0x1400, v0  }
0x1cb: {  	p2 =	seq.s32 s30, $0x0;
	s7 =	sor.u32 $0x10000, s6;
	v0 =	vsel vm1, $0x1400, v0  }
0x1cc: {  	s8 =	simm.s32 @!p2 $0x4;
	[tilespmem:s6+$0x10040] =	vst v0  }
0x1cd: {  	[spmem:s1] =	stream.indirect.scatter.add.f32 [tilespmem:s22], [sflag:$0x4], $0x80, s7, s20, $0xb8;
	[tilespmem:$0x1FB00] =	vst v63  }
0x1ce: {  	_ =	swait.ge @!p2 [sflag:s8], $0x2800  }
0x1cf: {  	s0 =	sshra.s32 s30, $0x2;
	[sflag:s8] =	ssyncset.done @!p2 $0x0  }
0x1d0: {  	s15 =	sadd.s32 $0x80, s0;
	[sflag:s8] =	ssyncadd.s32 @!p2 $0xFFFFD800  }
0x1d1: {  	[tilespmem:s22], [sflag:$0x2] =	stream.indirect.gather [hbm4b:s4+s20], $0x80, s15, s20, $0xb8;
	[tilespmem:$0x1FB00] =	vst v63  }
0x1d2: {  	_ =	swait.ge [sflag:s23], $0x2800  }
0x1d3: {  	[sflag:s23] =	ssyncset.done $0x0  }
0x1d4: {  	[sflag:s23] =	ssyncadd.s32 $0xFFFFD800  }
0x1d5: {  	v62 =	vld [tilespmem:s0+$0x8000];
	_ =	sdelay $0x4  }
0x1d6: {  	v0 =	vadd.s32 $0xFFFFEC00, v62  }
0x1d7: {  	s31 =	sadd.s32 $0x100, s31;
	vm0 =	vlt.s32 v0, $0x1400  }
0x1d8: {  	s8 =	sadd.s32 $0xFFFFFF80, s31;
	vm1 =	vlt.s32 v0, $0x0;
	v0 =	vnsel vm0, $0x1400, v0  }
0x1d9: {  	s7 =	sand.u32 $0x300, s8;
	v0 =	vsel vm1, $0x1400, v0  }
0x1da: {  	[tilespmem:s7+$0x10000] =	vst v0  }
0x1db: {  	v0 =	vld [tilespmem:s0+$0x8010];
	_ =	sdelay $0x4  }
0x1dc: {  	v0 =	vadd.s32 $0xFFFFEC00, v0  }
0x1dd: {  	vm10 =	vlt.s32 v0, $0x1400  }
0x1de: {  	vm11 =	vlt.s32 v0, $0x0;
	v0 =	vnsel vm10, $0x1400, v0  }
0x1df: {  	v0 =	vsel vm11, $0x1400, v0  }
0x1e0: {  	[tilespmem:s7+$0x10010] =	vst v0  }
0x1e1: {  	v0 =	vld [tilespmem:s0+$0x8020];
	_ =	sdelay $0x4  }
0x1e2: {  	v0 =	vadd.s32 $0xFFFFEC00, v0  }
0x1e3: {  	vm12 =	vlt.s32 v0, $0x1400  }
0x1e4: {  	vm13 =	vlt.s32 v0, $0x0;
	v0 =	vnsel vm12, $0x1400, v0  }
0x1e5: {  	v0 =	vsel vm13, $0x1400, v0  }
0x1e6: {  	[tilespmem:s7+$0x10020] =	vst v0  }
0x1e7: {  	v0 =	vld [tilespmem:s0+$0x8030];
	_ =	sdelay $0x4  }
0x1e8: {  	v0 =	vadd.s32 $0xFFFFEC00, v0  }
0x1e9: {  	vm14 =	vlt.s32 v0, $0x1400  }
0x1ea: {  	vm15 =	vlt.s32 v0, $0x0;
	v0 =	vnsel vm14, $0x1400, v0  }
0x1eb: {  	v0 =	vsel vm15, $0x1400, v0  }
0x1ec: {  	[tilespmem:s7+$0x10030] =	vst v0  }
0x1ed: {  	v0 =	vld [tilespmem:s0+$0x8040];
	_ =	sdelay $0x4  }
0x1ee: {  	v0 =	vadd.s32 $0xFFFFEC00, v0  }
0x1ef: {  	vm4 =	vlt.s32 v0, $0x1400  }
0x1f0: {  	vm5 =	vlt.s32 v0, $0x0;
	v0 =	vnsel vm4, $0x1400, v0  }
0x1f1: {  	v0 =	vsel vm5, $0x1400, v0  }
0x1f2: {  	s15 =	sor.u32 $0x10000, s7;
	[tilespmem:s7+$0x10040] =	vst v0  }
0x1f3: {  	[spmem:s1] =	stream.indirect.scatter.add.f32 [tilespmem:s21], [sflag:$0x3], $0x80, s15, s20, $0xb8;
	[tilespmem:$0x1FB00] =	vst v63  }
0x1f4: {  	p1 =	seq.s32 s30, $0x1F000;
	_ =	swait.ge [sflag:s24], $0x2800  }
0x1f5: {  	s8 =	simm.s32 @!p1 $0x10400;
	s7 =	sshra.s32 @!p1 s30, $0x2;
	[sflag:s24] =	ssyncset.done $0x0  }
0x1f6: {  	s7 =	sadd.s32 @!p1 $0x100, s7;
	s15 =	simm.s32 @!p1 $0x50;
	[sflag:s24] =	ssyncadd.s32 $0xFFFFD800  }
0x1f7: {  	[tilespmem:s8], [sflag:$0x1] =	stream.indirect.gather @!p1 [hbm4b:s4+s15], $0x80, s7, s15, $0xb8;
	[tilespmem:$0x1FB00] =	vst v63  }
0x1f8: {  	_ =	swait.ge [sflag:s25], $0x2800  }
0x1f9: {  	[sflag:s25] =	ssyncset.done $0x0  }
0x1fa: {  	[sflag:s25] =	ssyncadd.s32 $0xFFFFD800  }
0x1fb: {  	v63 =	vld [tilespmem:s0+$0x8080];
	_ =	sdelay $0x4  }
0x1fc: {  	v0 =	vadd.s32 $0xFFFFEC00, v63  }
0x1fd: {  	vm6 =	vlt.s32 v0, $0x1400  }
0x1fe: {  	vm7 =	vlt.s32 v0, $0x0;
	v0 =	vnsel vm6, $0x1400, v0  }
0x1ff: {  	s6 =	sand.u32 $0x380, s31;
	v0 =	vsel vm7, $0x1400, v0  }
0x200: {  	[tilespmem:s6+$0x10000] =	vst v0  }
0x201: {  	v0 =	vld [tilespmem:s0+$0x8090];
	_ =	sdelay $0x4  }
0x202: {  	v0 =	vadd.s32 $0xFFFFEC00, v0  }
0x203: {  	vm8 =	vlt.s32 v0, $0x1400  }
0x204: {  	vm9 =	vlt.s32 v0, $0x0;
	v0 =	vnsel vm8, $0x1400, v0  }
0x205: {  	v0 =	vsel vm9, $0x1400, v0  }
0x206: {  	[tilespmem:s6+$0x10010] =	vst v0  }
0x207: {  	v0 =	vld [tilespmem:s0+$0x80A0];
	_ =	sdelay $0x4  }
0x208: {  	v0 =	vadd.s32 $0xFFFFEC00, v0  }
0x209: {  	vm10 =	vlt.s32 v0, $0x1400  }
0x20a: {  	vm11 =	vlt.s32 v0, $0x0;
	v0 =	vnsel vm10, $0x1400, v0  }
0x20b: {  	v0 =	vsel vm11, $0x1400, v0  }
0x20c: {  	[tilespmem:s6+$0x10020] =	vst v0  }
0x20d: {  	v0 =	vld [tilespmem:s0+$0x80B0];
	_ =	sdelay $0x4  }
0x20e: {  	v0 =	vadd.s32 $0xFFFFEC00, v0  }
0x20f: {  	vm12 =	vlt.s32 v0, $0x1400  }
0x210: {  	vm13 =	vlt.s32 v0, $0x0;
	v0 =	vnsel vm12, $0x1400, v0  }
0x211: {  	v0 =	vsel vm13, $0x1400, v0  }
0x212: {  	[tilespmem:s6+$0x10030] =	vst v0  }
0x213: {  	v0 =	vld [tilespmem:s0+$0x80C0];
	_ =	sdelay $0x4  }
0x214: {  	v0 =	vadd.s32 $0xFFFFEC00, v0  }
0x215: {  	vm14 =	vlt.s32 v0, $0x1400  }
0x216: {  	vm15 =	vlt.s32 v0, $0x0;
	v0 =	vnsel vm14, $0x1400, v0  }
0x217: {  	v0 =	vsel vm15, $0x1400, v0  }
0x218: {  	s31 =	sor.u32 $0x10000, s6;
	[tilespmem:s6+$0x10040] =	vst v0  }
0x219: {  	[spmem:s1] =	stream.indirect.scatter.add.f32 [tilespmem:s22], [sflag:$0x4], $0x80, s31, s20, $0xb8;
	[tilespmem:$0x1FB00] =	vst v63  }
0x21a: {  	_ =	swait.ge [sflag:s26], $0x2800  }
0x21b: {  	[sflag:s26] =	ssyncset.done $0x0  }
0x21c: {  	s29 =	sadd.s32 $0x1, s29;
	[sflag:s26] =	ssyncadd.s32 $0xFFFFD800  }
0x21d: {  	p1 =	sne.s32 s29, s13;
	[bflag:$0x0] =	sbarrier.arrive $0xFFFF  }
0x21e: {  	[hbm:s12], [sflag:s17] =	dma.local [spmem:s18], $0x1480  }
.Ltmp2:
0x21f: {  	_ =	swait.ge [sflag:s14], $0x1480;
	(pc) =	sbr.rel @p1 .LBB2_1-.Ltmp2, $3  }
0x220: {  	[sflag:s14] =	ssyncset.done $0x0  }
0x221: {  	[sflag:s14] =	ssyncadd.s32 $0xFFFFEB80  }
0x222: {  	[bflag:$0x0] =	sbarrier.arrive $0xFFFF;
	_ =	sdelay $0x1  }
0x223: {  	_ =	sfence.sel $0x180000  }
0x224: {  	[bflag:$0x0] =	sbarrier.arrive $0xFFFF  }
0x225: {  	_ =	strace $0x9000004A  }
0x226: {  	[bflag:$0x2] =	sbarrier.arrive $0xFFFF  }
0x227: {  	s0 =	rddreg [dreg:$0x5]  }
0x228: {  	s0 =	sadd.s32 @!p0 $0x100000, s0  }
0x229: {  	[sflag:s0] =	ssyncadd.tile.s32 @!p0 $0x1;
	_ =	shalt  }
.Lfunc_end2:
_tile_overlayer_lowered:
.L_overlay_start_2:
0x22a: {  	(tag) =	ssettag $0x2  }
0x22b: {  	s0 =	rddreg [dreg:$0x0];
	s2 =	stileid.u32  }
0x22c: {  	s1 =	rddreg [dreg:$0x1];
	p0 =	sne.s32 s2, $0x0  }
0x22d: {  	s3 =	rddreg [dreg:$0x2];
	[bflag:$0x3] =	sbarrier.arrive $0xFFFF;
	s2 =	simm.s32 @!p0 $0x1C06  }
0x22e: {  	[timem:s3], [sflag:s2] =	dma.local @!p0 [hbm:s0], s1  }
0x22f: {  	s0 =	simm.s32 @!p0 $0x6  }
0x230: {  	_ =	swait.ge @!p0 [sflag:s0], s1  }
0x231: {  	s1 =	ssub.s32 @!p0 $0x0, s1;
	[sflag:s0] =	ssyncset.done @!p0 $0x0  }
0x232: {  	[sflag:s0] =	ssyncadd.s32 @!p0 s1  }
0x233: {  	[bflag:$0x3] =	sbarrier.arrive $0xFFFF  }
0x234: {  	_ =	shalt  }

// kernel: kernel.7.cloned.1.call-start
scs
__scs_entry_jumppad:
0x0: {  	(pc) =	sbr.rel $0x88, $3  }
0x1: {  	(tag) =	ssettag $0x0;
	lr =	simm.s32 $0x1  }
0x2: {  	[smem:$0x3F96] =	sst lr;
	_ =	strace $0xD0000000  }
0x3: {  	_ = 	snop  }
0x4: {  	_ = 	snop  }
0x5: {  	_ = 	snop  }
0x6: {  	_ = 	snop  }
0x7: {  	_ = 	snop  }
__scs_overlays_trampoline_lowered:
0x8: {  	[smem:$0x3FA5] =	sst s0  }
0x9: {  	[smem:$0x3FA6] =	sst s1  }
0xa: {  	[smem:$0x3FA7] =	sst s2  }
0xb: {  	[smem:$0x3FA8] =	sst s3  }
0xc: {  	[smem:$0x3FA9] =	sst s4  }
0xd: {  	[smem:$0x3FAA] =	sst s5  }
0xe: {  	[smem:$0x3FAB] =	sst s6  }
0xf: {  	[smem:$0x3FAC] =	sst s7  }
0x10: {  	[smem:$0x3FAD] =	sst s8  }
0x11: {  	[smem:$0x3FAE] =	sst s9;
	s0 =	simm.s32 @!p0 $0x0  }
0x12: {  	s1 =	sld [smem:$0x3F94];
	s0 =	simm.s32 @p0 $0x1  }
0x13: {  	[smem:$0x3FAF] =	sst s0;
	s0 =	simm.s32 @!p1 $0x0  }
0x14: {  	s2 =	sld [smem:$0x3F93];
	s0 =	simm.s32 @p1 $0x1  }
0x15: {  	[smem:$0x3FB0] =	sst s0;
	s0 =	simm.s32 @!p2 $0x0  }
0x16: {  	s3 =	sld [smem:$0x3FDB];
	s0 =	simm.s32 @p2 $0x1  }
0x17: {  	s4 =	simm.s32 $0x1BF5;
	[smem:$0x3FB2] =	sst s0  }
0x18: {  	s0 =	sld [smem:$0x3F95];
	_ =	swait.ge [sflag:s4], $0x0  }
0x19: {  	s7 =	sld [smem:$0x3F96]  }
0x1a: {  	s8 =	sadd.s32 $0xFFFFE003, lr  }
0x1b: {  	s9 =	sadd.s32 $0xFFFFFEF7, lr;
	s5 =	simm.s32 $0xFFFFFFFF;
	p2 =	slt.u32 s8, $0xFFFFF086  }
0x1c: {  	p1 =	slt.u32 s9, $0xF7A;
	s5 =	simm.s32 @!p2 $0x0  }
0x1d: {  	s5 =	simm.s32 @p1 $0x1;
	p0 =	seq.s32 s7, s2  }
0x1e: {  	s7 =	smul.u32 @!p0 $0xF7A, s2;
	p2 =	seq.s32 @!p0 s5, $0x0  }
0x1f: {  	s9 =	smul.u32 $0xF7A, s1;
	s8 =	simm.s32 @!p0 $0x1BF5;
	p2 =	por !p2, p0  }
0x20: {  	[sflag:s8] =	ssyncset.s32 @!p0 $0xFFFFF086;
	s6 =	sadd.s32 @!p0 s3, s7;
	s7 =	simm.s32 @!p0 $0x108  }
0x21: {  	s3 =	sadd.s32 s3, s9;
	s6 =	sadd.s32 @!p0 $0x88, s6;
	s7 =	simm.s32 @p2 $0x1082  }
0x22: {  	[simem:s7], [sflag:s8] =	dma.local @!p0 [hbm:s6], $0xF7A  }
0x23: {  	s9 =	sor.u32 $0xD0000000, s2;
	s6 =	simm.s32 $0x108;
	_ =	swait.ge @!p0 [sflag:s8], $0x0  }
0x24: {  	s3 =	sadd.s32 $0x88, s3;
	s6 =	simm.s32 @!p1 $0x1082;
	[sflag:s4] =	ssyncset.s32 $0xFFFFF086  }
0x25: {  	[simem:s6], [sflag:s4] =	dma.local [hbm:s3], $0xF7A  }
0x26: {  	[smem:$0x3F96] =	sst s1;
	(tag) =	ssettag s2;
	_ =	strace s9  }
0x27: {  	s1 =	sld [smem:$0x3FA6]  }
0x28: {  	s2 =	sld [smem:$0x3FA7]  }
0x29: {  	s4 =	sld [smem:$0x3FA9]  }
0x2a: {  	p0 =	seq.s32 s5, $0x0;
	s5 =	sld [smem:$0x3FAA]  }
0x2b: {  	s6 =	sld [smem:$0x3FAB]  }
0x2c: {  	s7 =	sld [smem:$0x3FAC]  }
0x2d: {  	s3 =	simm.s32 $0x108;
	s8 =	sld [smem:$0x3FAD]  }
0x2e: {  	s3 =	simm.s32 @!p0 $0x1082;
	s9 =	sld [smem:$0x3FAE]  }
0x2f: {  	lr =	sadd.s32 s0, s3;
	s0 =	sld [smem:$0x3FA5]  }
0x30: {  	s3 =	sld [smem:$0x3FA8]  }
0x31: {  	[smem:$0x3FB1] =	sst s10  }
0x32: {  	s10 =	sld [smem:$0x3FAF];
	_ =	sdelay $0x3  }
0x33: {  	p0 =	seq.s32 s10, $0x1;
	s10 =	sld [smem:$0x3FB1];
	_ =	sdelay $0x3  }
0x34: {  	[smem:$0x3FB1] =	sst s10  }
0x35: {  	s10 =	sld [smem:$0x3FB0];
	_ =	sdelay $0x3  }
0x36: {  	p1 =	seq.s32 s10, $0x1;
	s10 =	sld [smem:$0x3FB1];
	_ =	sdelay $0x3  }
0x37: {  	[smem:$0x3FB1] =	sst s10  }
0x38: {  	s10 =	sld [smem:$0x3FB2]  }
0x39: {  	_ = 	snop;
	(pc) =	sbr.ind lr, $3  }
0x3a: {  	_ = 	snop  }
0x3b: {  	_ = 	snop  }
0x3c: {  	p2 =	seq.s32 s10, $0x1;
	s10 =	sld [smem:$0x3FB1]  }
0x3d: {  	_ =	shalt  }
0x3e: {  	_ =	shalt  }
0x3f: {  	_ =	shalt  }
0x40: {  	_ =	shalt  }
0x41: {  	_ =	shalt  }
0x42: {  	_ =	shalt  }
0x43: {  	_ =	shalt  }
0x44: {  	_ =	shalt  }
0x45: {  	_ =	shalt  }
0x46: {  	_ =	shalt  }
0x47: {  	_ =	shalt  }
0x48: {  	_ =	shalt  }
0x49: {  	_ =	shalt  }
0x4a: {  	_ =	shalt  }
0x4b: {  	_ =	shalt  }
0x4c: {  	_ =	shalt  }
0x4d: {  	_ =	shalt  }
0x4e: {  	_ =	shalt  }
0x4f: {  	_ =	shalt  }
0x50: {  	_ =	shalt  }
0x51: {  	_ =	shalt  }
0x52: {  	_ =	shalt  }
0x53: {  	_ =	shalt  }
0x54: {  	_ =	shalt  }
0x55: {  	_ =	shalt  }
0x56: {  	_ =	shalt  }
0x57: {  	_ =	shalt  }
0x58: {  	_ =	shalt  }
0x59: {  	_ =	shalt  }
0x5a: {  	_ =	shalt  }
0x5b: {  	_ =	shalt  }
0x5c: {  	_ =	shalt  }
0x5d: {  	_ =	shalt  }
0x5e: {  	_ =	shalt  }
0x5f: {  	_ =	shalt  }
0x60: {  	_ =	shalt  }
0x61: {  	_ =	shalt  }
0x62: {  	_ =	shalt  }
0x63: {  	_ =	shalt  }
0x64: {  	_ =	shalt  }
0x65: {  	_ =	shalt  }
0x66: {  	_ =	shalt  }
0x67: {  	_ =	shalt  }
0x68: {  	_ =	shalt  }
0x69: {  	_ =	shalt  }
0x6a: {  	_ =	shalt  }
0x6b: {  	_ =	shalt  }
0x6c: {  	_ =	shalt  }
0x6d: {  	_ =	shalt  }
0x6e: {  	_ =	shalt  }
0x6f: {  	_ =	shalt  }
0x70: {  	_ =	shalt  }
0x71: {  	_ =	shalt  }
0x72: {  	_ =	shalt  }
0x73: {  	_ =	shalt  }
0x74: {  	_ =	shalt  }
0x75: {  	_ =	shalt  }
0x76: {  	_ =	shalt  }
0x77: {  	_ =	shalt  }
0x78: {  	_ =	shalt  }
0x79: {  	_ =	shalt  }
0x7a: {  	_ =	shalt  }
0x7b: {  	_ =	shalt  }
0x7c: {  	_ =	shalt  }
0x7d: {  	_ =	shalt  }
0x7e: {  	_ =	shalt  }
0x7f: {  	_ =	shalt  }
0x80: {  	_ =	shalt  }
0x81: {  	_ =	shalt  }
0x82: {  	_ =	shalt  }
0x83: {  	_ =	shalt  }
0x84: {  	_ =	shalt  }
0x85: {  	_ =	shalt  }
0x86: {  	_ =	shalt  }
0x87: {  	_ =	shalt  }
.Lfunc_end0:
.L_simem_size_0:
called_computation_lowered:
.L_overlay_start_0:
0x88: {  	s2 =	sld [smem:$0x3FD9]  }
0x89: {  	s3 =	sld [smem:$0x3FFE];
	_ =	sdelay $0x1  }
0x8a: {  	s1 =	srdreg.scid  }
0x8b: {  	s0 =	sand.u32 $0x1, s1  }
0x8c: {  	s14 =	sshll.u32 s0, $0xA;
	s2 =	sadd.s32 s3, s2  }
0x8d: {  	s2 =	sadd.s32 s2, s14  }
0x8e: {  	[smem:$0x3FBD] =	sst s2  }
0x8f: {  	_ = 	snop  }
0x90: {  	s2 =	sld [smem:$0x3FD0];
	_ =	sdelay $0x2  }
0x91: {  	s15 =	simm.s32 $0xA;
	s4 =	simm.s32 $0x10  }
0x92: {  	[smem:s4], [sflag:s15] =	dma.local [hbm:s2], $0x1  }
0x93: {  	_ =	swait.eq [sflag:s15], $0x1  }
0x94: {  	[sflag:s15] =	ssyncset.done $0x0  }
0x95: {  	[sflag:s15] =	ssyncadd.s32 $0xFFFFFFFF  }
0x96: {  	s16 =	sld [smem:$0x10];
	(tm) =	ssettm $0x1  }
0x97: {  	s17 =	sld [smem:$0x3FFB];
	_ =	sdelay $0x3  }
0x98: {  	_ =	strace s17  }
0x99: {  	s3 =	sld [smem:$0x3FFC];
	_ =	sdelay $0x3  }
0x9a: {  	_ =	strace s3  }
0x9b: {  	s3 =	sld [smem:$0x3FFD];
	_ =	sdelay $0x3  }
0x9c: {  	_ =	strace s3  }
0x9d: {  	_ =	strace $0x8FFFFFFF  }
0x9e: {  	s18 =	sld [smem:$0x3FDB];
	_ =	sdelay $0x1  }
0x9f: {  	s19 =	simm.s32 $_scs_section_size  }
0xa0: {  	s5 =	simm.s32 $_size__tile_overlayer_lowered;
	s6 =	simm.s32 $_tile_overlayer_lowered  }
0xa1: {  	s22 =	simm.s32 $0x1BFF;
	s21 =	sshll.u32 s6, $0x1;
	s3 =	sadd.s32 s19, s18  }
0xa2: {  	s7 =	simm.s32 $0x0;
	s20 =	sshll.u32 s5, $0x1;
	s5 =	sadd.s32 s21, s3  }
0xa3: {  	[timem:s7], [sflag:s22] =	dma.local [hbm:s5], s20  }
0xa4: {  	_ =	swait.ge [sflag:s22], s20  }
0xa5: {  	s4 =	ssub.s32 $0x0, s20;
	[sflag:s22] =	ssyncset.done $0x0  }
0xa6: {  	[sflag:s22] =	ssyncadd.s32 s4;
	_ =	sdelay $0x1  }
0xa7: {  	s23 =	simm.s32 $0x1B8B  }
0xa8: {  	_ =	swait.ge [sflag:s23], $0x1  }
0xa9: {  	[sflag:s23] =	ssyncset.done $0x0  }
0xaa: {  	s25 =	simm.s32 $0x1B8E;
	s24 =	sld [smem:$0x3FFE];
	[sflag:s23] =	ssyncadd.s32 $0xFFFFFFFF  }
0xab: {  	s26 =	simm.s32 $execute0_lowered;
	[smem:$0x3FD2] =	sst s25  }
0xac: {  	s5 =	sshll.u32 s26, $0x1;
	_ =	strace $0x80000046;
	[dreg:$0x1] =	wrdreg $0xFFFFFFFF  }
0xad: {  	s28 =	simm.s32 $_size_execute0_lowered;
	s3 =	sadd.s32 s3, s5;
	[dreg:$0x0] =	wrdreg $0x0  }
0xae: {  	s5 =	sshll.u32 s28, $0x1;
	[dreg:$0x2] =	wrdreg s3  }
0xaf: {  	[dreg:$0x3] =	wrdreg s5  }
0xb0: {  	[dreg:$0x4] =	wrdreg $0xC0  }
0xb1: {  	_ =	task [dreg:s7], $0x5FFFF  }
0xb2: {  	[dreg:$0x1] =	wrdreg $0xFFFFFFFF  }
0xb3: {  	[dreg:$0x0] =	wrdreg $0x60  }
0xb4: {  	[dreg:$0x2] =	wrdreg s24  }
0xb5: {  	[dreg:$0x3] =	wrdreg s16  }
0xb6: {  	[dreg:$0x4] =	wrdreg $0x154800  }
0xb7: {  	[dreg:$0x5] =	wrdreg $0x1F8800  }
0xb8: {  	[dreg:$0x6] =	wrdreg $0x9  }
0xb9: {  	_ =	task.clear_ibuf [dreg:s7], $0x7FFFF;
	_ =	strace $0x90000046  }
0xba: {  	s29 =	simm.s32 $0x9;
	_ =	strace $0x80000048  }
0xbb: {  	_ =	swait.ge [sflag:s29], $0x1  }
0xbc: {  	[sflag:s29] =	ssyncadd.s32 $0xFFFFFFFF  }
0xbd: {  	_ =	strace $0x90000048  }
0xbe: {  	_ =	sfence  }
0xbf: {  	s30 =	sld [smem:$0x0];
	_ =	sdelay $0x2  }
0xc0: {  	s31 =	sshll.u32 s1, $0xD;
	s1 =	sshrl.u32 s1, $0x2  }
0xc1: {  	s3 =	sand.u32 $0x4000, s31;
	s1 =	sadd.s32 s1, s30  }
0xc2: {  	s0 =	sor.u32 s3, s0;
	s1 =	sshll.u32 s1, $0x11  }
0xc3: {  	s0 =	sor.u32 s1, s0  }
0xc4: {  	s0 =	sadd.s32 $0x8F2B, s0  }
0xc5: {  	[sflag:s0] =	ssyncadd.remote.s32 $0x1  }
0xc6: {  	_ =	sfence.sel $0xFFFF  }
0xc7: {  	[dreg:$0x0] =	wrdreg $0xFFFFFFFF;
	(pc) =	sbr.abs _section_cstart, $3  }
0xc8: {  	[dreg:$0x1] =	wrdreg $0xFFFFFFFF  }
0xc9: {  	_ =	task.clear_ibuf [dreg:s7], $0x2FFFF;
	_ =	strace $0x9FFFFFFF  }
0xca: {  	(tm) =	ssettm $0x7FFFFFFF  }
0xcb: {  	_ =	shalt  }
tec
execute0_lowered:
.L_overlay_start_1:
0x0: {  	(tag) =	ssettag $0x1  }
0x1: {  	s0 =	rddreg [dreg:$0x0]  }
0x2: {  	s6 =	rddreg [dreg:$0x1]  }
0x3: {  	s1 =	rddreg [dreg:$0x2]  }
0x4: {  	s2 =	rddreg [dreg:$0x3];
	s3 =	simm.s32 $0x0  }
0x5: {  	s4 =	srdreg.scid;
	s7 =	stileid.u32;
	s16 =	simm.s32 $0x15400  }
0x6: {  	s20 =	simm.s32 $0x50;
	s21 =	simm.s32 $0x10400;
	s28 =	simm.s32 $0x5  }
0x7: {  	s29 =	simm.s32 $0x0;
	[smem:$0x7FF] =	sst s3;
	s8 =	sand.u32 $0x1, s4  }
0x8: {  	s5 =	sshll.u32 s7, $0xC;
	s9 =	smul.u32 $0xA400, s7;
	s13 =	sadd.s32 $0xC2E00, s0  }
0x9: {  	s22 =	sadd.s32 $0xC3400, s0;
	s24 =	smul.u32 $0x29000, s7;
	p0 =	sne.s32 s7, $0x0  }
0xa: {  	s31 =	sshll.u32 s7, $0x6;
	_ =	strace $0x80000047;
	[dreg:$0x5] =	wrdreg s13  }
0xb: {  	s4 =	sshll.u32 s8, $0x10;
	s11 =	smul.u32 $0x148000, s8;
	[dreg:$0x6] =	wrdreg s22  }
0xc: {  	s23 =	ssub.s32 $0x2, s8;
	s8 =	sshll.u32 s8, $0x4;
	s17 =	sor.u32 $0x1C06, s31  }
0xd: {  	s19 =	sshrl.u32 @!p0 s2, $0x3;
	s22 =	simm.s32 $0x12C00;
	s10 =	sor.u32 s5, s4  }
0xe: {  	s4 =	sadd.s32 $0x51800, s0;
	s5 =	sadd.s32 $0xC1800, s0;
	s25 =	sshrl.u32 s23, $0x1  }
0xf: {  	s26 =	sshrl.u32 s24, $0x2;
	s24 =	simm.s32 $0x3;
	s12 =	sadd.s32 s10, s0  }
0x10: {  	s9 =	sadd.s32 s9, s11;
	s15 =	ssub.s32 s23, s25;
	s6 =	sadd.s32 s6, s10  }
0x11: {  	s30 =	sadd.s32 s26, s1;
	s23 =	simm.s32 $0x1;
	s25 =	simm.s32 $0x2  }
0x12: {  	s26 =	simm.s32 $0x4;
	s9 =	sshrl.u32 s9, $0x3;
	[dreg:$0x7] =	wrdreg s6  }
0x13: {  	s13 =	smax.u32 s15, $0x1;
	s18 =	sshrl.u32 s30, $0x3;
	s14 =	sadd.s32 s9, s0  }
0x14: {  	s0 =	sadd.s32 s8, s0;
	s9 =	sadd.s32 $0xA1800, s12;
	s10 =	sadd.s32 $0xC4000, s14  }
0x15: {  	s11 =	sadd.s32 $0xC3600, s0;
	s12 =	sadd.s32 $0xD8800, s14;
	s14 =	simm.s32 $0x6  }
.LBB2_1:
0x16: {  	s0 =	rddreg [dreg:$0x7]  }
0x17: {  	[tilespmem:s3], [sflag:$0x6] =	stream.linear.gather [hbm4b:s0+s3], $0x7D00, $0x38;
	[tilespmem:$0x1FB00] =	vst v63  }
0x18: {  	_ =	swait.ge [sflag:s14], $0x7D00  }
0x19: {  	[sflag:s14] =	ssyncset.done $0x0  }
0x1a: {  	s15 =	simm.s32 $0x8000;
	[sflag:s14] =	ssyncadd.s32 $0xFFFF8300  }
0x1b: {  	[tilespmem:s15], [sflag:$0x6] =	stream.linear.gather [hbm4b:s9+s3], $0x7D00, $0x38;
	[tilespmem:$0x1FB00] =	vst v63  }
0x1c: {  	_ =	swait.ge [sflag:s14], $0x7D00  }
0x1d: {  	[sflag:s14] =	ssyncset.done $0x0  }
0x1e: {  	s6 =	rddreg [dreg:$0x6];
	[sflag:s14] =	ssyncadd.s32 $0xFFFF8300  }
0x1f: {  	[tilespmem:s16], [sflag:$0x6] =	stream.linear.gather [hbm4b:s6+s3], $0x80, $0x38;
	[tilespmem:$0x1FB00] =	vst v63  }
0x20: {  	_ =	swait.ge [sflag:s14], $0x80  }
0x21: {  	[sflag:s14] =	ssyncset.done $0x0  }
0x22: {  	[sflag:s14] =	ssyncadd.s32 $0xFFFFFF80  }
0x23: {  	[spmem:s18], [sflag:s17] =	dma.local [hbm:s5], $0x1480  }
0x24: {  	_ =	swait.ge [sflag:s14], $0x1480  }
0x25: {  	[sflag:s14] =	ssyncset.done $0x0  }
0x26: {  	s0 =	rddreg [dreg:$0x5];
	[sflag:s14] =	ssyncadd.s32 $0xFFFFEB80  }
0x27: {  	[spmem:s19], [sflag:s17] =	dma.local @!p0 [hbm:s0], $0x500  }
0x28: {  	s0 =	simm.s32 @!p0 $0x6  }
0x29: {  	_ =	swait.ge @!p0 [sflag:s0], $0x500  }
0x2a: {  	[sflag:s0] =	ssyncset.done @!p0 $0x0  }
0x2b: {  	p1 =	por $0x1, $0x1;
	[sflag:s0] =	ssyncadd.s32 @!p0 $0xFFFFFB00  }
0x2c: {  	s0 =	simm.s32 @!p1 $0x4;
	[bflag:$0x0] =	sbarrier.arrive $0xFFFF  }
0x2d: {  	[tilespmem:s21], [sflag:$0x1] =	stream.indirect.gather [hbm4b:s4+s20], $0x80, s3, s20, $0xb8;
	[tilespmem:$0x1FB00] =	vst v63  }
0x2e: {  	p3 =	por @!p1 $0x0, $0x0;
	_ =	swait.ge @!p1 [sflag:s0], $0x2800  }
0x2f: {  	p2 =	por p3, p1;
	[sflag:s0] =	ssyncset.done @!p1 $0x0  }
0x30: {  	[sflag:s0] =	ssyncadd.s32 @!p1 $0xFFFFD800;
	s0 =	simm.s32 @!p2 $0x5  }
0x31: {  	_ =	swait.ge @!p2 [sflag:s0], $0x50  }
0x32: {  	[sflag:s0] =	ssyncset.done @!p2 $0x0  }
0x33: {  	s7 =	simm.s32 $0x80;
	[sflag:s0] =	ssyncadd.s32 @!p2 $0xFFFFFFB0  }
0x34: {  	[tilespmem:s22], [sflag:$0x2] =	stream.indirect.gather [hbm4b:s4+s20], $0x80, s7, s20, $0xb8;
	[tilespmem:$0x1FB00] =	vst v63  }
0x35: {  	_ =	swait.ge [sflag:s23], $0x2800  }
0x36: {  	[sflag:s23] =	ssyncset.done $0x0  }
0x37: {  	s0 =	simm.s32 $0x0;
	[sflag:s23] =	ssyncadd.s32 $0xFFFFD800  }
0x38: {  	v0 =	vld [tilespmem:s0+$0x8000];
	_ =	sdelay $0x4  }
0x39: {  	vm0 =	vlt.s32 v0, $0x1400  }
0x3a: {  	s6 =	simm.s32 $0x0;
	vm1 =	vlt.s32 v0, $0x0;
	v0 =	vnsel vm0, $0x1400, v0  }
0x3b: {  	s6 =	sand.u32 $0x300, s6;
	v0 =	vsel vm1, $0x1400, v0  }
0x3c: {  	[tilespmem:s6+$0x10000] =	vst v0  }
0x3d: {  	v0 =	vld [tilespmem:s0+$0x8010];
	_ =	sdelay $0x4  }
0x3e: {  	vm10 =	vlt.s32 v0, $0x1400  }
0x3f: {  	vm11 =	vlt.s32 v0, $0x0;
	v0 =	vnsel vm10, $0x1400, v0  }
0x40: {  	v0 =	vsel vm11, $0x1400, v0  }
0x41: {  	[tilespmem:s6+$0x10010] =	vst v0  }
0x42: {  	v0 =	vld [tilespmem:s0+$0x8020];
	_ =	sdelay $0x4  }
0x43: {  	vm12 =	vlt.s32 v0, $0x1400  }
0x44: {  	vm13 =	vlt.s32 v0, $0x0;
	v0 =	vnsel vm12, $0x1400, v0  }
0x45: {  	v0 =	vsel vm13, $0x1400, v0  }
0x46: {  	[tilespmem:s6+$0x10020] =	vst v0  }
0x47: {  	v0 =	vld [tilespmem:s0+$0x8030];
	_ =	sdelay $0x4  }
0x48: {  	vm14 =	vlt.s32 v0, $0x1400  }
0x49: {  	vm15 =	vlt.s32 v0, $0x0;
	v0 =	vnsel vm14, $0x1400, v0  }
0x4a: {  	v0 =	vsel vm15, $0x1400, v0  }
0x4b: {  	[tilespmem:s6+$0x10030] =	vst v0  }
0x4c: {  	v0 =	vld [tilespmem:s0+$0x8040];
	_ =	sdelay $0x4  }
0x4d: {  	vm4 =	vlt.s32 v0, $0x1400  }
0x4e: {  	vm5 =	vlt.s32 v0, $0x0;
	v0 =	vnsel vm4, $0x1400, v0  }
0x4f: {  	v0 =	vsel vm5, $0x1400, v0  }
0x50: {  	p4 =	por @!p1 $0x0, $0x0;
	s7 =	simm.s32 $0x8000;
	[tilespmem:s6+$0x10040] =	vst v0  }
0x51: {  	[spmem:s2] =	stream.indirect.scatter.add.f32 [tilespmem:s16], [sflag:$0x5], $0x1, s7, s20, $0xb8;
	[tilespmem:$0x1FB00] =	vst v63  }
0x52: {  	p3 =	por !p3, p1;
	p2 =	por @!p2 $0x1, $0x1;
	s6 =	sor.u32 $0x10000, s6  }
0x53: {  	[spmem:s1] =	stream.indirect.scatter.add.f32 [tilespmem:s21], [sflag:$0x3], $0x80, s6, s20, $0xb8;
	[tilespmem:$0x1FB00] =	vst v63  }
0x54: {  	p2 =	por @!p3 p4, p4;
	p3 =	por $0x0, $0x0;
	_ =	swait.ge [sflag:s24], $0x2800  }
0x55: {  	p3 =	por @!p1 p2, p2;
	[sflag:s24] =	ssyncset.done $0x0  }
0x56: {  	s6 =	simm.s32 @p3 $0x5;
	[sflag:s24] =	ssyncadd.s32 $0xFFFFD800  }
0x57: {  	p1 =	por $0x0, $0x0;
	_ =	swait.ge @p3 [sflag:s6], $0x50  }
0x58: {  	s15 =	simm.s32 @!p1 $0x50;
	[sflag:s6] =	ssyncset.done @p3 $0x0  }
0x59: {  	s7 =	simm.s32 @!p1 $0x10400;
	[sflag:s6] =	ssyncadd.s32 @p3 $0xFFFFFFB0;
	s6 =	simm.s32 @!p1 $0x100  }
0x5a: {  	[tilespmem:s7], [sflag:$0x1] =	stream.indirect.gather @!p1 [hbm4b:s4+s15], $0x80, s6, s15, $0xb8;
	[tilespmem:$0x1FB00] =	vst v63  }
0x5b: {  	_ =	swait.ge [sflag:s25], $0x2800  }
0x5c: {  	[sflag:s25] =	ssyncset.done $0x0  }
0x5d: {  	[sflag:s25] =	ssyncadd.s32 $0xFFFFD800  }
0x5e: {  	v63 =	vld [tilespmem:s0+$0x8080];
	_ =	sdelay $0x4  }
0x5f: {  	vm6 =	vlt.s32 v63, $0x1400  }
0x60: {  	s8 =	simm.s32 $0x80;
	vm7 =	vlt.s32 v63, $0x0;
	v0 =	vnsel vm6, $0x1400, v63  }
0x61: {  	s6 =	sand.u32 $0x380, s8;
	v0 =	vsel vm7, $0x1400, v0  }
0x62: {  	[tilespmem:s6+$0x10000] =	vst v0  }
0x63: {  	v0 =	vld [tilespmem:s0+$0x8090];
	_ =	sdelay $0x4  }
0x64: {  	vm8 =	vlt.s32 v0, $0x1400  }
0x65: {  	vm9 =	vlt.s32 v0, $0x0;
	v0 =	vnsel vm8, $0x1400, v0  }
0x66: {  	v0 =	vsel vm9, $0x1400, v0  }
0x67: {  	[tilespmem:s6+$0x10010] =	vst v0  }
0x68: {  	v0 =	vld [tilespmem:s0+$0x80A0];
	_ =	sdelay $0x4  }
0x69: {  	vm10 =	vlt.s32 v0, $0x1400  }
0x6a: {  	vm11 =	vlt.s32 v0, $0x0;
	v0 =	vnsel vm10, $0x1400, v0  }
0x6b: {  	v0 =	vsel vm11, $0x1400, v0  }
0x6c: {  	[tilespmem:s6+$0x10020] =	vst v0  }
0x6d: {  	v0 =	vld [tilespmem:s0+$0x80B0];
	_ =	sdelay $0x4  }
0x6e: {  	vm12 =	vlt.s32 v0, $0x1400  }
0x6f: {  	vm13 =	vlt.s32 v0, $0x0;
	v0 =	vnsel vm12, $0x1400, v0  }
0x70: {  	v0 =	vsel vm13, $0x1400, v0  }
0x71: {  	[tilespmem:s6+$0x10030] =	vst v0  }
0x72: {  	v0 =	vld [tilespmem:s0+$0x80C0];
	_ =	sdelay $0x4  }
0x73: {  	vm14 =	vlt.s32 v0, $0x1400  }
0x74: {  	vm15 =	vlt.s32 v0, $0x0;
	v0 =	vnsel vm14, $0x1400, v0  }
0x75: {  	s31 =	simm.s32 $0x400;
	s30 =	simm.s32 $0x180;
	p2 =	por $0x0, $0x0;
	v0 =	vsel vm15, $0x1400, v0  }
0x76: {  	s15 =	simm.s32 $0x8080;
	s7 =	sor.u32 $0x10000, s6;
	s0 =	simm.s32 $0x800;
	[tilespmem:s6+$0x10040] =	vst v0  }
0x77: {  	[spmem:s2] =	stream.indirect.scatter.add.f32 [tilespmem:s16], [sflag:$0x5], $0x1, s15, s20, $0xb8;
	[tilespmem:$0x1FB00] =	vst v63  }
.LBB2_2:
0x78: {  	s15 =	simm.s32 @!p2 $0x4  }
0x79: {  	p4 =	seq.s32 @!p2 s31, $0x400;
	s6 =	smov.u32 s0;
	s0 =	sadd.s32 $0x400, s0  }
0x7a: {  	[spmem:s1] =	stream.indirect.scatter.add.f32 [tilespmem:s22], [sflag:$0x4], $0x80, s7, s20, $0xb8;
	[tilespmem:$0x1FB00] =	vst v63  }
0x7b: {  	p1 =	sne.s32 s0, $0x1F400;
	p3 =	por !p4, p2;
	_ =	swait.ge @!p2 [sflag:s15], $0x2800  }
0x7c: {  	p5 =	por p4, p2;
	[sflag:s15] =	ssyncset.done @!p2 $0x0  }
0x7d: {  	s7 =	simm.s32 @!p5 $0x5;
	p4 =	por @!p5 $0x1, $0x1;
	[sflag:s15] =	ssyncadd.s32 @!p2 $0xFFFFD800  }
0x7e: {  	_ =	swait.ge @!p5 [sflag:s7], $0x50  }
0x7f: {  	s15 =	sshra.s32 s31, $0x2;
	[sflag:s7] =	ssyncset.done @!p5 $0x0  }
0x80: {  	[sflag:s7] =	ssyncadd.s32 @!p5 $0xFFFFFFB0;
	s7 =	sadd.s32 $0x80, s15  }
0x81: {  	[tilespmem:s22], [sflag:$0x2] =	stream.indirect.gather [hbm4b:s4+s20], $0x80, s7, s20, $0xb8;
	[tilespmem:$0x1FB00] =	vst v63  }
0x82: {  	_ =	swait.ge [sflag:s23], $0x2800  }
0x83: {  	[sflag:s23] =	ssyncset.done $0x0  }
0x84: {  	[sflag:s23] =	ssyncadd.s32 $0xFFFFD800  }
0x85: {  	v0 =	vld [tilespmem:s15+$0x8000];
	_ =	sdelay $0x4  }
0x86: {  	vm0 =	vlt.s32 v0, $0x1400  }
0x87: {  	s7 =	sadd.s32 $0xFFFFFF80, s30;
	vm1 =	vlt.s32 v0, $0x0;
	v0 =	vnsel vm0, $0x1400, v0  }
0x88: {  	s7 =	sand.u32 $0x300, s7;
	v0 =	vsel vm1, $0x1400, v0  }
0x89: {  	[tilespmem:s7+$0x10000] =	vst v0  }
0x8a: {  	v0 =	vld [tilespmem:s15+$0x8010];
	_ =	sdelay $0x4  }
0x8b: {  	vm0 =	vlt.s32 v0, $0x1400  }
0x8c: {  	vm1 =	vlt.s32 v0, $0x0;
	v0 =	vnsel vm0, $0x1400, v0  }
0x8d: {  	v0 =	vsel vm1, $0x1400, v0  }
0x8e: {  	[tilespmem:s7+$0x10010] =	vst v0  }
0x8f: {  	v0 =	vld [tilespmem:s15+$0x8020];
	_ =	sdelay $0x4  }
0x90: {  	vm0 =	vlt.s32 v0, $0x1400  }
0x91: {  	vm1 =	vlt.s32 v0, $0x0;
	v0 =	vnsel vm0, $0x1400, v0  }
0x92: {  	v0 =	vsel vm1, $0x1400, v0  }
0x93: {  	[tilespmem:s7+$0x10020] =	vst v0  }
0x94: {  	v0 =	vld [tilespmem:s15+$0x8030];
	_ =	sdelay $0x4  }
0x95: {  	vm0 =	vlt.s32 v0, $0x1400  }
0x96: {  	vm1 =	vlt.s32 v0, $0x0;
	v0 =	vnsel vm0, $0x1400, v0  }
0x97: {  	v0 =	vsel vm1, $0x1400, v0  }
0x98: {  	[tilespmem:s7+$0x10030] =	vst v0  }
0x99: {  	v0 =	vld [tilespmem:s15+$0x8040];
	_ =	sdelay $0x4  }
0x9a: {  	vm0 =	vlt.s32 v0, $0x1400  }
0x9b: {  	vm1 =	vlt.s32 v0, $0x0;
	v0 =	vnsel vm0, $0x1400, v0  }
0x9c: {  	v0 =	vsel vm1, $0x1400, v0  }
0x9d: {  	s8 =	sadd.s32 $0x8000, s15;
	[tilespmem:s7+$0x10040] =	vst v0  }
0x9e: {  	[spmem:s2] =	stream.indirect.scatter.add.f32 [tilespmem:s16], [sflag:$0x5], $0x1, s8, s20, $0xb8;
	[tilespmem:$0x1FB00] =	vst v63  }
0x9f: {  	p5 =	por @!p2 $0x0, $0x0;
	s7 =	sor.u32 $0x10000, s7  }
0xa0: {  	[spmem:s1] =	stream.indirect.scatter.add.f32 [tilespmem:s21], [sflag:$0x3], $0x80, s7, s20, $0xb8;
	[tilespmem:$0x1FB00] =	vst v63  }
0xa1: {  	p4 =	por @!p3 p5, p5;
	p3 =	por $0x0, $0x0;
	_ =	swait.ge [sflag:s24], $0x2800  }
0xa2: {  	p3 =	por @!p2 p4, p4;
	[sflag:s24] =	ssyncset.done $0x0  }
0xa3: {  	s7 =	simm.s32 @p3 $0x5;
	[sflag:s24] =	ssyncadd.s32 $0xFFFFD800  }
0xa4: {  	p2 =	seq.s32 s31, $0x1F000;
	_ =	swait.ge @p3 [sflag:s7], $0x50  }
0xa5: {  	s8 =	sshra.s32 @!p2 s31, $0x2;
	s31 =	simm.s32 @!p2 $0x10400;
	[sflag:s7] =	ssyncset.done @p3 $0x0  }
0xa6: {  	[sflag:s7] =	ssyncadd.s32 @p3 $0xFFFFFFB0;
	s7 =	sadd.s32 @!p2 $0x100, s8;
	s8 =	simm.s32 @!p2 $0x50  }
0xa7: {  	[tilespmem:s31], [sflag:$0x1] =	stream.indirect.gather @!p2 [hbm4b:s4+s8], $0x80, s7, s8, $0xb8;
	[tilespmem:$0x1FB00] =	vst v63  }
0xa8: {  	s31 =	smov.u32 s6;
	_ =	swait.ge [sflag:s25], $0x2800  }
0xa9: {  	[sflag:s25] =	ssyncset.done $0x0  }
0xaa: {  	[sflag:s25] =	ssyncadd.s32 $0xFFFFD800  }
0xab: {  	v0 =	vld [tilespmem:s15+$0x8080];
	_ =	sdelay $0x4  }
0xac: {  	vm0 =	vlt.s32 v0, $0x1400  }
0xad: {  	vm1 =	vlt.s32 v0, $0x0;
	v0 =	vnsel vm0, $0x1400, v0  }
0xae: {  	s6 =	sand.u32 $0x380, s30;
	v0 =	vsel vm1, $0x1400, v0  }
0xaf: {  	[tilespmem:s6+$0x10000] =	vst v0  }
0xb0: {  	v0 =	vld [tilespmem:s15+$0x8090];
	_ =	sdelay $0x4  }
0xb1: {  	vm0 =	vlt.s32 v0, $0x1400  }
0xb2: {  	vm1 =	vlt.s32 v0, $0x0;
	v0 =	vnsel vm0, $0x1400, v0  }
0xb3: {  	v0 =	vsel vm1, $0x1400, v0  }
0xb4: {  	[tilespmem:s6+$0x10010] =	vst v0  }
0xb5: {  	v0 =	vld [tilespmem:s15+$0x80A0];
	_ =	sdelay $0x4  }
0xb6: {  	vm0 =	vlt.s32 v0, $0x1400  }
0xb7: {  	vm1 =	vlt.s32 v0, $0x0;
	v0 =	vnsel vm0, $0x1400, v0  }
0xb8: {  	v0 =	vsel vm1, $0x1400, v0  }
0xb9: {  	[tilespmem:s6+$0x10020] =	vst v0  }
0xba: {  	v0 =	vld [tilespmem:s15+$0x80B0];
	_ =	sdelay $0x4  }
0xbb: {  	vm0 =	vlt.s32 v0, $0x1400  }
0xbc: {  	vm1 =	vlt.s32 v0, $0x0;
	v0 =	vnsel vm0, $0x1400, v0  }
0xbd: {  	v0 =	vsel vm1, $0x1400, v0  }
0xbe: {  	[tilespmem:s6+$0x10030] =	vst v0  }
0xbf: {  	v0 =	vld [tilespmem:s15+$0x80C0];
	_ =	sdelay $0x4  }
.Ltmp0:
0xc0: {  	vm0 =	vlt.s32 v0, $0x1400;
	(pc) =	sbr.rel @p1 .LBB2_2-.Ltmp0, $4  }
0xc1: {  	vm1 =	vlt.s32 v0, $0x0;
	v0 =	vnsel vm0, $0x1400, v0  }
0xc2: {  	s30 =	sadd.s32 $0x100, s30;
	v0 =	vsel vm1, $0x1400, v0  }
0xc3: {  	s8 =	sadd.s32 $0x8080, s15;
	p2 =	seq.s32 s31, $0x0;
	s7 =	sor.u32 $0x10000, s6;
	[tilespmem:s6+$0x10040] =	vst v0  }
0xc4: {  	[spmem:s2] =	stream.indirect.scatter.add.f32 [tilespmem:s16], [sflag:$0x5], $0x1, s8, s20, $0xb8;
	[tilespmem:$0x1FB00] =	vst v63  }
0xc5: {  	s0 =	simm.s32 @!p2 $0x4  }
0xc6: {  	[spmem:s1] =	stream.indirect.scatter.add.f32 [tilespmem:s22], [sflag:$0x4], $0x80, s7, s20, $0xb8;
	[tilespmem:$0x1FB00] =	vst v63  }
0xc7: {  	p3 =	seq.s32 @!p2 s31, $0x400;
	_ =	swait.ge @!p2 [sflag:s0], $0x2800  }
0xc8: {  	p1 =	por p3, p2;
	[sflag:s0] =	ssyncset.done @!p2 $0x0  }
0xc9: {  	s6 =	simm.s32 @!p1 $0x5;
	[sflag:s0] =	ssyncadd.s32 @!p2 $0xFFFFD800  }
0xca: {  	_ =	swait.ge @!p1 [sflag:s6], $0x50  }
0xcb: {  	s0 =	sshra.s32 s31, $0x2;
	[sflag:s6] =	ssyncset.done @!p1 $0x0  }
0xcc: {  	s7 =	sadd.s32 $0x80, s0;
	[sflag:s6] =	ssyncadd.s32 @!p1 $0xFFFFFFB0  }
0xcd: {  	[tilespmem:s22], [sflag:$0x2] =	stream.indirect.gather [hbm4b:s4+s20], $0x80, s7, s20, $0xb8;
	[tilespmem:$0x1FB00] =	vst v63  }
0xce: {  	_ =	swait.ge [sflag:s23], $0x2800  }
0xcf: {  	[sflag:s23] =	ssyncset.done $0x0  }
0xd0: {  	[sflag:s23] =	ssyncadd.s32 $0xFFFFD800  }
0xd1: {  	v0 =	vld [tilespmem:s0+$0x8000];
	_ =	sdelay $0x4  }
0xd2: {  	vm0 =	vlt.s32 v0, $0x1400  }
0xd3: {  	s8 =	sadd.s32 $0xFFFFFF80, s30;
	vm1 =	vlt.s32 v0, $0x0;
	v0 =	vnsel vm0, $0x1400, v0  }
0xd4: {  	s6 =	sand.u32 $0x300, s8;
	v0 =	vsel vm1, $0x1400, v0  }
0xd5: {  	[tilespmem:s6+$0x10000] =	vst v0  }
0xd6: {  	v0 =	vld [tilespmem:s0+$0x8010];
	_ =	sdelay $0x4  }
0xd7: {  	vm14 =	vlt.s32 v0, $0x1400  }
0xd8: {  	vm15 =	vlt.s32 v0, $0x0;
	v0 =	vnsel vm14, $0x1400, v0  }
0xd9: {  	v0 =	vsel vm15, $0x1400, v0  }
0xda: {  	[tilespmem:s6+$0x10010] =	vst v0  }
0xdb: {  	v0 =	vld [tilespmem:s0+$0x8020];
	_ =	sdelay $0x4  }
0xdc: {  	vm4 =	vlt.s32 v0, $0x1400  }
0xdd: {  	vm5 =	vlt.s32 v0, $0x0;
	v0 =	vnsel vm4, $0x1400, v0  }
0xde: {  	v0 =	vsel vm5, $0x1400, v0  }
0xdf: {  	[tilespmem:s6+$0x10020] =	vst v0  }
0xe0: {  	v0 =	vld [tilespmem:s0+$0x8030];
	_ =	sdelay $0x4  }
0xe1: {  	vm6 =	vlt.s32 v0, $0x1400  }
0xe2: {  	vm7 =	vlt.s32 v0, $0x0;
	v0 =	vnsel vm6, $0x1400, v0  }
0xe3: {  	v0 =	vsel vm7, $0x1400, v0  }
0xe4: {  	[tilespmem:s6+$0x10030] =	vst v0  }
0xe5: {  	v0 =	vld [tilespmem:s0+$0x8040];
	_ =	sdelay $0x4  }
0xe6: {  	vm8 =	vlt.s32 v0, $0x1400  }
0xe7: {  	vm9 =	vlt.s32 v0, $0x0;
	v0 =	vnsel vm8, $0x1400, v0  }
0xe8: {  	v0 =	vsel vm9, $0x1400, v0  }
0xe9: {  	p4 =	por @!p2 $0x0, $0x0;
	s15 =	sadd.s32 $0x8000, s0;
	[tilespmem:s6+$0x10040] =	vst v0  }
0xea: {  	[spmem:s2] =	stream.indirect.scatter.add.f32 [tilespmem:s16], [sflag:$0x5], $0x1, s15, s20, $0xb8;
	[tilespmem:$0x1FB00] =	vst v63  }
0xeb: {  	p3 =	por !p3, p2;
	p1 =	por @!p1 $0x1, $0x1;
	s6 =	sor.u32 $0x10000, s6  }
0xec: {  	[spmem:s1] =	stream.indirect.scatter.add.f32 [tilespmem:s21], [sflag:$0x3], $0x80, s6, s20, $0xb8;
	[tilespmem:$0x1FB00] =	vst v63  }
0xed: {  	p1 =	por @!p3 p4, p4;
	p3 =	por $0x0, $0x0;
	_ =	swait.ge [sflag:s24], $0x2800  }
0xee: {  	p3 =	por @!p2 p1, p1;
	[sflag:s24] =	ssyncset.done $0x0  }
0xef: {  	s6 =	simm.s32 @p3 $0x5;
	[sflag:s24] =	ssyncadd.s32 $0xFFFFD800  }
0xf0: {  	p1 =	seq.s32 s31, $0x1F000;
	_ =	swait.ge @p3 [sflag:s6], $0x50  }
0xf1: {  	s7 =	sshra.s32 @!p1 s31, $0x2;
	s8 =	simm.s32 @!p1 $0x10400;
	[sflag:s6] =	ssyncset.done @p3 $0x0  }
0xf2: {  	[sflag:s6] =	ssyncadd.s32 @p3 $0xFFFFFFB0;
	s6 =	sadd.s32 @!p1 $0x100, s7;
	s7 =	simm.s32 @!p1 $0x50  }
0xf3: {  	[tilespmem:s8], [sflag:$0x1] =	stream.indirect.gather @!p1 [hbm4b:s4+s7], $0x80, s6, s7, $0xb8;
	[tilespmem:$0x1FB00] =	vst v63  }
0xf4: {  	_ =	swait.ge [sflag:s25], $0x2800  }
0xf5: {  	[sflag:s25] =	ssyncset.done $0x0  }
0xf6: {  	[sflag:s25] =	ssyncadd.s32 $0xFFFFD800  }
0xf7: {  	v0 =	vld [tilespmem:s0+$0x8080];
	_ =	sdelay $0x4  }
0xf8: {  	vm10 =	vlt.s32 v0, $0x1400  }
0xf9: {  	vm11 =	vlt.s32 v0, $0x0;
	v0 =	vnsel vm10, $0x1400, v0  }
0xfa: {  	s8 =	sand.u32 $0x380, s30;
	v0 =	vsel vm11, $0x1400, v0  }
0xfb: {  	[tilespmem:s8+$0x10000] =	vst v0  }
0xfc: {  	v0 =	vld [tilespmem:s0+$0x8090];
	_ =	sdelay $0x4  }
0xfd: {  	vm12 =	vlt.s32 v0, $0x1400  }
0xfe: {  	vm13 =	vlt.s32 v0, $0x0;
	v0 =	vnsel vm12, $0x1400, v0  }
0xff: {  	v0 =	vsel vm13, $0x1400, v0  }
0x100: {  	[tilespmem:s8+$0x10010] =	vst v0  }
0x101: {  	v0 =	vld [tilespmem:s0+$0x80A0];
	_ =	sdelay $0x4  }
0x102: {  	vm14 =	vlt.s32 v0, $0x1400  }
0x103: {  	vm15 =	vlt.s32 v0, $0x0;
	v0 =	vnsel vm14, $0x1400, v0  }
0x104: {  	v0 =	vsel vm15, $0x1400, v0  }
0x105: {  	[tilespmem:s8+$0x10020] =	vst v0  }
0x106: {  	v0 =	vld [tilespmem:s0+$0x80B0];
	_ =	sdelay $0x4  }
0x107: {  	vm4 =	vlt.s32 v0, $0x1400  }
0x108: {  	vm5 =	vlt.s32 v0, $0x0;
	v0 =	vnsel vm4, $0x1400, v0  }
0x109: {  	v0 =	vsel vm5, $0x1400, v0  }
0x10a: {  	[tilespmem:s8+$0x10030] =	vst v0  }
0x10b: {  	v0 =	vld [tilespmem:s0+$0x80C0];
	_ =	sdelay $0x4  }
0x10c: {  	vm6 =	vlt.s32 v0, $0x1400  }
0x10d: {  	vm7 =	vlt.s32 v0, $0x0;
	v0 =	vnsel vm6, $0x1400, v0  }
0x10e: {  	v0 =	vsel vm7, $0x1400, v0  }
0x10f: {  	s0 =	sadd.s32 $0x8080, s0;
	[tilespmem:s8+$0x10040] =	vst v0  }
0x110: {  	[spmem:s2] =	stream.indirect.scatter.add.f32 [tilespmem:s16], [sflag:$0x5], $0x1, s0, s20, $0xb8;
	[tilespmem:$0x1FB00] =	vst v63  }
0x111: {  	s15 =	sor.u32 $0x10000, s8  }
0x112: {  	[spmem:s1] =	stream.indirect.scatter.add.f32 [tilespmem:s22], [sflag:$0x4], $0x80, s15, s20, $0xb8;
	[tilespmem:$0x1FB00] =	vst v63  }
0x113: {  	_ =	swait.ge [sflag:s26], $0x2800  }
0x114: {  	[sflag:s26] =	ssyncset.done $0x0  }
0x115: {  	[sflag:s26] =	ssyncadd.s32 $0xFFFFD800  }
0x116: {  	_ =	swait.ge [sflag:s28], $0x50  }
0x117: {  	[sflag:s28] =	ssyncset.done $0x0  }
0x118: {  	[sflag:s28] =	ssyncadd.s32 $0xFFFFFFB0  }
0x119: {  	_ =	swait.ge [sflag:s28], $0x50  }
0x11a: {  	[sflag:s28] =	ssyncset.done $0x0  }
0x11b: {  	[sflag:s28] =	ssyncadd.s32 $0xFFFFFFB0  }
0x11c: {  	_ =	swait.ge [sflag:s28], $0x50  }
0x11d: {  	[sflag:s28] =	ssyncset.done $0x0  }
0x11e: {  	[sflag:s28] =	ssyncadd.s32 $0xFFFFFFB0  }
0x11f: {  	_ =	swait.ge [sflag:s28], $0x50  }
0x120: {  	[sflag:s28] =	ssyncset.done $0x0  }
0x121: {  	[sflag:s28] =	ssyncadd.s32 $0xFFFFFFB0  }
0x122: {  	[bflag:$0x0] =	sbarrier.arrive $0xFFFF  }
0x123: {  	[hbm:s10], [sflag:s17] =	dma.local [spmem:s18], $0x1480  }
0x124: {  	_ =	swait.ge [sflag:s14], $0x1480  }
0x125: {  	s6 =	simm.s32 @!p0 $0x20;
	[sflag:s14] =	ssyncset.done $0x0  }
0x126: {  	s7 =	simm.s32 @!p0 $0x10;
	s0 =	simm.s32 @!p0 $0x1;
	[sflag:s14] =	ssyncadd.s32 $0xFFFFEB80  }
0x127: {  	[hbm:s11@s6], [sflag:s17] =	dma.strided @!p0 [spmem:s19@s7], $0x500, s0, $0x10   }
0x128: {  	s0 =	simm.s32 @!p0 $0x6  }
0x129: {  	_ =	swait.ge @!p0 [sflag:s0], $0x500  }
0x12a: {  	[sflag:s0] =	ssyncset.done @!p0 $0x0  }
0x12b: {  	[sflag:s0] =	ssyncadd.s32 @!p0 $0xFFFFFB00  }
0x12c: {  	[bflag:$0x0] =	sbarrier.arrive $0xFFFF  }
0x12d: {  	[spmem:s18], [sflag:s17] =	dma.local [hbm:s5], $0x1480  }
0x12e: {  	_ =	swait.ge [sflag:s14], $0x1480  }
0x12f: {  	[sflag:s14] =	ssyncset.done $0x0  }
0x130: {  	p1 =	por $0x1, $0x1;
	[sflag:s14] =	ssyncadd.s32 $0xFFFFEB80  }
0x131: {  	s6 =	simm.s32 $0x0;
	s0 =	simm.s32 @!p1 $0x4;
	[bflag:$0x0] =	sbarrier.arrive $0xFFFF  }
0x132: {  	[tilespmem:s21], [sflag:$0x1] =	stream.indirect.gather [hbm4b:s4+s20], $0x80, s6, s20, $0xb8;
	[tilespmem:$0x1FB00] =	vst v63  }
0x133: {  	_ =	swait.ge @!p1 [sflag:s0], $0x2800  }
0x134: {  	[sflag:s0] =	ssyncset.done @!p1 $0x0  }
0x135: {  	s7 =	simm.s32 $0x80;
	[sflag:s0] =	ssyncadd.s32 @!p1 $0xFFFFD800  }
0x136: {  	[tilespmem:s22], [sflag:$0x2] =	stream.indirect.gather [hbm4b:s4+s20], $0x80, s7, s20, $0xb8;
	[tilespmem:$0x1FB00] =	vst v63  }
0x137: {  	_ =	swait.ge [sflag:s23], $0x2800  }
0x138: {  	[sflag:s23] =	ssyncset.done $0x0  }
0x139: {  	s0 =	simm.s32 $0x0;
	[sflag:s23] =	ssyncadd.s32 $0xFFFFD800  }
0x13a: {  	v0 =	vld [tilespmem:s0+$0x8000];
	_ =	sdelay $0x4  }
0x13b: {  	v0 =	vadd.s32 $0xFFFFEC00, v0  }
0x13c: {  	vm8 =	vlt.s32 v0, $0x1400  }
0x13d: {  	s8 =	simm.s32 $0x0;
	vm9 =	vlt.s32 v0, $0x0;
	v0 =	vnsel vm8, $0x1400, v0  }
0x13e: {  	s6 =	sand.u32 $0x300, s8;
	v0 =	vsel vm9, $0x1400, v0  }
0x13f: {  	[tilespmem:s6+$0x10000] =	vst v0  }
0x140: {  	v0 =	vld [tilespmem:s0+$0x8010];
	_ =	sdelay $0x4  }
0x141: {  	v0 =	vadd.s32 $0xFFFFEC00, v0  }
0x142: {  	vm10 =	vlt.s32 v0, $0x1400  }
0x143: {  	vm11 =	vlt.s32 v0, $0x0;
	v0 =	vnsel vm10, $0x1400, v0  }
0x144: {  	v0 =	vsel vm11, $0x1400, v0  }
0x145: {  	[tilespmem:s6+$0x10010] =	vst v0  }
0x146: {  	v0 =	vld [tilespmem:s0+$0x8020];
	_ =	sdelay $0x4  }
0x147: {  	v0 =	vadd.s32 $0xFFFFEC00, v0  }
0x148: {  	vm12 =	vlt.s32 v0, $0x1400  }
0x149: {  	vm13 =	vlt.s32 v0, $0x0;
	v0 =	vnsel vm12, $0x1400, v0  }
0x14a: {  	v0 =	vsel vm13, $0x1400, v0  }
0x14b: {  	[tilespmem:s6+$0x10020] =	vst v0  }
0x14c: {  	v0 =	vld [tilespmem:s0+$0x8030];
	_ =	sdelay $0x4  }
0x14d: {  	v0 =	vadd.s32 $0xFFFFEC00, v0  }
0x14e: {  	vm14 =	vlt.s32 v0, $0x1400  }
0x14f: {  	vm15 =	vlt.s32 v0, $0x0;
	v0 =	vnsel vm14, $0x1400, v0  }
0x150: {  	v0 =	vsel vm15, $0x1400, v0  }
0x151: {  	[tilespmem:s6+$0x10030] =	vst v0  }
0x152: {  	v0 =	vld [tilespmem:s0+$0x8040];
	_ =	sdelay $0x4  }
0x153: {  	v0 =	vadd.s32 $0xFFFFEC00, v0  }
0x154: {  	vm4 =	vlt.s32 v0, $0x1400  }
0x155: {  	vm5 =	vlt.s32 v0, $0x0;
	v0 =	vnsel vm4, $0x1400, v0  }
0x156: {  	v0 =	vsel vm5, $0x1400, v0  }
0x157: {  	s15 =	sor.u32 $0x10000, s6;
	[tilespmem:s6+$0x10040] =	vst v0  }
0x158: {  	[spmem:s1] =	stream.indirect.scatter.add.f32 [tilespmem:s21], [sflag:$0x3], $0x80, s15, s20, $0xb8;
	[tilespmem:$0x1FB00] =	vst v63  }
0x159: {  	p1 =	por $0x0, $0x0;
	_ =	swait.ge [sflag:s24], $0x2800  }
0x15a: {  	s7 =	simm.s32 @!p1 $0x100;
	[sflag:s24] =	ssyncset.done $0x0  }
0x15b: {  	s8 =	simm.s32 @!p1 $0x50;
	s6 =	simm.s32 @!p1 $0x10400;
	[sflag:s24] =	ssyncadd.s32 $0xFFFFD800  }
0x15c: {  	[tilespmem:s6], [sflag:$0x1] =	stream.indirect.gather @!p1 [hbm4b:s4+s8], $0x80, s7, s8, $0xb8;
	[tilespmem:$0x1FB00] =	vst v63  }
0x15d: {  	_ =	swait.ge [sflag:s25], $0x2800  }
0x15e: {  	[sflag:s25] =	ssyncset.done $0x0  }
0x15f: {  	[sflag:s25] =	ssyncadd.s32 $0xFFFFD800  }
0x160: {  	v0 =	vld [tilespmem:s0+$0x8080];
	_ =	sdelay $0x4  }
0x161: {  	v0 =	vadd.s32 $0xFFFFEC00, v0  }
0x162: {  	vm6 =	vlt.s32 v0, $0x1400  }
0x163: {  	s31 =	simm.s32 $0x80;
	vm7 =	vlt.s32 v0, $0x0;
	v0 =	vnsel vm6, $0x1400, v0  }
0x164: {  	s6 =	sand.u32 $0x380, s31;
	v0 =	vsel vm7, $0x1400, v0  }
0x165: {  	[tilespmem:s6+$0x10000] =	vst v0  }
0x166: {  	v0 =	vld [tilespmem:s0+$0x8090];
	_ =	sdelay $0x4  }
0x167: {  	v0 =	vadd.s32 $0xFFFFEC00, v0  }
0x168: {  	vm8 =	vlt.s32 v0, $0x1400  }
0x169: {  	vm9 =	vlt.s32 v0, $0x0;
	v0 =	vnsel vm8, $0x1400, v0  }
0x16a: {  	v0 =	vsel vm9, $0x1400, v0  }
0x16b: {  	[tilespmem:s6+$0x10010] =	vst v0  }
0x16c: {  	v0 =	vld [tilespmem:s0+$0x80A0];
	_ =	sdelay $0x4  }
0x16d: {  	v0 =	vadd.s32 $0xFFFFEC00, v0  }
0x16e: {  	vm10 =	vlt.s32 v0, $0x1400  }
0x16f: {  	vm11 =	vlt.s32 v0, $0x0;
	v0 =	vnsel vm10, $0x1400, v0  }
0x170: {  	v0 =	vsel vm11, $0x1400, v0  }
0x171: {  	[tilespmem:s6+$0x10020] =	vst v0  }
0x172: {  	v0 =	vld [tilespmem:s0+$0x80B0];
	_ =	sdelay $0x4  }
0x173: {  	v0 =	vadd.s32 $0xFFFFEC00, v0  }
0x174: {  	vm12 =	vlt.s32 v0, $0x1400  }
0x175: {  	vm13 =	vlt.s32 v0, $0x0;
	v0 =	vnsel vm12, $0x1400, v0  }
0x176: {  	v0 =	vsel vm13, $0x1400, v0  }
0x177: {  	[tilespmem:s6+$0x10030] =	vst v0  }
0x178: {  	v0 =	vld [tilespmem:s0+$0x80C0];
	_ =	sdelay $0x4  }
0x179: {  	v0 =	vadd.s32 $0xFFFFEC00, v0  }
0x17a: {  	vm14 =	vlt.s32 v0, $0x1400  }
0x17b: {  	p2 =	por $0x0, $0x0;
	vm15 =	vlt.s32 v0, $0x0;
	v0 =	vnsel vm14, $0x1400, v0  }
0x17c: {  	s30 =	simm.s32 $0x400;
	s7 =	sor.u32 $0x10000, s6;
	s0 =	simm.s32 $0x800;
	v0 =	vsel vm15, $0x1400, v0  }
.LBB2_4:
0x17d: {  	s8 =	simm.s32 @!p2 $0x4  }
0x17e: {  	[tilespmem:s6+$0x10040] =	vst v0;
	s31 =	sadd.s32 $0x100, s31;
	s6 =	smov.u32 s0;
	s0 =	sadd.s32 $0x400, s0  }
0x17f: {  	[spmem:s1] =	stream.indirect.scatter.add.f32 [tilespmem:s22], [sflag:$0x4], $0x80, s7, s20, $0xb8;
	[tilespmem:$0x1FB00] =	vst v63  }
0x180: {  	p1 =	sne.s32 s0, $0x1F400;
	_ =	swait.ge @!p2 [sflag:s8], $0x2800  }
0x181: {  	s15 =	sshra.s32 s30, $0x2;
	[sflag:s8] =	ssyncset.done @!p2 $0x0  }
0x182: {  	s7 =	sadd.s32 $0x80, s15;
	[sflag:s8] =	ssyncadd.s32 @!p2 $0xFFFFD800  }
0x183: {  	[tilespmem:s22], [sflag:$0x2] =	stream.indirect.gather [hbm4b:s4+s20], $0x80, s7, s20, $0xb8;
	[tilespmem:$0x1FB00] =	vst v63  }
0x184: {  	_ =	swait.ge [sflag:s23], $0x2800  }
0x185: {  	[sflag:s23] =	ssyncset.done $0x0  }
0x186: {  	[sflag:s23] =	ssyncadd.s32 $0xFFFFD800  }
0x187: {  	v0 =	vld [tilespmem:s15+$0x8000];
	_ =	sdelay $0x4  }
0x188: {  	v0 =	vadd.s32 $0xFFFFEC00, v0  }
0x189: {  	vm0 =	vlt.s32 v0, $0x1400  }
0x18a: {  	s7 =	sadd.s32 $0xFFFFFF80, s31;
	vm1 =	vlt.s32 v0, $0x0;
	v0 =	vnsel vm0, $0x1400, v0  }
0x18b: {  	s7 =	sand.u32 $0x300, s7;
	v0 =	vsel vm1, $0x1400, v0  }
0x18c: {  	[tilespmem:s7+$0x10000] =	vst v0  }
0x18d: {  	v0 =	vld [tilespmem:s15+$0x8010];
	_ =	sdelay $0x4  }
0x18e: {  	v0 =	vadd.s32 $0xFFFFEC00, v0  }
0x18f: {  	vm0 =	vlt.s32 v0, $0x1400  }
0x190: {  	vm1 =	vlt.s32 v0, $0x0;
	v0 =	vnsel vm0, $0x1400, v0  }
0x191: {  	v0 =	vsel vm1, $0x1400, v0  }
0x192: {  	[tilespmem:s7+$0x10010] =	vst v0  }
0x193: {  	v0 =	vld [tilespmem:s15+$0x8020];
	_ =	sdelay $0x4  }
0x194: {  	v0 =	vadd.s32 $0xFFFFEC00, v0  }
0x195: {  	vm0 =	vlt.s32 v0, $0x1400  }
0x196: {  	vm1 =	vlt.s32 v0, $0x0;
	v0 =	vnsel vm0, $0x1400, v0  }
0x197: {  	v0 =	vsel vm1, $0x1400, v0  }
0x198: {  	[tilespmem:s7+$0x10020] =	vst v0  }
0x199: {  	v0 =	vld [tilespmem:s15+$0x8030];
	_ =	sdelay $0x4  }
0x19a: {  	v0 =	vadd.s32 $0xFFFFEC00, v0  }
0x19b: {  	vm0 =	vlt.s32 v0, $0x1400  }
0x19c: {  	vm1 =	vlt.s32 v0, $0x0;
	v0 =	vnsel vm0, $0x1400, v0  }
0x19d: {  	v0 =	vsel vm1, $0x1400, v0  }
0x19e: {  	[tilespmem:s7+$0x10030] =	vst v0  }
0x19f: {  	v0 =	vld [tilespmem:s15+$0x8040];
	_ =	sdelay $0x4  }
0x1a0: {  	v0 =	vadd.s32 $0xFFFFEC00, v0  }
0x1a1: {  	vm0 =	vlt.s32 v0, $0x1400  }
0x1a2: {  	vm1 =	vlt.s32 v0, $0x0;
	v0 =	vnsel vm0, $0x1400, v0  }
0x1a3: {  	v0 =	vsel vm1, $0x1400, v0  }
0x1a4: {  	s8 =	sor.u32 $0x10000, s7;
	[tilespmem:s7+$0x10040] =	vst v0  }
0x1a5: {  	[spmem:s1] =	stream.indirect.scatter.add.f32 [tilespmem:s21], [sflag:$0x3], $0x80, s8, s20, $0xb8;
	[tilespmem:$0x1FB00] =	vst v63  }
0x1a6: {  	p2 =	seq.s32 s30, $0x1F000;
	_ =	swait.ge [sflag:s24], $0x2800  }
0x1a7: {  	s7 =	sshra.s32 @!p2 s30, $0x2;
	s8 =	simm.s32 @!p2 $0x10400;
	[sflag:s24] =	ssyncset.done $0x0  }
0x1a8: {  	s30 =	simm.s32 @!p2 $0x50;
	s7 =	sadd.s32 @!p2 $0x100, s7;
	[sflag:s24] =	ssyncadd.s32 $0xFFFFD800  }
0x1a9: {  	[tilespmem:s8], [sflag:$0x1] =	stream.indirect.gather @!p2 [hbm4b:s4+s30], $0x80, s7, s30, $0xb8;
	[tilespmem:$0x1FB00] =	vst v63  }
0x1aa: {  	s30 =	smov.u32 s6;
	_ =	swait.ge [sflag:s25], $0x2800  }
0x1ab: {  	[sflag:s25] =	ssyncset.done $0x0  }
0x1ac: {  	[sflag:s25] =	ssyncadd.s32 $0xFFFFD800  }
0x1ad: {  	v0 =	vld [tilespmem:s15+$0x8080];
	_ =	sdelay $0x4  }
0x1ae: {  	v0 =	vadd.s32 $0xFFFFEC00, v0  }
0x1af: {  	vm0 =	vlt.s32 v0, $0x1400  }
0x1b0: {  	vm1 =	vlt.s32 v0, $0x0;
	v0 =	vnsel vm0, $0x1400, v0  }
0x1b1: {  	s6 =	sand.u32 $0x380, s31;
	v0 =	vsel vm1, $0x1400, v0  }
0x1b2: {  	[tilespmem:s6+$0x10000] =	vst v0  }
0x1b3: {  	v0 =	vld [tilespmem:s15+$0x8090];
	_ =	sdelay $0x4  }
0x1b4: {  	v0 =	vadd.s32 $0xFFFFEC00, v0  }
0x1b5: {  	vm0 =	vlt.s32 v0, $0x1400  }
0x1b6: {  	vm1 =	vlt.s32 v0, $0x0;
	v0 =	vnsel vm0, $0x1400, v0  }
0x1b7: {  	v0 =	vsel vm1, $0x1400, v0  }
0x1b8: {  	[tilespmem:s6+$0x10010] =	vst v0  }
0x1b9: {  	v0 =	vld [tilespmem:s15+$0x80A0];
	_ =	sdelay $0x4  }
0x1ba: {  	v0 =	vadd.s32 $0xFFFFEC00, v0  }
0x1bb: {  	vm0 =	vlt.s32 v0, $0x1400  }
0x1bc: {  	vm1 =	vlt.s32 v0, $0x0;
	v0 =	vnsel vm0, $0x1400, v0  }
0x1bd: {  	v0 =	vsel vm1, $0x1400, v0  }
0x1be: {  	[tilespmem:s6+$0x10020] =	vst v0  }
0x1bf: {  	v0 =	vld [tilespmem:s15+$0x80B0];
	_ =	sdelay $0x4  }
0x1c0: {  	v0 =	vadd.s32 $0xFFFFEC00, v0  }
0x1c1: {  	vm0 =	vlt.s32 v0, $0x1400  }
0x1c2: {  	vm1 =	vlt.s32 v0, $0x0;
	v0 =	vnsel vm0, $0x1400, v0  }
0x1c3: {  	v0 =	vsel vm1, $0x1400, v0  }
0x1c4: {  	[tilespmem:s6+$0x10030] =	vst v0  }
0x1c5: {  	v0 =	vld [tilespmem:s15+$0x80C0];
	_ =	sdelay $0x3  }
.Ltmp1:
0x1c6: {  	(pc) =	sbr.rel @p1 .LBB2_4-.Ltmp1, $4  }
0x1c7: {  	v0 =	vadd.s32 $0xFFFFEC00, v0  }
0x1c8: {  	vm0 =	vlt.s32 v0, $0x1400  }
0x1c9: {  	vm1 =	vlt.s32 v0, $0x0;
	v0 =	vnsel vm0, $0x1400, v0  }
0x1ca: {  	p2 =	seq.s32 s30, $0x0;
	s7 =	sor.u32 $0x10000, s6;
	v0 =	vsel vm1, $0x1400, v0  }
0x1cb: {  	s8 =	simm.s32 @!p2 $0x4;
	[tilespmem:s6+$0x10040] =	vst v0  }
0x1cc: {  	[spmem:s1] =	stream.indirect.scatter.add.f32 [tilespmem:s22], [sflag:$0x4], $0x80, s7, s20, $0xb8;
	[tilespmem:$0x1FB00] =	vst v63  }
0x1cd: {  	_ =	swait.ge @!p2 [sflag:s8], $0x2800  }
0x1ce: {  	s0 =	sshra.s32 s30, $0x2;
	[sflag:s8] =	ssyncset.done @!p2 $0x0  }
0x1cf: {  	s15 =	sadd.s32 $0x80, s0;
	[sflag:s8] =	ssyncadd.s32 @!p2 $0xFFFFD800  }
0x1d0: {  	[tilespmem:s22], [sflag:$0x2] =	stream.indirect.gather [hbm4b:s4+s20], $0x80, s15, s20, $0xb8;
	[tilespmem:$0x1FB00] =	vst v63  }
0x1d1: {  	_ =	swait.ge [sflag:s23], $0x2800  }
0x1d2: {  	[sflag:s23] =	ssyncset.done $0x0  }
0x1d3: {  	[sflag:s23] =	ssyncadd.s32 $0xFFFFD800  }
0x1d4: {  	v62 =	vld [tilespmem:s0+$0x8000];
	_ =	sdelay $0x4  }
0x1d5: {  	v0 =	vadd.s32 $0xFFFFEC00, v62  }
0x1d6: {  	s31 =	sadd.s32 $0x100, s31;
	vm0 =	vlt.s32 v0, $0x1400  }
0x1d7: {  	s8 =	sadd.s32 $0xFFFFFF80, s31;
	vm1 =	vlt.s32 v0, $0x0;
	v0 =	vnsel vm0, $0x1400, v0  }
0x1d8: {  	s7 =	sand.u32 $0x300, s8;
	v0 =	vsel vm1, $0x1400, v0  }
0x1d9: {  	[tilespmem:s7+$0x10000] =	vst v0  }
0x1da: {  	v0 =	vld [tilespmem:s0+$0x8010];
	_ =	sdelay $0x4  }
0x1db: {  	v0 =	vadd.s32 $0xFFFFEC00, v0  }
0x1dc: {  	vm10 =	vlt.s32 v0, $0x1400  }
0x1dd: {  	vm11 =	vlt.s32 v0, $0x0;
	v0 =	vnsel vm10, $0x1400, v0  }
0x1de: {  	v0 =	vsel vm11, $0x1400, v0  }
0x1df: {  	[tilespmem:s7+$0x10010] =	vst v0  }
0x1e0: {  	v0 =	vld [tilespmem:s0+$0x8020];
	_ =	sdelay $0x4  }
0x1e1: {  	v0 =	vadd.s32 $0xFFFFEC00, v0  }
0x1e2: {  	vm12 =	vlt.s32 v0, $0x1400  }
0x1e3: {  	vm13 =	vlt.s32 v0, $0x0;
	v0 =	vnsel vm12, $0x1400, v0  }
0x1e4: {  	v0 =	vsel vm13, $0x1400, v0  }
0x1e5: {  	[tilespmem:s7+$0x10020] =	vst v0  }
0x1e6: {  	v0 =	vld [tilespmem:s0+$0x8030];
	_ =	sdelay $0x4  }
0x1e7: {  	v0 =	vadd.s32 $0xFFFFEC00, v0  }
0x1e8: {  	vm14 =	vlt.s32 v0, $0x1400  }
0x1e9: {  	vm15 =	vlt.s32 v0, $0x0;
	v0 =	vnsel vm14, $0x1400, v0  }
0x1ea: {  	v0 =	vsel vm15, $0x1400, v0  }
0x1eb: {  	[tilespmem:s7+$0x10030] =	vst v0  }
0x1ec: {  	v0 =	vld [tilespmem:s0+$0x8040];
	_ =	sdelay $0x4  }
0x1ed: {  	v0 =	vadd.s32 $0xFFFFEC00, v0  }
0x1ee: {  	vm4 =	vlt.s32 v0, $0x1400  }
0x1ef: {  	vm5 =	vlt.s32 v0, $0x0;
	v0 =	vnsel vm4, $0x1400, v0  }
0x1f0: {  	v0 =	vsel vm5, $0x1400, v0  }
0x1f1: {  	s15 =	sor.u32 $0x10000, s7;
	[tilespmem:s7+$0x10040] =	vst v0  }
0x1f2: {  	[spmem:s1] =	stream.indirect.scatter.add.f32 [tilespmem:s21], [sflag:$0x3], $0x80, s15, s20, $0xb8;
	[tilespmem:$0x1FB00] =	vst v63  }
0x1f3: {  	p1 =	seq.s32 s30, $0x1F000;
	_ =	swait.ge [sflag:s24], $0x2800  }
0x1f4: {  	s8 =	simm.s32 @!p1 $0x10400;
	s7 =	sshra.s32 @!p1 s30, $0x2;
	[sflag:s24] =	ssyncset.done $0x0  }
0x1f5: {  	s7 =	sadd.s32 @!p1 $0x100, s7;
	s15 =	simm.s32 @!p1 $0x50;
	[sflag:s24] =	ssyncadd.s32 $0xFFFFD800  }
0x1f6: {  	[tilespmem:s8], [sflag:$0x1] =	stream.indirect.gather @!p1 [hbm4b:s4+s15], $0x80, s7, s15, $0xb8;
	[tilespmem:$0x1FB00] =	vst v63  }
0x1f7: {  	_ =	swait.ge [sflag:s25], $0x2800  }
0x1f8: {  	[sflag:s25] =	ssyncset.done $0x0  }
0x1f9: {  	[sflag:s25] =	ssyncadd.s32 $0xFFFFD800  }
0x1fa: {  	v63 =	vld [tilespmem:s0+$0x8080];
	_ =	sdelay $0x4  }
0x1fb: {  	v0 =	vadd.s32 $0xFFFFEC00, v63  }
0x1fc: {  	vm6 =	vlt.s32 v0, $0x1400  }
0x1fd: {  	vm7 =	vlt.s32 v0, $0x0;
	v0 =	vnsel vm6, $0x1400, v0  }
0x1fe: {  	s6 =	sand.u32 $0x380, s31;
	v0 =	vsel vm7, $0x1400, v0  }
0x1ff: {  	[tilespmem:s6+$0x10000] =	vst v0  }
0x200: {  	v0 =	vld [tilespmem:s0+$0x8090];
	_ =	sdelay $0x4  }
0x201: {  	v0 =	vadd.s32 $0xFFFFEC00, v0  }
0x202: {  	vm8 =	vlt.s32 v0, $0x1400  }
0x203: {  	vm9 =	vlt.s32 v0, $0x0;
	v0 =	vnsel vm8, $0x1400, v0  }
0x204: {  	v0 =	vsel vm9, $0x1400, v0  }
0x205: {  	[tilespmem:s6+$0x10010] =	vst v0  }
0x206: {  	v0 =	vld [tilespmem:s0+$0x80A0];
	_ =	sdelay $0x4  }
0x207: {  	v0 =	vadd.s32 $0xFFFFEC00, v0  }
0x208: {  	vm10 =	vlt.s32 v0, $0x1400  }
0x209: {  	vm11 =	vlt.s32 v0, $0x0;
	v0 =	vnsel vm10, $0x1400, v0  }
0x20a: {  	v0 =	vsel vm11, $0x1400, v0  }
0x20b: {  	[tilespmem:s6+$0x10020] =	vst v0  }
0x20c: {  	v0 =	vld [tilespmem:s0+$0x80B0];
	_ =	sdelay $0x4  }
0x20d: {  	v0 =	vadd.s32 $0xFFFFEC00, v0  }
0x20e: {  	vm12 =	vlt.s32 v0, $0x1400  }
0x20f: {  	vm13 =	vlt.s32 v0, $0x0;
	v0 =	vnsel vm12, $0x1400, v0  }
0x210: {  	v0 =	vsel vm13, $0x1400, v0  }
0x211: {  	[tilespmem:s6+$0x10030] =	vst v0  }
0x212: {  	v0 =	vld [tilespmem:s0+$0x80C0];
	_ =	sdelay $0x4  }
0x213: {  	v0 =	vadd.s32 $0xFFFFEC00, v0  }
0x214: {  	vm14 =	vlt.s32 v0, $0x1400  }
0x215: {  	vm15 =	vlt.s32 v0, $0x0;
	v0 =	vnsel vm14, $0x1400, v0  }
0x216: {  	v0 =	vsel vm15, $0x1400, v0  }
0x217: {  	s31 =	sor.u32 $0x10000, s6;
	[tilespmem:s6+$0x10040] =	vst v0  }
0x218: {  	[spmem:s1] =	stream.indirect.scatter.add.f32 [tilespmem:s22], [sflag:$0x4], $0x80, s31, s20, $0xb8;
	[tilespmem:$0x1FB00] =	vst v63  }
0x219: {  	_ =	swait.ge [sflag:s26], $0x2800  }
0x21a: {  	[sflag:s26] =	ssyncset.done $0x0  }
0x21b: {  	s29 =	sadd.s32 $0x1, s29;
	[sflag:s26] =	ssyncadd.s32 $0xFFFFD800  }
0x21c: {  	p1 =	sne.s32 s29, s13;
	[bflag:$0x0] =	sbarrier.arrive $0xFFFF  }
0x21d: {  	[hbm:s12], [sflag:s17] =	dma.local [spmem:s18], $0x1480  }
.Ltmp2:
0x21e: {  	_ =	swait.ge [sflag:s14], $0x1480;
	(pc) =	sbr.rel @p1 .LBB2_1-.Ltmp2, $3  }
0x21f: {  	[sflag:s14] =	ssyncset.done $0x0  }
0x220: {  	[sflag:s14] =	ssyncadd.s32 $0xFFFFEB80  }
0x221: {  	[bflag:$0x0] =	sbarrier.arrive $0xFFFF;
	_ =	sdelay $0x1  }
0x222: {  	_ =	sfence.sel $0x180000  }
0x223: {  	[bflag:$0x0] =	sbarrier.arrive $0xFFFF  }
0x224: {  	_ =	strace $0x90000047  }
0x225: {  	[bflag:$0x2] =	sbarrier.arrive $0xFFFF  }
0x226: {  	s0 =	rddreg [dreg:$0x4]  }
0x227: {  	s0 =	sadd.s32 @!p0 $0x100000, s0  }
0x228: {  	[sflag:s0] =	ssyncadd.tile.s32 @!p0 $0x1;
	_ =	shalt  }
.Lfunc_end2:
_tile_overlayer_lowered:
.L_overlay_start_2:
0x229: {  	(tag) =	ssettag $0x2  }
0x22a: {  	s0 =	rddreg [dreg:$0x0];
	s2 =	stileid.u32  }
0x22b: {  	s1 =	rddreg [dreg:$0x1];
	p0 =	sne.s32 s2, $0x0  }
0x22c: {  	s3 =	rddreg [dreg:$0x2];
	[bflag:$0x3] =	sbarrier.arrive $0xFFFF;
	s2 =	simm.s32 @!p0 $0x1C06  }
0x22d: {  	[timem:s3], [sflag:s2] =	dma.local @!p0 [hbm:s0], s1  }
0x22e: {  	s0 =	simm.s32 @!p0 $0x6  }
0x22f: {  	_ =	swait.ge @!p0 [sflag:s0], s1  }
0x230: {  	s1 =	ssub.s32 @!p0 $0x0, s1;
	[sflag:s0] =	ssyncset.done @!p0 $0x0  }
0x231: {  	[sflag:s0] =	ssyncadd.s32 @!p0 s1  }
0x232: {  	[bflag:$0x3] =	sbarrier.arrive $0xFFFF  }
0x233: {  	_ =	shalt  }

</sc_bundles>
